<compile_context>
chip_gen: v7x
topology: tpu7x:2x2x1
jax: 0.10.2.dev20260603
libtpu: 0.0.44.dev20260713+nightly
codegen_flags: <defaults>
</compile_context>

<pallas_src>
import functools

import jax
import jax.numpy as jnp
from jax import lax
from jax.experimental import pallas as pl
from jax.experimental.pallas import tpu as pltpu
from jax.experimental.pallas import tpu_sc as plsc

N = 50000
E = 800000
NT = 16
NPAD = 50176
SLICE = NPAD // NT
EPT = E // NT
K = 10000
NCH = EPT // K
BN = 1024
GRID = NPAD // BN


def _prologue_body(emb_ref, hea_ref, wv_ref, wfc_ref, wl1_ref, bv_ref,
                   bfc_ref, x_ref, he_ref, weff_s, ceff_s):
    @pl.when(pl.program_id(0) == 0)
    def _():
        w1 = jnp.dot(wv_ref[...], wfc_ref[...],
                     preferred_element_type=jnp.float32)
        weff_s[...] = jnp.dot(w1, wl1_ref[...],
                              preferred_element_type=jnp.float32)
        cvec = jnp.dot(2.0 * bv_ref[...], wfc_ref[...],
                       preferred_element_type=jnp.float32) + bfc_ref[...]
        ceff_s[...] = jnp.dot(cvec, wl1_ref[...],
                              preferred_element_type=jnp.float32)

    s = emb_ref[...] + hea_ref[...]
    x_ref[...] = jnp.dot(s, weff_s[...],
                         preferred_element_type=jnp.float32) + ceff_s[0, 0]
    he_ref[...] = jnp.dot(hea_ref[...], wl1_ref[...],
                          preferred_element_type=jnp.float32)


def _prologue(embp, heap, Wv, Wfc, W_lin1, bv2, bfc2):
    return pl.pallas_call(
        _prologue_body,
        grid=(GRID,),
        in_specs=[
            pl.BlockSpec((BN, 64), lambda i: (i, 0)),
            pl.BlockSpec((BN, 64), lambda i: (i, 0)),
            pl.BlockSpec((64, 512), lambda i: (0, 0)),
            pl.BlockSpec((512, 64), lambda i: (0, 0)),
            pl.BlockSpec((64, 1), lambda i: (0, 0)),
            pl.BlockSpec((1, 512), lambda i: (0, 0)),
            pl.BlockSpec((1, 64), lambda i: (0, 0)),
        ],
        out_specs=[
            pl.BlockSpec((BN, 1), lambda i: (i, 0)),
            pl.BlockSpec((BN, 1), lambda i: (i, 0)),
        ],
        out_shape=[
            jax.ShapeDtypeStruct((NPAD, 1), jnp.float32),
            jax.ShapeDtypeStruct((NPAD, 1), jnp.float32),
        ],
        scratch_shapes=[
            pltpu.VMEM((64, 1), jnp.float32),
            pltpu.VMEM((1, 1), jnp.float32),
        ],
    )(embp, heap, Wv, Wfc, W_lin1, bv2, bfc2)


def _epilogue_body(h2_ref, wout_ref, bout_ref, z_ref):
    z_ref[...] = (jnp.maximum(h2_ref[...], 0.0) * wout_ref[...]
                  + bout_ref[...])


def _epilogue(h2, W_out, b_out2, C):
    return pl.pallas_call(
        _epilogue_body,
        grid=(GRID,),
        in_specs=[
            pl.BlockSpec((BN, 1), lambda i: (i, 0)),
            pl.BlockSpec((1, C), lambda i: (0, 0)),
            pl.BlockSpec((1, C), lambda i: (0, 0)),
        ],
        out_specs=pl.BlockSpec((BN, C), lambda i: (i, 0)),
        out_shape=jax.ShapeDtypeStruct((NPAD, C), jnp.float32),
    )(h2, W_out, b_out2)


def _sc_body(xp_hbm, hep_hbm, hi0_hbm, hi1_hbm, par_hbm, h2_hbm,
             idx0_v, idx1_v, va, vb, vq, vones,
             sa, sb, sc_, sd, nsl, bvsl, dsl, zsl, pv,
             x_sh, he_sh, sm_sh, num_sh, deg0_sh, deg1_sh, q_sh):
    w = lax.axis_index("s")
    nb = w * SLICE
    eb = w * EPT

    pltpu.sync_copy(par_hbm, pv)

    def fill16(i, _):
        zsl[pl.ds(i * 16, 16)] = jnp.zeros((16,), jnp.float32)
        return 0
    lax.fori_loop(0, SLICE // 16, fill16, 0)

    def ones16(i, _):
        vones[pl.ds(i * 16, 16)] = jnp.ones((16,), jnp.float32)
        return 0
    lax.fori_loop(0, K // 16, ones16, 0)

    for arr in (sm_sh, num_sh, deg0_sh, deg1_sh):
        pltpu.sync_copy(zsl, arr.at[pl.ds(nb, SLICE)])
    pltpu.sync_copy(xp_hbm.at[pl.ds(nb, SLICE)], sa)
    pltpu.sync_copy(sa, x_sh.at[pl.ds(nb, SLICE)])
    pltpu.sync_copy(hep_hbm.at[pl.ds(nb, SLICE)], sa)
    pltpu.sync_copy(sa, he_sh.at[pl.ds(nb, SLICE)])
    plsc.subcore_barrier()

    pvv = pv[pl.ds(0, 16)]
    a0 = pvv[0]
    a1 = pvv[1]
    wlin2 = pvv[2]
    b1 = pvv[3]
    b2 = pvv[4]

    for c in range(NCH):
        base = eb + c * K
        pltpu.sync_copy(hi0_hbm.at[pl.ds(base, K)], idx0_v)
        pltpu.sync_copy(hi1_hbm.at[pl.ds(base, K)], idx1_v)
        pltpu.sync_copy(x_sh.at[idx0_v], va)
        pltpu.sync_copy(he_sh.at[idx1_v], vb)

        def stepA(i, _):
            sl = pl.ds(i * 16, 16)
            al = a0 * va[sl] + a1 * vb[sl]
            al = jnp.where(al >= 0.0, al, 0.2 * al)
            ex = jnp.exp(al)
            vb[sl] = ex
            va[sl] = ex * va[sl]
            return 0
        lax.fori_loop(0, K // 16, stepA, 0)

        pltpu.sync_copy(vb, sm_sh.at[idx1_v], add=True)
        pltpu.sync_copy(va, num_sh.at[idx1_v], add=True)
        pltpu.sync_copy(vones, deg1_sh.at[idx1_v], add=True)
        pltpu.sync_copy(vones, deg0_sh.at[idx0_v], add=True)
    plsc.subcore_barrier()

    pltpu.sync_copy(sm_sh.at[pl.ds(nb, SLICE)], sa)
    pltpu.sync_copy(num_sh.at[pl.ds(nb, SLICE)], sb)
    pltpu.sync_copy(deg1_sh.at[pl.ds(nb, SLICE)], sc_)
    pltpu.sync_copy(deg0_sh.at[pl.ds(nb, SLICE)], sd)

    def node1(i, _):
        sl = pl.ds(i * 16, 16)
        sm = sa[sl] + 1e-16
        d1 = sc_[sl]
        d0 = sd[sl]
        bv = jnp.where(d1 > 0.0, 1.0 / d1, 0.0)
        oe = bv * sb[sl] / sm
        nsl[sl] = oe / sm
        bvsl[sl] = bv
        dsl[sl] = jnp.where(d0 > 0.0, 1.0 / d0, 0.0)
        return 0
    lax.fori_loop(0, SLICE // 16, node1, 0)
    pltpu.sync_copy(nsl, q_sh.at[pl.ds(nb, SLICE)])
    pltpu.sync_copy(zsl, sm_sh.at[pl.ds(nb, SLICE)])
    pltpu.sync_copy(zsl, deg0_sh.at[pl.ds(nb, SLICE)])
    plsc.subcore_barrier()

    for c in range(NCH):
        base = eb + c * K
        pltpu.sync_copy(hi0_hbm.at[pl.ds(base, K)], idx0_v)
        pltpu.sync_copy(hi1_hbm.at[pl.ds(base, K)], idx1_v)
        pltpu.sync_copy(x_sh.at[idx0_v], va)
        pltpu.sync_copy(he_sh.at[idx1_v], vb)
        pltpu.sync_copy(q_sh.at[idx1_v], vq)

        def stepB(i, _):
            sl = pl.ds(i * 16, 16)
            al = a0 * va[sl] + a1 * vb[sl]
            al = jnp.where(al >= 0.0, al, 0.2 * al)
            va[sl] = vq[sl] * jnp.exp(al)
            return 0
        lax.fori_loop(0, K // 16, stepB, 0)
        pltpu.sync_copy(va, sm_sh.at[idx0_v], add=True)
    plsc.subcore_barrier()

    pltpu.sync_copy(sm_sh.at[pl.ds(nb, SLICE)], sa)

    def node2(i, _):
        sl = pl.ds(i * 16, 16)
        nsl[sl] = dsl[sl] * sa[sl] + b1
        return 0
    lax.fori_loop(0, SLICE // 16, node2, 0)
    pltpu.sync_copy(nsl, num_sh.at[pl.ds(nb, SLICE)])
    pltpu.sync_copy(zsl, x_sh.at[pl.ds(nb, SLICE)])
    plsc.subcore_barrier()

    for c in range(NCH):
        base = eb + c * K
        pltpu.sync_copy(hi0_hbm.at[pl.ds(base, K)], idx0_v)
        pltpu.sync_copy(hi1_hbm.at[pl.ds(base, K)], idx1_v)
        pltpu.sync_copy(num_sh.at[idx0_v], va)
        pltpu.sync_copy(va, deg0_sh.at[idx1_v], add=True)
    plsc.subcore_barrier()

    pltpu.sync_copy(deg0_sh.at[pl.ds(nb, SLICE)], sa)

    def node3(i, _):
        sl = pl.ds(i * 16, 16)
        nsl[sl] = bvsl[sl] * wlin2 * sa[sl]
        return 0
    lax.fori_loop(0, SLICE // 16, node3, 0)
    pltpu.sync_copy(nsl, deg1_sh.at[pl.ds(nb, SLICE)])
    plsc.subcore_barrier()

    for c in range(NCH):
        base = eb + c * K
        pltpu.sync_copy(hi0_hbm.at[pl.ds(base, K)], idx0_v)
        pltpu.sync_copy(hi1_hbm.at[pl.ds(base, K)], idx1_v)
        pltpu.sync_copy(deg1_sh.at[idx1_v], vb)
        pltpu.sync_copy(vb, x_sh.at[idx0_v], add=True)
    plsc.subcore_barrier()

    pltpu.sync_copy(x_sh.at[pl.ds(nb, SLICE)], sa)

    def node4(i, _):
        sl = pl.ds(i * 16, 16)
        nsl[sl] = dsl[sl] * sa[sl] + b2
        return 0
    lax.fori_loop(0, SLICE // 16, node4, 0)
    pltpu.sync_copy(nsl, h2_hbm.at[pl.ds(nb, SLICE)])


def _sc_call(xp, hep, hi0, hi1, par):
    mesh = plsc.VectorSubcoreMesh(core_axis_name="c", subcore_axis_name="s",
                                  num_cores=1)
    f = pl.kernel(
        _sc_body,
        out_type=jax.ShapeDtypeStruct((NPAD,), jnp.float32),
        mesh=mesh,
        scratch_types=[
            pltpu.VMEM((K,), jnp.int32),
            pltpu.VMEM((K,), jnp.int32),
            pltpu.VMEM((K,), jnp.float32),
            pltpu.VMEM((K,), jnp.float32),
            pltpu.VMEM((K,), jnp.float32),
            pltpu.VMEM((K,), jnp.float32),
            pltpu.VMEM((SLICE,), jnp.float32),
            pltpu.VMEM((SLICE,), jnp.float32),
            pltpu.VMEM((SLICE,), jnp.float32),
            pltpu.VMEM((SLICE,), jnp.float32),
            pltpu.VMEM((SLICE,), jnp.float32),
            pltpu.VMEM((SLICE,), jnp.float32),
            pltpu.VMEM((SLICE,), jnp.float32),
            pltpu.VMEM((SLICE,), jnp.float32),
            pltpu.VMEM((16,), jnp.float32),
            pltpu.VMEM_SHARED((NPAD,), jnp.float32),
            pltpu.VMEM_SHARED((NPAD,), jnp.float32),
            pltpu.VMEM_SHARED((NPAD,), jnp.float32),
            pltpu.VMEM_SHARED((NPAD,), jnp.float32),
            pltpu.VMEM_SHARED((NPAD,), jnp.float32),
            pltpu.VMEM_SHARED((NPAD,), jnp.float32),
            pltpu.VMEM_SHARED((NPAD,), jnp.float32),
        ],
    )
    return f(xp, hep, hi0, hi1, par)


def kernel(embedding, edge_index, W_cell, b_cell, Wq, bq, Wk, bk, Wv, bv,
           Wfc, bfc, W_lin1, att, bias1, W_lin2, bias2, W_out, b_out):
    n = embedding.shape[0]
    C = W_out.shape[1]
    hea = jax.random.normal(jax.random.key(1), (n, 64), dtype=jnp.float32)

    embp = jnp.pad(embedding, ((0, NPAD - n), (0, 0)))
    heap = jnp.pad(hea, ((0, NPAD - n), (0, 0)))

    xp2, hep2 = _prologue(embp, heap, Wv, Wfc, W_lin1,
                          bv.reshape(1, 512), bfc.reshape(1, 64))
    xp = xp2.reshape(NPAD)
    hep = hep2.reshape(NPAD)

    par = jnp.concatenate([
        att[0, 0, :2].reshape(2),
        W_lin2.reshape(1),
        bias1.reshape(1),
        bias2.reshape(1),
        jnp.zeros((11,), jnp.float32),
    ]).astype(jnp.float32)

    h2 = _sc_call(xp, hep, edge_index[0], edge_index[1], par)

    z = _epilogue(h2.reshape(NPAD, 1), W_out, b_out.reshape(1, C), C)
    return z[:n]

# --- scband reference (transcript-rebuilt; emitter-appended) ---
"""Pipeline reference for scband-net-cell-79714593014344 (READ-ONLY COPY).

The authoritative reference and input builder live on the scoring server;
editing this copy changes nothing except your own understanding.
"""

import jax, jax.numpy as jnp
import numpy as np

N = 50000
E = 800000
C = 10

def setup_inputs(seed: int = 0):
    key = jax.random.key(seed)
    ks = jax.random.split(key, 16)
    s = 0.05
    inp = {}
    inp["embedding"] = jax.random.normal(ks[0], (N, 64), dtype=jnp.float32)
    inp["edge_index"] = jax.random.randint(ks[1], (2, E), 0, N, dtype=jnp.int32)
    inp["W_cell"] = jax.random.normal(ks[2], (64, C), dtype=jnp.float32) * s
    inp["b_cell"] = jnp.zeros((C,), dtype=jnp.float32)
    inp["Wq"] = jax.random.normal(ks[3], (64, 512), dtype=jnp.float32) * s
    inp["bq"] = jnp.zeros((512,), dtype=jnp.float32)
    inp["Wk"] = jax.random.normal(ks[4], (64, 512), dtype=jnp.float32) * s
    inp["bk"] = jnp.zeros((512,), dtype=jnp.float32)
    inp["Wv"] = jax.random.normal(ks[5], (64, 512), dtype=jnp.float32) * s
    inp["bv"] = jnp.zeros((512,), dtype=jnp.float32)
    inp["Wfc"] = jax.random.normal(ks[6], (512, 64), dtype=jnp.float32) * s
    inp["bfc"] = jnp.zeros((64,), dtype=jnp.float32)
    inp["W_lin1"] = jax.random.normal(ks[7], (64, 1), dtype=jnp.float32) * s
    inp["att"] = jax.random.normal(ks[8], (1, 1, 2), dtype=jnp.float32) * s
    inp["bias1"] = jnp.zeros((1,), dtype=jnp.float32)
    inp["W_lin2"] = jax.random.normal(ks[9], (1, 1), dtype=jnp.float32) * s
    inp["bias2"] = jnp.zeros((1,), dtype=jnp.float32)
    inp["W_out"] = jax.random.normal(ks[10], (1, C), dtype=jnp.float32) * s
    inp["b_out"] = jnp.zeros((C,), dtype=jnp.float32)
    return inp

def _forward(embedding, edge_index, num_edges, W_cell, b_cell, Wq, bq, Wk, bk, Wv, bv, Wfc, bfc, W_lin1, att, bias1, W_lin2, bias2, W_out, b_out):
    n = embedding.shape[0]
    # cell head (computed then overwritten in the torch module)
    cell_pred = embedding @ W_cell + b_cell
    x1 = embedding[:, None, :]
    # torch forward draws fresh randn hyperedge_attr each call; use a fixed key here
    hea = jax.random.normal(jax.random.key(1), (n, 64), dtype=jnp.float32)
    x2 = hea[:, None, :]

    def branch(x):
        Q = x @ Wq + bq
        K = x @ Wk + bk
        V = x @ Wv + bv
        aw = jax.nn.softmax(jnp.einsum('bqd,bkd->bqk', Q, K) / (K.shape[-1] ** 0.5), axis=-1)
        return jnp.einsum('bqk,bkd->bqd', aw, V)

    att_out = (branch(x1) + branch(x2)) @ Wfc + bfc  # [N,1,64]

    hi0 = edge_index[0]
    hi1 = edge_index[1]
    # Static upper bound on the number of hyperedges: hi1 values are drawn in
    # [0, n), so num_edges <= n always; all segment-buffer reads are gathered
    # at hi1, so entries in [num_edges, n) are never accessed and padding the
    # segment count to n leaves results identical.
    M = n

    # HypergraphConv(64,1,use_attention=True)
    x = (att_out @ W_lin1).reshape(-1, 1, 1)   # [N,1,1]
    he = (x2 @ W_lin1).reshape(-1, 1, 1)       # [N,1,1]
    x_i = x[hi0]
    x_j = he[hi1]
    alpha = jnp.sum(jnp.concatenate([x_i, x_j], axis=-1) * att, axis=-1)  # [E,1]
    alpha = jax.nn.leaky_relu(alpha, 0.2)
    mx = jax.ops.segment_max(jax.lax.stop_gradient(alpha), hi1, num_segments=M)
    ex = jnp.exp(alpha - mx[hi1])
    sm = jax.ops.segment_sum(ex, hi1, num_segments=M)
    alpha = ex / (sm[hi1] + 1e-16)

    hw = jnp.ones((M,), dtype=jnp.float32)
    D = jax.ops.segment_sum(hw[hi1], hi0, num_segments=n)
    D = jnp.where(D > 0, 1.0 / D, 0.0)
    Bv = jax.ops.segment_sum(jnp.ones((hi1.shape[0],), jnp.float32), hi1, num_segments=M)
    Bv = jnp.where(Bv > 0, 1.0 / Bv, 0.0)

    msg = Bv[hi1][:, None, None] * x[hi0] * alpha[:, :, None]
    oe = jax.ops.segment_sum(msg, hi1, num_segments=M)
    msg2 = D[hi0][:, None, None] * oe[hi1] * alpha[:, :, None]
    on = jax.ops.segment_sum(msg2, hi0, num_segments=n)
    h = on.reshape(-1, 1) + bias1  # [N,1]

    # HypergraphConv(1,1) head (no attention)
    xh = (h @ W_lin2).reshape(-1, 1, 1)
    msg = Bv[hi1][:, None, None] * xh[hi0]
    oe2 = jax.ops.segment_sum(msg, hi1, num_segments=M)
    msg2 = D[hi0][:, None, None] * oe2[hi1]
    on2 = jax.ops.segment_sum(msg2, hi0, num_segments=n)
    h2 = on2.reshape(-1, 1) + bias2  # [N,1]

    emb = jax.nn.relu(h2)
    z = emb @ W_out + b_out  # [N,C]
    return z

def reference(embedding, edge_index, W_cell, b_cell, Wq, bq, Wk, bk, Wv, bv, Wfc, bfc, W_lin1, att, bias1, W_lin2, bias2, W_out, b_out):
    num_edges = jnp.max(edge_index[1]) + 1
    return _forward(embedding, edge_index, num_edges, W_cell, b_cell, Wq, bq, Wk, bk, Wv, bv, Wfc, bfc, W_lin1, att, bias1, W_lin2, bias2, W_out, b_out)

if __name__ == "__main__":
    import jax
    _d = setup_inputs()
    print(jax.jit(kernel)(*tuple(_d.values())))

</pallas_src>

<mosaic_0001>
#map = affine_map<(d0, d1) -> (0)>
module attributes {stable_mosaic.version = 14 : i64} {
  func.func @_sc_body(%arg0: i32, %arg1: i32, %arg2: memref<50176xf32, #tpu.memory_space<hbm>>, %arg3: memref<50176xf32, #tpu.memory_space<hbm>>, %arg4: memref<800000xi32, #tpu.memory_space<hbm>>, %arg5: memref<800000xi32, #tpu.memory_space<hbm>>, %arg6: memref<16xf32, #tpu.memory_space<hbm>>, %arg7: memref<50176xf32, #tpu.memory_space<hbm>>, %arg8: memref<10000xi32, #tpu.memory_space<vmem>>, %arg9: memref<10000xi32, #tpu.memory_space<vmem>>, %arg10: memref<10000xf32, #tpu.memory_space<vmem>>, %arg11: memref<10000xf32, #tpu.memory_space<vmem>>, %arg12: memref<10000xf32, #tpu.memory_space<vmem>>, %arg13: memref<10000xf32, #tpu.memory_space<vmem>>, %arg14: memref<3136xf32, #tpu.memory_space<vmem>>, %arg15: memref<3136xf32, #tpu.memory_space<vmem>>, %arg16: memref<3136xf32, #tpu.memory_space<vmem>>, %arg17: memref<3136xf32, #tpu.memory_space<vmem>>, %arg18: memref<3136xf32, #tpu.memory_space<vmem>>, %arg19: memref<3136xf32, #tpu.memory_space<vmem>>, %arg20: memref<3136xf32, #tpu.memory_space<vmem>>, %arg21: memref<3136xf32, #tpu.memory_space<vmem>>, %arg22: memref<16xf32, #tpu.memory_space<vmem>>, %arg23: memref<50176xf32, #tpu.memory_space<vmem_shared>>, %arg24: memref<50176xf32, #tpu.memory_space<vmem_shared>>, %arg25: memref<50176xf32, #tpu.memory_space<vmem_shared>>, %arg26: memref<50176xf32, #tpu.memory_space<vmem_shared>>, %arg27: memref<50176xf32, #tpu.memory_space<vmem_shared>>, %arg28: memref<50176xf32, #tpu.memory_space<vmem_shared>>, %arg29: memref<50176xf32, #tpu.memory_space<vmem_shared>>) attributes {dimension_semantics = [#tpu.dimension_semantics<core_parallel>, #tpu.dimension_semantics<subcore_parallel>], iteration_bounds = array<i64: 1, 16>, scalar_prefetch = 0 : i64, scratch_operands = 22 : i64, tpu.core_type = #tpu.core_type<sc_vector_subcore>, window_params = [{transform_indices = #map}, {transform_indices = #map}, {transform_indices = #map}, {transform_indices = #map}, {transform_indices = #map}, {transform_indices = #map}]} {
    %mul3A = arith.constant 3136 : i32
    %mul3A_0 = arith.muli %arg1, %mul3A : i32
    %mul3A_1 = arith.constant 50000 : i32
    %mul3A_2 = arith.muli %arg1, %mul3A_1 : i32
    "tpu.region"() ({
      %run_scoped3A = tpu.sem_alloc : memref<!tpu.dma_semaphore, #tpu.memory_space<semaphore_mem>>
      tpu.enqueue_dma source(%arg6 : memref<16xf32, #tpu.memory_space<hbm>>) target(%arg22 : memref<16xf32, #tpu.memory_space<vmem>>) target_semaphore(%run_scoped3A : memref<!tpu.dma_semaphore, #tpu.memory_space<semaphore_mem>>)
      tpu.wait_dma2 semaphore(%run_scoped3A : memref<!tpu.dma_semaphore, #tpu.memory_space<semaphore_mem>>) src(%arg6 : memref<16xf32, #tpu.memory_space<hbm>>) dst(%arg22 : memref<16xf32, #tpu.memory_space<vmem>>)
      tpu.yield
    }) : () -> ()
    %scan3A = arith.constant 0 : i32
    %scan3A_3 = arith.constant 0 : i32
    %scan3A_4 = arith.constant 196 : i32
    %scan3A_5 = arith.addi %scan3A_3, %scan3A_4 : i32
    %scan3A_6 = arith.constant 1 : i32
    %scan3A_7 = scf.for %scan3A_170 = %scan3A_3 to %scan3A_5 step %scan3A_6 iter_args(%scan3A_171 = %scan3A) -> (i32)  : i32 {
      %broadcast_in_dim3A = arith.constant 0.000000e+00 : f32
      %broadcast_in_dim3A_172 = vector.broadcast %broadcast_in_dim3A : f32 to vector<16xf32>
      %mul3A_173 = arith.constant 16 : i32
      %mul3A_174 = arith.muli %scan3A_170, %mul3A_173 : i32
      %swap3A = arith.index_cast %mul3A_174 : i32 to index
      %swap3A_175 = tpu.vector_load %arg21[%swap3A] {strides = array<i32>} : memref<3136xf32, #tpu.memory_space<vmem>>, vector<16xf32>,
      %swap3A_176 = vector.shape_cast %swap3A_175 : vector<16xf32> to vector<16xf32>
      %swap3A_177 = vector.shape_cast %broadcast_in_dim3A_172 : vector<16xf32> to vector<16xf32>
      tpu.vector_store %arg21[%swap3A], %swap3A_177 {strides = array<i32>} : memref<3136xf32, #tpu.memory_space<vmem>>, vector<16xf32>,
      %scan3A_178 = arith.constant 0 : i32
      scf.yield %scan3A_178 : i32
    }
    %scan3A_8 = arith.constant 196 : i32
    %scan3A_9 = arith.constant 0 : i32
    %scan3A_10 = arith.constant 0 : i32
    %scan3A_11 = arith.constant 625 : i32
    %scan3A_12 = arith.addi %scan3A_10, %scan3A_11 : i32
    %scan3A_13 = arith.constant 1 : i32
    %scan3A_14 = scf.for %scan3A_170 = %scan3A_10 to %scan3A_12 step %scan3A_13 iter_args(%scan3A_171 = %scan3A_9) -> (i32)  : i32 {
      %broadcast_in_dim3A = arith.constant 1.000000e+00 : f32
      %broadcast_in_dim3A_172 = vector.broadcast %broadcast_in_dim3A : f32 to vector<16xf32>
      %mul3A_173 = arith.constant 16 : i32
      %mul3A_174 = arith.muli %scan3A_170, %mul3A_173 : i32
      %swap3A = arith.index_cast %mul3A_174 : i32 to index
      %swap3A_175 = tpu.vector_load %arg13[%swap3A] {strides = array<i32>} : memref<10000xf32, #tpu.memory_space<vmem>>, vector<16xf32>,
      %swap3A_176 = vector.shape_cast %swap3A_175 : vector<16xf32> to vector<16xf32>
      %swap3A_177 = vector.shape_cast %broadcast_in_dim3A_172 : vector<16xf32> to vector<16xf32>
      tpu.vector_store %arg13[%swap3A], %swap3A_177 {strides = array<i32>} : memref<10000xf32, #tpu.memory_space<vmem>>, vector<16xf32>,
      %scan3A_178 = arith.constant 0 : i32
      scf.yield %scan3A_178 : i32
    }
    %scan3A_15 = arith.constant 625 : i32
    "tpu.region"() ({
      %run_scoped3A = tpu.sem_alloc : memref<!tpu.dma_semaphore, #tpu.memory_space<semaphore_mem>>
      %dma_start3A = tpu.memref_slice %arg25[%mul3A_0] : memref<50176xf32, #tpu.memory_space<vmem_shared>> -> memref<3136xf32, #tpu.memory_space<vmem_shared>>
      %dma_start3A_170 = tpu.memref_slice %arg25[%mul3A_0] : memref<50176xf32, #tpu.memory_space<vmem_shared>> -> memref<3136xf32, #tpu.memory_space<vmem_shared>>
      tpu.enqueue_dma source(%arg21 : memref<3136xf32, #tpu.memory_space<vmem>>) target(%dma_start3A_170 : memref<3136xf32, #tpu.memory_space<vmem_shared>>) target_semaphore(%run_scoped3A : memref<!tpu.dma_semaphore, #tpu.memory_space<semaphore_mem>>)
      %dma_wait3A = tpu.memref_slice %arg25[%mul3A_0] : memref<50176xf32, #tpu.memory_space<vmem_shared>> -> memref<3136xf32, #tpu.memory_space<vmem_shared>>
      %dma_wait3A_171 = tpu.memref_slice %arg25[%mul3A_0] : memref<50176xf32, #tpu.memory_space<vmem_shared>> -> memref<3136xf32, #tpu.memory_space<vmem_shared>>
      tpu.wait_dma2 semaphore(%run_scoped3A : memref<!tpu.dma_semaphore, #tpu.memory_space<semaphore_mem>>) src(%arg21 : memref<3136xf32, #tpu.memory_space<vmem>>) dst(%dma_wait3A_171 : memref<3136xf32, #tpu.memory_space<vmem_shared>>)
      tpu.yield
    }) : () -> ()
    "tpu.region"() ({
      %run_scoped3A = tpu.sem_alloc : memref<!tpu.dma_semaphore, #tpu.memory_space<semaphore_mem>>
      %dma_start3A = tpu.memref_slice %arg26[%mul3A_0] : memref<50176xf32, #tpu.memory_space<vmem_shared>> -> memref<3136xf32, #tpu.memory_space<vmem_shared>>
      %dma_start3A_170 = tpu.memref_slice %arg26[%mul3A_0] : memref<50176xf32, #tpu.memory_space<vmem_shared>> -> memref<3136xf32, #tpu.memory_space<vmem_shared>>
      tpu.enqueue_dma source(%arg21 : memref<3136xf32, #tpu.memory_space<vmem>>) target(%dma_start3A_170 : memref<3136xf32, #tpu.memory_space<vmem_shared>>) target_semaphore(%run_scoped3A : memref<!tpu.dma_semaphore, #tpu.memory_space<semaphore_mem>>)
      %dma_wait3A = tpu.memref_slice %arg26[%mul3A_0] : memref<50176xf32, #tpu.memory_space<vmem_shared>> -> memref<3136xf32, #tpu.memory_space<vmem_shared>>
      %dma_wait3A_171 = tpu.memref_slice %arg26[%mul3A_0] : memref<50176xf32, #tpu.memory_space<vmem_shared>> -> memref<3136xf32, #tpu.memory_space<vmem_shared>>
      tpu.wait_dma2 semaphore(%run_scoped3A : memref<!tpu.dma_semaphore, #tpu.memory_space<semaphore_mem>>) src(%arg21 : memref<3136xf32, #tpu.memory_space<vmem>>) dst(%dma_wait3A_171 : memref<3136xf32, #tpu.memory_space<vmem_shared>>)
      tpu.yield
    }) : () -> ()
    "tpu.region"() ({
      %run_scoped3A = tpu.sem_alloc : memref<!tpu.dma_semaphore, #tpu.memory_space<semaphore_mem>>
      %dma_start3A = tpu.memref_slice %arg27[%mul3A_0] : memref<50176xf32, #tpu.memory_space<vmem_shared>> -> memref<3136xf32, #tpu.memory_space<vmem_shared>>
      %dma_start3A_170 = tpu.memref_slice %arg27[%mul3A_0] : memref<50176xf32, #tpu.memory_space<vmem_shared>> -> memref<3136xf32, #tpu.memory_space<vmem_shared>>
      tpu.enqueue_dma source(%arg21 : memref<3136xf32, #tpu.memory_space<vmem>>) target(%dma_start3A_170 : memref<3136xf32, #tpu.memory_space<vmem_shared>>) target_semaphore(%run_scoped3A : memref<!tpu.dma_semaphore, #tpu.memory_space<semaphore_mem>>)
      %dma_wait3A = tpu.memref_slice %arg27[%mul3A_0] : memref<50176xf32, #tpu.memory_space<vmem_shared>> -> memref<3136xf32, #tpu.memory_space<vmem_shared>>
      %dma_wait3A_171 = tpu.memref_slice %arg27[%mul3A_0] : memref<50176xf32, #tpu.memory_space<vmem_shared>> -> memref<3136xf32, #tpu.memory_space<vmem_shared>>
      tpu.wait_dma2 semaphore(%run_scoped3A : memref<!tpu.dma_semaphore, #tpu.memory_space<semaphore_mem>>) src(%arg21 : memref<3136xf32, #tpu.memory_space<vmem>>) dst(%dma_wait3A_171 : memref<3136xf32, #tpu.memory_space<vmem_shared>>)
      tpu.yield
    }) : () -> ()
    "tpu.region"() ({
      %run_scoped3A = tpu.sem_alloc : memref<!tpu.dma_semaphore, #tpu.memory_space<semaphore_mem>>
      %dma_start3A = tpu.memref_slice %arg28[%mul3A_0] : memref<50176xf32, #tpu.memory_space<vmem_shared>> -> memref<3136xf32, #tpu.memory_space<vmem_shared>>
      %dma_start3A_170 = tpu.memref_slice %arg28[%mul3A_0] : memref<50176xf32, #tpu.memory_space<vmem_shared>> -> memref<3136xf32, #tpu.memory_space<vmem_shared>>
      tpu.enqueue_dma source(%arg21 : memref<3136xf32, #tpu.memory_space<vmem>>) target(%dma_start3A_170 : memref<3136xf32, #tpu.memory_space<vmem_shared>>) target_semaphore(%run_scoped3A : memref<!tpu.dma_semaphore, #tpu.memory_space<semaphore_mem>>)
      %dma_wait3A = tpu.memref_slice %arg28[%mul3A_0] : memref<50176xf32, #tpu.memory_space<vmem_shared>> -> memref<3136xf32, #tpu.memory_space<vmem_shared>>
      %dma_wait3A_171 = tpu.memref_slice %arg28[%mul3A_0] : memref<50176xf32, #tpu.memory_space<vmem_shared>> -> memref<3136xf32, #tpu.memory_space<vmem_shared>>
      tpu.wait_dma2 semaphore(%run_scoped3A : memref<!tpu.dma_semaphore, #tpu.memory_space<semaphore_mem>>) src(%arg21 : memref<3136xf32, #tpu.memory_space<vmem>>) dst(%dma_wait3A_171 : memref<3136xf32, #tpu.memory_space<vmem_shared>>)
      tpu.yield
    }) : () -> ()
    "tpu.region"() ({
      %run_scoped3A = tpu.sem_alloc : memref<!tpu.dma_semaphore, #tpu.memory_space<semaphore_mem>>
      %dma_start3A = tpu.memref_slice %arg2[%mul3A_0] : memref<50176xf32, #tpu.memory_space<hbm>> -> memref<3136xf32, #tpu.memory_space<hbm>>
      %dma_start3A_170 = tpu.memref_slice %arg2[%mul3A_0] : memref<50176xf32, #tpu.memory_space<hbm>> -> memref<3136xf32, #tpu.memory_space<hbm>>
      tpu.enqueue_dma source(%dma_start3A_170 : memref<3136xf32, #tpu.memory_space<hbm>>) target(%arg14 : memref<3136xf32, #tpu.memory_space<vmem>>) target_semaphore(%run_scoped3A : memref<!tpu.dma_semaphore, #tpu.memory_space<semaphore_mem>>)
      %dma_wait3A = tpu.memref_slice %arg2[%mul3A_0] : memref<50176xf32, #tpu.memory_space<hbm>> -> memref<3136xf32, #tpu.memory_space<hbm>>
      %dma_wait3A_171 = tpu.memref_slice %arg2[%mul3A_0] : memref<50176xf32, #tpu.memory_space<hbm>> -> memref<3136xf32, #tpu.memory_space<hbm>>
      tpu.wait_dma2 semaphore(%run_scoped3A : memref<!tpu.dma_semaphore, #tpu.memory_space<semaphore_mem>>) src(%dma_wait3A_171 : memref<3136xf32, #tpu.memory_space<hbm>>) dst(%arg14 : memref<3136xf32, #tpu.memory_space<vmem>>)
      tpu.yield
    }) : () -> ()
    "tpu.region"() ({
      %run_scoped3A = tpu.sem_alloc : memref<!tpu.dma_semaphore, #tpu.memory_space<semaphore_mem>>
      %dma_start3A = tpu.memref_slice %arg23[%mul3A_0] : memref<50176xf32, #tpu.memory_space<vmem_shared>> -> memref<3136xf32, #tpu.memory_space<vmem_shared>>
      %dma_start3A_170 = tpu.memref_slice %arg23[%mul3A_0] : memref<50176xf32, #tpu.memory_space<vmem_shared>> -> memref<3136xf32, #tpu.memory_space<vmem_shared>>
      tpu.enqueue_dma source(%arg14 : memref<3136xf32, #tpu.memory_space<vmem>>) target(%dma_start3A_170 : memref<3136xf32, #tpu.memory_space<vmem_shared>>) target_semaphore(%run_scoped3A : memref<!tpu.dma_semaphore, #tpu.memory_space<semaphore_mem>>)
      %dma_wait3A = tpu.memref_slice %arg23[%mul3A_0] : memref<50176xf32, #tpu.memory_space<vmem_shared>> -> memref<3136xf32, #tpu.memory_space<vmem_shared>>
      %dma_wait3A_171 = tpu.memref_slice %arg23[%mul3A_0] : memref<50176xf32, #tpu.memory_space<vmem_shared>> -> memref<3136xf32, #tpu.memory_space<vmem_shared>>
      tpu.wait_dma2 semaphore(%run_scoped3A : memref<!tpu.dma_semaphore, #tpu.memory_space<semaphore_mem>>) src(%arg14 : memref<3136xf32, #tpu.memory_space<vmem>>) dst(%dma_wait3A_171 : memref<3136xf32, #tpu.memory_space<vmem_shared>>)
      tpu.yield
    }) : () -> ()
    "tpu.region"() ({
      %run_scoped3A = tpu.sem_alloc : memref<!tpu.dma_semaphore, #tpu.memory_space<semaphore_mem>>
      %dma_start3A = tpu.memref_slice %arg3[%mul3A_0] : memref<50176xf32, #tpu.memory_space<hbm>> -> memref<3136xf32, #tpu.memory_space<hbm>>
      %dma_start3A_170 = tpu.memref_slice %arg3[%mul3A_0] : memref<50176xf32, #tpu.memory_space<hbm>> -> memref<3136xf32, #tpu.memory_space<hbm>>
      tpu.enqueue_dma source(%dma_start3A_170 : memref<3136xf32, #tpu.memory_space<hbm>>) target(%arg14 : memref<3136xf32, #tpu.memory_space<vmem>>) target_semaphore(%run_scoped3A : memref<!tpu.dma_semaphore, #tpu.memory_space<semaphore_mem>>)
      %dma_wait3A = tpu.memref_slice %arg3[%mul3A_0] : memref<50176xf32, #tpu.memory_space<hbm>> -> memref<3136xf32, #tpu.memory_space<hbm>>
      %dma_wait3A_171 = tpu.memref_slice %arg3[%mul3A_0] : memref<50176xf32, #tpu.memory_space<hbm>> -> memref<3136xf32, #tpu.memory_space<hbm>>
      tpu.wait_dma2 semaphore(%run_scoped3A : memref<!tpu.dma_semaphore, #tpu.memory_space<semaphore_mem>>) src(%dma_wait3A_171 : memref<3136xf32, #tpu.memory_space<hbm>>) dst(%arg14 : memref<3136xf32, #tpu.memory_space<vmem>>)
      tpu.yield
    }) : () -> ()
    "tpu.region"() ({
      %run_scoped3A = tpu.sem_alloc : memref<!tpu.dma_semaphore, #tpu.memory_space<semaphore_mem>>
      %dma_start3A = tpu.memref_slice %arg24[%mul3A_0] : memref<50176xf32, #tpu.memory_space<vmem_shared>> -> memref<3136xf32, #tpu.memory_space<vmem_shared>>
      %dma_start3A_170 = tpu.memref_slice %arg24[%mul3A_0] : memref<50176xf32, #tpu.memory_space<vmem_shared>> -> memref<3136xf32, #tpu.memory_space<vmem_shared>>
      tpu.enqueue_dma source(%arg14 : memref<3136xf32, #tpu.memory_space<vmem>>) target(%dma_start3A_170 : memref<3136xf32, #tpu.memory_space<vmem_shared>>) target_semaphore(%run_scoped3A : memref<!tpu.dma_semaphore, #tpu.memory_space<semaphore_mem>>)
      %dma_wait3A = tpu.memref_slice %arg24[%mul3A_0] : memref<50176xf32, #tpu.memory_space<vmem_shared>> -> memref<3136xf32, #tpu.memory_space<vmem_shared>>
      %dma_wait3A_171 = tpu.memref_slice %arg24[%mul3A_0] : memref<50176xf32, #tpu.memory_space<vmem_shared>> -> memref<3136xf32, #tpu.memory_space<vmem_shared>>
      tpu.wait_dma2 semaphore(%run_scoped3A : memref<!tpu.dma_semaphore, #tpu.memory_space<semaphore_mem>>) src(%arg14 : memref<3136xf32, #tpu.memory_space<vmem>>) dst(%dma_wait3A_171 : memref<3136xf32, #tpu.memory_space<vmem_shared>>)
      tpu.yield
    }) : () -> ()
    %barrier3A = arith.constant 0 : index
    tpu.barrier barrier_id(%barrier3A)
    %get3A = arith.constant 0 : index
    %get3A_16 = tpu.vector_load %arg22[%get3A] {strides = array<i32>} : memref<16xf32, #tpu.memory_space<vmem>>, vector<16xf32>,
    %get3A_17 = vector.shape_cast %get3A_16 : vector<16xf32> to vector<16xf32>
    %slice3A = vector.extract_strided_slice %get3A_17 {offsets = [0], sizes = [1], strides = [1]} : vector<16xf32> to vector<1xf32>
    %squeeze3A = vector.extract %slice3A[0] : f32 from vector<1xf32>
    %slice3A_18 = vector.extract_strided_slice %get3A_17 {offsets = [1], sizes = [1], strides = [1]} : vector<16xf32> to vector<1xf32>
    %squeeze3A_19 = vector.extract %slice3A_18[0] : f32 from vector<1xf32>
    %slice3A_20 = vector.extract_strided_slice %get3A_17 {offsets = [2], sizes = [1], strides = [1]} : vector<16xf32> to vector<1xf32>
    %squeeze3A_21 = vector.extract %slice3A_20[0] : f32 from vector<1xf32>
    %slice3A_22 = vector.extract_strided_slice %get3A_17 {offsets = [3], sizes = [1], strides = [1]} : vector<16xf32> to vector<1xf32>
    %squeeze3A_23 = vector.extract %slice3A_22[0] : f32 from vector<1xf32>
    %slice3A_24 = vector.extract_strided_slice %get3A_17 {offsets = [4], sizes = [1], strides = [1]} : vector<16xf32> to vector<1xf32>
    %squeeze3A_25 = vector.extract %slice3A_24[0] : f32 from vector<1xf32>
    %add3A = arith.constant 0 : i32
    %add3A_26 = arith.addi %mul3A_2, %add3A : i32
    "tpu.region"() ({
      %run_scoped3A = tpu.sem_alloc : memref<!tpu.dma_semaphore, #tpu.memory_space<semaphore_mem>>
      %dma_start3A = tpu.memref_slice %arg4[%add3A_26] : memref<800000xi32, #tpu.memory_space<hbm>> -> memref<10000xi32, #tpu.memory_space<hbm>>
      %dma_start3A_170 = tpu.memref_slice %arg4[%add3A_26] : memref<800000xi32, #tpu.memory_space<hbm>> -> memref<10000xi32, #tpu.memory_space<hbm>>
      tpu.enqueue_dma source(%dma_start3A_170 : memref<10000xi32, #tpu.memory_space<hbm>>) target(%arg8 : memref<10000xi32, #tpu.memory_space<vmem>>) target_semaphore(%run_scoped3A : memref<!tpu.dma_semaphore, #tpu.memory_space<semaphore_mem>>)
      %dma_wait3A = tpu.memref_slice %arg4[%add3A_26] : memref<800000xi32, #tpu.memory_space<hbm>> -> memref<10000xi32, #tpu.memory_space<hbm>>
      %dma_wait3A_171 = tpu.memref_slice %arg4[%add3A_26] : memref<800000xi32, #tpu.memory_space<hbm>> -> memref<10000xi32, #tpu.memory_space<hbm>>
      tpu.wait_dma2 semaphore(%run_scoped3A : memref<!tpu.dma_semaphore, #tpu.memory_space<semaphore_mem>>) src(%dma_wait3A_171 : memref<10000xi32, #tpu.memory_space<hbm>>) dst(%arg8 : memref<10000xi32, #tpu.memory_space<vmem>>)
      tpu.yield
    }) : () -> ()
    "tpu.region"() ({
      %run_scoped3A = tpu.sem_alloc : memref<!tpu.dma_semaphore, #tpu.memory_space<semaphore_mem>>
      %dma_start3A = tpu.memref_slice %arg5[%add3A_26] : memref<800000xi32, #tpu.memory_space<hbm>> -> memref<10000xi32, #tpu.memory_space<hbm>>
      %dma_start3A_170 = tpu.memref_slice %arg5[%add3A_26] : memref<800000xi32, #tpu.memory_space<hbm>> -> memref<10000xi32, #tpu.memory_space<hbm>>
      tpu.enqueue_dma source(%dma_start3A_170 : memref<10000xi32, #tpu.memory_space<hbm>>) target(%arg9 : memref<10000xi32, #tpu.memory_space<vmem>>) target_semaphore(%run_scoped3A : memref<!tpu.dma_semaphore, #tpu.memory_space<semaphore_mem>>)
      %dma_wait3A = tpu.memref_slice %arg5[%add3A_26] : memref<800000xi32, #tpu.memory_space<hbm>> -> memref<10000xi32, #tpu.memory_space<hbm>>
      %dma_wait3A_171 = tpu.memref_slice %arg5[%add3A_26] : memref<800000xi32, #tpu.memory_space<hbm>> -> memref<10000xi32, #tpu.memory_space<hbm>>
      tpu.wait_dma2 semaphore(%run_scoped3A : memref<!tpu.dma_semaphore, #tpu.memory_space<semaphore_mem>>) src(%dma_wait3A_171 : memref<10000xi32, #tpu.memory_space<hbm>>) dst(%arg9 : memref<10000xi32, #tpu.memory_space<vmem>>)
      tpu.yield
    }) : () -> ()
    "tpu.region"() ({
      %run_scoped3A = tpu.sem_alloc : memref<!tpu.dma_semaphore, #tpu.memory_space<semaphore_mem>>
      %dma_start3A = arith.constant 0 : i32
      %dma_start3A_170 = tpu.memref_slice %arg23[%dma_start3A] : memref<50176xf32, #tpu.memory_space<vmem_shared>> -> memref<50176xf32, #tpu.memory_space<vmem_shared>>
      tpu.enqueue_indirect_dma source(%dma_start3A_170 : memref<50176xf32, #tpu.memory_space<vmem_shared>>) target(%arg10 : memref<10000xf32, #tpu.memory_space<vmem>>) offsets(%arg8 : memref<10000xi32, #tpu.memory_space<vmem>>) semaphore(%run_scoped3A : memref<!tpu.dma_semaphore, #tpu.memory_space<semaphore_mem>>)
      %dma_wait3A = arith.constant 0 : i32
      %dma_wait3A_171 = tpu.memref_slice %arg23[%dma_wait3A] : memref<50176xf32, #tpu.memory_space<vmem_shared>> -> memref<50176xf32, #tpu.memory_space<vmem_shared>>
      tpu.wait_indirect_dma semaphore(%run_scoped3A : memref<!tpu.dma_semaphore, #tpu.memory_space<semaphore_mem>>) src(%dma_wait3A_171 : memref<50176xf32, #tpu.memory_space<vmem_shared>>) dst(%arg10 : memref<10000xf32, #tpu.memory_space<vmem>>)
      tpu.yield
    }) : () -> ()
    "tpu.region"() ({
      %run_scoped3A = tpu.sem_alloc : memref<!tpu.dma_semaphore, #tpu.memory_space<semaphore_mem>>
      %dma_start3A = arith.constant 0 : i32
      %dma_start3A_170 = tpu.memref_slice %arg24[%dma_start3A] : memref<50176xf32, #tpu.memory_space<vmem_shared>> -> memref<50176xf32, #tpu.memory_space<vmem_shared>>
      tpu.enqueue_indirect_dma source(%dma_start3A_170 : memref<50176xf32, #tpu.memory_space<vmem_shared>>) target(%arg11 : memref<10000xf32, #tpu.memory_space<vmem>>) offsets(%arg9 : memref<10000xi32, #tpu.memory_space<vmem>>) semaphore(%run_scoped3A : memref<!tpu.dma_semaphore, #tpu.memory_space<semaphore_mem>>)
      %dma_wait3A = arith.constant 0 : i32
      %dma_wait3A_171 = tpu.memref_slice %arg24[%dma_wait3A] : memref<50176xf32, #tpu.memory_space<vmem_shared>> -> memref<50176xf32, #tpu.memory_space<vmem_shared>>
      tpu.wait_indirect_dma semaphore(%run_scoped3A : memref<!tpu.dma_semaphore, #tpu.memory_space<semaphore_mem>>) src(%dma_wait3A_171 : memref<50176xf32, #tpu.memory_space<vmem_shared>>) dst(%arg11 : memref<10000xf32, #tpu.memory_space<vmem>>)
      tpu.yield
    }) : () -> ()
    %scan3A_27 = arith.constant 0 : i32
    %scan3A_28 = arith.constant 0 : i32
    %scan3A_29 = arith.constant 625 : i32
    %scan3A_30 = arith.addi %scan3A_28, %scan3A_29 : i32
    %scan3A_31 = arith.constant 1 : i32
    %scan3A_32 = scf.for %scan3A_170 = %scan3A_28 to %scan3A_30 step %scan3A_31 iter_args(%scan3A_171 = %scan3A_27) -> (i32)  : i32 {
      %mul3A_172 = arith.constant 16 : i32
      %mul3A_173 = arith.muli %scan3A_170, %mul3A_172 : i32
      %get3A_174 = arith.index_cast %mul3A_173 : i32 to index
      %get3A_175 = tpu.vector_load %arg10[%get3A_174] {strides = array<i32>} : memref<10000xf32, #tpu.memory_space<vmem>>, vector<16xf32>,
      %get3A_176 = vector.shape_cast %get3A_175 : vector<16xf32> to vector<16xf32>
      %mul3A_177 = vector.broadcast %squeeze3A : f32 to vector<16xf32>
      %mul3A_178 = arith.mulf %mul3A_177, %get3A_176 : vector<16xf32>
      %get3A_179 = arith.index_cast %mul3A_173 : i32 to index
      %get3A_180 = tpu.vector_load %arg11[%get3A_179] {strides = array<i32>} : memref<10000xf32, #tpu.memory_space<vmem>>, vector<16xf32>,
      %get3A_181 = vector.shape_cast %get3A_180 : vector<16xf32> to vector<16xf32>
      %mul3A_182 = vector.broadcast %squeeze3A_19 : f32 to vector<16xf32>
      %mul3A_183 = arith.mulf %mul3A_182, %get3A_181 : vector<16xf32>
      %add3A_184 = arith.addf %mul3A_178, %mul3A_183 : vector<16xf32>
      %ge3A = arith.constant 0.000000e+00 : f32
      %ge3A_185 = vector.broadcast %ge3A : f32 to vector<16xf32>
      %ge3A_186 = arith.cmpf oge, %add3A_184, %ge3A_185 : vector<16xf32>
      %mul3A_187 = arith.constant 2.000000e-01 : f32
      %mul3A_188 = vector.broadcast %mul3A_187 : f32 to vector<16xf32>
      %mul3A_189 = arith.mulf %mul3A_188, %add3A_184 : vector<16xf32>
      %select_n3A = arith.select %ge3A_186, %add3A_184, %mul3A_189 : vector<16xi1>, vector<16xf32>
      %exp3A = math.exp %select_n3A : vector<16xf32>
      %swap3A = arith.index_cast %mul3A_173 : i32 to index
      %swap3A_190 = tpu.vector_load %arg11[%swap3A] {strides = array<i32>} : memref<10000xf32, #tpu.memory_space<vmem>>, vector<16xf32>,
      %swap3A_191 = vector.shape_cast %swap3A_190 : vector<16xf32> to vector<16xf32>
      %swap3A_192 = vector.shape_cast %exp3A : vector<16xf32> to vector<16xf32>
      tpu.vector_store %arg11[%swap3A], %swap3A_192 {strides = array<i32>} : memref<10000xf32, #tpu.memory_space<vmem>>, vector<16xf32>,
      %get3A_193 = arith.index_cast %mul3A_173 : i32 to index
      %get3A_194 = tpu.vector_load %arg10[%get3A_193] {strides = array<i32>} : memref<10000xf32, #tpu.memory_space<vmem>>, vector<16xf32>,
      %get3A_195 = vector.shape_cast %get3A_194 : vector<16xf32> to vector<16xf32>
      %mul3A_196 = arith.mulf %exp3A, %get3A_195 : vector<16xf32>
      %swap3A_197 = arith.index_cast %mul3A_173 : i32 to index
      %swap3A_198 = tpu.vector_load %arg10[%swap3A_197] {strides = array<i32>} : memref<10000xf32, #tpu.memory_space<vmem>>, vector<16xf32>,
      %swap3A_199 = vector.shape_cast %swap3A_198 : vector<16xf32> to vector<16xf32>
      %swap3A_200 = vector.shape_cast %mul3A_196 : vector<16xf32> to vector<16xf32>
      tpu.vector_store %arg10[%swap3A_197], %swap3A_200 {strides = array<i32>} : memref<10000xf32, #tpu.memory_space<vmem>>, vector<16xf32>,
      %scan3A_201 = arith.constant 0 : i32
      scf.yield %scan3A_201 : i32
    }
    %scan3A_33 = arith.constant 625 : i32
    "tpu.region"() ({
      %run_scoped3A = tpu.sem_alloc : memref<!tpu.dma_semaphore, #tpu.memory_space<semaphore_mem>>
      %dma_start3A = arith.constant 0 : i32
      %dma_start3A_170 = tpu.memref_slice %arg25[%dma_start3A] : memref<50176xf32, #tpu.memory_space<vmem_shared>> -> memref<50176xf32, #tpu.memory_space<vmem_shared>>
      tpu.enqueue_indirect_dma source(%arg11 : memref<10000xf32, #tpu.memory_space<vmem>>) target(%dma_start3A_170 : memref<50176xf32, #tpu.memory_space<vmem_shared>>) offsets(%arg9 : memref<10000xi32, #tpu.memory_space<vmem>>) semaphore(%run_scoped3A : memref<!tpu.dma_semaphore, #tpu.memory_space<semaphore_mem>>) {add = true}
      %dma_wait3A = arith.constant 0 : i32
      %dma_wait3A_171 = tpu.memref_slice %arg25[%dma_wait3A] : memref<50176xf32, #tpu.memory_space<vmem_shared>> -> memref<50176xf32, #tpu.memory_space<vmem_shared>>
      tpu.wait_indirect_dma semaphore(%run_scoped3A : memref<!tpu.dma_semaphore, #tpu.memory_space<semaphore_mem>>) src(%arg11 : memref<10000xf32, #tpu.memory_space<vmem>>) dst(%dma_wait3A_171 : memref<50176xf32, #tpu.memory_space<vmem_shared>>)
      tpu.yield
    }) : () -> ()
    "tpu.region"() ({
      %run_scoped3A = tpu.sem_alloc : memref<!tpu.dma_semaphore, #tpu.memory_space<semaphore_mem>>
      %dma_start3A = arith.constant 0 : i32
      %dma_start3A_170 = tpu.memref_slice %arg26[%dma_start3A] : memref<50176xf32, #tpu.memory_space<vmem_shared>> -> memref<50176xf32, #tpu.memory_space<vmem_shared>>
      tpu.enqueue_indirect_dma source(%arg10 : memref<10000xf32, #tpu.memory_space<vmem>>) target(%dma_start3A_170 : memref<50176xf32, #tpu.memory_space<vmem_shared>>) offsets(%arg9 : memref<10000xi32, #tpu.memory_space<vmem>>) semaphore(%run_scoped3A : memref<!tpu.dma_semaphore, #tpu.memory_space<semaphore_mem>>) {add = true}
      %dma_wait3A = arith.constant 0 : i32
      %dma_wait3A_171 = tpu.memref_slice %arg26[%dma_wait3A] : memref<50176xf32, #tpu.memory_space<vmem_shared>> -> memref<50176xf32, #tpu.memory_space<vmem_shared>>
      tpu.wait_indirect_dma semaphore(%run_scoped3A : memref<!tpu.dma_semaphore, #tpu.memory_space<semaphore_mem>>) src(%arg10 : memref<10000xf32, #tpu.memory_space<vmem>>) dst(%dma_wait3A_171 : memref<50176xf32, #tpu.memory_space<vmem_shared>>)
      tpu.yield
    }) : () -> ()
    "tpu.region"() ({
      %run_scoped3A = tpu.sem_alloc : memref<!tpu.dma_semaphore, #tpu.memory_space<semaphore_mem>>
      %dma_start3A = arith.constant 0 : i32
      %dma_start3A_170 = tpu.memref_slice %arg28[%dma_start3A] : memref<50176xf32, #tpu.memory_space<vmem_shared>> -> memref<50176xf32, #tpu.memory_space<vmem_shared>>
      tpu.enqueue_indirect_dma source(%arg13 : memref<10000xf32, #tpu.memory_space<vmem>>) target(%dma_start3A_170 : memref<50176xf32, #tpu.memory_space<vmem_shared>>) offsets(%arg9 : memref<10000xi32, #tpu.memory_space<vmem>>) semaphore(%run_scoped3A : memref<!tpu.dma_semaphore, #tpu.memory_space<semaphore_mem>>) {add = true}
      %dma_wait3A = arith.constant 0 : i32
      %dma_wait3A_171 = tpu.memref_slice %arg28[%dma_wait3A] : memref<50176xf32, #tpu.memory_space<vmem_shared>> -> memref<50176xf32, #tpu.memory_space<vmem_shared>>
      tpu.wait_indirect_dma semaphore(%run_scoped3A : memref<!tpu.dma_semaphore, #tpu.memory_space<semaphore_mem>>) src(%arg13 : memref<10000xf32, #tpu.memory_space<vmem>>) dst(%dma_wait3A_171 : memref<50176xf32, #tpu.memory_space<vmem_shared>>)
      tpu.yield
    }) : () -> ()
    "tpu.region"() ({
      %run_scoped3A = tpu.sem_alloc : memref<!tpu.dma_semaphore, #tpu.memory_space<semaphore_mem>>
      %dma_start3A = arith.constant 0 : i32
      %dma_start3A_170 = tpu.memref_slice %arg27[%dma_start3A] : memref<50176xf32, #tpu.memory_space<vmem_shared>> -> memref<50176xf32, #tpu.memory_space<vmem_shared>>
      tpu.enqueue_indirect_dma source(%arg13 : memref<10000xf32, #tpu.memory_space<vmem>>) target(%dma_start3A_170 : memref<50176xf32, #tpu.memory_space<vmem_shared>>) offsets(%arg8 : memref<10000xi32, #tpu.memory_space<vmem>>) semaphore(%run_scoped3A : memref<!tpu.dma_semaphore, #tpu.memory_space<semaphore_mem>>) {add = true}
      %dma_wait3A = arith.constant 0 : i32
      %dma_wait3A_171 = tpu.memref_slice %arg27[%dma_wait3A] : memref<50176xf32, #tpu.memory_space<vmem_shared>> -> memref<50176xf32, #tpu.memory_space<vmem_shared>>
      tpu.wait_indirect_dma semaphore(%run_scoped3A : memref<!tpu.dma_semaphore, #tpu.memory_space<semaphore_mem>>) src(%arg13 : memref<10000xf32, #tpu.memory_space<vmem>>) dst(%dma_wait3A_171 : memref<50176xf32, #tpu.memory_space<vmem_shared>>)
      tpu.yield
    }) : () -> ()
    %add3A_34 = arith.constant 10000 : i32
    %add3A_35 = arith.addi %mul3A_2, %add3A_34 : i32
    "tpu.region"() ({
      %run_scoped3A = tpu.sem_alloc : memref<!tpu.dma_semaphore, #tpu.memory_space<semaphore_mem>>
      %dma_start3A = tpu.memref_slice %arg4[%add3A_35] : memref<800000xi32, #tpu.memory_space<hbm>> -> memref<10000xi32, #tpu.memory_space<hbm>>
      %dma_start3A_170 = tpu.memref_slice %arg4[%add3A_35] : memref<800000xi32, #tpu.memory_space<hbm>> -> memref<10000xi32, #tpu.memory_space<hbm>>
      tpu.enqueue_dma source(%dma_start3A_170 : memref<10000xi32, #tpu.memory_space<hbm>>) target(%arg8 : memref<10000xi32, #tpu.memory_space<vmem>>) target_semaphore(%run_scoped3A : memref<!tpu.dma_semaphore, #tpu.memory_space<semaphore_mem>>)
      %dma_wait3A = tpu.memref_slice %arg4[%add3A_35] : memref<800000xi32, #tpu.memory_space<hbm>> -> memref<10000xi32, #tpu.memory_space<hbm>>
      %dma_wait3A_171 = tpu.memref_slice %arg4[%add3A_35] : memref<800000xi32, #tpu.memory_space<hbm>> -> memref<10000xi32, #tpu.memory_space<hbm>>
      tpu.wait_dma2 semaphore(%run_scoped3A : memref<!tpu.dma_semaphore, #tpu.memory_space<semaphore_mem>>) src(%dma_wait3A_171 : memref<10000xi32, #tpu.memory_space<hbm>>) dst(%arg8 : memref<10000xi32, #tpu.memory_space<vmem>>)
      tpu.yield
    }) : () -> ()
    "tpu.region"() ({
      %run_scoped3A = tpu.sem_alloc : memref<!tpu.dma_semaphore, #tpu.memory_space<semaphore_mem>>
      %dma_start3A = tpu.memref_slice %arg5[%add3A_35] : memref<800000xi32, #tpu.memory_space<hbm>> -> memref<10000xi32, #tpu.memory_space<hbm>>
      %dma_start3A_170 = tpu.memref_slice %arg5[%add3A_35] : memref<800000xi32, #tpu.memory_space<hbm>> -> memref<10000xi32, #tpu.memory_space<hbm>>
      tpu.enqueue_dma source(%dma_start3A_170 : memref<10000xi32, #tpu.memory_space<hbm>>) target(%arg9 : memref<10000xi32, #tpu.memory_space<vmem>>) target_semaphore(%run_scoped3A : memref<!tpu.dma_semaphore, #tpu.memory_space<semaphore_mem>>)
      %dma_wait3A = tpu.memref_slice %arg5[%add3A_35] : memref<800000xi32, #tpu.memory_space<hbm>> -> memref<10000xi32, #tpu.memory_space<hbm>>
      %dma_wait3A_171 = tpu.memref_slice %arg5[%add3A_35] : memref<800000xi32, #tpu.memory_space<hbm>> -> memref<10000xi32, #tpu.memory_space<hbm>>
      tpu.wait_dma2 semaphore(%run_scoped3A : memref<!tpu.dma_semaphore, #tpu.memory_space<semaphore_mem>>) src(%dma_wait3A_171 : memref<10000xi32, #tpu.memory_space<hbm>>) dst(%arg9 : memref<10000xi32, #tpu.memory_space<vmem>>)
      tpu.yield
    }) : () -> ()
    "tpu.region"() ({
      %run_scoped3A = tpu.sem_alloc : memref<!tpu.dma_semaphore, #tpu.memory_space<semaphore_mem>>
      %dma_start3A = arith.constant 0 : i32
      %dma_start3A_170 = tpu.memref_slice %arg23[%dma_start3A] : memref<50176xf32, #tpu.memory_space<vmem_shared>> -> memref<50176xf32, #tpu.memory_space<vmem_shared>>
      tpu.enqueue_indirect_dma source(%dma_start3A_170 : memref<50176xf32, #tpu.memory_space<vmem_shared>>) target(%arg10 : memref<10000xf32, #tpu.memory_space<vmem>>) offsets(%arg8 : memref<10000xi32, #tpu.memory_space<vmem>>) semaphore(%run_scoped3A : memref<!tpu.dma_semaphore, #tpu.memory_space<semaphore_mem>>)
      %dma_wait3A = arith.constant 0 : i32
      %dma_wait3A_171 = tpu.memref_slice %arg23[%dma_wait3A] : memref<50176xf32, #tpu.memory_space<vmem_shared>> -> memref<50176xf32, #tpu.memory_space<vmem_shared>>
      tpu.wait_indirect_dma semaphore(%run_scoped3A : memref<!tpu.dma_semaphore, #tpu.memory_space<semaphore_mem>>) src(%dma_wait3A_171 : memref<50176xf32, #tpu.memory_space<vmem_shared>>) dst(%arg10 : memref<10000xf32, #tpu.memory_space<vmem>>)
      tpu.yield
    }) : () -> ()
    "tpu.region"() ({
      %run_scoped3A = tpu.sem_alloc : memref<!tpu.dma_semaphore, #tpu.memory_space<semaphore_mem>>
      %dma_start3A = arith.constant 0 : i32
      %dma_start3A_170 = tpu.memref_slice %arg24[%dma_start3A] : memref<50176xf32, #tpu.memory_space<vmem_shared>> -> memref<50176xf32, #tpu.memory_space<vmem_shared>>
      tpu.enqueue_indirect_dma source(%dma_start3A_170 : memref<50176xf32, #tpu.memory_space<vmem_shared>>) target(%arg11 : memref<10000xf32, #tpu.memory_space<vmem>>) offsets(%arg9 : memref<10000xi32, #tpu.memory_space<vmem>>) semaphore(%run_scoped3A : memref<!tpu.dma_semaphore, #tpu.memory_space<semaphore_mem>>)
      %dma_wait3A = arith.constant 0 : i32
      %dma_wait3A_171 = tpu.memref_slice %arg24[%dma_wait3A] : memref<50176xf32, #tpu.memory_space<vmem_shared>> -> memref<50176xf32, #tpu.memory_space<vmem_shared>>
      tpu.wait_indirect_dma semaphore(%run_scoped3A : memref<!tpu.dma_semaphore, #tpu.memory_space<semaphore_mem>>) src(%dma_wait3A_171 : memref<50176xf32, #tpu.memory_space<vmem_shared>>) dst(%arg11 : memref<10000xf32, #tpu.memory_space<vmem>>)
      tpu.yield
    }) : () -> ()
    %scan3A_36 = arith.constant 0 : i32
    %scan3A_37 = arith.constant 0 : i32
    %scan3A_38 = arith.constant 625 : i32
    %scan3A_39 = arith.addi %scan3A_37, %scan3A_38 : i32
    %scan3A_40 = arith.constant 1 : i32
    %scan3A_41 = scf.for %scan3A_170 = %scan3A_37 to %scan3A_39 step %scan3A_40 iter_args(%scan3A_171 = %scan3A_36) -> (i32)  : i32 {
      %mul3A_172 = arith.constant 16 : i32
      %mul3A_173 = arith.muli %scan3A_170, %mul3A_172 : i32
      %get3A_174 = arith.index_cast %mul3A_173 : i32 to index
      %get3A_175 = tpu.vector_load %arg10[%get3A_174] {strides = array<i32>} : memref<10000xf32, #tpu.memory_space<vmem>>, vector<16xf32>,
      %get3A_176 = vector.shape_cast %get3A_175 : vector<16xf32> to vector<16xf32>
      %mul3A_177 = vector.broadcast %squeeze3A : f32 to vector<16xf32>
      %mul3A_178 = arith.mulf %mul3A_177, %get3A_176 : vector<16xf32>
      %get3A_179 = arith.index_cast %mul3A_173 : i32 to index
      %get3A_180 = tpu.vector_load %arg11[%get3A_179] {strides = array<i32>} : memref<10000xf32, #tpu.memory_space<vmem>>, vector<16xf32>,
      %get3A_181 = vector.shape_cast %get3A_180 : vector<16xf32> to vector<16xf32>
      %mul3A_182 = vector.broadcast %squeeze3A_19 : f32 to vector<16xf32>
      %mul3A_183 = arith.mulf %mul3A_182, %get3A_181 : vector<16xf32>
      %add3A_184 = arith.addf %mul3A_178, %mul3A_183 : vector<16xf32>
      %ge3A = arith.constant 0.000000e+00 : f32
      %ge3A_185 = vector.broadcast %ge3A : f32 to vector<16xf32>
      %ge3A_186 = arith.cmpf oge, %add3A_184, %ge3A_185 : vector<16xf32>
      %mul3A_187 = arith.constant 2.000000e-01 : f32
      %mul3A_188 = vector.broadcast %mul3A_187 : f32 to vector<16xf32>
      %mul3A_189 = arith.mulf %mul3A_188, %add3A_184 : vector<16xf32>
      %select_n3A = arith.select %ge3A_186, %add3A_184, %mul3A_189 : vector<16xi1>, vector<16xf32>
      %exp3A = math.exp %select_n3A : vector<16xf32>
      %swap3A = arith.index_cast %mul3A_173 : i32 to index
      %swap3A_190 = tpu.vector_load %arg11[%swap3A] {strides = array<i32>} : memref<10000xf32, #tpu.memory_space<vmem>>, vector<16xf32>,
      %swap3A_191 = vector.shape_cast %swap3A_190 : vector<16xf32> to vector<16xf32>
      %swap3A_192 = vector.shape_cast %exp3A : vector<16xf32> to vector<16xf32>
      tpu.vector_store %arg11[%swap3A], %swap3A_192 {strides = array<i32>} : memref<10000xf32, #tpu.memory_space<vmem>>, vector<16xf32>,
      %get3A_193 = arith.index_cast %mul3A_173 : i32 to index
      %get3A_194 = tpu.vector_load %arg10[%get3A_193] {strides = array<i32>} : memref<10000xf32, #tpu.memory_space<vmem>>, vector<16xf32>,
      %get3A_195 = vector.shape_cast %get3A_194 : vector<16xf32> to vector<16xf32>
      %mul3A_196 = arith.mulf %exp3A, %get3A_195 : vector<16xf32>
      %swap3A_197 = arith.index_cast %mul3A_173 : i32 to index
      %swap3A_198 = tpu.vector_load %arg10[%swap3A_197] {strides = array<i32>} : memref<10000xf32, #tpu.memory_space<vmem>>, vector<16xf32>,
      %swap3A_199 = vector.shape_cast %swap3A_198 : vector<16xf32> to vector<16xf32>
      %swap3A_200 = vector.shape_cast %mul3A_196 : vector<16xf32> to vector<16xf32>
      tpu.vector_store %arg10[%swap3A_197], %swap3A_200 {strides = array<i32>} : memref<10000xf32, #tpu.memory_space<vmem>>, vector<16xf32>,
      %scan3A_201 = arith.constant 0 : i32
      scf.yield %scan3A_201 : i32
    }
    %scan3A_42 = arith.constant 625 : i32
    "tpu.region"() ({
      %run_scoped3A = tpu.sem_alloc : memref<!tpu.dma_semaphore, #tpu.memory_space<semaphore_mem>>
      %dma_start3A = arith.constant 0 : i32
      %dma_start3A_170 = tpu.memref_slice %arg25[%dma_start3A] : memref<50176xf32, #tpu.memory_space<vmem_shared>> -> memref<50176xf32, #tpu.memory_space<vmem_shared>>
      tpu.enqueue_indirect_dma source(%arg11 : memref<10000xf32, #tpu.memory_space<vmem>>) target(%dma_start3A_170 : memref<50176xf32, #tpu.memory_space<vmem_shared>>) offsets(%arg9 : memref<10000xi32, #tpu.memory_space<vmem>>) semaphore(%run_scoped3A : memref<!tpu.dma_semaphore, #tpu.memory_space<semaphore_mem>>) {add = true}
      %dma_wait3A = arith.constant 0 : i32
      %dma_wait3A_171 = tpu.memref_slice %arg25[%dma_wait3A] : memref<50176xf32, #tpu.memory_space<vmem_shared>> -> memref<50176xf32, #tpu.memory_space<vmem_shared>>
      tpu.wait_indirect_dma semaphore(%run_scoped3A : memref<!tpu.dma_semaphore, #tpu.memory_space<semaphore_mem>>) src(%arg11 : memref<10000xf32, #tpu.memory_space<vmem>>) dst(%dma_wait3A_171 : memref<50176xf32, #tpu.memory_space<vmem_shared>>)
      tpu.yield
    }) : () -> ()
    "tpu.region"() ({
      %run_scoped3A = tpu.sem_alloc : memref<!tpu.dma_semaphore, #tpu.memory_space<semaphore_mem>>
      %dma_start3A = arith.constant 0 : i32
      %dma_start3A_170 = tpu.memref_slice %arg26[%dma_start3A] : memref<50176xf32, #tpu.memory_space<vmem_shared>> -> memref<50176xf32, #tpu.memory_space<vmem_shared>>
      tpu.enqueue_indirect_dma source(%arg10 : memref<10000xf32, #tpu.memory_space<vmem>>) target(%dma_start3A_170 : memref<50176xf32, #tpu.memory_space<vmem_shared>>) offsets(%arg9 : memref<10000xi32, #tpu.memory_space<vmem>>) semaphore(%run_scoped3A : memref<!tpu.dma_semaphore, #tpu.memory_space<semaphore_mem>>) {add = true}
      %dma_wait3A = arith.constant 0 : i32
      %dma_wait3A_171 = tpu.memref_slice %arg26[%dma_wait3A] : memref<50176xf32, #tpu.memory_space<vmem_shared>> -> memref<50176xf32, #tpu.memory_space<vmem_shared>>
      tpu.wait_indirect_dma semaphore(%run_scoped3A : memref<!tpu.dma_semaphore, #tpu.memory_space<semaphore_mem>>) src(%arg10 : memref<10000xf32, #tpu.memory_space<vmem>>) dst(%dma_wait3A_171 : memref<50176xf32, #tpu.memory_space<vmem_shared>>)
      tpu.yield
    }) : () -> ()
    "tpu.region"() ({
      %run_scoped3A = tpu.sem_alloc : memref<!tpu.dma_semaphore, #tpu.memory_space<semaphore_mem>>
      %dma_start3A = arith.constant 0 : i32
      %dma_start3A_170 = tpu.memref_slice %arg28[%dma_start3A] : memref<50176xf32, #tpu.memory_space<vmem_shared>> -> memref<50176xf32, #tpu.memory_space<vmem_shared>>
      tpu.enqueue_indirect_dma source(%arg13 : memref<10000xf32, #tpu.memory_space<vmem>>) target(%dma_start3A_170 : memref<50176xf32, #tpu.memory_space<vmem_shared>>) offsets(%arg9 : memref<10000xi32, #tpu.memory_space<vmem>>) semaphore(%run_scoped3A : memref<!tpu.dma_semaphore, #tpu.memory_space<semaphore_mem>>) {add = true}
      %dma_wait3A = arith.constant 0 : i32
      %dma_wait3A_171 = tpu.memref_slice %arg28[%dma_wait3A] : memref<50176xf32, #tpu.memory_space<vmem_shared>> -> memref<50176xf32, #tpu.memory_space<vmem_shared>>
      tpu.wait_indirect_dma semaphore(%run_scoped3A : memref<!tpu.dma_semaphore, #tpu.memory_space<semaphore_mem>>) src(%arg13 : memref<10000xf32, #tpu.memory_space<vmem>>) dst(%dma_wait3A_171 : memref<50176xf32, #tpu.memory_space<vmem_shared>>)
      tpu.yield
    }) : () -> ()
    "tpu.region"() ({
      %run_scoped3A = tpu.sem_alloc : memref<!tpu.dma_semaphore, #tpu.memory_space<semaphore_mem>>
      %dma_start3A = arith.constant 0 : i32
      %dma_start3A_170 = tpu.memref_slice %arg27[%dma_start3A] : memref<50176xf32, #tpu.memory_space<vmem_shared>> -> memref<50176xf32, #tpu.memory_space<vmem_shared>>
      tpu.enqueue_indirect_dma source(%arg13 : memref<10000xf32, #tpu.memory_space<vmem>>) target(%dma_start3A_170 : memref<50176xf32, #tpu.memory_space<vmem_shared>>) offsets(%arg8 : memref<10000xi32, #tpu.memory_space<vmem>>) semaphore(%run_scoped3A : memref<!tpu.dma_semaphore, #tpu.memory_space<semaphore_mem>>) {add = true}
      %dma_wait3A = arith.constant 0 : i32
      %dma_wait3A_171 = tpu.memref_slice %arg27[%dma_wait3A] : memref<50176xf32, #tpu.memory_space<vmem_shared>> -> memref<50176xf32, #tpu.memory_space<vmem_shared>>
      tpu.wait_indirect_dma semaphore(%run_scoped3A : memref<!tpu.dma_semaphore, #tpu.memory_space<semaphore_mem>>) src(%arg13 : memref<10000xf32, #tpu.memory_space<vmem>>) dst(%dma_wait3A_171 : memref<50176xf32, #tpu.memory_space<vmem_shared>>)
      tpu.yield
    }) : () -> ()
    %add3A_43 = arith.constant 20000 : i32
    %add3A_44 = arith.addi %mul3A_2, %add3A_43 : i32
    "tpu.region"() ({
      %run_scoped3A = tpu.sem_alloc : memref<!tpu.dma_semaphore, #tpu.memory_space<semaphore_mem>>
      %dma_start3A = tpu.memref_slice %arg4[%add3A_44] : memref<800000xi32, #tpu.memory_space<hbm>> -> memref<10000xi32, #tpu.memory_space<hbm>>
      %dma_start3A_170 = tpu.memref_slice %arg4[%add3A_44] : memref<800000xi32, #tpu.memory_space<hbm>> -> memref<10000xi32, #tpu.memory_space<hbm>>
      tpu.enqueue_dma source(%dma_start3A_170 : memref<10000xi32, #tpu.memory_space<hbm>>) target(%arg8 : memref<10000xi32, #tpu.memory_space<vmem>>) target_semaphore(%run_scoped3A : memref<!tpu.dma_semaphore, #tpu.memory_space<semaphore_mem>>)
      %dma_wait3A = tpu.memref_slice %arg4[%add3A_44] : memref<800000xi32, #tpu.memory_space<hbm>> -> memref<10000xi32, #tpu.memory_space<hbm>>
      %dma_wait3A_171 = tpu.memref_slice %arg4[%add3A_44] : memref<800000xi32, #tpu.memory_space<hbm>> -> memref<10000xi32, #tpu.memory_space<hbm>>
      tpu.wait_dma2 semaphore(%run_scoped3A : memref<!tpu.dma_semaphore, #tpu.memory_space<semaphore_mem>>) src(%dma_wait3A_171 : memref<10000xi32, #tpu.memory_space<hbm>>) dst(%arg8 : memref<10000xi32, #tpu.memory_space<vmem>>)
      tpu.yield
    }) : () -> ()
    "tpu.region"() ({
      %run_scoped3A = tpu.sem_alloc : memref<!tpu.dma_semaphore, #tpu.memory_space<semaphore_mem>>
      %dma_start3A = tpu.memref_slice %arg5[%add3A_44] : memref<800000xi32, #tpu.memory_space<hbm>> -> memref<10000xi32, #tpu.memory_space<hbm>>
      %dma_start3A_170 = tpu.memref_slice %arg5[%add3A_44] : memref<800000xi32, #tpu.memory_space<hbm>> -> memref<10000xi32, #tpu.memory_space<hbm>>
      tpu.enqueue_dma source(%dma_start3A_170 : memref<10000xi32, #tpu.memory_space<hbm>>) target(%arg9 : memref<10000xi32, #tpu.memory_space<vmem>>) target_semaphore(%run_scoped3A : memref<!tpu.dma_semaphore, #tpu.memory_space<semaphore_mem>>)
      %dma_wait3A = tpu.memref_slice %arg5[%add3A_44] : memref<800000xi32, #tpu.memory_space<hbm>> -> memref<10000xi32, #tpu.memory_space<hbm>>
      %dma_wait3A_171 = tpu.memref_slice %arg5[%add3A_44] : memref<800000xi32, #tpu.memory_space<hbm>> -> memref<10000xi32, #tpu.memory_space<hbm>>
      tpu.wait_dma2 semaphore(%run_scoped3A : memref<!tpu.dma_semaphore, #tpu.memory_space<semaphore_mem>>) src(%dma_wait3A_171 : memref<10000xi32, #tpu.memory_space<hbm>>) dst(%arg9 : memref<10000xi32, #tpu.memory_space<vmem>>)
      tpu.yield
    }) : () -> ()
    "tpu.region"() ({
      %run_scoped3A = tpu.sem_alloc : memref<!tpu.dma_semaphore, #tpu.memory_space<semaphore_mem>>
      %dma_start3A = arith.constant 0 : i32
      %dma_start3A_170 = tpu.memref_slice %arg23[%dma_start3A] : memref<50176xf32, #tpu.memory_space<vmem_shared>> -> memref<50176xf32, #tpu.memory_space<vmem_shared>>
      tpu.enqueue_indirect_dma source(%dma_start3A_170 : memref<50176xf32, #tpu.memory_space<vmem_shared>>) target(%arg10 : memref<10000xf32, #tpu.memory_space<vmem>>) offsets(%arg8 : memref<10000xi32, #tpu.memory_space<vmem>>) semaphore(%run_scoped3A : memref<!tpu.dma_semaphore, #tpu.memory_space<semaphore_mem>>)
      %dma_wait3A = arith.constant 0 : i32
      %dma_wait3A_171 = tpu.memref_slice %arg23[%dma_wait3A] : memref<50176xf32, #tpu.memory_space<vmem_shared>> -> memref<50176xf32, #tpu.memory_space<vmem_shared>>
      tpu.wait_indirect_dma semaphore(%run_scoped3A : memref<!tpu.dma_semaphore, #tpu.memory_space<semaphore_mem>>) src(%dma_wait3A_171 : memref<50176xf32, #tpu.memory_space<vmem_shared>>) dst(%arg10 : memref<10000xf32, #tpu.memory_space<vmem>>)
      tpu.yield
    }) : () -> ()
    "tpu.region"() ({
      %run_scoped3A = tpu.sem_alloc : memref<!tpu.dma_semaphore, #tpu.memory_space<semaphore_mem>>
      %dma_start3A = arith.constant 0 : i32
      %dma_start3A_170 = tpu.memref_slice %arg24[%dma_start3A] : memref<50176xf32, #tpu.memory_space<vmem_shared>> -> memref<50176xf32, #tpu.memory_space<vmem_shared>>
      tpu.enqueue_indirect_dma source(%dma_start3A_170 : memref<50176xf32, #tpu.memory_space<vmem_shared>>) target(%arg11 : memref<10000xf32, #tpu.memory_space<vmem>>) offsets(%arg9 : memref<10000xi32, #tpu.memory_space<vmem>>) semaphore(%run_scoped3A : memref<!tpu.dma_semaphore, #tpu.memory_space<semaphore_mem>>)
      %dma_wait3A = arith.constant 0 : i32
      %dma_wait3A_171 = tpu.memref_slice %arg24[%dma_wait3A] : memref<50176xf32, #tpu.memory_space<vmem_shared>> -> memref<50176xf32, #tpu.memory_space<vmem_shared>>
      tpu.wait_indirect_dma semaphore(%run_scoped3A : memref<!tpu.dma_semaphore, #tpu.memory_space<semaphore_mem>>) src(%dma_wait3A_171 : memref<50176xf32, #tpu.memory_space<vmem_shared>>) dst(%arg11 : memref<10000xf32, #tpu.memory_space<vmem>>)
      tpu.yield
    }) : () -> ()
    %scan3A_45 = arith.constant 0 : i32
    %scan3A_46 = arith.constant 0 : i32
    %scan3A_47 = arith.constant 625 : i32
    %scan3A_48 = arith.addi %scan3A_46, %scan3A_47 : i32
    %scan3A_49 = arith.constant 1 : i32
    %scan3A_50 = scf.for %scan3A_170 = %scan3A_46 to %scan3A_48 step %scan3A_49 iter_args(%scan3A_171 = %scan3A_45) -> (i32)  : i32 {
      %mul3A_172 = arith.constant 16 : i32
      %mul3A_173 = arith.muli %scan3A_170, %mul3A_172 : i32
      %get3A_174 = arith.index_cast %mul3A_173 : i32 to index
      %get3A_175 = tpu.vector_load %arg10[%get3A_174] {strides = array<i32>} : memref<10000xf32, #tpu.memory_space<vmem>>, vector<16xf32>,
      %get3A_176 = vector.shape_cast %get3A_175 : vector<16xf32> to vector<16xf32>
      %mul3A_177 = vector.broadcast %squeeze3A : f32 to vector<16xf32>
      %mul3A_178 = arith.mulf %mul3A_177, %get3A_176 : vector<16xf32>
      %get3A_179 = arith.index_cast %mul3A_173 : i32 to index
      %get3A_180 = tpu.vector_load %arg11[%get3A_179] {strides = array<i32>} : memref<10000xf32, #tpu.memory_space<vmem>>, vector<16xf32>,
      %get3A_181 = vector.shape_cast %get3A_180 : vector<16xf32> to vector<16xf32>
      %mul3A_182 = vector.broadcast %squeeze3A_19 : f32 to vector<16xf32>
      %mul3A_183 = arith.mulf %mul3A_182, %get3A_181 : vector<16xf32>
      %add3A_184 = arith.addf %mul3A_178, %mul3A_183 : vector<16xf32>
      %ge3A = arith.constant 0.000000e+00 : f32
      %ge3A_185 = vector.broadcast %ge3A : f32 to vector<16xf32>
      %ge3A_186 = arith.cmpf oge, %add3A_184, %ge3A_185 : vector<16xf32>
      %mul3A_187 = arith.constant 2.000000e-01 : f32
      %mul3A_188 = vector.broadcast %mul3A_187 : f32 to vector<16xf32>
      %mul3A_189 = arith.mulf %mul3A_188, %add3A_184 : vector<16xf32>
      %select_n3A = arith.select %ge3A_186, %add3A_184, %mul3A_189 : vector<16xi1>, vector<16xf32>
      %exp3A = math.exp %select_n3A : vector<16xf32>
      %swap3A = arith.index_cast %mul3A_173 : i32 to index
      %swap3A_190 = tpu.vector_load %arg11[%swap3A] {strides = array<i32>} : memref<10000xf32, #tpu.memory_space<vmem>>, vector<16xf32>,
      %swap3A_191 = vector.shape_cast %swap3A_190 : vector<16xf32> to vector<16xf32>
      %swap3A_192 = vector.shape_cast %exp3A : vector<16xf32> to vector<16xf32>
      tpu.vector_store %arg11[%swap3A], %swap3A_192 {strides = array<i32>} : memref<10000xf32, #tpu.memory_space<vmem>>, vector<16xf32>,
      %get3A_193 = arith.index_cast %mul3A_173 : i32 to index
      %get3A_194 = tpu.vector_load %arg10[%get3A_193] {strides = array<i32>} : memref<10000xf32, #tpu.memory_space<vmem>>, vector<16xf32>,
      %get3A_195 = vector.shape_cast %get3A_194 : vector<16xf32> to vector<16xf32>
      %mul3A_196 = arith.mulf %exp3A, %get3A_195 : vector<16xf32>
      %swap3A_197 = arith.index_cast %mul3A_173 : i32 to index
      %swap3A_198 = tpu.vector_load %arg10[%swap3A_197] {strides = array<i32>} : memref<10000xf32, #tpu.memory_space<vmem>>, vector<16xf32>,
      %swap3A_199 = vector.shape_cast %swap3A_198 : vector<16xf32> to vector<16xf32>
      %swap3A_200 = vector.shape_cast %mul3A_196 : vector<16xf32> to vector<16xf32>
      tpu.vector_store %arg10[%swap3A_197], %swap3A_200 {strides = array<i32>} : memref<10000xf32, #tpu.memory_space<vmem>>, vector<16xf32>,
      %scan3A_201 = arith.constant 0 : i32
      scf.yield %scan3A_201 : i32
    }
    %scan3A_51 = arith.constant 625 : i32
    "tpu.region"() ({
      %run_scoped3A = tpu.sem_alloc : memref<!tpu.dma_semaphore, #tpu.memory_space<semaphore_mem>>
      %dma_start3A = arith.constant 0 : i32
      %dma_start3A_170 = tpu.memref_slice %arg25[%dma_start3A] : memref<50176xf32, #tpu.memory_space<vmem_shared>> -> memref<50176xf32, #tpu.memory_space<vmem_shared>>
      tpu.enqueue_indirect_dma source(%arg11 : memref<10000xf32, #tpu.memory_space<vmem>>) target(%dma_start3A_170 : memref<50176xf32, #tpu.memory_space<vmem_shared>>) offsets(%arg9 : memref<10000xi32, #tpu.memory_space<vmem>>) semaphore(%run_scoped3A : memref<!tpu.dma_semaphore, #tpu.memory_space<semaphore_mem>>) {add = true}
      %dma_wait3A = arith.constant 0 : i32
      %dma_wait3A_171 = tpu.memref_slice %arg25[%dma_wait3A] : memref<50176xf32, #tpu.memory_space<vmem_shared>> -> memref<50176xf32, #tpu.memory_space<vmem_shared>>
      tpu.wait_indirect_dma semaphore(%run_scoped3A : memref<!tpu.dma_semaphore, #tpu.memory_space<semaphore_mem>>) src(%arg11 : memref<10000xf32, #tpu.memory_space<vmem>>) dst(%dma_wait3A_171 : memref<50176xf32, #tpu.memory_space<vmem_shared>>)
      tpu.yield
    }) : () -> ()
    "tpu.region"() ({
      %run_scoped3A = tpu.sem_alloc : memref<!tpu.dma_semaphore, #tpu.memory_space<semaphore_mem>>
      %dma_start3A = arith.constant 0 : i32
      %dma_start3A_170 = tpu.memref_slice %arg26[%dma_start3A] : memref<50176xf32, #tpu.memory_space<vmem_shared>> -> memref<50176xf32, #tpu.memory_space<vmem_shared>>
      tpu.enqueue_indirect_dma source(%arg10 : memref<10000xf32, #tpu.memory_space<vmem>>) target(%dma_start3A_170 : memref<50176xf32, #tpu.memory_space<vmem_shared>>) offsets(%arg9 : memref<10000xi32, #tpu.memory_space<vmem>>) semaphore(%run_scoped3A : memref<!tpu.dma_semaphore, #tpu.memory_space<semaphore_mem>>) {add = true}
      %dma_wait3A = arith.constant 0 : i32
      %dma_wait3A_171 = tpu.memref_slice %arg26[%dma_wait3A] : memref<50176xf32, #tpu.memory_space<vmem_shared>> -> memref<50176xf32, #tpu.memory_space<vmem_shared>>
      tpu.wait_indirect_dma semaphore(%run_scoped3A : memref<!tpu.dma_semaphore, #tpu.memory_space<semaphore_mem>>) src(%arg10 : memref<10000xf32, #tpu.memory_space<vmem>>) dst(%dma_wait3A_171 : memref<50176xf32, #tpu.memory_space<vmem_shared>>)
      tpu.yield
    }) : () -> ()
    "tpu.region"() ({
      %run_scoped3A = tpu.sem_alloc : memref<!tpu.dma_semaphore, #tpu.memory_space<semaphore_mem>>
      %dma_start3A = arith.constant 0 : i32
      %dma_start3A_170 = tpu.memref_slice %arg28[%dma_start3A] : memref<50176xf32, #tpu.memory_space<vmem_shared>> -> memref<50176xf32, #tpu.memory_space<vmem_shared>>
      tpu.enqueue_indirect_dma source(%arg13 : memref<10000xf32, #tpu.memory_space<vmem>>) target(%dma_start3A_170 : memref<50176xf32, #tpu.memory_space<vmem_shared>>) offsets(%arg9 : memref<10000xi32, #tpu.memory_space<vmem>>) semaphore(%run_scoped3A : memref<!tpu.dma_semaphore, #tpu.memory_space<semaphore_mem>>) {add = true}
      %dma_wait3A = arith.constant 0 : i32
      %dma_wait3A_171 = tpu.memref_slice %arg28[%dma_wait3A] : memref<50176xf32, #tpu.memory_space<vmem_shared>> -> memref<50176xf32, #tpu.memory_space<vmem_shared>>
      tpu.wait_indirect_dma semaphore(%run_scoped3A : memref<!tpu.dma_semaphore, #tpu.memory_space<semaphore_mem>>) src(%arg13 : memref<10000xf32, #tpu.memory_space<vmem>>) dst(%dma_wait3A_171 : memref<50176xf32, #tpu.memory_space<vmem_shared>>)
      tpu.yield
    }) : () -> ()
    "tpu.region"() ({
      %run_scoped3A = tpu.sem_alloc : memref<!tpu.dma_semaphore, #tpu.memory_space<semaphore_mem>>
      %dma_start3A = arith.constant 0 : i32
      %dma_start3A_170 = tpu.memref_slice %arg27[%dma_start3A] : memref<50176xf32, #tpu.memory_space<vmem_shared>> -> memref<50176xf32, #tpu.memory_space<vmem_shared>>
      tpu.enqueue_indirect_dma source(%arg13 : memref<10000xf32, #tpu.memory_space<vmem>>) target(%dma_start3A_170 : memref<50176xf32, #tpu.memory_space<vmem_shared>>) offsets(%arg8 : memref<10000xi32, #tpu.memory_space<vmem>>) semaphore(%run_scoped3A : memref<!tpu.dma_semaphore, #tpu.memory_space<semaphore_mem>>) {add = true}
      %dma_wait3A = arith.constant 0 : i32
      %dma_wait3A_171 = tpu.memref_slice %arg27[%dma_wait3A] : memref<50176xf32, #tpu.memory_space<vmem_shared>> -> memref<50176xf32, #tpu.memory_space<vmem_shared>>
      tpu.wait_indirect_dma semaphore(%run_scoped3A : memref<!tpu.dma_semaphore, #tpu.memory_space<semaphore_mem>>) src(%arg13 : memref<10000xf32, #tpu.memory_space<vmem>>) dst(%dma_wait3A_171 : memref<50176xf32, #tpu.memory_space<vmem_shared>>)
      tpu.yield
    }) : () -> ()
    %add3A_52 = arith.constant 30000 : i32
    %add3A_53 = arith.addi %mul3A_2, %add3A_52 : i32
    "tpu.region"() ({
      %run_scoped3A = tpu.sem_alloc : memref<!tpu.dma_semaphore, #tpu.memory_space<semaphore_mem>>
      %dma_start3A = tpu.memref_slice %arg4[%add3A_53] : memref<800000xi32, #tpu.memory_space<hbm>> -> memref<10000xi32, #tpu.memory_space<hbm>>
      %dma_start3A_170 = tpu.memref_slice %arg4[%add3A_53] : memref<800000xi32, #tpu.memory_space<hbm>> -> memref<10000xi32, #tpu.memory_space<hbm>>
      tpu.enqueue_dma source(%dma_start3A_170 : memref<10000xi32, #tpu.memory_space<hbm>>) target(%arg8 : memref<10000xi32, #tpu.memory_space<vmem>>) target_semaphore(%run_scoped3A : memref<!tpu.dma_semaphore, #tpu.memory_space<semaphore_mem>>)
      %dma_wait3A = tpu.memref_slice %arg4[%add3A_53] : memref<800000xi32, #tpu.memory_space<hbm>> -> memref<10000xi32, #tpu.memory_space<hbm>>
      %dma_wait3A_171 = tpu.memref_slice %arg4[%add3A_53] : memref<800000xi32, #tpu.memory_space<hbm>> -> memref<10000xi32, #tpu.memory_space<hbm>>
      tpu.wait_dma2 semaphore(%run_scoped3A : memref<!tpu.dma_semaphore, #tpu.memory_space<semaphore_mem>>) src(%dma_wait3A_171 : memref<10000xi32, #tpu.memory_space<hbm>>) dst(%arg8 : memref<10000xi32, #tpu.memory_space<vmem>>)
      tpu.yield
    }) : () -> ()
    "tpu.region"() ({
      %run_scoped3A = tpu.sem_alloc : memref<!tpu.dma_semaphore, #tpu.memory_space<semaphore_mem>>
      %dma_start3A = tpu.memref_slice %arg5[%add3A_53] : memref<800000xi32, #tpu.memory_space<hbm>> -> memref<10000xi32, #tpu.memory_space<hbm>>
      %dma_start3A_170 = tpu.memref_slice %arg5[%add3A_53] : memref<800000xi32, #tpu.memory_space<hbm>> -> memref<10000xi32, #tpu.memory_space<hbm>>
      tpu.enqueue_dma source(%dma_start3A_170 : memref<10000xi32, #tpu.memory_space<hbm>>) target(%arg9 : memref<10000xi32, #tpu.memory_space<vmem>>) target_semaphore(%run_scoped3A : memref<!tpu.dma_semaphore, #tpu.memory_space<semaphore_mem>>)
      %dma_wait3A = tpu.memref_slice %arg5[%add3A_53] : memref<800000xi32, #tpu.memory_space<hbm>> -> memref<10000xi32, #tpu.memory_space<hbm>>
      %dma_wait3A_171 = tpu.memref_slice %arg5[%add3A_53] : memref<800000xi32, #tpu.memory_space<hbm>> -> memref<10000xi32, #tpu.memory_space<hbm>>
      tpu.wait_dma2 semaphore(%run_scoped3A : memref<!tpu.dma_semaphore, #tpu.memory_space<semaphore_mem>>) src(%dma_wait3A_171 : memref<10000xi32, #tpu.memory_space<hbm>>) dst(%arg9 : memref<10000xi32, #tpu.memory_space<vmem>>)
      tpu.yield
    }) : () -> ()
    "tpu.region"() ({
      %run_scoped3A = tpu.sem_alloc : memref<!tpu.dma_semaphore, #tpu.memory_space<semaphore_mem>>
      %dma_start3A = arith.constant 0 : i32
      %dma_start3A_170 = tpu.memref_slice %arg23[%dma_start3A] : memref<50176xf32, #tpu.memory_space<vmem_shared>> -> memref<50176xf32, #tpu.memory_space<vmem_shared>>
      tpu.enqueue_indirect_dma source(%dma_start3A_170 : memref<50176xf32, #tpu.memory_space<vmem_shared>>) target(%arg10 : memref<10000xf32, #tpu.memory_space<vmem>>) offsets(%arg8 : memref<10000xi32, #tpu.memory_space<vmem>>) semaphore(%run_scoped3A : memref<!tpu.dma_semaphore, #tpu.memory_space<semaphore_mem>>)
      %dma_wait3A = arith.constant 0 : i32
      %dma_wait3A_171 = tpu.memref_slice %arg23[%dma_wait3A] : memref<50176xf32, #tpu.memory_space<vmem_shared>> -> memref<50176xf32, #tpu.memory_space<vmem_shared>>
      tpu.wait_indirect_dma semaphore(%run_scoped3A : memref<!tpu.dma_semaphore, #tpu.memory_space<semaphore_mem>>) src(%dma_wait3A_171 : memref<50176xf32, #tpu.memory_space<vmem_shared>>) dst(%arg10 : memref<10000xf32, #tpu.memory_space<vmem>>)
      tpu.yield
    }) : () -> ()
    "tpu.region"() ({
      %run_scoped3A = tpu.sem_alloc : memref<!tpu.dma_semaphore, #tpu.memory_space<semaphore_mem>>
      %dma_start3A = arith.constant 0 : i32
      %dma_start3A_170 = tpu.memref_slice %arg24[%dma_start3A] : memref<50176xf32, #tpu.memory_space<vmem_shared>> -> memref<50176xf32, #tpu.memory_space<vmem_shared>>
      tpu.enqueue_indirect_dma source(%dma_start3A_170 : memref<50176xf32, #tpu.memory_space<vmem_shared>>) target(%arg11 : memref<10000xf32, #tpu.memory_space<vmem>>) offsets(%arg9 : memref<10000xi32, #tpu.memory_space<vmem>>) semaphore(%run_scoped3A : memref<!tpu.dma_semaphore, #tpu.memory_space<semaphore_mem>>)
      %dma_wait3A = arith.constant 0 : i32
      %dma_wait3A_171 = tpu.memref_slice %arg24[%dma_wait3A] : memref<50176xf32, #tpu.memory_space<vmem_shared>> -> memref<50176xf32, #tpu.memory_space<vmem_shared>>
      tpu.wait_indirect_dma semaphore(%run_scoped3A : memref<!tpu.dma_semaphore, #tpu.memory_space<semaphore_mem>>) src(%dma_wait3A_171 : memref<50176xf32, #tpu.memory_space<vmem_shared>>) dst(%arg11 : memref<10000xf32, #tpu.memory_space<vmem>>)
      tpu.yield
    }) : () -> ()
    %scan3A_54 = arith.constant 0 : i32
    %scan3A_55 = arith.constant 0 : i32
    %scan3A_56 = arith.constant 625 : i32
    %scan3A_57 = arith.addi %scan3A_55, %scan3A_56 : i32
    %scan3A_58 = arith.constant 1 : i32
    %scan3A_59 = scf.for %scan3A_170 = %scan3A_55 to %scan3A_57 step %scan3A_58 iter_args(%scan3A_171 = %scan3A_54) -> (i32)  : i32 {
      %mul3A_172 = arith.constant 16 : i32
      %mul3A_173 = arith.muli %scan3A_170, %mul3A_172 : i32
      %get3A_174 = arith.index_cast %mul3A_173 : i32 to index
      %get3A_175 = tpu.vector_load %arg10[%get3A_174] {strides = array<i32>} : memref<10000xf32, #tpu.memory_space<vmem>>, vector<16xf32>,
      %get3A_176 = vector.shape_cast %get3A_175 : vector<16xf32> to vector<16xf32>
      %mul3A_177 = vector.broadcast %squeeze3A : f32 to vector<16xf32>
      %mul3A_178 = arith.mulf %mul3A_177, %get3A_176 : vector<16xf32>
      %get3A_179 = arith.index_cast %mul3A_173 : i32 to index
      %get3A_180 = tpu.vector_load %arg11[%get3A_179] {strides = array<i32>} : memref<10000xf32, #tpu.memory_space<vmem>>, vector<16xf32>,
      %get3A_181 = vector.shape_cast %get3A_180 : vector<16xf32> to vector<16xf32>
      %mul3A_182 = vector.broadcast %squeeze3A_19 : f32 to vector<16xf32>
      %mul3A_183 = arith.mulf %mul3A_182, %get3A_181 : vector<16xf32>
      %add3A_184 = arith.addf %mul3A_178, %mul3A_183 : vector<16xf32>
      %ge3A = arith.constant 0.000000e+00 : f32
      %ge3A_185 = vector.broadcast %ge3A : f32 to vector<16xf32>
      %ge3A_186 = arith.cmpf oge, %add3A_184, %ge3A_185 : vector<16xf32>
      %mul3A_187 = arith.constant 2.000000e-01 : f32
      %mul3A_188 = vector.broadcast %mul3A_187 : f32 to vector<16xf32>
      %mul3A_189 = arith.mulf %mul3A_188, %add3A_184 : vector<16xf32>
      %select_n3A = arith.select %ge3A_186, %add3A_184, %mul3A_189 : vector<16xi1>, vector<16xf32>
      %exp3A = math.exp %select_n3A : vector<16xf32>
      %swap3A = arith.index_cast %mul3A_173 : i32 to index
      %swap3A_190 = tpu.vector_load %arg11[%swap3A] {strides = array<i32>} : memref<10000xf32, #tpu.memory_space<vmem>>, vector<16xf32>,
      %swap3A_191 = vector.shape_cast %swap3A_190 : vector<16xf32> to vector<16xf32>
      %swap3A_192 = vector.shape_cast %exp3A : vector<16xf32> to vector<16xf32>
      tpu.vector_store %arg11[%swap3A], %swap3A_192 {strides = array<i32>} : memref<10000xf32, #tpu.memory_space<vmem>>, vector<16xf32>,
      %get3A_193 = arith.index_cast %mul3A_173 : i32 to index
      %get3A_194 = tpu.vector_load %arg10[%get3A_193] {strides = array<i32>} : memref<10000xf32, #tpu.memory_space<vmem>>, vector<16xf32>,
      %get3A_195 = vector.shape_cast %get3A_194 : vector<16xf32> to vector<16xf32>
      %mul3A_196 = arith.mulf %exp3A, %get3A_195 : vector<16xf32>
      %swap3A_197 = arith.index_cast %mul3A_173 : i32 to index
      %swap3A_198 = tpu.vector_load %arg10[%swap3A_197] {strides = array<i32>} : memref<10000xf32, #tpu.memory_space<vmem>>, vector<16xf32>,
      %swap3A_199 = vector.shape_cast %swap3A_198 : vector<16xf32> to vector<16xf32>
      %swap3A_200 = vector.shape_cast %mul3A_196 : vector<16xf32> to vector<16xf32>
      tpu.vector_store %arg10[%swap3A_197], %swap3A_200 {strides = array<i32>} : memref<10000xf32, #tpu.memory_space<vmem>>, vector<16xf32>,
      %scan3A_201 = arith.constant 0 : i32
      scf.yield %scan3A_201 : i32
    }
    %scan3A_60 = arith.constant 625 : i32
    "tpu.region"() ({
      %run_scoped3A = tpu.sem_alloc : memref<!tpu.dma_semaphore, #tpu.memory_space<semaphore_mem>>
      %dma_start3A = arith.constant 0 : i32
      %dma_start3A_170 = tpu.memref_slice %arg25[%dma_start3A] : memref<50176xf32, #tpu.memory_space<vmem_shared>> -> memref<50176xf32, #tpu.memory_space<vmem_shared>>
      tpu.enqueue_indirect_dma source(%arg11 : memref<10000xf32, #tpu.memory_space<vmem>>) target(%dma_start3A_170 : memref<50176xf32, #tpu.memory_space<vmem_shared>>) offsets(%arg9 : memref<10000xi32, #tpu.memory_space<vmem>>) semaphore(%run_scoped3A : memref<!tpu.dma_semaphore, #tpu.memory_space<semaphore_mem>>) {add = true}
      %dma_wait3A = arith.constant 0 : i32
      %dma_wait3A_171 = tpu.memref_slice %arg25[%dma_wait3A] : memref<50176xf32, #tpu.memory_space<vmem_shared>> -> memref<50176xf32, #tpu.memory_space<vmem_shared>>
      tpu.wait_indirect_dma semaphore(%run_scoped3A : memref<!tpu.dma_semaphore, #tpu.memory_space<semaphore_mem>>) src(%arg11 : memref<10000xf32, #tpu.memory_space<vmem>>) dst(%dma_wait3A_171 : memref<50176xf32, #tpu.memory_space<vmem_shared>>)
      tpu.yield
    }) : () -> ()
    "tpu.region"() ({
      %run_scoped3A = tpu.sem_alloc : memref<!tpu.dma_semaphore, #tpu.memory_space<semaphore_mem>>
      %dma_start3A = arith.constant 0 : i32
      %dma_start3A_170 = tpu.memref_slice %arg26[%dma_start3A] : memref<50176xf32, #tpu.memory_space<vmem_shared>> -> memref<50176xf32, #tpu.memory_space<vmem_shared>>
      tpu.enqueue_indirect_dma source(%arg10 : memref<10000xf32, #tpu.memory_space<vmem>>) target(%dma_start3A_170 : memref<50176xf32, #tpu.memory_space<vmem_shared>>) offsets(%arg9 : memref<10000xi32, #tpu.memory_space<vmem>>) semaphore(%run_scoped3A : memref<!tpu.dma_semaphore, #tpu.memory_space<semaphore_mem>>) {add = true}
      %dma_wait3A = arith.constant 0 : i32
      %dma_wait3A_171 = tpu.memref_slice %arg26[%dma_wait3A] : memref<50176xf32, #tpu.memory_space<vmem_shared>> -> memref<50176xf32, #tpu.memory_space<vmem_shared>>
      tpu.wait_indirect_dma semaphore(%run_scoped3A : memref<!tpu.dma_semaphore, #tpu.memory_space<semaphore_mem>>) src(%arg10 : memref<10000xf32, #tpu.memory_space<vmem>>) dst(%dma_wait3A_171 : memref<50176xf32, #tpu.memory_space<vmem_shared>>)
      tpu.yield
    }) : () -> ()
    "tpu.region"() ({
      %run_scoped3A = tpu.sem_alloc : memref<!tpu.dma_semaphore, #tpu.memory_space<semaphore_mem>>
      %dma_start3A = arith.constant 0 : i32
      %dma_start3A_170 = tpu.memref_slice %arg28[%dma_start3A] : memref<50176xf32, #tpu.memory_space<vmem_shared>> -> memref<50176xf32, #tpu.memory_space<vmem_shared>>
      tpu.enqueue_indirect_dma source(%arg13 : memref<10000xf32, #tpu.memory_space<vmem>>) target(%dma_start3A_170 : memref<50176xf32, #tpu.memory_space<vmem_shared>>) offsets(%arg9 : memref<10000xi32, #tpu.memory_space<vmem>>) semaphore(%run_scoped3A : memref<!tpu.dma_semaphore, #tpu.memory_space<semaphore_mem>>) {add = true}
      %dma_wait3A = arith.constant 0 : i32
      %dma_wait3A_171 = tpu.memref_slice %arg28[%dma_wait3A] : memref<50176xf32, #tpu.memory_space<vmem_shared>> -> memref<50176xf32, #tpu.memory_space<vmem_shared>>
      tpu.wait_indirect_dma semaphore(%run_scoped3A : memref<!tpu.dma_semaphore, #tpu.memory_space<semaphore_mem>>) src(%arg13 : memref<10000xf32, #tpu.memory_space<vmem>>) dst(%dma_wait3A_171 : memref<50176xf32, #tpu.memory_space<vmem_shared>>)
      tpu.yield
    }) : () -> ()
    "tpu.region"() ({
      %run_scoped3A = tpu.sem_alloc : memref<!tpu.dma_semaphore, #tpu.memory_space<semaphore_mem>>
      %dma_start3A = arith.constant 0 : i32
      %dma_start3A_170 = tpu.memref_slice %arg27[%dma_start3A] : memref<50176xf32, #tpu.memory_space<vmem_shared>> -> memref<50176xf32, #tpu.memory_space<vmem_shared>>
      tpu.enqueue_indirect_dma source(%arg13 : memref<10000xf32, #tpu.memory_space<vmem>>) target(%dma_start3A_170 : memref<50176xf32, #tpu.memory_space<vmem_shared>>) offsets(%arg8 : memref<10000xi32, #tpu.memory_space<vmem>>) semaphore(%run_scoped3A : memref<!tpu.dma_semaphore, #tpu.memory_space<semaphore_mem>>) {add = true}
      %dma_wait3A = arith.constant 0 : i32
      %dma_wait3A_171 = tpu.memref_slice %arg27[%dma_wait3A] : memref<50176xf32, #tpu.memory_space<vmem_shared>> -> memref<50176xf32, #tpu.memory_space<vmem_shared>>
      tpu.wait_indirect_dma semaphore(%run_scoped3A : memref<!tpu.dma_semaphore, #tpu.memory_space<semaphore_mem>>) src(%arg13 : memref<10000xf32, #tpu.memory_space<vmem>>) dst(%dma_wait3A_171 : memref<50176xf32, #tpu.memory_space<vmem_shared>>)
      tpu.yield
    }) : () -> ()
    %add3A_61 = arith.constant 40000 : i32
    %add3A_62 = arith.addi %mul3A_2, %add3A_61 : i32
    "tpu.region"() ({
      %run_scoped3A = tpu.sem_alloc : memref<!tpu.dma_semaphore, #tpu.memory_space<semaphore_mem>>
      %dma_start3A = tpu.memref_slice %arg4[%add3A_62] : memref<800000xi32, #tpu.memory_space<hbm>> -> memref<10000xi32, #tpu.memory_space<hbm>>
      %dma_start3A_170 = tpu.memref_slice %arg4[%add3A_62] : memref<800000xi32, #tpu.memory_space<hbm>> -> memref<10000xi32, #tpu.memory_space<hbm>>
      tpu.enqueue_dma source(%dma_start3A_170 : memref<10000xi32, #tpu.memory_space<hbm>>) target(%arg8 : memref<10000xi32, #tpu.memory_space<vmem>>) target_semaphore(%run_scoped3A : memref<!tpu.dma_semaphore, #tpu.memory_space<semaphore_mem>>)
      %dma_wait3A = tpu.memref_slice %arg4[%add3A_62] : memref<800000xi32, #tpu.memory_space<hbm>> -> memref<10000xi32, #tpu.memory_space<hbm>>
      %dma_wait3A_171 = tpu.memref_slice %arg4[%add3A_62] : memref<800000xi32, #tpu.memory_space<hbm>> -> memref<10000xi32, #tpu.memory_space<hbm>>
      tpu.wait_dma2 semaphore(%run_scoped3A : memref<!tpu.dma_semaphore, #tpu.memory_space<semaphore_mem>>) src(%dma_wait3A_171 : memref<10000xi32, #tpu.memory_space<hbm>>) dst(%arg8 : memref<10000xi32, #tpu.memory_space<vmem>>)
      tpu.yield
    }) : () -> ()
    "tpu.region"() ({
      %run_scoped3A = tpu.sem_alloc : memref<!tpu.dma_semaphore, #tpu.memory_space<semaphore_mem>>
      %dma_start3A = tpu.memref_slice %arg5[%add3A_62] : memref<800000xi32, #tpu.memory_space<hbm>> -> memref<10000xi32, #tpu.memory_space<hbm>>
      %dma_start3A_170 = tpu.memref_slice %arg5[%add3A_62] : memref<800000xi32, #tpu.memory_space<hbm>> -> memref<10000xi32, #tpu.memory_space<hbm>>
      tpu.enqueue_dma source(%dma_start3A_170 : memref<10000xi32, #tpu.memory_space<hbm>>) target(%arg9 : memref<10000xi32, #tpu.memory_space<vmem>>) target_semaphore(%run_scoped3A : memref<!tpu.dma_semaphore, #tpu.memory_space<semaphore_mem>>)
      %dma_wait3A = tpu.memref_slice %arg5[%add3A_62] : memref<800000xi32, #tpu.memory_space<hbm>> -> memref<10000xi32, #tpu.memory_space<hbm>>
      %dma_wait3A_171 = tpu.memref_slice %arg5[%add3A_62] : memref<800000xi32, #tpu.memory_space<hbm>> -> memref<10000xi32, #tpu.memory_space<hbm>>
      tpu.wait_dma2 semaphore(%run_scoped3A : memref<!tpu.dma_semaphore, #tpu.memory_space<semaphore_mem>>) src(%dma_wait3A_171 : memref<10000xi32, #tpu.memory_space<hbm>>) dst(%arg9 : memref<10000xi32, #tpu.memory_space<vmem>>)
      tpu.yield
    }) : () -> ()
    "tpu.region"() ({
      %run_scoped3A = tpu.sem_alloc : memref<!tpu.dma_semaphore, #tpu.memory_space<semaphore_mem>>
      %dma_start3A = arith.constant 0 : i32
      %dma_start3A_170 = tpu.memref_slice %arg23[%dma_start3A] : memref<50176xf32, #tpu.memory_space<vmem_shared>> -> memref<50176xf32, #tpu.memory_space<vmem_shared>>
      tpu.enqueue_indirect_dma source(%dma_start3A_170 : memref<50176xf32, #tpu.memory_space<vmem_shared>>) target(%arg10 : memref<10000xf32, #tpu.memory_space<vmem>>) offsets(%arg8 : memref<10000xi32, #tpu.memory_space<vmem>>) semaphore(%run_scoped3A : memref<!tpu.dma_semaphore, #tpu.memory_space<semaphore_mem>>)
      %dma_wait3A = arith.constant 0 : i32
      %dma_wait3A_171 = tpu.memref_slice %arg23[%dma_wait3A] : memref<50176xf32, #tpu.memory_space<vmem_shared>> -> memref<50176xf32, #tpu.memory_space<vmem_shared>>
      tpu.wait_indirect_dma semaphore(%run_scoped3A : memref<!tpu.dma_semaphore, #tpu.memory_space<semaphore_mem>>) src(%dma_wait3A_171 : memref<50176xf32, #tpu.memory_space<vmem_shared>>) dst(%arg10 : memref<10000xf32, #tpu.memory_space<vmem>>)
      tpu.yield
    }) : () -> ()
    "tpu.region"() ({
      %run_scoped3A = tpu.sem_alloc : memref<!tpu.dma_semaphore, #tpu.memory_space<semaphore_mem>>
      %dma_start3A = arith.constant 0 : i32
      %dma_start3A_170 = tpu.memref_slice %arg24[%dma_start3A] : memref<50176xf32, #tpu.memory_space<vmem_shared>> -> memref<50176xf32, #tpu.memory_space<vmem_shared>>
      tpu.enqueue_indirect_dma source(%dma_start3A_170 : memref<50176xf32, #tpu.memory_space<vmem_shared>>) target(%arg11 : memref<10000xf32, #tpu.memory_space<vmem>>) offsets(%arg9 : memref<10000xi32, #tpu.memory_space<vmem>>) semaphore(%run_scoped3A : memref<!tpu.dma_semaphore, #tpu.memory_space<semaphore_mem>>)
      %dma_wait3A = arith.constant 0 : i32
      %dma_wait3A_171 = tpu.memref_slice %arg24[%dma_wait3A] : memref<50176xf32, #tpu.memory_space<vmem_shared>> -> memref<50176xf32, #tpu.memory_space<vmem_shared>>
      tpu.wait_indirect_dma semaphore(%run_scoped3A : memref<!tpu.dma_semaphore, #tpu.memory_space<semaphore_mem>>) src(%dma_wait3A_171 : memref<50176xf32, #tpu.memory_space<vmem_shared>>) dst(%arg11 : memref<10000xf32, #tpu.memory_space<vmem>>)
      tpu.yield
    }) : () -> ()
    %scan3A_63 = arith.constant 0 : i32
    %scan3A_64 = arith.constant 0 : i32
    %scan3A_65 = arith.constant 625 : i32
    %scan3A_66 = arith.addi %scan3A_64, %scan3A_65 : i32
    %scan3A_67 = arith.constant 1 : i32
    %scan3A_68 = scf.for %scan3A_170 = %scan3A_64 to %scan3A_66 step %scan3A_67 iter_args(%scan3A_171 = %scan3A_63) -> (i32)  : i32 {
      %mul3A_172 = arith.constant 16 : i32
      %mul3A_173 = arith.muli %scan3A_170, %mul3A_172 : i32
      %get3A_174 = arith.index_cast %mul3A_173 : i32 to index
      %get3A_175 = tpu.vector_load %arg10[%get3A_174] {strides = array<i32>} : memref<10000xf32, #tpu.memory_space<vmem>>, vector<16xf32>,
      %get3A_176 = vector.shape_cast %get3A_175 : vector<16xf32> to vector<16xf32>
      %mul3A_177 = vector.broadcast %squeeze3A : f32 to vector<16xf32>
      %mul3A_178 = arith.mulf %mul3A_177, %get3A_176 : vector<16xf32>
      %get3A_179 = arith.index_cast %mul3A_173 : i32 to index
      %get3A_180 = tpu.vector_load %arg11[%get3A_179] {strides = array<i32>} : memref<10000xf32, #tpu.memory_space<vmem>>, vector<16xf32>,
      %get3A_181 = vector.shape_cast %get3A_180 : vector<16xf32> to vector<16xf32>
      %mul3A_182 = vector.broadcast %squeeze3A_19 : f32 to vector<16xf32>
      %mul3A_183 = arith.mulf %mul3A_182, %get3A_181 : vector<16xf32>
      %add3A_184 = arith.addf %mul3A_178, %mul3A_183 : vector<16xf32>
      %ge3A = arith.constant 0.000000e+00 : f32
      %ge3A_185 = vector.broadcast %ge3A : f32 to vector<16xf32>
      %ge3A_186 = arith.cmpf oge, %add3A_184, %ge3A_185 : vector<16xf32>
      %mul3A_187 = arith.constant 2.000000e-01 : f32
      %mul3A_188 = vector.broadcast %mul3A_187 : f32 to vector<16xf32>
      %mul3A_189 = arith.mulf %mul3A_188, %add3A_184 : vector<16xf32>
      %select_n3A = arith.select %ge3A_186, %add3A_184, %mul3A_189 : vector<16xi1>, vector<16xf32>
      %exp3A = math.exp %select_n3A : vector<16xf32>
      %swap3A = arith.index_cast %mul3A_173 : i32 to index
      %swap3A_190 = tpu.vector_load %arg11[%swap3A] {strides = array<i32>} : memref<10000xf32, #tpu.memory_space<vmem>>, vector<16xf32>,
      %swap3A_191 = vector.shape_cast %swap3A_190 : vector<16xf32> to vector<16xf32>
      %swap3A_192 = vector.shape_cast %exp3A : vector<16xf32> to vector<16xf32>
      tpu.vector_store %arg11[%swap3A], %swap3A_192 {strides = array<i32>} : memref<10000xf32, #tpu.memory_space<vmem>>, vector<16xf32>,
      %get3A_193 = arith.index_cast %mul3A_173 : i32 to index
      %get3A_194 = tpu.vector_load %arg10[%get3A_193] {strides = array<i32>} : memref<10000xf32, #tpu.memory_space<vmem>>, vector<16xf32>,
      %get3A_195 = vector.shape_cast %get3A_194 : vector<16xf32> to vector<16xf32>
      %mul3A_196 = arith.mulf %exp3A, %get3A_195 : vector<16xf32>
      %swap3A_197 = arith.index_cast %mul3A_173 : i32 to index
      %swap3A_198 = tpu.vector_load %arg10[%swap3A_197] {strides = array<i32>} : memref<10000xf32, #tpu.memory_space<vmem>>, vector<16xf32>,
      %swap3A_199 = vector.shape_cast %swap3A_198 : vector<16xf32> to vector<16xf32>
      %swap3A_200 = vector.shape_cast %mul3A_196 : vector<16xf32> to vector<16xf32>
      tpu.vector_store %arg10[%swap3A_197], %swap3A_200 {strides = array<i32>} : memref<10000xf32, #tpu.memory_space<vmem>>, vector<16xf32>,
      %scan3A_201 = arith.constant 0 : i32
      scf.yield %scan3A_201 : i32
    }
    %scan3A_69 = arith.constant 625 : i32
    "tpu.region"() ({
      %run_scoped3A = tpu.sem_alloc : memref<!tpu.dma_semaphore, #tpu.memory_space<semaphore_mem>>
      %dma_start3A = arith.constant 0 : i32
      %dma_start3A_170 = tpu.memref_slice %arg25[%dma_start3A] : memref<50176xf32, #tpu.memory_space<vmem_shared>> -> memref<50176xf32, #tpu.memory_space<vmem_shared>>
      tpu.enqueue_indirect_dma source(%arg11 : memref<10000xf32, #tpu.memory_space<vmem>>) target(%dma_start3A_170 : memref<50176xf32, #tpu.memory_space<vmem_shared>>) offsets(%arg9 : memref<10000xi32, #tpu.memory_space<vmem>>) semaphore(%run_scoped3A : memref<!tpu.dma_semaphore, #tpu.memory_space<semaphore_mem>>) {add = true}
      %dma_wait3A = arith.constant 0 : i32
      %dma_wait3A_171 = tpu.memref_slice %arg25[%dma_wait3A] : memref<50176xf32, #tpu.memory_space<vmem_shared>> -> memref<50176xf32, #tpu.memory_space<vmem_shared>>
      tpu.wait_indirect_dma semaphore(%run_scoped3A : memref<!tpu.dma_semaphore, #tpu.memory_space<semaphore_mem>>) src(%arg11 : memref<10000xf32, #tpu.memory_space<vmem>>) dst(%dma_wait3A_171 : memref<50176xf32, #tpu.memory_space<vmem_shared>>)
      tpu.yield
    }) : () -> ()
    "tpu.region"() ({
      %run_scoped3A = tpu.sem_alloc : memref<!tpu.dma_semaphore, #tpu.memory_space<semaphore_mem>>
      %dma_start3A = arith.constant 0 : i32
      %dma_start3A_170 = tpu.memref_slice %arg26[%dma_start3A] : memref<50176xf32, #tpu.memory_space<vmem_shared>> -> memref<50176xf32, #tpu.memory_space<vmem_shared>>
      tpu.enqueue_indirect_dma source(%arg10 : memref<10000xf32, #tpu.memory_space<vmem>>) target(%dma_start3A_170 : memref<50176xf32, #tpu.memory_space<vmem_shared>>) offsets(%arg9 : memref<10000xi32, #tpu.memory_space<vmem>>) semaphore(%run_scoped3A : memref<!tpu.dma_semaphore, #tpu.memory_space<semaphore_mem>>) {add = true}
      %dma_wait3A = arith.constant 0 : i32
      %dma_wait3A_171 = tpu.memref_slice %arg26[%dma_wait3A] : memref<50176xf32, #tpu.memory_space<vmem_shared>> -> memref<50176xf32, #tpu.memory_space<vmem_shared>>
      tpu.wait_indirect_dma semaphore(%run_scoped3A : memref<!tpu.dma_semaphore, #tpu.memory_space<semaphore_mem>>) src(%arg10 : memref<10000xf32, #tpu.memory_space<vmem>>) dst(%dma_wait3A_171 : memref<50176xf32, #tpu.memory_space<vmem_shared>>)
      tpu.yield
    }) : () -> ()
    "tpu.region"() ({
      %run_scoped3A = tpu.sem_alloc : memref<!tpu.dma_semaphore, #tpu.memory_space<semaphore_mem>>
      %dma_start3A = arith.constant 0 : i32
      %dma_start3A_170 = tpu.memref_slice %arg28[%dma_start3A] : memref<50176xf32, #tpu.memory_space<vmem_shared>> -> memref<50176xf32, #tpu.memory_space<vmem_shared>>
      tpu.enqueue_indirect_dma source(%arg13 : memref<10000xf32, #tpu.memory_space<vmem>>) target(%dma_start3A_170 : memref<50176xf32, #tpu.memory_space<vmem_shared>>) offsets(%arg9 : memref<10000xi32, #tpu.memory_space<vmem>>) semaphore(%run_scoped3A : memref<!tpu.dma_semaphore, #tpu.memory_space<semaphore_mem>>) {add = true}
      %dma_wait3A = arith.constant 0 : i32
      %dma_wait3A_171 = tpu.memref_slice %arg28[%dma_wait3A] : memref<50176xf32, #tpu.memory_space<vmem_shared>> -> memref<50176xf32, #tpu.memory_space<vmem_shared>>
      tpu.wait_indirect_dma semaphore(%run_scoped3A : memref<!tpu.dma_semaphore, #tpu.memory_space<semaphore_mem>>) src(%arg13 : memref<10000xf32, #tpu.memory_space<vmem>>) dst(%dma_wait3A_171 : memref<50176xf32, #tpu.memory_space<vmem_shared>>)
      tpu.yield
    }) : () -> ()
    "tpu.region"() ({
      %run_scoped3A = tpu.sem_alloc : memref<!tpu.dma_semaphore, #tpu.memory_space<semaphore_mem>>
      %dma_start3A = arith.constant 0 : i32
      %dma_start3A_170 = tpu.memref_slice %arg27[%dma_start3A] : memref<50176xf32, #tpu.memory_space<vmem_shared>> -> memref<50176xf32, #tpu.memory_space<vmem_shared>>
      tpu.enqueue_indirect_dma source(%arg13 : memref<10000xf32, #tpu.memory_space<vmem>>) target(%dma_start3A_170 : memref<50176xf32, #tpu.memory_space<vmem_shared>>) offsets(%arg8 : memref<10000xi32, #tpu.memory_space<vmem>>) semaphore(%run_scoped3A : memref<!tpu.dma_semaphore, #tpu.memory_space<semaphore_mem>>) {add = true}
      %dma_wait3A = arith.constant 0 : i32
      %dma_wait3A_171 = tpu.memref_slice %arg27[%dma_wait3A] : memref<50176xf32, #tpu.memory_space<vmem_shared>> -> memref<50176xf32, #tpu.memory_space<vmem_shared>>
      tpu.wait_indirect_dma semaphore(%run_scoped3A : memref<!tpu.dma_semaphore, #tpu.memory_space<semaphore_mem>>) src(%arg13 : memref<10000xf32, #tpu.memory_space<vmem>>) dst(%dma_wait3A_171 : memref<50176xf32, #tpu.memory_space<vmem_shared>>)
      tpu.yield
    }) : () -> ()
    %barrier3A_70 = arith.constant 0 : index
    tpu.barrier barrier_id(%barrier3A_70)
    "tpu.region"() ({
      %run_scoped3A = tpu.sem_alloc : memref<!tpu.dma_semaphore, #tpu.memory_space<semaphore_mem>>
      %dma_start3A = tpu.memref_slice %arg25[%mul3A_0] : memref<50176xf32, #tpu.memory_space<vmem_shared>> -> memref<3136xf32, #tpu.memory_space<vmem_shared>>
      %dma_start3A_170 = tpu.memref_slice %arg25[%mul3A_0] : memref<50176xf32, #tpu.memory_space<vmem_shared>> -> memref<3136xf32, #tpu.memory_space<vmem_shared>>
      tpu.enqueue_dma source(%dma_start3A_170 : memref<3136xf32, #tpu.memory_space<vmem_shared>>) target(%arg14 : memref<3136xf32, #tpu.memory_space<vmem>>) target_semaphore(%run_scoped3A : memref<!tpu.dma_semaphore, #tpu.memory_space<semaphore_mem>>)
      %dma_wait3A = tpu.memref_slice %arg25[%mul3A_0] : memref<50176xf32, #tpu.memory_space<vmem_shared>> -> memref<3136xf32, #tpu.memory_space<vmem_shared>>
      %dma_wait3A_171 = tpu.memref_slice %arg25[%mul3A_0] : memref<50176xf32, #tpu.memory_space<vmem_shared>> -> memref<3136xf32, #tpu.memory_space<vmem_shared>>
      tpu.wait_dma2 semaphore(%run_scoped3A : memref<!tpu.dma_semaphore, #tpu.memory_space<semaphore_mem>>) src(%dma_wait3A_171 : memref<3136xf32, #tpu.memory_space<vmem_shared>>) dst(%arg14 : memref<3136xf32, #tpu.memory_space<vmem>>)
      tpu.yield
    }) : () -> ()
    "tpu.region"() ({
      %run_scoped3A = tpu.sem_alloc : memref<!tpu.dma_semaphore, #tpu.memory_space<semaphore_mem>>
      %dma_start3A = tpu.memref_slice %arg26[%mul3A_0] : memref<50176xf32, #tpu.memory_space<vmem_shared>> -> memref<3136xf32, #tpu.memory_space<vmem_shared>>
      %dma_start3A_170 = tpu.memref_slice %arg26[%mul3A_0] : memref<50176xf32, #tpu.memory_space<vmem_shared>> -> memref<3136xf32, #tpu.memory_space<vmem_shared>>
      tpu.enqueue_dma source(%dma_start3A_170 : memref<3136xf32, #tpu.memory_space<vmem_shared>>) target(%arg15 : memref<3136xf32, #tpu.memory_space<vmem>>) target_semaphore(%run_scoped3A : memref<!tpu.dma_semaphore, #tpu.memory_space<semaphore_mem>>)
      %dma_wait3A = tpu.memref_slice %arg26[%mul3A_0] : memref<50176xf32, #tpu.memory_space<vmem_shared>> -> memref<3136xf32, #tpu.memory_space<vmem_shared>>
      %dma_wait3A_171 = tpu.memref_slice %arg26[%mul3A_0] : memref<50176xf32, #tpu.memory_space<vmem_shared>> -> memref<3136xf32, #tpu.memory_space<vmem_shared>>
      tpu.wait_dma2 semaphore(%run_scoped3A : memref<!tpu.dma_semaphore, #tpu.memory_space<semaphore_mem>>) src(%dma_wait3A_171 : memref<3136xf32, #tpu.memory_space<vmem_shared>>) dst(%arg15 : memref<3136xf32, #tpu.memory_space<vmem>>)
      tpu.yield
    }) : () -> ()
    "tpu.region"() ({
      %run_scoped3A = tpu.sem_alloc : memref<!tpu.dma_semaphore, #tpu.memory_space<semaphore_mem>>
      %dma_start3A = tpu.memref_slice %arg28[%mul3A_0] : memref<50176xf32, #tpu.memory_space<vmem_shared>> -> memref<3136xf32, #tpu.memory_space<vmem_shared>>
      %dma_start3A_170 = tpu.memref_slice %arg28[%mul3A_0] : memref<50176xf32, #tpu.memory_space<vmem_shared>> -> memref<3136xf32, #tpu.memory_space<vmem_shared>>
      tpu.enqueue_dma source(%dma_start3A_170 : memref<3136xf32, #tpu.memory_space<vmem_shared>>) target(%arg16 : memref<3136xf32, #tpu.memory_space<vmem>>) target_semaphore(%run_scoped3A : memref<!tpu.dma_semaphore, #tpu.memory_space<semaphore_mem>>)
      %dma_wait3A = tpu.memref_slice %arg28[%mul3A_0] : memref<50176xf32, #tpu.memory_space<vmem_shared>> -> memref<3136xf32, #tpu.memory_space<vmem_shared>>
      %dma_wait3A_171 = tpu.memref_slice %arg28[%mul3A_0] : memref<50176xf32, #tpu.memory_space<vmem_shared>> -> memref<3136xf32, #tpu.memory_space<vmem_shared>>
      tpu.wait_dma2 semaphore(%run_scoped3A : memref<!tpu.dma_semaphore, #tpu.memory_space<semaphore_mem>>) src(%dma_wait3A_171 : memref<3136xf32, #tpu.memory_space<vmem_shared>>) dst(%arg16 : memref<3136xf32, #tpu.memory_space<vmem>>)
      tpu.yield
    }) : () -> ()
    "tpu.region"() ({
      %run_scoped3A = tpu.sem_alloc : memref<!tpu.dma_semaphore, #tpu.memory_space<semaphore_mem>>
      %dma_start3A = tpu.memref_slice %arg27[%mul3A_0] : memref<50176xf32, #tpu.memory_space<vmem_shared>> -> memref<3136xf32, #tpu.memory_space<vmem_shared>>
      %dma_start3A_170 = tpu.memref_slice %arg27[%mul3A_0] : memref<50176xf32, #tpu.memory_space<vmem_shared>> -> memref<3136xf32, #tpu.memory_space<vmem_shared>>
      tpu.enqueue_dma source(%dma_start3A_170 : memref<3136xf32, #tpu.memory_space<vmem_shared>>) target(%arg17 : memref<3136xf32, #tpu.memory_space<vmem>>) target_semaphore(%run_scoped3A : memref<!tpu.dma_semaphore, #tpu.memory_space<semaphore_mem>>)
      %dma_wait3A = tpu.memref_slice %arg27[%mul3A_0] : memref<50176xf32, #tpu.memory_space<vmem_shared>> -> memref<3136xf32, #tpu.memory_space<vmem_shared>>
      %dma_wait3A_171 = tpu.memref_slice %arg27[%mul3A_0] : memref<50176xf32, #tpu.memory_space<vmem_shared>> -> memref<3136xf32, #tpu.memory_space<vmem_shared>>
      tpu.wait_dma2 semaphore(%run_scoped3A : memref<!tpu.dma_semaphore, #tpu.memory_space<semaphore_mem>>) src(%dma_wait3A_171 : memref<3136xf32, #tpu.memory_space<vmem_shared>>) dst(%arg17 : memref<3136xf32, #tpu.memory_space<vmem>>)
      tpu.yield
    }) : () -> ()
    %scan3A_71 = arith.constant 0 : i32
    %scan3A_72 = arith.constant 0 : i32
    %scan3A_73 = arith.constant 196 : i32
    %scan3A_74 = arith.addi %scan3A_72, %scan3A_73 : i32
    %scan3A_75 = arith.constant 1 : i32
    %scan3A_76 = scf.for %scan3A_170 = %scan3A_72 to %scan3A_74 step %scan3A_75 iter_args(%scan3A_171 = %scan3A_71) -> (i32)  : i32 {
      %mul3A_172 = arith.constant 16 : i32
      %mul3A_173 = arith.muli %scan3A_170, %mul3A_172 : i32
      %get3A_174 = arith.index_cast %mul3A_173 : i32 to index
      %get3A_175 = tpu.vector_load %arg14[%get3A_174] {strides = array<i32>} : memref<3136xf32, #tpu.memory_space<vmem>>, vector<16xf32>,
      %get3A_176 = vector.shape_cast %get3A_175 : vector<16xf32> to vector<16xf32>
      %add3A_177 = arith.constant 1.000000e-16 : f32
      %add3A_178 = vector.broadcast %add3A_177 : f32 to vector<16xf32>
      %add3A_179 = arith.addf %get3A_176, %add3A_178 : vector<16xf32>
      %get3A_180 = arith.index_cast %mul3A_173 : i32 to index
      %get3A_181 = tpu.vector_load %arg16[%get3A_180] {strides = array<i32>} : memref<3136xf32, #tpu.memory_space<vmem>>, vector<16xf32>,
      %get3A_182 = vector.shape_cast %get3A_181 : vector<16xf32> to vector<16xf32>
      %get3A_183 = arith.index_cast %mul3A_173 : i32 to index
      %get3A_184 = tpu.vector_load %arg17[%get3A_183] {strides = array<i32>} : memref<3136xf32, #tpu.memory_space<vmem>>, vector<16xf32>,
      %get3A_185 = vector.shape_cast %get3A_184 : vector<16xf32> to vector<16xf32>
      %gt3A = arith.constant 0.000000e+00 : f32
      %gt3A_186 = vector.broadcast %gt3A : f32 to vector<16xf32>
      %gt3A_187 = arith.cmpf ogt, %get3A_182, %gt3A_186 : vector<16xf32>
      %div3A = arith.constant 1.000000e+00 : f32
      %div3A_188 = vector.broadcast %div3A : f32 to vector<16xf32>
      %div3A_189 = arith.divf %div3A_188, %get3A_182 : vector<16xf32>
      %jit3A = arith.constant 0.000000e+00 : f32
      %broadcast_in_dim3A = vector.broadcast %jit3A : f32 to vector<16xf32>
      %select_n3A = arith.select %gt3A_187, %div3A_189, %broadcast_in_dim3A : vector<16xi1>, vector<16xf32>
      %get3A_190 = arith.index_cast %mul3A_173 : i32 to index
      %get3A_191 = tpu.vector_load %arg15[%get3A_190] {strides = array<i32>} : memref<3136xf32, #tpu.memory_space<vmem>>, vector<16xf32>,
      %get3A_192 = vector.shape_cast %get3A_191 : vector<16xf32> to vector<16xf32>
      %mul3A_193 = arith.mulf %select_n3A, %get3A_192 : vector<16xf32>
      %div3A_194 = arith.divf %mul3A_193, %add3A_179 : vector<16xf32>
      %div3A_195 = arith.divf %div3A_194, %add3A_179 : vector<16xf32>
      %swap3A = arith.index_cast %mul3A_173 : i32 to index
      %swap3A_196 = tpu.vector_load %arg18[%swap3A] {strides = array<i32>} : memref<3136xf32, #tpu.memory_space<vmem>>, vector<16xf32>,
      %swap3A_197 = vector.shape_cast %swap3A_196 : vector<16xf32> to vector<16xf32>
      %swap3A_198 = vector.shape_cast %div3A_195 : vector<16xf32> to vector<16xf32>
      tpu.vector_store %arg18[%swap3A], %swap3A_198 {strides = array<i32>} : memref<3136xf32, #tpu.memory_space<vmem>>, vector<16xf32>,
      %swap3A_199 = arith.index_cast %mul3A_173 : i32 to index
      %swap3A_200 = tpu.vector_load %arg19[%swap3A_199] {strides = array<i32>} : memref<3136xf32, #tpu.memory_space<vmem>>, vector<16xf32>,
      %swap3A_201 = vector.shape_cast %swap3A_200 : vector<16xf32> to vector<16xf32>
      %swap3A_202 = vector.shape_cast %select_n3A : vector<16xf32> to vector<16xf32>
      tpu.vector_store %arg19[%swap3A_199], %swap3A_202 {strides = array<i32>} : memref<3136xf32, #tpu.memory_space<vmem>>, vector<16xf32>,
      %gt3A_203 = arith.constant 0.000000e+00 : f32
      %gt3A_204 = vector.broadcast %gt3A_203 : f32 to vector<16xf32>
      %gt3A_205 = arith.cmpf ogt, %get3A_185, %gt3A_204 : vector<16xf32>
      %div3A_206 = arith.constant 1.000000e+00 : f32
      %div3A_207 = vector.broadcast %div3A_206 : f32 to vector<16xf32>
      %div3A_208 = arith.divf %div3A_207, %get3A_185 : vector<16xf32>
      %jit3A_209 = arith.constant 0.000000e+00 : f32
      %broadcast_in_dim3A_210 = vector.broadcast %jit3A_209 : f32 to vector<16xf32>
      %select_n3A_211 = arith.select %gt3A_205, %div3A_208, %broadcast_in_dim3A_210 : vector<16xi1>, vector<16xf32>
      %swap3A_212 = arith.index_cast %mul3A_173 : i32 to index
      %swap3A_213 = tpu.vector_load %arg20[%swap3A_212] {strides = array<i32>} : memref<3136xf32, #tpu.memory_space<vmem>>, vector<16xf32>,
      %swap3A_214 = vector.shape_cast %swap3A_213 : vector<16xf32> to vector<16xf32>
      %swap3A_215 = vector.shape_cast %select_n3A_211 : vector<16xf32> to vector<16xf32>
      tpu.vector_store %arg20[%swap3A_212], %swap3A_215 {strides = array<i32>} : memref<3136xf32, #tpu.memory_space<vmem>>, vector<16xf32>,
      %scan3A_216 = arith.constant 0 : i32
      scf.yield %scan3A_216 : i32
    }
    %scan3A_77 = arith.constant 196 : i32
    "tpu.region"() ({
      %run_scoped3A = tpu.sem_alloc : memref<!tpu.dma_semaphore, #tpu.memory_space<semaphore_mem>>
      %dma_start3A = tpu.memref_slice %arg29[%mul3A_0] : memref<50176xf32, #tpu.memory_space<vmem_shared>> -> memref<3136xf32, #tpu.memory_space<vmem_shared>>
      %dma_start3A_170 = tpu.memref_slice %arg29[%mul3A_0] : memref<50176xf32, #tpu.memory_space<vmem_shared>> -> memref<3136xf32, #tpu.memory_space<vmem_shared>>
      tpu.enqueue_dma source(%arg18 : memref<3136xf32, #tpu.memory_space<vmem>>) target(%dma_start3A_170 : memref<3136xf32, #tpu.memory_space<vmem_shared>>) target_semaphore(%run_scoped3A : memref<!tpu.dma_semaphore, #tpu.memory_space<semaphore_mem>>)
      %dma_wait3A = tpu.memref_slice %arg29[%mul3A_0] : memref<50176xf32, #tpu.memory_space<vmem_shared>> -> memref<3136xf32, #tpu.memory_space<vmem_shared>>
      %dma_wait3A_171 = tpu.memref_slice %arg29[%mul3A_0] : memref<50176xf32, #tpu.memory_space<vmem_shared>> -> memref<3136xf32, #tpu.memory_space<vmem_shared>>
      tpu.wait_dma2 semaphore(%run_scoped3A : memref<!tpu.dma_semaphore, #tpu.memory_space<semaphore_mem>>) src(%arg18 : memref<3136xf32, #tpu.memory_space<vmem>>) dst(%dma_wait3A_171 : memref<3136xf32, #tpu.memory_space<vmem_shared>>)
      tpu.yield
    }) : () -> ()
    "tpu.region"() ({
      %run_scoped3A = tpu.sem_alloc : memref<!tpu.dma_semaphore, #tpu.memory_space<semaphore_mem>>
      %dma_start3A = tpu.memref_slice %arg25[%mul3A_0] : memref<50176xf32, #tpu.memory_space<vmem_shared>> -> memref<3136xf32, #tpu.memory_space<vmem_shared>>
      %dma_start3A_170 = tpu.memref_slice %arg25[%mul3A_0] : memref<50176xf32, #tpu.memory_space<vmem_shared>> -> memref<3136xf32, #tpu.memory_space<vmem_shared>>
      tpu.enqueue_dma source(%arg21 : memref<3136xf32, #tpu.memory_space<vmem>>) target(%dma_start3A_170 : memref<3136xf32, #tpu.memory_space<vmem_shared>>) target_semaphore(%run_scoped3A : memref<!tpu.dma_semaphore, #tpu.memory_space<semaphore_mem>>)
      %dma_wait3A = tpu.memref_slice %arg25[%mul3A_0] : memref<50176xf32, #tpu.memory_space<vmem_shared>> -> memref<3136xf32, #tpu.memory_space<vmem_shared>>
      %dma_wait3A_171 = tpu.memref_slice %arg25[%mul3A_0] : memref<50176xf32, #tpu.memory_space<vmem_shared>> -> memref<3136xf32, #tpu.memory_space<vmem_shared>>
      tpu.wait_dma2 semaphore(%run_scoped3A : memref<!tpu.dma_semaphore, #tpu.memory_space<semaphore_mem>>) src(%arg21 : memref<3136xf32, #tpu.memory_space<vmem>>) dst(%dma_wait3A_171 : memref<3136xf32, #tpu.memory_space<vmem_shared>>)
      tpu.yield
    }) : () -> ()
    "tpu.region"() ({
      %run_scoped3A = tpu.sem_alloc : memref<!tpu.dma_semaphore, #tpu.memory_space<semaphore_mem>>
      %dma_start3A = tpu.memref_slice %arg27[%mul3A_0] : memref<50176xf32, #tpu.memory_space<vmem_shared>> -> memref<3136xf32, #tpu.memory_space<vmem_shared>>
      %dma_start3A_170 = tpu.memref_slice %arg27[%mul3A_0] : memref<50176xf32, #tpu.memory_space<vmem_shared>> -> memref<3136xf32, #tpu.memory_space<vmem_shared>>
      tpu.enqueue_dma source(%arg21 : memref<3136xf32, #tpu.memory_space<vmem>>) target(%dma_start3A_170 : memref<3136xf32, #tpu.memory_space<vmem_shared>>) target_semaphore(%run_scoped3A : memref<!tpu.dma_semaphore, #tpu.memory_space<semaphore_mem>>)
      %dma_wait3A = tpu.memref_slice %arg27[%mul3A_0] : memref<50176xf32, #tpu.memory_space<vmem_shared>> -> memref<3136xf32, #tpu.memory_space<vmem_shared>>
      %dma_wait3A_171 = tpu.memref_slice %arg27[%mul3A_0] : memref<50176xf32, #tpu.memory_space<vmem_shared>> -> memref<3136xf32, #tpu.memory_space<vmem_shared>>
      tpu.wait_dma2 semaphore(%run_scoped3A : memref<!tpu.dma_semaphore, #tpu.memory_space<semaphore_mem>>) src(%arg21 : memref<3136xf32, #tpu.memory_space<vmem>>) dst(%dma_wait3A_171 : memref<3136xf32, #tpu.memory_space<vmem_shared>>)
      tpu.yield
    }) : () -> ()
    %barrier3A_78 = arith.constant 0 : index
    tpu.barrier barrier_id(%barrier3A_78)
    %add3A_79 = arith.constant 0 : i32
    %add3A_80 = arith.addi %mul3A_2, %add3A_79 : i32
    "tpu.region"() ({
      %run_scoped3A = tpu.sem_alloc : memref<!tpu.dma_semaphore, #tpu.memory_space<semaphore_mem>>
      %dma_start3A = tpu.memref_slice %arg4[%add3A_80] : memref<800000xi32, #tpu.memory_space<hbm>> -> memref<10000xi32, #tpu.memory_space<hbm>>
      %dma_start3A_170 = tpu.memref_slice %arg4[%add3A_80] : memref<800000xi32, #tpu.memory_space<hbm>> -> memref<10000xi32, #tpu.memory_space<hbm>>
      tpu.enqueue_dma source(%dma_start3A_170 : memref<10000xi32, #tpu.memory_space<hbm>>) target(%arg8 : memref<10000xi32, #tpu.memory_space<vmem>>) target_semaphore(%run_scoped3A : memref<!tpu.dma_semaphore, #tpu.memory_space<semaphore_mem>>)
      %dma_wait3A = tpu.memref_slice %arg4[%add3A_80] : memref<800000xi32, #tpu.memory_space<hbm>> -> memref<10000xi32, #tpu.memory_space<hbm>>
      %dma_wait3A_171 = tpu.memref_slice %arg4[%add3A_80] : memref<800000xi32, #tpu.memory_space<hbm>> -> memref<10000xi32, #tpu.memory_space<hbm>>
      tpu.wait_dma2 semaphore(%run_scoped3A : memref<!tpu.dma_semaphore, #tpu.memory_space<semaphore_mem>>) src(%dma_wait3A_171 : memref<10000xi32, #tpu.memory_space<hbm>>) dst(%arg8 : memref<10000xi32, #tpu.memory_space<vmem>>)
      tpu.yield
    }) : () -> ()
    "tpu.region"() ({
      %run_scoped3A = tpu.sem_alloc : memref<!tpu.dma_semaphore, #tpu.memory_space<semaphore_mem>>
      %dma_start3A = tpu.memref_slice %arg5[%add3A_80] : memref<800000xi32, #tpu.memory_space<hbm>> -> memref<10000xi32, #tpu.memory_space<hbm>>
      %dma_start3A_170 = tpu.memref_slice %arg5[%add3A_80] : memref<800000xi32, #tpu.memory_space<hbm>> -> memref<10000xi32, #tpu.memory_space<hbm>>
      tpu.enqueue_dma source(%dma_start3A_170 : memref<10000xi32, #tpu.memory_space<hbm>>) target(%arg9 : memref<10000xi32, #tpu.memory_space<vmem>>) target_semaphore(%run_scoped3A : memref<!tpu.dma_semaphore, #tpu.memory_space<semaphore_mem>>)
      %dma_wait3A = tpu.memref_slice %arg5[%add3A_80] : memref<800000xi32, #tpu.memory_space<hbm>> -> memref<10000xi32, #tpu.memory_space<hbm>>
      %dma_wait3A_171 = tpu.memref_slice %arg5[%add3A_80] : memref<800000xi32, #tpu.memory_space<hbm>> -> memref<10000xi32, #tpu.memory_space<hbm>>
      tpu.wait_dma2 semaphore(%run_scoped3A : memref<!tpu.dma_semaphore, #tpu.memory_space<semaphore_mem>>) src(%dma_wait3A_171 : memref<10000xi32, #tpu.memory_space<hbm>>) dst(%arg9 : memref<10000xi32, #tpu.memory_space<vmem>>)
      tpu.yield
    }) : () -> ()
    "tpu.region"() ({
      %run_scoped3A = tpu.sem_alloc : memref<!tpu.dma_semaphore, #tpu.memory_space<semaphore_mem>>
      %dma_start3A = arith.constant 0 : i32
      %dma_start3A_170 = tpu.memref_slice %arg23[%dma_start3A] : memref<50176xf32, #tpu.memory_space<vmem_shared>> -> memref<50176xf32, #tpu.memory_space<vmem_shared>>
      tpu.enqueue_indirect_dma source(%dma_start3A_170 : memref<50176xf32, #tpu.memory_space<vmem_shared>>) target(%arg10 : memref<10000xf32, #tpu.memory_space<vmem>>) offsets(%arg8 : memref<10000xi32, #tpu.memory_space<vmem>>) semaphore(%run_scoped3A : memref<!tpu.dma_semaphore, #tpu.memory_space<semaphore_mem>>)
      %dma_wait3A = arith.constant 0 : i32
      %dma_wait3A_171 = tpu.memref_slice %arg23[%dma_wait3A] : memref<50176xf32, #tpu.memory_space<vmem_shared>> -> memref<50176xf32, #tpu.memory_space<vmem_shared>>
      tpu.wait_indirect_dma semaphore(%run_scoped3A : memref<!tpu.dma_semaphore, #tpu.memory_space<semaphore_mem>>) src(%dma_wait3A_171 : memref<50176xf32, #tpu.memory_space<vmem_shared>>) dst(%arg10 : memref<10000xf32, #tpu.memory_space<vmem>>)
      tpu.yield
    }) : () -> ()
    "tpu.region"() ({
      %run_scoped3A = tpu.sem_alloc : memref<!tpu.dma_semaphore, #tpu.memory_space<semaphore_mem>>
      %dma_start3A = arith.constant 0 : i32
      %dma_start3A_170 = tpu.memref_slice %arg24[%dma_start3A] : memref<50176xf32, #tpu.memory_space<vmem_shared>> -> memref<50176xf32, #tpu.memory_space<vmem_shared>>
      tpu.enqueue_indirect_dma source(%dma_start3A_170 : memref<50176xf32, #tpu.memory_space<vmem_shared>>) target(%arg11 : memref<10000xf32, #tpu.memory_space<vmem>>) offsets(%arg9 : memref<10000xi32, #tpu.memory_space<vmem>>) semaphore(%run_scoped3A : memref<!tpu.dma_semaphore, #tpu.memory_space<semaphore_mem>>)
      %dma_wait3A = arith.constant 0 : i32
      %dma_wait3A_171 = tpu.memref_slice %arg24[%dma_wait3A] : memref<50176xf32, #tpu.memory_space<vmem_shared>> -> memref<50176xf32, #tpu.memory_space<vmem_shared>>
      tpu.wait_indirect_dma semaphore(%run_scoped3A : memref<!tpu.dma_semaphore, #tpu.memory_space<semaphore_mem>>) src(%dma_wait3A_171 : memref<50176xf32, #tpu.memory_space<vmem_shared>>) dst(%arg11 : memref<10000xf32, #tpu.memory_space<vmem>>)
      tpu.yield
    }) : () -> ()
    "tpu.region"() ({
      %run_scoped3A = tpu.sem_alloc : memref<!tpu.dma_semaphore, #tpu.memory_space<semaphore_mem>>
      %dma_start3A = arith.constant 0 : i32
      %dma_start3A_170 = tpu.memref_slice %arg29[%dma_start3A] : memref<50176xf32, #tpu.memory_space<vmem_shared>> -> memref<50176xf32, #tpu.memory_space<vmem_shared>>
      tpu.enqueue_indirect_dma source(%dma_start3A_170 : memref<50176xf32, #tpu.memory_space<vmem_shared>>) target(%arg12 : memref<10000xf32, #tpu.memory_space<vmem>>) offsets(%arg9 : memref<10000xi32, #tpu.memory_space<vmem>>) semaphore(%run_scoped3A : memref<!tpu.dma_semaphore, #tpu.memory_space<semaphore_mem>>)
      %dma_wait3A = arith.constant 0 : i32
      %dma_wait3A_171 = tpu.memref_slice %arg29[%dma_wait3A] : memref<50176xf32, #tpu.memory_space<vmem_shared>> -> memref<50176xf32, #tpu.memory_space<vmem_shared>>
      tpu.wait_indirect_dma semaphore(%run_scoped3A : memref<!tpu.dma_semaphore, #tpu.memory_space<semaphore_mem>>) src(%dma_wait3A_171 : memref<50176xf32, #tpu.memory_space<vmem_shared>>) dst(%arg12 : memref<10000xf32, #tpu.memory_space<vmem>>)
      tpu.yield
    }) : () -> ()
    %scan3A_81 = arith.constant 0 : i32
    %scan3A_82 = arith.constant 0 : i32
    %scan3A_83 = arith.constant 625 : i32
    %scan3A_84 = arith.addi %scan3A_82, %scan3A_83 : i32
    %scan3A_85 = arith.constant 1 : i32
    %scan3A_86 = scf.for %scan3A_170 = %scan3A_82 to %scan3A_84 step %scan3A_85 iter_args(%scan3A_171 = %scan3A_81) -> (i32)  : i32 {
      %mul3A_172 = arith.constant 16 : i32
      %mul3A_173 = arith.muli %scan3A_170, %mul3A_172 : i32
      %get3A_174 = arith.index_cast %mul3A_173 : i32 to index
      %get3A_175 = tpu.vector_load %arg10[%get3A_174] {strides = array<i32>} : memref<10000xf32, #tpu.memory_space<vmem>>, vector<16xf32>,
      %get3A_176 = vector.shape_cast %get3A_175 : vector<16xf32> to vector<16xf32>
      %mul3A_177 = vector.broadcast %squeeze3A : f32 to vector<16xf32>
      %mul3A_178 = arith.mulf %mul3A_177, %get3A_176 : vector<16xf32>
      %get3A_179 = arith.index_cast %mul3A_173 : i32 to index
      %get3A_180 = tpu.vector_load %arg11[%get3A_179] {strides = array<i32>} : memref<10000xf32, #tpu.memory_space<vmem>>, vector<16xf32>,
      %get3A_181 = vector.shape_cast %get3A_180 : vector<16xf32> to vector<16xf32>
      %mul3A_182 = vector.broadcast %squeeze3A_19 : f32 to vector<16xf32>
      %mul3A_183 = arith.mulf %mul3A_182, %get3A_181 : vector<16xf32>
      %add3A_184 = arith.addf %mul3A_178, %mul3A_183 : vector<16xf32>
      %ge3A = arith.constant 0.000000e+00 : f32
      %ge3A_185 = vector.broadcast %ge3A : f32 to vector<16xf32>
      %ge3A_186 = arith.cmpf oge, %add3A_184, %ge3A_185 : vector<16xf32>
      %mul3A_187 = arith.constant 2.000000e-01 : f32
      %mul3A_188 = vector.broadcast %mul3A_187 : f32 to vector<16xf32>
      %mul3A_189 = arith.mulf %mul3A_188, %add3A_184 : vector<16xf32>
      %select_n3A = arith.select %ge3A_186, %add3A_184, %mul3A_189 : vector<16xi1>, vector<16xf32>
      %get3A_190 = arith.index_cast %mul3A_173 : i32 to index
      %get3A_191 = tpu.vector_load %arg12[%get3A_190] {strides = array<i32>} : memref<10000xf32, #tpu.memory_space<vmem>>, vector<16xf32>,
      %get3A_192 = vector.shape_cast %get3A_191 : vector<16xf32> to vector<16xf32>
      %exp3A = math.exp %select_n3A : vector<16xf32>
      %mul3A_193 = arith.mulf %get3A_192, %exp3A : vector<16xf32>
      %swap3A = arith.index_cast %mul3A_173 : i32 to index
      %swap3A_194 = tpu.vector_load %arg10[%swap3A] {strides = array<i32>} : memref<10000xf32, #tpu.memory_space<vmem>>, vector<16xf32>,
      %swap3A_195 = vector.shape_cast %swap3A_194 : vector<16xf32> to vector<16xf32>
      %swap3A_196 = vector.shape_cast %mul3A_193 : vector<16xf32> to vector<16xf32>
      tpu.vector_store %arg10[%swap3A], %swap3A_196 {strides = array<i32>} : memref<10000xf32, #tpu.memory_space<vmem>>, vector<16xf32>,
      %scan3A_197 = arith.constant 0 : i32
      scf.yield %scan3A_197 : i32
    }
    %scan3A_87 = arith.constant 625 : i32
    "tpu.region"() ({
      %run_scoped3A = tpu.sem_alloc : memref<!tpu.dma_semaphore, #tpu.memory_space<semaphore_mem>>
      %dma_start3A = arith.constant 0 : i32
      %dma_start3A_170 = tpu.memref_slice %arg25[%dma_start3A] : memref<50176xf32, #tpu.memory_space<vmem_shared>> -> memref<50176xf32, #tpu.memory_space<vmem_shared>>
      tpu.enqueue_indirect_dma source(%arg10 : memref<10000xf32, #tpu.memory_space<vmem>>) target(%dma_start3A_170 : memref<50176xf32, #tpu.memory_space<vmem_shared>>) offsets(%arg8 : memref<10000xi32, #tpu.memory_space<vmem>>) semaphore(%run_scoped3A : memref<!tpu.dma_semaphore, #tpu.memory_space<semaphore_mem>>) {add = true}
      %dma_wait3A = arith.constant 0 : i32
      %dma_wait3A_171 = tpu.memref_slice %arg25[%dma_wait3A] : memref<50176xf32, #tpu.memory_space<vmem_shared>> -> memref<50176xf32, #tpu.memory_space<vmem_shared>>
      tpu.wait_indirect_dma semaphore(%run_scoped3A : memref<!tpu.dma_semaphore, #tpu.memory_space<semaphore_mem>>) src(%arg10 : memref<10000xf32, #tpu.memory_space<vmem>>) dst(%dma_wait3A_171 : memref<50176xf32, #tpu.memory_space<vmem_shared>>)
      tpu.yield
    }) : () -> ()
    %add3A_88 = arith.constant 10000 : i32
    %add3A_89 = arith.addi %mul3A_2, %add3A_88 : i32
    "tpu.region"() ({
      %run_scoped3A = tpu.sem_alloc : memref<!tpu.dma_semaphore, #tpu.memory_space<semaphore_mem>>
      %dma_start3A = tpu.memref_slice %arg4[%add3A_89] : memref<800000xi32, #tpu.memory_space<hbm>> -> memref<10000xi32, #tpu.memory_space<hbm>>
      %dma_start3A_170 = tpu.memref_slice %arg4[%add3A_89] : memref<800000xi32, #tpu.memory_space<hbm>> -> memref<10000xi32, #tpu.memory_space<hbm>>
      tpu.enqueue_dma source(%dma_start3A_170 : memref<10000xi32, #tpu.memory_space<hbm>>) target(%arg8 : memref<10000xi32, #tpu.memory_space<vmem>>) target_semaphore(%run_scoped3A : memref<!tpu.dma_semaphore, #tpu.memory_space<semaphore_mem>>)
      %dma_wait3A = tpu.memref_slice %arg4[%add3A_89] : memref<800000xi32, #tpu.memory_space<hbm>> -> memref<10000xi32, #tpu.memory_space<hbm>>
      %dma_wait3A_171 = tpu.memref_slice %arg4[%add3A_89] : memref<800000xi32, #tpu.memory_space<hbm>> -> memref<10000xi32, #tpu.memory_space<hbm>>
      tpu.wait_dma2 semaphore(%run_scoped3A : memref<!tpu.dma_semaphore, #tpu.memory_space<semaphore_mem>>) src(%dma_wait3A_171 : memref<10000xi32, #tpu.memory_space<hbm>>) dst(%arg8 : memref<10000xi32, #tpu.memory_space<vmem>>)
      tpu.yield
    }) : () -> ()
    "tpu.region"() ({
      %run_scoped3A = tpu.sem_alloc : memref<!tpu.dma_semaphore, #tpu.memory_space<semaphore_mem>>
      %dma_start3A = tpu.memref_slice %arg5[%add3A_89] : memref<800000xi32, #tpu.memory_space<hbm>> -> memref<10000xi32, #tpu.memory_space<hbm>>
      %dma_start3A_170 = tpu.memref_slice %arg5[%add3A_89] : memref<800000xi32, #tpu.memory_space<hbm>> -> memref<10000xi32, #tpu.memory_space<hbm>>
      tpu.enqueue_dma source(%dma_start3A_170 : memref<10000xi32, #tpu.memory_space<hbm>>) target(%arg9 : memref<10000xi32, #tpu.memory_space<vmem>>) target_semaphore(%run_scoped3A : memref<!tpu.dma_semaphore, #tpu.memory_space<semaphore_mem>>)
      %dma_wait3A = tpu.memref_slice %arg5[%add3A_89] : memref<800000xi32, #tpu.memory_space<hbm>> -> memref<10000xi32, #tpu.memory_space<hbm>>
      %dma_wait3A_171 = tpu.memref_slice %arg5[%add3A_89] : memref<800000xi32, #tpu.memory_space<hbm>> -> memref<10000xi32, #tpu.memory_space<hbm>>
      tpu.wait_dma2 semaphore(%run_scoped3A : memref<!tpu.dma_semaphore, #tpu.memory_space<semaphore_mem>>) src(%dma_wait3A_171 : memref<10000xi32, #tpu.memory_space<hbm>>) dst(%arg9 : memref<10000xi32, #tpu.memory_space<vmem>>)
      tpu.yield
    }) : () -> ()
    "tpu.region"() ({
      %run_scoped3A = tpu.sem_alloc : memref<!tpu.dma_semaphore, #tpu.memory_space<semaphore_mem>>
      %dma_start3A = arith.constant 0 : i32
      %dma_start3A_170 = tpu.memref_slice %arg23[%dma_start3A] : memref<50176xf32, #tpu.memory_space<vmem_shared>> -> memref<50176xf32, #tpu.memory_space<vmem_shared>>
      tpu.enqueue_indirect_dma source(%dma_start3A_170 : memref<50176xf32, #tpu.memory_space<vmem_shared>>) target(%arg10 : memref<10000xf32, #tpu.memory_space<vmem>>) offsets(%arg8 : memref<10000xi32, #tpu.memory_space<vmem>>) semaphore(%run_scoped3A : memref<!tpu.dma_semaphore, #tpu.memory_space<semaphore_mem>>)
      %dma_wait3A = arith.constant 0 : i32
      %dma_wait3A_171 = tpu.memref_slice %arg23[%dma_wait3A] : memref<50176xf32, #tpu.memory_space<vmem_shared>> -> memref<50176xf32, #tpu.memory_space<vmem_shared>>
      tpu.wait_indirect_dma semaphore(%run_scoped3A : memref<!tpu.dma_semaphore, #tpu.memory_space<semaphore_mem>>) src(%dma_wait3A_171 : memref<50176xf32, #tpu.memory_space<vmem_shared>>) dst(%arg10 : memref<10000xf32, #tpu.memory_space<vmem>>)
      tpu.yield
    }) : () -> ()
    "tpu.region"() ({
      %run_scoped3A = tpu.sem_alloc : memref<!tpu.dma_semaphore, #tpu.memory_space<semaphore_mem>>
      %dma_start3A = arith.constant 0 : i32
      %dma_start3A_170 = tpu.memref_slice %arg24[%dma_start3A] : memref<50176xf32, #tpu.memory_space<vmem_shared>> -> memref<50176xf32, #tpu.memory_space<vmem_shared>>
      tpu.enqueue_indirect_dma source(%dma_start3A_170 : memref<50176xf32, #tpu.memory_space<vmem_shared>>) target(%arg11 : memref<10000xf32, #tpu.memory_space<vmem>>) offsets(%arg9 : memref<10000xi32, #tpu.memory_space<vmem>>) semaphore(%run_scoped3A : memref<!tpu.dma_semaphore, #tpu.memory_space<semaphore_mem>>)
      %dma_wait3A = arith.constant 0 : i32
      %dma_wait3A_171 = tpu.memref_slice %arg24[%dma_wait3A] : memref<50176xf32, #tpu.memory_space<vmem_shared>> -> memref<50176xf32, #tpu.memory_space<vmem_shared>>
      tpu.wait_indirect_dma semaphore(%run_scoped3A : memref<!tpu.dma_semaphore, #tpu.memory_space<semaphore_mem>>) src(%dma_wait3A_171 : memref<50176xf32, #tpu.memory_space<vmem_shared>>) dst(%arg11 : memref<10000xf32, #tpu.memory_space<vmem>>)
      tpu.yield
    }) : () -> ()
    "tpu.region"() ({
      %run_scoped3A = tpu.sem_alloc : memref<!tpu.dma_semaphore, #tpu.memory_space<semaphore_mem>>
      %dma_start3A = arith.constant 0 : i32
      %dma_start3A_170 = tpu.memref_slice %arg29[%dma_start3A] : memref<50176xf32, #tpu.memory_space<vmem_shared>> -> memref<50176xf32, #tpu.memory_space<vmem_shared>>
      tpu.enqueue_indirect_dma source(%dma_start3A_170 : memref<50176xf32, #tpu.memory_space<vmem_shared>>) target(%arg12 : memref<10000xf32, #tpu.memory_space<vmem>>) offsets(%arg9 : memref<10000xi32, #tpu.memory_space<vmem>>) semaphore(%run_scoped3A : memref<!tpu.dma_semaphore, #tpu.memory_space<semaphore_mem>>)
      %dma_wait3A = arith.constant 0 : i32
      %dma_wait3A_171 = tpu.memref_slice %arg29[%dma_wait3A] : memref<50176xf32, #tpu.memory_space<vmem_shared>> -> memref<50176xf32, #tpu.memory_space<vmem_shared>>
      tpu.wait_indirect_dma semaphore(%run_scoped3A : memref<!tpu.dma_semaphore, #tpu.memory_space<semaphore_mem>>) src(%dma_wait3A_171 : memref<50176xf32, #tpu.memory_space<vmem_shared>>) dst(%arg12 : memref<10000xf32, #tpu.memory_space<vmem>>)
      tpu.yield
    }) : () -> ()
    %scan3A_90 = arith.constant 0 : i32
    %scan3A_91 = arith.constant 0 : i32
    %scan3A_92 = arith.constant 625 : i32
    %scan3A_93 = arith.addi %scan3A_91, %scan3A_92 : i32
    %scan3A_94 = arith.constant 1 : i32
    %scan3A_95 = scf.for %scan3A_170 = %scan3A_91 to %scan3A_93 step %scan3A_94 iter_args(%scan3A_171 = %scan3A_90) -> (i32)  : i32 {
      %mul3A_172 = arith.constant 16 : i32
      %mul3A_173 = arith.muli %scan3A_170, %mul3A_172 : i32
      %get3A_174 = arith.index_cast %mul3A_173 : i32 to index
      %get3A_175 = tpu.vector_load %arg10[%get3A_174] {strides = array<i32>} : memref<10000xf32, #tpu.memory_space<vmem>>, vector<16xf32>,
      %get3A_176 = vector.shape_cast %get3A_175 : vector<16xf32> to vector<16xf32>
      %mul3A_177 = vector.broadcast %squeeze3A : f32 to vector<16xf32>
      %mul3A_178 = arith.mulf %mul3A_177, %get3A_176 : vector<16xf32>
      %get3A_179 = arith.index_cast %mul3A_173 : i32 to index
      %get3A_180 = tpu.vector_load %arg11[%get3A_179] {strides = array<i32>} : memref<10000xf32, #tpu.memory_space<vmem>>, vector<16xf32>,
      %get3A_181 = vector.shape_cast %get3A_180 : vector<16xf32> to vector<16xf32>
      %mul3A_182 = vector.broadcast %squeeze3A_19 : f32 to vector<16xf32>
      %mul3A_183 = arith.mulf %mul3A_182, %get3A_181 : vector<16xf32>
      %add3A_184 = arith.addf %mul3A_178, %mul3A_183 : vector<16xf32>
      %ge3A = arith.constant 0.000000e+00 : f32
      %ge3A_185 = vector.broadcast %ge3A : f32 to vector<16xf32>
      %ge3A_186 = arith.cmpf oge, %add3A_184, %ge3A_185 : vector<16xf32>
      %mul3A_187 = arith.constant 2.000000e-01 : f32
      %mul3A_188 = vector.broadcast %mul3A_187 : f32 to vector<16xf32>
      %mul3A_189 = arith.mulf %mul3A_188, %add3A_184 : vector<16xf32>
      %select_n3A = arith.select %ge3A_186, %add3A_184, %mul3A_189 : vector<16xi1>, vector<16xf32>
      %get3A_190 = arith.index_cast %mul3A_173 : i32 to index
      %get3A_191 = tpu.vector_load %arg12[%get3A_190] {strides = array<i32>} : memref<10000xf32, #tpu.memory_space<vmem>>, vector<16xf32>,
      %get3A_192 = vector.shape_cast %get3A_191 : vector<16xf32> to vector<16xf32>
      %exp3A = math.exp %select_n3A : vector<16xf32>
      %mul3A_193 = arith.mulf %get3A_192, %exp3A : vector<16xf32>
      %swap3A = arith.index_cast %mul3A_173 : i32 to index
      %swap3A_194 = tpu.vector_load %arg10[%swap3A] {strides = array<i32>} : memref<10000xf32, #tpu.memory_space<vmem>>, vector<16xf32>,
      %swap3A_195 = vector.shape_cast %swap3A_194 : vector<16xf32> to vector<16xf32>
      %swap3A_196 = vector.shape_cast %mul3A_193 : vector<16xf32> to vector<16xf32>
      tpu.vector_store %arg10[%swap3A], %swap3A_196 {strides = array<i32>} : memref<10000xf32, #tpu.memory_space<vmem>>, vector<16xf32>,
      %scan3A_197 = arith.constant 0 : i32
      scf.yield %scan3A_197 : i32
    }
    %scan3A_96 = arith.constant 625 : i32
    "tpu.region"() ({
      %run_scoped3A = tpu.sem_alloc : memref<!tpu.dma_semaphore, #tpu.memory_space<semaphore_mem>>
      %dma_start3A = arith.constant 0 : i32
      %dma_start3A_170 = tpu.memref_slice %arg25[%dma_start3A] : memref<50176xf32, #tpu.memory_space<vmem_shared>> -> memref<50176xf32, #tpu.memory_space<vmem_shared>>
      tpu.enqueue_indirect_dma source(%arg10 : memref<10000xf32, #tpu.memory_space<vmem>>) target(%dma_start3A_170 : memref<50176xf32, #tpu.memory_space<vmem_shared>>) offsets(%arg8 : memref<10000xi32, #tpu.memory_space<vmem>>) semaphore(%run_scoped3A : memref<!tpu.dma_semaphore, #tpu.memory_space<semaphore_mem>>) {add = true}
      %dma_wait3A = arith.constant 0 : i32
      %dma_wait3A_171 = tpu.memref_slice %arg25[%dma_wait3A] : memref<50176xf32, #tpu.memory_space<vmem_shared>> -> memref<50176xf32, #tpu.memory_space<vmem_shared>>
      tpu.wait_indirect_dma semaphore(%run_scoped3A : memref<!tpu.dma_semaphore, #tpu.memory_space<semaphore_mem>>) src(%arg10 : memref<10000xf32, #tpu.memory_space<vmem>>) dst(%dma_wait3A_171 : memref<50176xf32, #tpu.memory_space<vmem_shared>>)
      tpu.yield
    }) : () -> ()
    %add3A_97 = arith.constant 20000 : i32
    %add3A_98 = arith.addi %mul3A_2, %add3A_97 : i32
    "tpu.region"() ({
      %run_scoped3A = tpu.sem_alloc : memref<!tpu.dma_semaphore, #tpu.memory_space<semaphore_mem>>
      %dma_start3A = tpu.memref_slice %arg4[%add3A_98] : memref<800000xi32, #tpu.memory_space<hbm>> -> memref<10000xi32, #tpu.memory_space<hbm>>
      %dma_start3A_170 = tpu.memref_slice %arg4[%add3A_98] : memref<800000xi32, #tpu.memory_space<hbm>> -> memref<10000xi32, #tpu.memory_space<hbm>>
      tpu.enqueue_dma source(%dma_start3A_170 : memref<10000xi32, #tpu.memory_space<hbm>>) target(%arg8 : memref<10000xi32, #tpu.memory_space<vmem>>) target_semaphore(%run_scoped3A : memref<!tpu.dma_semaphore, #tpu.memory_space<semaphore_mem>>)
      %dma_wait3A = tpu.memref_slice %arg4[%add3A_98] : memref<800000xi32, #tpu.memory_space<hbm>> -> memref<10000xi32, #tpu.memory_space<hbm>>
      %dma_wait3A_171 = tpu.memref_slice %arg4[%add3A_98] : memref<800000xi32, #tpu.memory_space<hbm>> -> memref<10000xi32, #tpu.memory_space<hbm>>
      tpu.wait_dma2 semaphore(%run_scoped3A : memref<!tpu.dma_semaphore, #tpu.memory_space<semaphore_mem>>) src(%dma_wait3A_171 : memref<10000xi32, #tpu.memory_space<hbm>>) dst(%arg8 : memref<10000xi32, #tpu.memory_space<vmem>>)
      tpu.yield
    }) : () -> ()
    "tpu.region"() ({
      %run_scoped3A = tpu.sem_alloc : memref<!tpu.dma_semaphore, #tpu.memory_space<semaphore_mem>>
      %dma_start3A = tpu.memref_slice %arg5[%add3A_98] : memref<800000xi32, #tpu.memory_space<hbm>> -> memref<10000xi32, #tpu.memory_space<hbm>>
      %dma_start3A_170 = tpu.memref_slice %arg5[%add3A_98] : memref<800000xi32, #tpu.memory_space<hbm>> -> memref<10000xi32, #tpu.memory_space<hbm>>
      tpu.enqueue_dma source(%dma_start3A_170 : memref<10000xi32, #tpu.memory_space<hbm>>) target(%arg9 : memref<10000xi32, #tpu.memory_space<vmem>>) target_semaphore(%run_scoped3A : memref<!tpu.dma_semaphore, #tpu.memory_space<semaphore_mem>>)
      %dma_wait3A = tpu.memref_slice %arg5[%add3A_98] : memref<800000xi32, #tpu.memory_space<hbm>> -> memref<10000xi32, #tpu.memory_space<hbm>>
      %dma_wait3A_171 = tpu.memref_slice %arg5[%add3A_98] : memref<800000xi32, #tpu.memory_space<hbm>> -> memref<10000xi32, #tpu.memory_space<hbm>>
      tpu.wait_dma2 semaphore(%run_scoped3A : memref<!tpu.dma_semaphore, #tpu.memory_space<semaphore_mem>>) src(%dma_wait3A_171 : memref<10000xi32, #tpu.memory_space<hbm>>) dst(%arg9 : memref<10000xi32, #tpu.memory_space<vmem>>)
      tpu.yield
    }) : () -> ()
    "tpu.region"() ({
      %run_scoped3A = tpu.sem_alloc : memref<!tpu.dma_semaphore, #tpu.memory_space<semaphore_mem>>
      %dma_start3A = arith.constant 0 : i32
      %dma_start3A_170 = tpu.memref_slice %arg23[%dma_start3A] : memref<50176xf32, #tpu.memory_space<vmem_shared>> -> memref<50176xf32, #tpu.memory_space<vmem_shared>>
      tpu.enqueue_indirect_dma source(%dma_start3A_170 : memref<50176xf32, #tpu.memory_space<vmem_shared>>) target(%arg10 : memref<10000xf32, #tpu.memory_space<vmem>>) offsets(%arg8 : memref<10000xi32, #tpu.memory_space<vmem>>) semaphore(%run_scoped3A : memref<!tpu.dma_semaphore, #tpu.memory_space<semaphore_mem>>)
      %dma_wait3A = arith.constant 0 : i32
      %dma_wait3A_171 = tpu.memref_slice %arg23[%dma_wait3A] : memref<50176xf32, #tpu.memory_space<vmem_shared>> -> memref<50176xf32, #tpu.memory_space<vmem_shared>>
      tpu.wait_indirect_dma semaphore(%run_scoped3A : memref<!tpu.dma_semaphore, #tpu.memory_space<semaphore_mem>>) src(%dma_wait3A_171 : memref<50176xf32, #tpu.memory_space<vmem_shared>>) dst(%arg10 : memref<10000xf32, #tpu.memory_space<vmem>>)
      tpu.yield
    }) : () -> ()
    "tpu.region"() ({
      %run_scoped3A = tpu.sem_alloc : memref<!tpu.dma_semaphore, #tpu.memory_space<semaphore_mem>>
      %dma_start3A = arith.constant 0 : i32
      %dma_start3A_170 = tpu.memref_slice %arg24[%dma_start3A] : memref<50176xf32, #tpu.memory_space<vmem_shared>> -> memref<50176xf32, #tpu.memory_space<vmem_shared>>
      tpu.enqueue_indirect_dma source(%dma_start3A_170 : memref<50176xf32, #tpu.memory_space<vmem_shared>>) target(%arg11 : memref<10000xf32, #tpu.memory_space<vmem>>) offsets(%arg9 : memref<10000xi32, #tpu.memory_space<vmem>>) semaphore(%run_scoped3A : memref<!tpu.dma_semaphore, #tpu.memory_space<semaphore_mem>>)
      %dma_wait3A = arith.constant 0 : i32
      %dma_wait3A_171 = tpu.memref_slice %arg24[%dma_wait3A] : memref<50176xf32, #tpu.memory_space<vmem_shared>> -> memref<50176xf32, #tpu.memory_space<vmem_shared>>
      tpu.wait_indirect_dma semaphore(%run_scoped3A : memref<!tpu.dma_semaphore, #tpu.memory_space<semaphore_mem>>) src(%dma_wait3A_171 : memref<50176xf32, #tpu.memory_space<vmem_shared>>) dst(%arg11 : memref<10000xf32, #tpu.memory_space<vmem>>)
      tpu.yield
    }) : () -> ()
    "tpu.region"() ({
      %run_scoped3A = tpu.sem_alloc : memref<!tpu.dma_semaphore, #tpu.memory_space<semaphore_mem>>
      %dma_start3A = arith.constant 0 : i32
      %dma_start3A_170 = tpu.memref_slice %arg29[%dma_start3A] : memref<50176xf32, #tpu.memory_space<vmem_shared>> -> memref<50176xf32, #tpu.memory_space<vmem_shared>>
      tpu.enqueue_indirect_dma source(%dma_start3A_170 : memref<50176xf32, #tpu.memory_space<vmem_shared>>) target(%arg12 : memref<10000xf32, #tpu.memory_space<vmem>>) offsets(%arg9 : memref<10000xi32, #tpu.memory_space<vmem>>) semaphore(%run_scoped3A : memref<!tpu.dma_semaphore, #tpu.memory_space<semaphore_mem>>)
      %dma_wait3A = arith.constant 0 : i32
      %dma_wait3A_171 = tpu.memref_slice %arg29[%dma_wait3A] : memref<50176xf32, #tpu.memory_space<vmem_shared>> -> memref<50176xf32, #tpu.memory_space<vmem_shared>>
      tpu.wait_indirect_dma semaphore(%run_scoped3A : memref<!tpu.dma_semaphore, #tpu.memory_space<semaphore_mem>>) src(%dma_wait3A_171 : memref<50176xf32, #tpu.memory_space<vmem_shared>>) dst(%arg12 : memref<10000xf32, #tpu.memory_space<vmem>>)
      tpu.yield
    }) : () -> ()
    %scan3A_99 = arith.constant 0 : i32
    %scan3A_100 = arith.constant 0 : i32
    %scan3A_101 = arith.constant 625 : i32
    %scan3A_102 = arith.addi %scan3A_100, %scan3A_101 : i32
    %scan3A_103 = arith.constant 1 : i32
    %scan3A_104 = scf.for %scan3A_170 = %scan3A_100 to %scan3A_102 step %scan3A_103 iter_args(%scan3A_171 = %scan3A_99) -> (i32)  : i32 {
      %mul3A_172 = arith.constant 16 : i32
      %mul3A_173 = arith.muli %scan3A_170, %mul3A_172 : i32
      %get3A_174 = arith.index_cast %mul3A_173 : i32 to index
      %get3A_175 = tpu.vector_load %arg10[%get3A_174] {strides = array<i32>} : memref<10000xf32, #tpu.memory_space<vmem>>, vector<16xf32>,
      %get3A_176 = vector.shape_cast %get3A_175 : vector<16xf32> to vector<16xf32>
      %mul3A_177 = vector.broadcast %squeeze3A : f32 to vector<16xf32>
      %mul3A_178 = arith.mulf %mul3A_177, %get3A_176 : vector<16xf32>
      %get3A_179 = arith.index_cast %mul3A_173 : i32 to index
      %get3A_180 = tpu.vector_load %arg11[%get3A_179] {strides = array<i32>} : memref<10000xf32, #tpu.memory_space<vmem>>, vector<16xf32>,
      %get3A_181 = vector.shape_cast %get3A_180 : vector<16xf32> to vector<16xf32>
      %mul3A_182 = vector.broadcast %squeeze3A_19 : f32 to vector<16xf32>
      %mul3A_183 = arith.mulf %mul3A_182, %get3A_181 : vector<16xf32>
      %add3A_184 = arith.addf %mul3A_178, %mul3A_183 : vector<16xf32>
      %ge3A = arith.constant 0.000000e+00 : f32
      %ge3A_185 = vector.broadcast %ge3A : f32 to vector<16xf32>
      %ge3A_186 = arith.cmpf oge, %add3A_184, %ge3A_185 : vector<16xf32>
      %mul3A_187 = arith.constant 2.000000e-01 : f32
      %mul3A_188 = vector.broadcast %mul3A_187 : f32 to vector<16xf32>
      %mul3A_189 = arith.mulf %mul3A_188, %add3A_184 : vector<16xf32>
      %select_n3A = arith.select %ge3A_186, %add3A_184, %mul3A_189 : vector<16xi1>, vector<16xf32>
      %get3A_190 = arith.index_cast %mul3A_173 : i32 to index
      %get3A_191 = tpu.vector_load %arg12[%get3A_190] {strides = array<i32>} : memref<10000xf32, #tpu.memory_space<vmem>>, vector<16xf32>,
      %get3A_192 = vector.shape_cast %get3A_191 : vector<16xf32> to vector<16xf32>
      %exp3A = math.exp %select_n3A : vector<16xf32>
      %mul3A_193 = arith.mulf %get3A_192, %exp3A : vector<16xf32>
      %swap3A = arith.index_cast %mul3A_173 : i32 to index
      %swap3A_194 = tpu.vector_load %arg10[%swap3A] {strides = array<i32>} : memref<10000xf32, #tpu.memory_space<vmem>>, vector<16xf32>,
      %swap3A_195 = vector.shape_cast %swap3A_194 : vector<16xf32> to vector<16xf32>
      %swap3A_196 = vector.shape_cast %mul3A_193 : vector<16xf32> to vector<16xf32>
      tpu.vector_store %arg10[%swap3A], %swap3A_196 {strides = array<i32>} : memref<10000xf32, #tpu.memory_space<vmem>>, vector<16xf32>,
      %scan3A_197 = arith.constant 0 : i32
      scf.yield %scan3A_197 : i32
    }
    %scan3A_105 = arith.constant 625 : i32
    "tpu.region"() ({
      %run_scoped3A = tpu.sem_alloc : memref<!tpu.dma_semaphore, #tpu.memory_space<semaphore_mem>>
      %dma_start3A = arith.constant 0 : i32
      %dma_start3A_170 = tpu.memref_slice %arg25[%dma_start3A] : memref<50176xf32, #tpu.memory_space<vmem_shared>> -> memref<50176xf32, #tpu.memory_space<vmem_shared>>
      tpu.enqueue_indirect_dma source(%arg10 : memref<10000xf32, #tpu.memory_space<vmem>>) target(%dma_start3A_170 : memref<50176xf32, #tpu.memory_space<vmem_shared>>) offsets(%arg8 : memref<10000xi32, #tpu.memory_space<vmem>>) semaphore(%run_scoped3A : memref<!tpu.dma_semaphore, #tpu.memory_space<semaphore_mem>>) {add = true}
      %dma_wait3A = arith.constant 0 : i32
      %dma_wait3A_171 = tpu.memref_slice %arg25[%dma_wait3A] : memref<50176xf32, #tpu.memory_space<vmem_shared>> -> memref<50176xf32, #tpu.memory_space<vmem_shared>>
      tpu.wait_indirect_dma semaphore(%run_scoped3A : memref<!tpu.dma_semaphore, #tpu.memory_space<semaphore_mem>>) src(%arg10 : memref<10000xf32, #tpu.memory_space<vmem>>) dst(%dma_wait3A_171 : memref<50176xf32, #tpu.memory_space<vmem_shared>>)
      tpu.yield
    }) : () -> ()
    %add3A_106 = arith.constant 30000 : i32
    %add3A_107 = arith.addi %mul3A_2, %add3A_106 : i32
    "tpu.region"() ({
      %run_scoped3A = tpu.sem_alloc : memref<!tpu.dma_semaphore, #tpu.memory_space<semaphore_mem>>
      %dma_start3A = tpu.memref_slice %arg4[%add3A_107] : memref<800000xi32, #tpu.memory_space<hbm>> -> memref<10000xi32, #tpu.memory_space<hbm>>
      %dma_start3A_170 = tpu.memref_slice %arg4[%add3A_107] : memref<800000xi32, #tpu.memory_space<hbm>> -> memref<10000xi32, #tpu.memory_space<hbm>>
      tpu.enqueue_dma source(%dma_start3A_170 : memref<10000xi32, #tpu.memory_space<hbm>>) target(%arg8 : memref<10000xi32, #tpu.memory_space<vmem>>) target_semaphore(%run_scoped3A : memref<!tpu.dma_semaphore, #tpu.memory_space<semaphore_mem>>)
      %dma_wait3A = tpu.memref_slice %arg4[%add3A_107] : memref<800000xi32, #tpu.memory_space<hbm>> -> memref<10000xi32, #tpu.memory_space<hbm>>
      %dma_wait3A_171 = tpu.memref_slice %arg4[%add3A_107] : memref<800000xi32, #tpu.memory_space<hbm>> -> memref<10000xi32, #tpu.memory_space<hbm>>
      tpu.wait_dma2 semaphore(%run_scoped3A : memref<!tpu.dma_semaphore, #tpu.memory_space<semaphore_mem>>) src(%dma_wait3A_171 : memref<10000xi32, #tpu.memory_space<hbm>>) dst(%arg8 : memref<10000xi32, #tpu.memory_space<vmem>>)
      tpu.yield
    }) : () -> ()
    "tpu.region"() ({
      %run_scoped3A = tpu.sem_alloc : memref<!tpu.dma_semaphore, #tpu.memory_space<semaphore_mem>>
      %dma_start3A = tpu.memref_slice %arg5[%add3A_107] : memref<800000xi32, #tpu.memory_space<hbm>> -> memref<10000xi32, #tpu.memory_space<hbm>>
      %dma_start3A_170 = tpu.memref_slice %arg5[%add3A_107] : memref<800000xi32, #tpu.memory_space<hbm>> -> memref<10000xi32, #tpu.memory_space<hbm>>
      tpu.enqueue_dma source(%dma_start3A_170 : memref<10000xi32, #tpu.memory_space<hbm>>) target(%arg9 : memref<10000xi32, #tpu.memory_space<vmem>>) target_semaphore(%run_scoped3A : memref<!tpu.dma_semaphore, #tpu.memory_space<semaphore_mem>>)
      %dma_wait3A = tpu.memref_slice %arg5[%add3A_107] : memref<800000xi32, #tpu.memory_space<hbm>> -> memref<10000xi32, #tpu.memory_space<hbm>>
      %dma_wait3A_171 = tpu.memref_slice %arg5[%add3A_107] : memref<800000xi32, #tpu.memory_space<hbm>> -> memref<10000xi32, #tpu.memory_space<hbm>>
      tpu.wait_dma2 semaphore(%run_scoped3A : memref<!tpu.dma_semaphore, #tpu.memory_space<semaphore_mem>>) src(%dma_wait3A_171 : memref<10000xi32, #tpu.memory_space<hbm>>) dst(%arg9 : memref<10000xi32, #tpu.memory_space<vmem>>)
      tpu.yield
    }) : () -> ()
    "tpu.region"() ({
      %run_scoped3A = tpu.sem_alloc : memref<!tpu.dma_semaphore, #tpu.memory_space<semaphore_mem>>
      %dma_start3A = arith.constant 0 : i32
      %dma_start3A_170 = tpu.memref_slice %arg23[%dma_start3A] : memref<50176xf32, #tpu.memory_space<vmem_shared>> -> memref<50176xf32, #tpu.memory_space<vmem_shared>>
      tpu.enqueue_indirect_dma source(%dma_start3A_170 : memref<50176xf32, #tpu.memory_space<vmem_shared>>) target(%arg10 : memref<10000xf32, #tpu.memory_space<vmem>>) offsets(%arg8 : memref<10000xi32, #tpu.memory_space<vmem>>) semaphore(%run_scoped3A : memref<!tpu.dma_semaphore, #tpu.memory_space<semaphore_mem>>)
      %dma_wait3A = arith.constant 0 : i32
      %dma_wait3A_171 = tpu.memref_slice %arg23[%dma_wait3A] : memref<50176xf32, #tpu.memory_space<vmem_shared>> -> memref<50176xf32, #tpu.memory_space<vmem_shared>>
      tpu.wait_indirect_dma semaphore(%run_scoped3A : memref<!tpu.dma_semaphore, #tpu.memory_space<semaphore_mem>>) src(%dma_wait3A_171 : memref<50176xf32, #tpu.memory_space<vmem_shared>>) dst(%arg10 : memref<10000xf32, #tpu.memory_space<vmem>>)
      tpu.yield
    }) : () -> ()
    "tpu.region"() ({
      %run_scoped3A = tpu.sem_alloc : memref<!tpu.dma_semaphore, #tpu.memory_space<semaphore_mem>>
      %dma_start3A = arith.constant 0 : i32
      %dma_start3A_170 = tpu.memref_slice %arg24[%dma_start3A] : memref<50176xf32, #tpu.memory_space<vmem_shared>> -> memref<50176xf32, #tpu.memory_space<vmem_shared>>
      tpu.enqueue_indirect_dma source(%dma_start3A_170 : memref<50176xf32, #tpu.memory_space<vmem_shared>>) target(%arg11 : memref<10000xf32, #tpu.memory_space<vmem>>) offsets(%arg9 : memref<10000xi32, #tpu.memory_space<vmem>>) semaphore(%run_scoped3A : memref<!tpu.dma_semaphore, #tpu.memory_space<semaphore_mem>>)
      %dma_wait3A = arith.constant 0 : i32
      %dma_wait3A_171 = tpu.memref_slice %arg24[%dma_wait3A] : memref<50176xf32, #tpu.memory_space<vmem_shared>> -> memref<50176xf32, #tpu.memory_space<vmem_shared>>
      tpu.wait_indirect_dma semaphore(%run_scoped3A : memref<!tpu.dma_semaphore, #tpu.memory_space<semaphore_mem>>) src(%dma_wait3A_171 : memref<50176xf32, #tpu.memory_space<vmem_shared>>) dst(%arg11 : memref<10000xf32, #tpu.memory_space<vmem>>)
      tpu.yield
    }) : () -> ()
    "tpu.region"() ({
      %run_scoped3A = tpu.sem_alloc : memref<!tpu.dma_semaphore, #tpu.memory_space<semaphore_mem>>
      %dma_start3A = arith.constant 0 : i32
      %dma_start3A_170 = tpu.memref_slice %arg29[%dma_start3A] : memref<50176xf32, #tpu.memory_space<vmem_shared>> -> memref<50176xf32, #tpu.memory_space<vmem_shared>>
      tpu.enqueue_indirect_dma source(%dma_start3A_170 : memref<50176xf32, #tpu.memory_space<vmem_shared>>) target(%arg12 : memref<10000xf32, #tpu.memory_space<vmem>>) offsets(%arg9 : memref<10000xi32, #tpu.memory_space<vmem>>) semaphore(%run_scoped3A : memref<!tpu.dma_semaphore, #tpu.memory_space<semaphore_mem>>)
      %dma_wait3A = arith.constant 0 : i32
      %dma_wait3A_171 = tpu.memref_slice %arg29[%dma_wait3A] : memref<50176xf32, #tpu.memory_space<vmem_shared>> -> memref<50176xf32, #tpu.memory_space<vmem_shared>>
      tpu.wait_indirect_dma semaphore(%run_scoped3A : memref<!tpu.dma_semaphore, #tpu.memory_space<semaphore_mem>>) src(%dma_wait3A_171 : memref<50176xf32, #tpu.memory_space<vmem_shared>>) dst(%arg12 : memref<10000xf32, #tpu.memory_space<vmem>>)
      tpu.yield
    }) : () -> ()
    %scan3A_108 = arith.constant 0 : i32
    %scan3A_109 = arith.constant 0 : i32
    %scan3A_110 = arith.constant 625 : i32
    %scan3A_111 = arith.addi %scan3A_109, %scan3A_110 : i32
    %scan3A_112 = arith.constant 1 : i32
    %scan3A_113 = scf.for %scan3A_170 = %scan3A_109 to %scan3A_111 step %scan3A_112 iter_args(%scan3A_171 = %scan3A_108) -> (i32)  : i32 {
      %mul3A_172 = arith.constant 16 : i32
      %mul3A_173 = arith.muli %scan3A_170, %mul3A_172 : i32
      %get3A_174 = arith.index_cast %mul3A_173 : i32 to index
      %get3A_175 = tpu.vector_load %arg10[%get3A_174] {strides = array<i32>} : memref<10000xf32, #tpu.memory_space<vmem>>, vector<16xf32>,
      %get3A_176 = vector.shape_cast %get3A_175 : vector<16xf32> to vector<16xf32>
      %mul3A_177 = vector.broadcast %squeeze3A : f32 to vector<16xf32>
      %mul3A_178 = arith.mulf %mul3A_177, %get3A_176 : vector<16xf32>
      %get3A_179 = arith.index_cast %mul3A_173 : i32 to index
      %get3A_180 = tpu.vector_load %arg11[%get3A_179] {strides = array<i32>} : memref<10000xf32, #tpu.memory_space<vmem>>, vector<16xf32>,
      %get3A_181 = vector.shape_cast %get3A_180 : vector<16xf32> to vector<16xf32>
      %mul3A_182 = vector.broadcast %squeeze3A_19 : f32 to vector<16xf32>
      %mul3A_183 = arith.mulf %mul3A_182, %get3A_181 : vector<16xf32>
      %add3A_184 = arith.addf %mul3A_178, %mul3A_183 : vector<16xf32>
      %ge3A = arith.constant 0.000000e+00 : f32
      %ge3A_185 = vector.broadcast %ge3A : f32 to vector<16xf32>
      %ge3A_186 = arith.cmpf oge, %add3A_184, %ge3A_185 : vector<16xf32>
      %mul3A_187 = arith.constant 2.000000e-01 : f32
      %mul3A_188 = vector.broadcast %mul3A_187 : f32 to vector<16xf32>
      %mul3A_189 = arith.mulf %mul3A_188, %add3A_184 : vector<16xf32>
      %select_n3A = arith.select %ge3A_186, %add3A_184, %mul3A_189 : vector<16xi1>, vector<16xf32>
      %get3A_190 = arith.index_cast %mul3A_173 : i32 to index
      %get3A_191 = tpu.vector_load %arg12[%get3A_190] {strides = array<i32>} : memref<10000xf32, #tpu.memory_space<vmem>>, vector<16xf32>,
      %get3A_192 = vector.shape_cast %get3A_191 : vector<16xf32> to vector<16xf32>
      %exp3A = math.exp %select_n3A : vector<16xf32>
      %mul3A_193 = arith.mulf %get3A_192, %exp3A : vector<16xf32>
      %swap3A = arith.index_cast %mul3A_173 : i32 to index
      %swap3A_194 = tpu.vector_load %arg10[%swap3A] {strides = array<i32>} : memref<10000xf32, #tpu.memory_space<vmem>>, vector<16xf32>,
      %swap3A_195 = vector.shape_cast %swap3A_194 : vector<16xf32> to vector<16xf32>
      %swap3A_196 = vector.shape_cast %mul3A_193 : vector<16xf32> to vector<16xf32>
      tpu.vector_store %arg10[%swap3A], %swap3A_196 {strides = array<i32>} : memref<10000xf32, #tpu.memory_space<vmem>>, vector<16xf32>,
      %scan3A_197 = arith.constant 0 : i32
      scf.yield %scan3A_197 : i32
    }
    %scan3A_114 = arith.constant 625 : i32
    "tpu.region"() ({
      %run_scoped3A = tpu.sem_alloc : memref<!tpu.dma_semaphore, #tpu.memory_space<semaphore_mem>>
      %dma_start3A = arith.constant 0 : i32
      %dma_start3A_170 = tpu.memref_slice %arg25[%dma_start3A] : memref<50176xf32, #tpu.memory_space<vmem_shared>> -> memref<50176xf32, #tpu.memory_space<vmem_shared>>
      tpu.enqueue_indirect_dma source(%arg10 : memref<10000xf32, #tpu.memory_space<vmem>>) target(%dma_start3A_170 : memref<50176xf32, #tpu.memory_space<vmem_shared>>) offsets(%arg8 : memref<10000xi32, #tpu.memory_space<vmem>>) semaphore(%run_scoped3A : memref<!tpu.dma_semaphore, #tpu.memory_space<semaphore_mem>>) {add = true}
      %dma_wait3A = arith.constant 0 : i32
      %dma_wait3A_171 = tpu.memref_slice %arg25[%dma_wait3A] : memref<50176xf32, #tpu.memory_space<vmem_shared>> -> memref<50176xf32, #tpu.memory_space<vmem_shared>>
      tpu.wait_indirect_dma semaphore(%run_scoped3A : memref<!tpu.dma_semaphore, #tpu.memory_space<semaphore_mem>>) src(%arg10 : memref<10000xf32, #tpu.memory_space<vmem>>) dst(%dma_wait3A_171 : memref<50176xf32, #tpu.memory_space<vmem_shared>>)
      tpu.yield
    }) : () -> ()
    %add3A_115 = arith.constant 40000 : i32
    %add3A_116 = arith.addi %mul3A_2, %add3A_115 : i32
    "tpu.region"() ({
      %run_scoped3A = tpu.sem_alloc : memref<!tpu.dma_semaphore, #tpu.memory_space<semaphore_mem>>
      %dma_start3A = tpu.memref_slice %arg4[%add3A_116] : memref<800000xi32, #tpu.memory_space<hbm>> -> memref<10000xi32, #tpu.memory_space<hbm>>
      %dma_start3A_170 = tpu.memref_slice %arg4[%add3A_116] : memref<800000xi32, #tpu.memory_space<hbm>> -> memref<10000xi32, #tpu.memory_space<hbm>>
      tpu.enqueue_dma source(%dma_start3A_170 : memref<10000xi32, #tpu.memory_space<hbm>>) target(%arg8 : memref<10000xi32, #tpu.memory_space<vmem>>) target_semaphore(%run_scoped3A : memref<!tpu.dma_semaphore, #tpu.memory_space<semaphore_mem>>)
      %dma_wait3A = tpu.memref_slice %arg4[%add3A_116] : memref<800000xi32, #tpu.memory_space<hbm>> -> memref<10000xi32, #tpu.memory_space<hbm>>
      %dma_wait3A_171 = tpu.memref_slice %arg4[%add3A_116] : memref<800000xi32, #tpu.memory_space<hbm>> -> memref<10000xi32, #tpu.memory_space<hbm>>
      tpu.wait_dma2 semaphore(%run_scoped3A : memref<!tpu.dma_semaphore, #tpu.memory_space<semaphore_mem>>) src(%dma_wait3A_171 : memref<10000xi32, #tpu.memory_space<hbm>>) dst(%arg8 : memref<10000xi32, #tpu.memory_space<vmem>>)
      tpu.yield
    }) : () -> ()
    "tpu.region"() ({
      %run_scoped3A = tpu.sem_alloc : memref<!tpu.dma_semaphore, #tpu.memory_space<semaphore_mem>>
      %dma_start3A = tpu.memref_slice %arg5[%add3A_116] : memref<800000xi32, #tpu.memory_space<hbm>> -> memref<10000xi32, #tpu.memory_space<hbm>>
      %dma_start3A_170 = tpu.memref_slice %arg5[%add3A_116] : memref<800000xi32, #tpu.memory_space<hbm>> -> memref<10000xi32, #tpu.memory_space<hbm>>
      tpu.enqueue_dma source(%dma_start3A_170 : memref<10000xi32, #tpu.memory_space<hbm>>) target(%arg9 : memref<10000xi32, #tpu.memory_space<vmem>>) target_semaphore(%run_scoped3A : memref<!tpu.dma_semaphore, #tpu.memory_space<semaphore_mem>>)
      %dma_wait3A = tpu.memref_slice %arg5[%add3A_116] : memref<800000xi32, #tpu.memory_space<hbm>> -> memref<10000xi32, #tpu.memory_space<hbm>>
      %dma_wait3A_171 = tpu.memref_slice %arg5[%add3A_116] : memref<800000xi32, #tpu.memory_space<hbm>> -> memref<10000xi32, #tpu.memory_space<hbm>>
      tpu.wait_dma2 semaphore(%run_scoped3A : memref<!tpu.dma_semaphore, #tpu.memory_space<semaphore_mem>>) src(%dma_wait3A_171 : memref<10000xi32, #tpu.memory_space<hbm>>) dst(%arg9 : memref<10000xi32, #tpu.memory_space<vmem>>)
      tpu.yield
    }) : () -> ()
    "tpu.region"() ({
      %run_scoped3A = tpu.sem_alloc : memref<!tpu.dma_semaphore, #tpu.memory_space<semaphore_mem>>
      %dma_start3A = arith.constant 0 : i32
      %dma_start3A_170 = tpu.memref_slice %arg23[%dma_start3A] : memref<50176xf32, #tpu.memory_space<vmem_shared>> -> memref<50176xf32, #tpu.memory_space<vmem_shared>>
      tpu.enqueue_indirect_dma source(%dma_start3A_170 : memref<50176xf32, #tpu.memory_space<vmem_shared>>) target(%arg10 : memref<10000xf32, #tpu.memory_space<vmem>>) offsets(%arg8 : memref<10000xi32, #tpu.memory_space<vmem>>) semaphore(%run_scoped3A : memref<!tpu.dma_semaphore, #tpu.memory_space<semaphore_mem>>)
      %dma_wait3A = arith.constant 0 : i32
      %dma_wait3A_171 = tpu.memref_slice %arg23[%dma_wait3A] : memref<50176xf32, #tpu.memory_space<vmem_shared>> -> memref<50176xf32, #tpu.memory_space<vmem_shared>>
      tpu.wait_indirect_dma semaphore(%run_scoped3A : memref<!tpu.dma_semaphore, #tpu.memory_space<semaphore_mem>>) src(%dma_wait3A_171 : memref<50176xf32, #tpu.memory_space<vmem_shared>>) dst(%arg10 : memref<10000xf32, #tpu.memory_space<vmem>>)
      tpu.yield
    }) : () -> ()
    "tpu.region"() ({
      %run_scoped3A = tpu.sem_alloc : memref<!tpu.dma_semaphore, #tpu.memory_space<semaphore_mem>>
      %dma_start3A = arith.constant 0 : i32
      %dma_start3A_170 = tpu.memref_slice %arg24[%dma_start3A] : memref<50176xf32, #tpu.memory_space<vmem_shared>> -> memref<50176xf32, #tpu.memory_space<vmem_shared>>
      tpu.enqueue_indirect_dma source(%dma_start3A_170 : memref<50176xf32, #tpu.memory_space<vmem_shared>>) target(%arg11 : memref<10000xf32, #tpu.memory_space<vmem>>) offsets(%arg9 : memref<10000xi32, #tpu.memory_space<vmem>>) semaphore(%run_scoped3A : memref<!tpu.dma_semaphore, #tpu.memory_space<semaphore_mem>>)
      %dma_wait3A = arith.constant 0 : i32
      %dma_wait3A_171 = tpu.memref_slice %arg24[%dma_wait3A] : memref<50176xf32, #tpu.memory_space<vmem_shared>> -> memref<50176xf32, #tpu.memory_space<vmem_shared>>
      tpu.wait_indirect_dma semaphore(%run_scoped3A : memref<!tpu.dma_semaphore, #tpu.memory_space<semaphore_mem>>) src(%dma_wait3A_171 : memref<50176xf32, #tpu.memory_space<vmem_shared>>) dst(%arg11 : memref<10000xf32, #tpu.memory_space<vmem>>)
      tpu.yield
    }) : () -> ()
    "tpu.region"() ({
      %run_scoped3A = tpu.sem_alloc : memref<!tpu.dma_semaphore, #tpu.memory_space<semaphore_mem>>
      %dma_start3A = arith.constant 0 : i32
      %dma_start3A_170 = tpu.memref_slice %arg29[%dma_start3A] : memref<50176xf32, #tpu.memory_space<vmem_shared>> -> memref<50176xf32, #tpu.memory_space<vmem_shared>>
      tpu.enqueue_indirect_dma source(%dma_start3A_170 : memref<50176xf32, #tpu.memory_space<vmem_shared>>) target(%arg12 : memref<10000xf32, #tpu.memory_space<vmem>>) offsets(%arg9 : memref<10000xi32, #tpu.memory_space<vmem>>) semaphore(%run_scoped3A : memref<!tpu.dma_semaphore, #tpu.memory_space<semaphore_mem>>)
      %dma_wait3A = arith.constant 0 : i32
      %dma_wait3A_171 = tpu.memref_slice %arg29[%dma_wait3A] : memref<50176xf32, #tpu.memory_space<vmem_shared>> -> memref<50176xf32, #tpu.memory_space<vmem_shared>>
      tpu.wait_indirect_dma semaphore(%run_scoped3A : memref<!tpu.dma_semaphore, #tpu.memory_space<semaphore_mem>>) src(%dma_wait3A_171 : memref<50176xf32, #tpu.memory_space<vmem_shared>>) dst(%arg12 : memref<10000xf32, #tpu.memory_space<vmem>>)
      tpu.yield
    }) : () -> ()
    %scan3A_117 = arith.constant 0 : i32
    %scan3A_118 = arith.constant 0 : i32
    %scan3A_119 = arith.constant 625 : i32
    %scan3A_120 = arith.addi %scan3A_118, %scan3A_119 : i32
    %scan3A_121 = arith.constant 1 : i32
    %scan3A_122 = scf.for %scan3A_170 = %scan3A_118 to %scan3A_120 step %scan3A_121 iter_args(%scan3A_171 = %scan3A_117) -> (i32)  : i32 {
      %mul3A_172 = arith.constant 16 : i32
      %mul3A_173 = arith.muli %scan3A_170, %mul3A_172 : i32
      %get3A_174 = arith.index_cast %mul3A_173 : i32 to index
      %get3A_175 = tpu.vector_load %arg10[%get3A_174] {strides = array<i32>} : memref<10000xf32, #tpu.memory_space<vmem>>, vector<16xf32>,
      %get3A_176 = vector.shape_cast %get3A_175 : vector<16xf32> to vector<16xf32>
      %mul3A_177 = vector.broadcast %squeeze3A : f32 to vector<16xf32>
      %mul3A_178 = arith.mulf %mul3A_177, %get3A_176 : vector<16xf32>
      %get3A_179 = arith.index_cast %mul3A_173 : i32 to index
      %get3A_180 = tpu.vector_load %arg11[%get3A_179] {strides = array<i32>} : memref<10000xf32, #tpu.memory_space<vmem>>, vector<16xf32>,
      %get3A_181 = vector.shape_cast %get3A_180 : vector<16xf32> to vector<16xf32>
      %mul3A_182 = vector.broadcast %squeeze3A_19 : f32 to vector<16xf32>
      %mul3A_183 = arith.mulf %mul3A_182, %get3A_181 : vector<16xf32>
      %add3A_184 = arith.addf %mul3A_178, %mul3A_183 : vector<16xf32>
      %ge3A = arith.constant 0.000000e+00 : f32
      %ge3A_185 = vector.broadcast %ge3A : f32 to vector<16xf32>
      %ge3A_186 = arith.cmpf oge, %add3A_184, %ge3A_185 : vector<16xf32>
      %mul3A_187 = arith.constant 2.000000e-01 : f32
      %mul3A_188 = vector.broadcast %mul3A_187 : f32 to vector<16xf32>
      %mul3A_189 = arith.mulf %mul3A_188, %add3A_184 : vector<16xf32>
      %select_n3A = arith.select %ge3A_186, %add3A_184, %mul3A_189 : vector<16xi1>, vector<16xf32>
      %get3A_190 = arith.index_cast %mul3A_173 : i32 to index
      %get3A_191 = tpu.vector_load %arg12[%get3A_190] {strides = array<i32>} : memref<10000xf32, #tpu.memory_space<vmem>>, vector<16xf32>,
      %get3A_192 = vector.shape_cast %get3A_191 : vector<16xf32> to vector<16xf32>
      %exp3A = math.exp %select_n3A : vector<16xf32>
      %mul3A_193 = arith.mulf %get3A_192, %exp3A : vector<16xf32>
      %swap3A = arith.index_cast %mul3A_173 : i32 to index
      %swap3A_194 = tpu.vector_load %arg10[%swap3A] {strides = array<i32>} : memref<10000xf32, #tpu.memory_space<vmem>>, vector<16xf32>,
      %swap3A_195 = vector.shape_cast %swap3A_194 : vector<16xf32> to vector<16xf32>
      %swap3A_196 = vector.shape_cast %mul3A_193 : vector<16xf32> to vector<16xf32>
      tpu.vector_store %arg10[%swap3A], %swap3A_196 {strides = array<i32>} : memref<10000xf32, #tpu.memory_space<vmem>>, vector<16xf32>,
      %scan3A_197 = arith.constant 0 : i32
      scf.yield %scan3A_197 : i32
    }
    %scan3A_123 = arith.constant 625 : i32
    "tpu.region"() ({
      %run_scoped3A = tpu.sem_alloc : memref<!tpu.dma_semaphore, #tpu.memory_space<semaphore_mem>>
      %dma_start3A = arith.constant 0 : i32
      %dma_start3A_170 = tpu.memref_slice %arg25[%dma_start3A] : memref<50176xf32, #tpu.memory_space<vmem_shared>> -> memref<50176xf32, #tpu.memory_space<vmem_shared>>
      tpu.enqueue_indirect_dma source(%arg10 : memref<10000xf32, #tpu.memory_space<vmem>>) target(%dma_start3A_170 : memref<50176xf32, #tpu.memory_space<vmem_shared>>) offsets(%arg8 : memref<10000xi32, #tpu.memory_space<vmem>>) semaphore(%run_scoped3A : memref<!tpu.dma_semaphore, #tpu.memory_space<semaphore_mem>>) {add = true}
      %dma_wait3A = arith.constant 0 : i32
      %dma_wait3A_171 = tpu.memref_slice %arg25[%dma_wait3A] : memref<50176xf32, #tpu.memory_space<vmem_shared>> -> memref<50176xf32, #tpu.memory_space<vmem_shared>>
      tpu.wait_indirect_dma semaphore(%run_scoped3A : memref<!tpu.dma_semaphore, #tpu.memory_space<semaphore_mem>>) src(%arg10 : memref<10000xf32, #tpu.memory_space<vmem>>) dst(%dma_wait3A_171 : memref<50176xf32, #tpu.memory_space<vmem_shared>>)
      tpu.yield
    }) : () -> ()
    %barrier3A_124 = arith.constant 0 : index
    tpu.barrier barrier_id(%barrier3A_124)
    "tpu.region"() ({
      %run_scoped3A = tpu.sem_alloc : memref<!tpu.dma_semaphore, #tpu.memory_space<semaphore_mem>>
      %dma_start3A = tpu.memref_slice %arg25[%mul3A_0] : memref<50176xf32, #tpu.memory_space<vmem_shared>> -> memref<3136xf32, #tpu.memory_space<vmem_shared>>
      %dma_start3A_170 = tpu.memref_slice %arg25[%mul3A_0] : memref<50176xf32, #tpu.memory_space<vmem_shared>> -> memref<3136xf32, #tpu.memory_space<vmem_shared>>
      tpu.enqueue_dma source(%dma_start3A_170 : memref<3136xf32, #tpu.memory_space<vmem_shared>>) target(%arg14 : memref<3136xf32, #tpu.memory_space<vmem>>) target_semaphore(%run_scoped3A : memref<!tpu.dma_semaphore, #tpu.memory_space<semaphore_mem>>)
      %dma_wait3A = tpu.memref_slice %arg25[%mul3A_0] : memref<50176xf32, #tpu.memory_space<vmem_shared>> -> memref<3136xf32, #tpu.memory_space<vmem_shared>>
      %dma_wait3A_171 = tpu.memref_slice %arg25[%mul3A_0] : memref<50176xf32, #tpu.memory_space<vmem_shared>> -> memref<3136xf32, #tpu.memory_space<vmem_shared>>
      tpu.wait_dma2 semaphore(%run_scoped3A : memref<!tpu.dma_semaphore, #tpu.memory_space<semaphore_mem>>) src(%dma_wait3A_171 : memref<3136xf32, #tpu.memory_space<vmem_shared>>) dst(%arg14 : memref<3136xf32, #tpu.memory_space<vmem>>)
      tpu.yield
    }) : () -> ()
    %scan3A_125 = arith.constant 0 : i32
    %scan3A_126 = arith.constant 0 : i32
    %scan3A_127 = arith.constant 196 : i32
    %scan3A_128 = arith.addi %scan3A_126, %scan3A_127 : i32
    %scan3A_129 = arith.constant 1 : i32
    %scan3A_130 = scf.for %scan3A_170 = %scan3A_126 to %scan3A_128 step %scan3A_129 iter_args(%scan3A_171 = %scan3A_125) -> (i32)  : i32 {
      %mul3A_172 = arith.constant 16 : i32
      %mul3A_173 = arith.muli %scan3A_170, %mul3A_172 : i32
      %get3A_174 = arith.index_cast %mul3A_173 : i32 to index
      %get3A_175 = tpu.vector_load %arg20[%get3A_174] {strides = array<i32>} : memref<3136xf32, #tpu.memory_space<vmem>>, vector<16xf32>,
      %get3A_176 = vector.shape_cast %get3A_175 : vector<16xf32> to vector<16xf32>
      %get3A_177 = arith.index_cast %mul3A_173 : i32 to index
      %get3A_178 = tpu.vector_load %arg14[%get3A_177] {strides = array<i32>} : memref<3136xf32, #tpu.memory_space<vmem>>, vector<16xf32>,
      %get3A_179 = vector.shape_cast %get3A_178 : vector<16xf32> to vector<16xf32>
      %mul3A_180 = arith.mulf %get3A_176, %get3A_179 : vector<16xf32>
      %add3A_181 = vector.broadcast %squeeze3A_23 : f32 to vector<16xf32>
      %add3A_182 = arith.addf %mul3A_180, %add3A_181 : vector<16xf32>
      %swap3A = arith.index_cast %mul3A_173 : i32 to index
      %swap3A_183 = tpu.vector_load %arg18[%swap3A] {strides = array<i32>} : memref<3136xf32, #tpu.memory_space<vmem>>, vector<16xf32>,
      %swap3A_184 = vector.shape_cast %swap3A_183 : vector<16xf32> to vector<16xf32>
      %swap3A_185 = vector.shape_cast %add3A_182 : vector<16xf32> to vector<16xf32>
      tpu.vector_store %arg18[%swap3A], %swap3A_185 {strides = array<i32>} : memref<3136xf32, #tpu.memory_space<vmem>>, vector<16xf32>,
      %scan3A_186 = arith.constant 0 : i32
      scf.yield %scan3A_186 : i32
    }
    %scan3A_131 = arith.constant 196 : i32
    "tpu.region"() ({
      %run_scoped3A = tpu.sem_alloc : memref<!tpu.dma_semaphore, #tpu.memory_space<semaphore_mem>>
      %dma_start3A = tpu.memref_slice %arg26[%mul3A_0] : memref<50176xf32, #tpu.memory_space<vmem_shared>> -> memref<3136xf32, #tpu.memory_space<vmem_shared>>
      %dma_start3A_170 = tpu.memref_slice %arg26[%mul3A_0] : memref<50176xf32, #tpu.memory_space<vmem_shared>> -> memref<3136xf32, #tpu.memory_space<vmem_shared>>
      tpu.enqueue_dma source(%arg18 : memref<3136xf32, #tpu.memory_space<vmem>>) target(%dma_start3A_170 : memref<3136xf32, #tpu.memory_space<vmem_shared>>) target_semaphore(%run_scoped3A : memref<!tpu.dma_semaphore, #tpu.memory_space<semaphore_mem>>)
      %dma_wait3A = tpu.memref_slice %arg26[%mul3A_0] : memref<50176xf32, #tpu.memory_space<vmem_shared>> -> memref<3136xf32, #tpu.memory_space<vmem_shared>>
      %dma_wait3A_171 = tpu.memref_slice %arg26[%mul3A_0] : memref<50176xf32, #tpu.memory_space<vmem_shared>> -> memref<3136xf32, #tpu.memory_space<vmem_shared>>
      tpu.wait_dma2 semaphore(%run_scoped3A : memref<!tpu.dma_semaphore, #tpu.memory_space<semaphore_mem>>) src(%arg18 : memref<3136xf32, #tpu.memory_space<vmem>>) dst(%dma_wait3A_171 : memref<3136xf32, #tpu.memory_space<vmem_shared>>)
      tpu.yield
    }) : () -> ()
    "tpu.region"() ({
      %run_scoped3A = tpu.sem_alloc : memref<!tpu.dma_semaphore, #tpu.memory_space<semaphore_mem>>
      %dma_start3A = tpu.memref_slice %arg23[%mul3A_0] : memref<50176xf32, #tpu.memory_space<vmem_shared>> -> memref<3136xf32, #tpu.memory_space<vmem_shared>>
      %dma_start3A_170 = tpu.memref_slice %arg23[%mul3A_0] : memref<50176xf32, #tpu.memory_space<vmem_shared>> -> memref<3136xf32, #tpu.memory_space<vmem_shared>>
      tpu.enqueue_dma source(%arg21 : memref<3136xf32, #tpu.memory_space<vmem>>) target(%dma_start3A_170 : memref<3136xf32, #tpu.memory_space<vmem_shared>>) target_semaphore(%run_scoped3A : memref<!tpu.dma_semaphore, #tpu.memory_space<semaphore_mem>>)
      %dma_wait3A = tpu.memref_slice %arg23[%mul3A_0] : memref<50176xf32, #tpu.memory_space<vmem_shared>> -> memref<3136xf32, #tpu.memory_space<vmem_shared>>
      %dma_wait3A_171 = tpu.memref_slice %arg23[%mul3A_0] : memref<50176xf32, #tpu.memory_space<vmem_shared>> -> memref<3136xf32, #tpu.memory_space<vmem_shared>>
      tpu.wait_dma2 semaphore(%run_scoped3A : memref<!tpu.dma_semaphore, #tpu.memory_space<semaphore_mem>>) src(%arg21 : memref<3136xf32, #tpu.memory_space<vmem>>) dst(%dma_wait3A_171 : memref<3136xf32, #tpu.memory_space<vmem_shared>>)
      tpu.yield
    }) : () -> ()
    %barrier3A_132 = arith.constant 0 : index
    tpu.barrier barrier_id(%barrier3A_132)
    %add3A_133 = arith.constant 0 : i32
    %add3A_134 = arith.addi %mul3A_2, %add3A_133 : i32
    "tpu.region"() ({
      %run_scoped3A = tpu.sem_alloc : memref<!tpu.dma_semaphore, #tpu.memory_space<semaphore_mem>>
      %dma_start3A = tpu.memref_slice %arg4[%add3A_134] : memref<800000xi32, #tpu.memory_space<hbm>> -> memref<10000xi32, #tpu.memory_space<hbm>>
      %dma_start3A_170 = tpu.memref_slice %arg4[%add3A_134] : memref<800000xi32, #tpu.memory_space<hbm>> -> memref<10000xi32, #tpu.memory_space<hbm>>
      tpu.enqueue_dma source(%dma_start3A_170 : memref<10000xi32, #tpu.memory_space<hbm>>) target(%arg8 : memref<10000xi32, #tpu.memory_space<vmem>>) target_semaphore(%run_scoped3A : memref<!tpu.dma_semaphore, #tpu.memory_space<semaphore_mem>>)
      %dma_wait3A = tpu.memref_slice %arg4[%add3A_134] : memref<800000xi32, #tpu.memory_space<hbm>> -> memref<10000xi32, #tpu.memory_space<hbm>>
      %dma_wait3A_171 = tpu.memref_slice %arg4[%add3A_134] : memref<800000xi32, #tpu.memory_space<hbm>> -> memref<10000xi32, #tpu.memory_space<hbm>>
      tpu.wait_dma2 semaphore(%run_scoped3A : memref<!tpu.dma_semaphore, #tpu.memory_space<semaphore_mem>>) src(%dma_wait3A_171 : memref<10000xi32, #tpu.memory_space<hbm>>) dst(%arg8 : memref<10000xi32, #tpu.memory_space<vmem>>)
      tpu.yield
    }) : () -> ()
    "tpu.region"() ({
      %run_scoped3A = tpu.sem_alloc : memref<!tpu.dma_semaphore, #tpu.memory_space<semaphore_mem>>
      %dma_start3A = tpu.memref_slice %arg5[%add3A_134] : memref<800000xi32, #tpu.memory_space<hbm>> -> memref<10000xi32, #tpu.memory_space<hbm>>
      %dma_start3A_170 = tpu.memref_slice %arg5[%add3A_134] : memref<800000xi32, #tpu.memory_space<hbm>> -> memref<10000xi32, #tpu.memory_space<hbm>>
      tpu.enqueue_dma source(%dma_start3A_170 : memref<10000xi32, #tpu.memory_space<hbm>>) target(%arg9 : memref<10000xi32, #tpu.memory_space<vmem>>) target_semaphore(%run_scoped3A : memref<!tpu.dma_semaphore, #tpu.memory_space<semaphore_mem>>)
      %dma_wait3A = tpu.memref_slice %arg5[%add3A_134] : memref<800000xi32, #tpu.memory_space<hbm>> -> memref<10000xi32, #tpu.memory_space<hbm>>
      %dma_wait3A_171 = tpu.memref_slice %arg5[%add3A_134] : memref<800000xi32, #tpu.memory_space<hbm>> -> memref<10000xi32, #tpu.memory_space<hbm>>
      tpu.wait_dma2 semaphore(%run_scoped3A : memref<!tpu.dma_semaphore, #tpu.memory_space<semaphore_mem>>) src(%dma_wait3A_171 : memref<10000xi32, #tpu.memory_space<hbm>>) dst(%arg9 : memref<10000xi32, #tpu.memory_space<vmem>>)
      tpu.yield
    }) : () -> ()
    "tpu.region"() ({
      %run_scoped3A = tpu.sem_alloc : memref<!tpu.dma_semaphore, #tpu.memory_space<semaphore_mem>>
      %dma_start3A = arith.constant 0 : i32
      %dma_start3A_170 = tpu.memref_slice %arg26[%dma_start3A] : memref<50176xf32, #tpu.memory_space<vmem_shared>> -> memref<50176xf32, #tpu.memory_space<vmem_shared>>
      tpu.enqueue_indirect_dma source(%dma_start3A_170 : memref<50176xf32, #tpu.memory_space<vmem_shared>>) target(%arg10 : memref<10000xf32, #tpu.memory_space<vmem>>) offsets(%arg8 : memref<10000xi32, #tpu.memory_space<vmem>>) semaphore(%run_scoped3A : memref<!tpu.dma_semaphore, #tpu.memory_space<semaphore_mem>>)
      %dma_wait3A = arith.constant 0 : i32
      %dma_wait3A_171 = tpu.memref_slice %arg26[%dma_wait3A] : memref<50176xf32, #tpu.memory_space<vmem_shared>> -> memref<50176xf32, #tpu.memory_space<vmem_shared>>
      tpu.wait_indirect_dma semaphore(%run_scoped3A : memref<!tpu.dma_semaphore, #tpu.memory_space<semaphore_mem>>) src(%dma_wait3A_171 : memref<50176xf32, #tpu.memory_space<vmem_shared>>) dst(%arg10 : memref<10000xf32, #tpu.memory_space<vmem>>)
      tpu.yield
    }) : () -> ()
    "tpu.region"() ({
      %run_scoped3A = tpu.sem_alloc : memref<!tpu.dma_semaphore, #tpu.memory_space<semaphore_mem>>
      %dma_start3A = arith.constant 0 : i32
      %dma_start3A_170 = tpu.memref_slice %arg27[%dma_start3A] : memref<50176xf32, #tpu.memory_space<vmem_shared>> -> memref<50176xf32, #tpu.memory_space<vmem_shared>>
      tpu.enqueue_indirect_dma source(%arg10 : memref<10000xf32, #tpu.memory_space<vmem>>) target(%dma_start3A_170 : memref<50176xf32, #tpu.memory_space<vmem_shared>>) offsets(%arg9 : memref<10000xi32, #tpu.memory_space<vmem>>) semaphore(%run_scoped3A : memref<!tpu.dma_semaphore, #tpu.memory_space<semaphore_mem>>) {add = true}
      %dma_wait3A = arith.constant 0 : i32
      %dma_wait3A_171 = tpu.memref_slice %arg27[%dma_wait3A] : memref<50176xf32, #tpu.memory_space<vmem_shared>> -> memref<50176xf32, #tpu.memory_space<vmem_shared>>
      tpu.wait_indirect_dma semaphore(%run_scoped3A : memref<!tpu.dma_semaphore, #tpu.memory_space<semaphore_mem>>) src(%arg10 : memref<10000xf32, #tpu.memory_space<vmem>>) dst(%dma_wait3A_171 : memref<50176xf32, #tpu.memory_space<vmem_shared>>)
      tpu.yield
    }) : () -> ()
    %add3A_135 = arith.constant 10000 : i32
    %add3A_136 = arith.addi %mul3A_2, %add3A_135 : i32
    "tpu.region"() ({
      %run_scoped3A = tpu.sem_alloc : memref<!tpu.dma_semaphore, #tpu.memory_space<semaphore_mem>>
      %dma_start3A = tpu.memref_slice %arg4[%add3A_136] : memref<800000xi32, #tpu.memory_space<hbm>> -> memref<10000xi32, #tpu.memory_space<hbm>>
      %dma_start3A_170 = tpu.memref_slice %arg4[%add3A_136] : memref<800000xi32, #tpu.memory_space<hbm>> -> memref<10000xi32, #tpu.memory_space<hbm>>
      tpu.enqueue_dma source(%dma_start3A_170 : memref<10000xi32, #tpu.memory_space<hbm>>) target(%arg8 : memref<10000xi32, #tpu.memory_space<vmem>>) target_semaphore(%run_scoped3A : memref<!tpu.dma_semaphore, #tpu.memory_space<semaphore_mem>>)
      %dma_wait3A = tpu.memref_slice %arg4[%add3A_136] : memref<800000xi32, #tpu.memory_space<hbm>> -> memref<10000xi32, #tpu.memory_space<hbm>>
      %dma_wait3A_171 = tpu.memref_slice %arg4[%add3A_136] : memref<800000xi32, #tpu.memory_space<hbm>> -> memref<10000xi32, #tpu.memory_space<hbm>>
      tpu.wait_dma2 semaphore(%run_scoped3A : memref<!tpu.dma_semaphore, #tpu.memory_space<semaphore_mem>>) src(%dma_wait3A_171 : memref<10000xi32, #tpu.memory_space<hbm>>) dst(%arg8 : memref<10000xi32, #tpu.memory_space<vmem>>)
      tpu.yield
    }) : () -> ()
    "tpu.region"() ({
      %run_scoped3A = tpu.sem_alloc : memref<!tpu.dma_semaphore, #tpu.memory_space<semaphore_mem>>
      %dma_start3A = tpu.memref_slice %arg5[%add3A_136] : memref<800000xi32, #tpu.memory_space<hbm>> -> memref<10000xi32, #tpu.memory_space<hbm>>
      %dma_start3A_170 = tpu.memref_slice %arg5[%add3A_136] : memref<800000xi32, #tpu.memory_space<hbm>> -> memref<10000xi32, #tpu.memory_space<hbm>>
      tpu.enqueue_dma source(%dma_start3A_170 : memref<10000xi32, #tpu.memory_space<hbm>>) target(%arg9 : memref<10000xi32, #tpu.memory_space<vmem>>) target_semaphore(%run_scoped3A : memref<!tpu.dma_semaphore, #tpu.memory_space<semaphore_mem>>)
      %dma_wait3A = tpu.memref_slice %arg5[%add3A_136] : memref<800000xi32, #tpu.memory_space<hbm>> -> memref<10000xi32, #tpu.memory_space<hbm>>
      %dma_wait3A_171 = tpu.memref_slice %arg5[%add3A_136] : memref<800000xi32, #tpu.memory_space<hbm>> -> memref<10000xi32, #tpu.memory_space<hbm>>
      tpu.wait_dma2 semaphore(%run_scoped3A : memref<!tpu.dma_semaphore, #tpu.memory_space<semaphore_mem>>) src(%dma_wait3A_171 : memref<10000xi32, #tpu.memory_space<hbm>>) dst(%arg9 : memref<10000xi32, #tpu.memory_space<vmem>>)
      tpu.yield
    }) : () -> ()
    "tpu.region"() ({
      %run_scoped3A = tpu.sem_alloc : memref<!tpu.dma_semaphore, #tpu.memory_space<semaphore_mem>>
      %dma_start3A = arith.constant 0 : i32
      %dma_start3A_170 = tpu.memref_slice %arg26[%dma_start3A] : memref<50176xf32, #tpu.memory_space<vmem_shared>> -> memref<50176xf32, #tpu.memory_space<vmem_shared>>
      tpu.enqueue_indirect_dma source(%dma_start3A_170 : memref<50176xf32, #tpu.memory_space<vmem_shared>>) target(%arg10 : memref<10000xf32, #tpu.memory_space<vmem>>) offsets(%arg8 : memref<10000xi32, #tpu.memory_space<vmem>>) semaphore(%run_scoped3A : memref<!tpu.dma_semaphore, #tpu.memory_space<semaphore_mem>>)
      %dma_wait3A = arith.constant 0 : i32
      %dma_wait3A_171 = tpu.memref_slice %arg26[%dma_wait3A] : memref<50176xf32, #tpu.memory_space<vmem_shared>> -> memref<50176xf32, #tpu.memory_space<vmem_shared>>
      tpu.wait_indirect_dma semaphore(%run_scoped3A : memref<!tpu.dma_semaphore, #tpu.memory_space<semaphore_mem>>) src(%dma_wait3A_171 : memref<50176xf32, #tpu.memory_space<vmem_shared>>) dst(%arg10 : memref<10000xf32, #tpu.memory_space<vmem>>)
      tpu.yield
    }) : () -> ()
    "tpu.region"() ({
      %run_scoped3A = tpu.sem_alloc : memref<!tpu.dma_semaphore, #tpu.memory_space<semaphore_mem>>
      %dma_start3A = arith.constant 0 : i32
      %dma_start3A_170 = tpu.memref_slice %arg27[%dma_start3A] : memref<50176xf32, #tpu.memory_space<vmem_shared>> -> memref<50176xf32, #tpu.memory_space<vmem_shared>>
      tpu.enqueue_indirect_dma source(%arg10 : memref<10000xf32, #tpu.memory_space<vmem>>) target(%dma_start3A_170 : memref<50176xf32, #tpu.memory_space<vmem_shared>>) offsets(%arg9 : memref<10000xi32, #tpu.memory_space<vmem>>) semaphore(%run_scoped3A : memref<!tpu.dma_semaphore, #tpu.memory_space<semaphore_mem>>) {add = true}
      %dma_wait3A = arith.constant 0 : i32
      %dma_wait3A_171 = tpu.memref_slice %arg27[%dma_wait3A] : memref<50176xf32, #tpu.memory_space<vmem_shared>> -> memref<50176xf32, #tpu.memory_space<vmem_shared>>
      tpu.wait_indirect_dma semaphore(%run_scoped3A : memref<!tpu.dma_semaphore, #tpu.memory_space<semaphore_mem>>) src(%arg10 : memref<10000xf32, #tpu.memory_space<vmem>>) dst(%dma_wait3A_171 : memref<50176xf32, #tpu.memory_space<vmem_shared>>)
      tpu.yield
    }) : () -> ()
    %add3A_137 = arith.constant 20000 : i32
    %add3A_138 = arith.addi %mul3A_2, %add3A_137 : i32
    "tpu.region"() ({
      %run_scoped3A = tpu.sem_alloc : memref<!tpu.dma_semaphore, #tpu.memory_space<semaphore_mem>>
      %dma_start3A = tpu.memref_slice %arg4[%add3A_138] : memref<800000xi32, #tpu.memory_space<hbm>> -> memref<10000xi32, #tpu.memory_space<hbm>>
      %dma_start3A_170 = tpu.memref_slice %arg4[%add3A_138] : memref<800000xi32, #tpu.memory_space<hbm>> -> memref<10000xi32, #tpu.memory_space<hbm>>
      tpu.enqueue_dma source(%dma_start3A_170 : memref<10000xi32, #tpu.memory_space<hbm>>) target(%arg8 : memref<10000xi32, #tpu.memory_space<vmem>>) target_semaphore(%run_scoped3A : memref<!tpu.dma_semaphore, #tpu.memory_space<semaphore_mem>>)
      %dma_wait3A = tpu.memref_slice %arg4[%add3A_138] : memref<800000xi32, #tpu.memory_space<hbm>> -> memref<10000xi32, #tpu.memory_space<hbm>>
      %dma_wait3A_171 = tpu.memref_slice %arg4[%add3A_138] : memref<800000xi32, #tpu.memory_space<hbm>> -> memref<10000xi32, #tpu.memory_space<hbm>>
      tpu.wait_dma2 semaphore(%run_scoped3A : memref<!tpu.dma_semaphore, #tpu.memory_space<semaphore_mem>>) src(%dma_wait3A_171 : memref<10000xi32, #tpu.memory_space<hbm>>) dst(%arg8 : memref<10000xi32, #tpu.memory_space<vmem>>)
      tpu.yield
    }) : () -> ()
    "tpu.region"() ({
      %run_scoped3A = tpu.sem_alloc : memref<!tpu.dma_semaphore, #tpu.memory_space<semaphore_mem>>
      %dma_start3A = tpu.memref_slice %arg5[%add3A_138] : memref<800000xi32, #tpu.memory_space<hbm>> -> memref<10000xi32, #tpu.memory_space<hbm>>
      %dma_start3A_170 = tpu.memref_slice %arg5[%add3A_138] : memref<800000xi32, #tpu.memory_space<hbm>> -> memref<10000xi32, #tpu.memory_space<hbm>>
      tpu.enqueue_dma source(%dma_start3A_170 : memref<10000xi32, #tpu.memory_space<hbm>>) target(%arg9 : memref<10000xi32, #tpu.memory_space<vmem>>) target_semaphore(%run_scoped3A : memref<!tpu.dma_semaphore, #tpu.memory_space<semaphore_mem>>)
      %dma_wait3A = tpu.memref_slice %arg5[%add3A_138] : memref<800000xi32, #tpu.memory_space<hbm>> -> memref<10000xi32, #tpu.memory_space<hbm>>
      %dma_wait3A_171 = tpu.memref_slice %arg5[%add3A_138] : memref<800000xi32, #tpu.memory_space<hbm>> -> memref<10000xi32, #tpu.memory_space<hbm>>
      tpu.wait_dma2 semaphore(%run_scoped3A : memref<!tpu.dma_semaphore, #tpu.memory_space<semaphore_mem>>) src(%dma_wait3A_171 : memref<10000xi32, #tpu.memory_space<hbm>>) dst(%arg9 : memref<10000xi32, #tpu.memory_space<vmem>>)
      tpu.yield
    }) : () -> ()
    "tpu.region"() ({
      %run_scoped3A = tpu.sem_alloc : memref<!tpu.dma_semaphore, #tpu.memory_space<semaphore_mem>>
      %dma_start3A = arith.constant 0 : i32
      %dma_start3A_170 = tpu.memref_slice %arg26[%dma_start3A] : memref<50176xf32, #tpu.memory_space<vmem_shared>> -> memref<50176xf32, #tpu.memory_space<vmem_shared>>
      tpu.enqueue_indirect_dma source(%dma_start3A_170 : memref<50176xf32, #tpu.memory_space<vmem_shared>>) target(%arg10 : memref<10000xf32, #tpu.memory_space<vmem>>) offsets(%arg8 : memref<10000xi32, #tpu.memory_space<vmem>>) semaphore(%run_scoped3A : memref<!tpu.dma_semaphore, #tpu.memory_space<semaphore_mem>>)
      %dma_wait3A = arith.constant 0 : i32
      %dma_wait3A_171 = tpu.memref_slice %arg26[%dma_wait3A] : memref<50176xf32, #tpu.memory_space<vmem_shared>> -> memref<50176xf32, #tpu.memory_space<vmem_shared>>
      tpu.wait_indirect_dma semaphore(%run_scoped3A : memref<!tpu.dma_semaphore, #tpu.memory_space<semaphore_mem>>) src(%dma_wait3A_171 : memref<50176xf32, #tpu.memory_space<vmem_shared>>) dst(%arg10 : memref<10000xf32, #tpu.memory_space<vmem>>)
      tpu.yield
    }) : () -> ()
    "tpu.region"() ({
      %run_scoped3A = tpu.sem_alloc : memref<!tpu.dma_semaphore, #tpu.memory_space<semaphore_mem>>
      %dma_start3A = arith.constant 0 : i32
      %dma_start3A_170 = tpu.memref_slice %arg27[%dma_start3A] : memref<50176xf32, #tpu.memory_space<vmem_shared>> -> memref<50176xf32, #tpu.memory_space<vmem_shared>>
      tpu.enqueue_indirect_dma source(%arg10 : memref<10000xf32, #tpu.memory_space<vmem>>) target(%dma_start3A_170 : memref<50176xf32, #tpu.memory_space<vmem_shared>>) offsets(%arg9 : memref<10000xi32, #tpu.memory_space<vmem>>) semaphore(%run_scoped3A : memref<!tpu.dma_semaphore, #tpu.memory_space<semaphore_mem>>) {add = true}
      %dma_wait3A = arith.constant 0 : i32
      %dma_wait3A_171 = tpu.memref_slice %arg27[%dma_wait3A] : memref<50176xf32, #tpu.memory_space<vmem_shared>> -> memref<50176xf32, #tpu.memory_space<vmem_shared>>
      tpu.wait_indirect_dma semaphore(%run_scoped3A : memref<!tpu.dma_semaphore, #tpu.memory_space<semaphore_mem>>) src(%arg10 : memref<10000xf32, #tpu.memory_space<vmem>>) dst(%dma_wait3A_171 : memref<50176xf32, #tpu.memory_space<vmem_shared>>)
      tpu.yield
    }) : () -> ()
    %add3A_139 = arith.constant 30000 : i32
    %add3A_140 = arith.addi %mul3A_2, %add3A_139 : i32
    "tpu.region"() ({
      %run_scoped3A = tpu.sem_alloc : memref<!tpu.dma_semaphore, #tpu.memory_space<semaphore_mem>>
      %dma_start3A = tpu.memref_slice %arg4[%add3A_140] : memref<800000xi32, #tpu.memory_space<hbm>> -> memref<10000xi32, #tpu.memory_space<hbm>>
      %dma_start3A_170 = tpu.memref_slice %arg4[%add3A_140] : memref<800000xi32, #tpu.memory_space<hbm>> -> memref<10000xi32, #tpu.memory_space<hbm>>
      tpu.enqueue_dma source(%dma_start3A_170 : memref<10000xi32, #tpu.memory_space<hbm>>) target(%arg8 : memref<10000xi32, #tpu.memory_space<vmem>>) target_semaphore(%run_scoped3A : memref<!tpu.dma_semaphore, #tpu.memory_space<semaphore_mem>>)
      %dma_wait3A = tpu.memref_slice %arg4[%add3A_140] : memref<800000xi32, #tpu.memory_space<hbm>> -> memref<10000xi32, #tpu.memory_space<hbm>>
      %dma_wait3A_171 = tpu.memref_slice %arg4[%add3A_140] : memref<800000xi32, #tpu.memory_space<hbm>> -> memref<10000xi32, #tpu.memory_space<hbm>>
      tpu.wait_dma2 semaphore(%run_scoped3A : memref<!tpu.dma_semaphore, #tpu.memory_space<semaphore_mem>>) src(%dma_wait3A_171 : memref<10000xi32, #tpu.memory_space<hbm>>) dst(%arg8 : memref<10000xi32, #tpu.memory_space<vmem>>)
      tpu.yield
    }) : () -> ()
    "tpu.region"() ({
      %run_scoped3A = tpu.sem_alloc : memref<!tpu.dma_semaphore, #tpu.memory_space<semaphore_mem>>
      %dma_start3A = tpu.memref_slice %arg5[%add3A_140] : memref<800000xi32, #tpu.memory_space<hbm>> -> memref<10000xi32, #tpu.memory_space<hbm>>
      %dma_start3A_170 = tpu.memref_slice %arg5[%add3A_140] : memref<800000xi32, #tpu.memory_space<hbm>> -> memref<10000xi32, #tpu.memory_space<hbm>>
      tpu.enqueue_dma source(%dma_start3A_170 : memref<10000xi32, #tpu.memory_space<hbm>>) target(%arg9 : memref<10000xi32, #tpu.memory_space<vmem>>) target_semaphore(%run_scoped3A : memref<!tpu.dma_semaphore, #tpu.memory_space<semaphore_mem>>)
      %dma_wait3A = tpu.memref_slice %arg5[%add3A_140] : memref<800000xi32, #tpu.memory_space<hbm>> -> memref<10000xi32, #tpu.memory_space<hbm>>
      %dma_wait3A_171 = tpu.memref_slice %arg5[%add3A_140] : memref<800000xi32, #tpu.memory_space<hbm>> -> memref<10000xi32, #tpu.memory_space<hbm>>
      tpu.wait_dma2 semaphore(%run_scoped3A : memref<!tpu.dma_semaphore, #tpu.memory_space<semaphore_mem>>) src(%dma_wait3A_171 : memref<10000xi32, #tpu.memory_space<hbm>>) dst(%arg9 : memref<10000xi32, #tpu.memory_space<vmem>>)
      tpu.yield
    }) : () -> ()
    "tpu.region"() ({
      %run_scoped3A = tpu.sem_alloc : memref<!tpu.dma_semaphore, #tpu.memory_space<semaphore_mem>>
      %dma_start3A = arith.constant 0 : i32
      %dma_start3A_170 = tpu.memref_slice %arg26[%dma_start3A] : memref<50176xf32, #tpu.memory_space<vmem_shared>> -> memref<50176xf32, #tpu.memory_space<vmem_shared>>
      tpu.enqueue_indirect_dma source(%dma_start3A_170 : memref<50176xf32, #tpu.memory_space<vmem_shared>>) target(%arg10 : memref<10000xf32, #tpu.memory_space<vmem>>) offsets(%arg8 : memref<10000xi32, #tpu.memory_space<vmem>>) semaphore(%run_scoped3A : memref<!tpu.dma_semaphore, #tpu.memory_space<semaphore_mem>>)
      %dma_wait3A = arith.constant 0 : i32
      %dma_wait3A_171 = tpu.memref_slice %arg26[%dma_wait3A] : memref<50176xf32, #tpu.memory_space<vmem_shared>> -> memref<50176xf32, #tpu.memory_space<vmem_shared>>
      tpu.wait_indirect_dma semaphore(%run_scoped3A : memref<!tpu.dma_semaphore, #tpu.memory_space<semaphore_mem>>) src(%dma_wait3A_171 : memref<50176xf32, #tpu.memory_space<vmem_shared>>) dst(%arg10 : memref<10000xf32, #tpu.memory_space<vmem>>)
      tpu.yield
    }) : () -> ()
    "tpu.region"() ({
      %run_scoped3A = tpu.sem_alloc : memref<!tpu.dma_semaphore, #tpu.memory_space<semaphore_mem>>
      %dma_start3A = arith.constant 0 : i32
      %dma_start3A_170 = tpu.memref_slice %arg27[%dma_start3A] : memref<50176xf32, #tpu.memory_space<vmem_shared>> -> memref<50176xf32, #tpu.memory_space<vmem_shared>>
      tpu.enqueue_indirect_dma source(%arg10 : memref<10000xf32, #tpu.memory_space<vmem>>) target(%dma_start3A_170 : memref<50176xf32, #tpu.memory_space<vmem_shared>>) offsets(%arg9 : memref<10000xi32, #tpu.memory_space<vmem>>) semaphore(%run_scoped3A : memref<!tpu.dma_semaphore, #tpu.memory_space<semaphore_mem>>) {add = true}
      %dma_wait3A = arith.constant 0 : i32
      %dma_wait3A_171 = tpu.memref_slice %arg27[%dma_wait3A] : memref<50176xf32, #tpu.memory_space<vmem_shared>> -> memref<50176xf32, #tpu.memory_space<vmem_shared>>
      tpu.wait_indirect_dma semaphore(%run_scoped3A : memref<!tpu.dma_semaphore, #tpu.memory_space<semaphore_mem>>) src(%arg10 : memref<10000xf32, #tpu.memory_space<vmem>>) dst(%dma_wait3A_171 : memref<50176xf32, #tpu.memory_space<vmem_shared>>)
      tpu.yield
    }) : () -> ()
    %add3A_141 = arith.constant 40000 : i32
    %add3A_142 = arith.addi %mul3A_2, %add3A_141 : i32
    "tpu.region"() ({
      %run_scoped3A = tpu.sem_alloc : memref<!tpu.dma_semaphore, #tpu.memory_space<semaphore_mem>>
      %dma_start3A = tpu.memref_slice %arg4[%add3A_142] : memref<800000xi32, #tpu.memory_space<hbm>> -> memref<10000xi32, #tpu.memory_space<hbm>>
      %dma_start3A_170 = tpu.memref_slice %arg4[%add3A_142] : memref<800000xi32, #tpu.memory_space<hbm>> -> memref<10000xi32, #tpu.memory_space<hbm>>
      tpu.enqueue_dma source(%dma_start3A_170 : memref<10000xi32, #tpu.memory_space<hbm>>) target(%arg8 : memref<10000xi32, #tpu.memory_space<vmem>>) target_semaphore(%run_scoped3A : memref<!tpu.dma_semaphore, #tpu.memory_space<semaphore_mem>>)
      %dma_wait3A = tpu.memref_slice %arg4[%add3A_142] : memref<800000xi32, #tpu.memory_space<hbm>> -> memref<10000xi32, #tpu.memory_space<hbm>>
      %dma_wait3A_171 = tpu.memref_slice %arg4[%add3A_142] : memref<800000xi32, #tpu.memory_space<hbm>> -> memref<10000xi32, #tpu.memory_space<hbm>>
      tpu.wait_dma2 semaphore(%run_scoped3A : memref<!tpu.dma_semaphore, #tpu.memory_space<semaphore_mem>>) src(%dma_wait3A_171 : memref<10000xi32, #tpu.memory_space<hbm>>) dst(%arg8 : memref<10000xi32, #tpu.memory_space<vmem>>)
      tpu.yield
    }) : () -> ()
    "tpu.region"() ({
      %run_scoped3A = tpu.sem_alloc : memref<!tpu.dma_semaphore, #tpu.memory_space<semaphore_mem>>
      %dma_start3A = tpu.memref_slice %arg5[%add3A_142] : memref<800000xi32, #tpu.memory_space<hbm>> -> memref<10000xi32, #tpu.memory_space<hbm>>
      %dma_start3A_170 = tpu.memref_slice %arg5[%add3A_142] : memref<800000xi32, #tpu.memory_space<hbm>> -> memref<10000xi32, #tpu.memory_space<hbm>>
      tpu.enqueue_dma source(%dma_start3A_170 : memref<10000xi32, #tpu.memory_space<hbm>>) target(%arg9 : memref<10000xi32, #tpu.memory_space<vmem>>) target_semaphore(%run_scoped3A : memref<!tpu.dma_semaphore, #tpu.memory_space<semaphore_mem>>)
      %dma_wait3A = tpu.memref_slice %arg5[%add3A_142] : memref<800000xi32, #tpu.memory_space<hbm>> -> memref<10000xi32, #tpu.memory_space<hbm>>
      %dma_wait3A_171 = tpu.memref_slice %arg5[%add3A_142] : memref<800000xi32, #tpu.memory_space<hbm>> -> memref<10000xi32, #tpu.memory_space<hbm>>
      tpu.wait_dma2 semaphore(%run_scoped3A : memref<!tpu.dma_semaphore, #tpu.memory_space<semaphore_mem>>) src(%dma_wait3A_171 : memref<10000xi32, #tpu.memory_space<hbm>>) dst(%arg9 : memref<10000xi32, #tpu.memory_space<vmem>>)
      tpu.yield
    }) : () -> ()
    "tpu.region"() ({
      %run_scoped3A = tpu.sem_alloc : memref<!tpu.dma_semaphore, #tpu.memory_space<semaphore_mem>>
      %dma_start3A = arith.constant 0 : i32
      %dma_start3A_170 = tpu.memref_slice %arg26[%dma_start3A] : memref<50176xf32, #tpu.memory_space<vmem_shared>> -> memref<50176xf32, #tpu.memory_space<vmem_shared>>
      tpu.enqueue_indirect_dma source(%dma_start3A_170 : memref<50176xf32, #tpu.memory_space<vmem_shared>>) target(%arg10 : memref<10000xf32, #tpu.memory_space<vmem>>) offsets(%arg8 : memref<10000xi32, #tpu.memory_space<vmem>>) semaphore(%run_scoped3A : memref<!tpu.dma_semaphore, #tpu.memory_space<semaphore_mem>>)
      %dma_wait3A = arith.constant 0 : i32
      %dma_wait3A_171 = tpu.memref_slice %arg26[%dma_wait3A] : memref<50176xf32, #tpu.memory_space<vmem_shared>> -> memref<50176xf32, #tpu.memory_space<vmem_shared>>
      tpu.wait_indirect_dma semaphore(%run_scoped3A : memref<!tpu.dma_semaphore, #tpu.memory_space<semaphore_mem>>) src(%dma_wait3A_171 : memref<50176xf32, #tpu.memory_space<vmem_shared>>) dst(%arg10 : memref<10000xf32, #tpu.memory_space<vmem>>)
      tpu.yield
    }) : () -> ()
    "tpu.region"() ({
      %run_scoped3A = tpu.sem_alloc : memref<!tpu.dma_semaphore, #tpu.memory_space<semaphore_mem>>
      %dma_start3A = arith.constant 0 : i32
      %dma_start3A_170 = tpu.memref_slice %arg27[%dma_start3A] : memref<50176xf32, #tpu.memory_space<vmem_shared>> -> memref<50176xf32, #tpu.memory_space<vmem_shared>>
      tpu.enqueue_indirect_dma source(%arg10 : memref<10000xf32, #tpu.memory_space<vmem>>) target(%dma_start3A_170 : memref<50176xf32, #tpu.memory_space<vmem_shared>>) offsets(%arg9 : memref<10000xi32, #tpu.memory_space<vmem>>) semaphore(%run_scoped3A : memref<!tpu.dma_semaphore, #tpu.memory_space<semaphore_mem>>) {add = true}
      %dma_wait3A = arith.constant 0 : i32
      %dma_wait3A_171 = tpu.memref_slice %arg27[%dma_wait3A] : memref<50176xf32, #tpu.memory_space<vmem_shared>> -> memref<50176xf32, #tpu.memory_space<vmem_shared>>
      tpu.wait_indirect_dma semaphore(%run_scoped3A : memref<!tpu.dma_semaphore, #tpu.memory_space<semaphore_mem>>) src(%arg10 : memref<10000xf32, #tpu.memory_space<vmem>>) dst(%dma_wait3A_171 : memref<50176xf32, #tpu.memory_space<vmem_shared>>)
      tpu.yield
    }) : () -> ()
    %barrier3A_143 = arith.constant 0 : index
    tpu.barrier barrier_id(%barrier3A_143)
    "tpu.region"() ({
      %run_scoped3A = tpu.sem_alloc : memref<!tpu.dma_semaphore, #tpu.memory_space<semaphore_mem>>
      %dma_start3A = tpu.memref_slice %arg27[%mul3A_0] : memref<50176xf32, #tpu.memory_space<vmem_shared>> -> memref<3136xf32, #tpu.memory_space<vmem_shared>>
      %dma_start3A_170 = tpu.memref_slice %arg27[%mul3A_0] : memref<50176xf32, #tpu.memory_space<vmem_shared>> -> memref<3136xf32, #tpu.memory_space<vmem_shared>>
      tpu.enqueue_dma source(%dma_start3A_170 : memref<3136xf32, #tpu.memory_space<vmem_shared>>) target(%arg14 : memref<3136xf32, #tpu.memory_space<vmem>>) target_semaphore(%run_scoped3A : memref<!tpu.dma_semaphore, #tpu.memory_space<semaphore_mem>>)
      %dma_wait3A = tpu.memref_slice %arg27[%mul3A_0] : memref<50176xf32, #tpu.memory_space<vmem_shared>> -> memref<3136xf32, #tpu.memory_space<vmem_shared>>
      %dma_wait3A_171 = tpu.memref_slice %arg27[%mul3A_0] : memref<50176xf32, #tpu.memory_space<vmem_shared>> -> memref<3136xf32, #tpu.memory_space<vmem_shared>>
      tpu.wait_dma2 semaphore(%run_scoped3A : memref<!tpu.dma_semaphore, #tpu.memory_space<semaphore_mem>>) src(%dma_wait3A_171 : memref<3136xf32, #tpu.memory_space<vmem_shared>>) dst(%arg14 : memref<3136xf32, #tpu.memory_space<vmem>>)
      tpu.yield
    }) : () -> ()
    %scan3A_144 = arith.constant 0 : i32
    %scan3A_145 = arith.constant 0 : i32
    %scan3A_146 = arith.constant 196 : i32
    %scan3A_147 = arith.addi %scan3A_145, %scan3A_146 : i32
    %scan3A_148 = arith.constant 1 : i32
    %scan3A_149 = scf.for %scan3A_170 = %scan3A_145 to %scan3A_147 step %scan3A_148 iter_args(%scan3A_171 = %scan3A_144) -> (i32)  : i32 {
      %mul3A_172 = arith.constant 16 : i32
      %mul3A_173 = arith.muli %scan3A_170, %mul3A_172 : i32
      %get3A_174 = arith.index_cast %mul3A_173 : i32 to index
      %get3A_175 = tpu.vector_load %arg19[%get3A_174] {strides = array<i32>} : memref<3136xf32, #tpu.memory_space<vmem>>, vector<16xf32>,
      %get3A_176 = vector.shape_cast %get3A_175 : vector<16xf32> to vector<16xf32>
      %mul3A_177 = vector.broadcast %squeeze3A_21 : f32 to vector<16xf32>
      %mul3A_178 = arith.mulf %get3A_176, %mul3A_177 : vector<16xf32>
      %get3A_179 = arith.index_cast %mul3A_173 : i32 to index
      %get3A_180 = tpu.vector_load %arg14[%get3A_179] {strides = array<i32>} : memref<3136xf32, #tpu.memory_space<vmem>>, vector<16xf32>,
      %get3A_181 = vector.shape_cast %get3A_180 : vector<16xf32> to vector<16xf32>
      %mul3A_182 = arith.mulf %mul3A_178, %get3A_181 : vector<16xf32>
      %swap3A = arith.index_cast %mul3A_173 : i32 to index
      %swap3A_183 = tpu.vector_load %arg18[%swap3A] {strides = array<i32>} : memref<3136xf32, #tpu.memory_space<vmem>>, vector<16xf32>,
      %swap3A_184 = vector.shape_cast %swap3A_183 : vector<16xf32> to vector<16xf32>
      %swap3A_185 = vector.shape_cast %mul3A_182 : vector<16xf32> to vector<16xf32>
      tpu.vector_store %arg18[%swap3A], %swap3A_185 {strides = array<i32>} : memref<3136xf32, #tpu.memory_space<vmem>>, vector<16xf32>,
      %scan3A_186 = arith.constant 0 : i32
      scf.yield %scan3A_186 : i32
    }
    %scan3A_150 = arith.constant 196 : i32
    "tpu.region"() ({
      %run_scoped3A = tpu.sem_alloc : memref<!tpu.dma_semaphore, #tpu.memory_space<semaphore_mem>>
      %dma_start3A = tpu.memref_slice %arg28[%mul3A_0] : memref<50176xf32, #tpu.memory_space<vmem_shared>> -> memref<3136xf32, #tpu.memory_space<vmem_shared>>
      %dma_start3A_170 = tpu.memref_slice %arg28[%mul3A_0] : memref<50176xf32, #tpu.memory_space<vmem_shared>> -> memref<3136xf32, #tpu.memory_space<vmem_shared>>
      tpu.enqueue_dma source(%arg18 : memref<3136xf32, #tpu.memory_space<vmem>>) target(%dma_start3A_170 : memref<3136xf32, #tpu.memory_space<vmem_shared>>) target_semaphore(%run_scoped3A : memref<!tpu.dma_semaphore, #tpu.memory_space<semaphore_mem>>)
      %dma_wait3A = tpu.memref_slice %arg28[%mul3A_0] : memref<50176xf32, #tpu.memory_space<vmem_shared>> -> memref<3136xf32, #tpu.memory_space<vmem_shared>>
      %dma_wait3A_171 = tpu.memref_slice %arg28[%mul3A_0] : memref<50176xf32, #tpu.memory_space<vmem_shared>> -> memref<3136xf32, #tpu.memory_space<vmem_shared>>
      tpu.wait_dma2 semaphore(%run_scoped3A : memref<!tpu.dma_semaphore, #tpu.memory_space<semaphore_mem>>) src(%arg18 : memref<3136xf32, #tpu.memory_space<vmem>>) dst(%dma_wait3A_171 : memref<3136xf32, #tpu.memory_space<vmem_shared>>)
      tpu.yield
    }) : () -> ()
    %barrier3A_151 = arith.constant 0 : index
    tpu.barrier barrier_id(%barrier3A_151)
    %add3A_152 = arith.constant 0 : i32
    %add3A_153 = arith.addi %mul3A_2, %add3A_152 : i32
    "tpu.region"() ({
      %run_scoped3A = tpu.sem_alloc : memref<!tpu.dma_semaphore, #tpu.memory_space<semaphore_mem>>
      %dma_start3A = tpu.memref_slice %arg4[%add3A_153] : memref<800000xi32, #tpu.memory_space<hbm>> -> memref<10000xi32, #tpu.memory_space<hbm>>
      %dma_start3A_170 = tpu.memref_slice %arg4[%add3A_153] : memref<800000xi32, #tpu.memory_space<hbm>> -> memref<10000xi32, #tpu.memory_space<hbm>>
      tpu.enqueue_dma source(%dma_start3A_170 : memref<10000xi32, #tpu.memory_space<hbm>>) target(%arg8 : memref<10000xi32, #tpu.memory_space<vmem>>) target_semaphore(%run_scoped3A : memref<!tpu.dma_semaphore, #tpu.memory_space<semaphore_mem>>)
      %dma_wait3A = tpu.memref_slice %arg4[%add3A_153] : memref<800000xi32, #tpu.memory_space<hbm>> -> memref<10000xi32, #tpu.memory_space<hbm>>
      %dma_wait3A_171 = tpu.memref_slice %arg4[%add3A_153] : memref<800000xi32, #tpu.memory_space<hbm>> -> memref<10000xi32, #tpu.memory_space<hbm>>
      tpu.wait_dma2 semaphore(%run_scoped3A : memref<!tpu.dma_semaphore, #tpu.memory_space<semaphore_mem>>) src(%dma_wait3A_171 : memref<10000xi32, #tpu.memory_space<hbm>>) dst(%arg8 : memref<10000xi32, #tpu.memory_space<vmem>>)
      tpu.yield
    }) : () -> ()
    "tpu.region"() ({
      %run_scoped3A = tpu.sem_alloc : memref<!tpu.dma_semaphore, #tpu.memory_space<semaphore_mem>>
      %dma_start3A = tpu.memref_slice %arg5[%add3A_153] : memref<800000xi32, #tpu.memory_space<hbm>> -> memref<10000xi32, #tpu.memory_space<hbm>>
      %dma_start3A_170 = tpu.memref_slice %arg5[%add3A_153] : memref<800000xi32, #tpu.memory_space<hbm>> -> memref<10000xi32, #tpu.memory_space<hbm>>
      tpu.enqueue_dma source(%dma_start3A_170 : memref<10000xi32, #tpu.memory_space<hbm>>) target(%arg9 : memref<10000xi32, #tpu.memory_space<vmem>>) target_semaphore(%run_scoped3A : memref<!tpu.dma_semaphore, #tpu.memory_space<semaphore_mem>>)
      %dma_wait3A = tpu.memref_slice %arg5[%add3A_153] : memref<800000xi32, #tpu.memory_space<hbm>> -> memref<10000xi32, #tpu.memory_space<hbm>>
      %dma_wait3A_171 = tpu.memref_slice %arg5[%add3A_153] : memref<800000xi32, #tpu.memory_space<hbm>> -> memref<10000xi32, #tpu.memory_space<hbm>>
      tpu.wait_dma2 semaphore(%run_scoped3A : memref<!tpu.dma_semaphore, #tpu.memory_space<semaphore_mem>>) src(%dma_wait3A_171 : memref<10000xi32, #tpu.memory_space<hbm>>) dst(%arg9 : memref<10000xi32, #tpu.memory_space<vmem>>)
      tpu.yield
    }) : () -> ()
    "tpu.region"() ({
      %run_scoped3A = tpu.sem_alloc : memref<!tpu.dma_semaphore, #tpu.memory_space<semaphore_mem>>
      %dma_start3A = arith.constant 0 : i32
      %dma_start3A_170 = tpu.memref_slice %arg28[%dma_start3A] : memref<50176xf32, #tpu.memory_space<vmem_shared>> -> memref<50176xf32, #tpu.memory_space<vmem_shared>>
      tpu.enqueue_indirect_dma source(%dma_start3A_170 : memref<50176xf32, #tpu.memory_space<vmem_shared>>) target(%arg11 : memref<10000xf32, #tpu.memory_space<vmem>>) offsets(%arg9 : memref<10000xi32, #tpu.memory_space<vmem>>) semaphore(%run_scoped3A : memref<!tpu.dma_semaphore, #tpu.memory_space<semaphore_mem>>)
      %dma_wait3A = arith.constant 0 : i32
      %dma_wait3A_171 = tpu.memref_slice %arg28[%dma_wait3A] : memref<50176xf32, #tpu.memory_space<vmem_shared>> -> memref<50176xf32, #tpu.memory_space<vmem_shared>>
      tpu.wait_indirect_dma semaphore(%run_scoped3A : memref<!tpu.dma_semaphore, #tpu.memory_space<semaphore_mem>>) src(%dma_wait3A_171 : memref<50176xf32, #tpu.memory_space<vmem_shared>>) dst(%arg11 : memref<10000xf32, #tpu.memory_space<vmem>>)
      tpu.yield
    }) : () -> ()
    "tpu.region"() ({
      %run_scoped3A = tpu.sem_alloc : memref<!tpu.dma_semaphore, #tpu.memory_space<semaphore_mem>>
      %dma_start3A = arith.constant 0 : i32
      %dma_start3A_170 = tpu.memref_slice %arg23[%dma_start3A] : memref<50176xf32, #tpu.memory_space<vmem_shared>> -> memref<50176xf32, #tpu.memory_space<vmem_shared>>
      tpu.enqueue_indirect_dma source(%arg11 : memref<10000xf32, #tpu.memory_space<vmem>>) target(%dma_start3A_170 : memref<50176xf32, #tpu.memory_space<vmem_shared>>) offsets(%arg8 : memref<10000xi32, #tpu.memory_space<vmem>>) semaphore(%run_scoped3A : memref<!tpu.dma_semaphore, #tpu.memory_space<semaphore_mem>>) {add = true}
      %dma_wait3A = arith.constant 0 : i32
      %dma_wait3A_171 = tpu.memref_slice %arg23[%dma_wait3A] : memref<50176xf32, #tpu.memory_space<vmem_shared>> -> memref<50176xf32, #tpu.memory_space<vmem_shared>>
      tpu.wait_indirect_dma semaphore(%run_scoped3A : memref<!tpu.dma_semaphore, #tpu.memory_space<semaphore_mem>>) src(%arg11 : memref<10000xf32, #tpu.memory_space<vmem>>) dst(%dma_wait3A_171 : memref<50176xf32, #tpu.memory_space<vmem_shared>>)
      tpu.yield
    }) : () -> ()
    %add3A_154 = arith.constant 10000 : i32
    %add3A_155 = arith.addi %mul3A_2, %add3A_154 : i32
    "tpu.region"() ({
      %run_scoped3A = tpu.sem_alloc : memref<!tpu.dma_semaphore, #tpu.memory_space<semaphore_mem>>
      %dma_start3A = tpu.memref_slice %arg4[%add3A_155] : memref<800000xi32, #tpu.memory_space<hbm>> -> memref<10000xi32, #tpu.memory_space<hbm>>
      %dma_start3A_170 = tpu.memref_slice %arg4[%add3A_155] : memref<800000xi32, #tpu.memory_space<hbm>> -> memref<10000xi32, #tpu.memory_space<hbm>>
      tpu.enqueue_dma source(%dma_start3A_170 : memref<10000xi32, #tpu.memory_space<hbm>>) target(%arg8 : memref<10000xi32, #tpu.memory_space<vmem>>) target_semaphore(%run_scoped3A : memref<!tpu.dma_semaphore, #tpu.memory_space<semaphore_mem>>)
      %dma_wait3A = tpu.memref_slice %arg4[%add3A_155] : memref<800000xi32, #tpu.memory_space<hbm>> -> memref<10000xi32, #tpu.memory_space<hbm>>
      %dma_wait3A_171 = tpu.memref_slice %arg4[%add3A_155] : memref<800000xi32, #tpu.memory_space<hbm>> -> memref<10000xi32, #tpu.memory_space<hbm>>
      tpu.wait_dma2 semaphore(%run_scoped3A : memref<!tpu.dma_semaphore, #tpu.memory_space<semaphore_mem>>) src(%dma_wait3A_171 : memref<10000xi32, #tpu.memory_space<hbm>>) dst(%arg8 : memref<10000xi32, #tpu.memory_space<vmem>>)
      tpu.yield
    }) : () -> ()
    "tpu.region"() ({
      %run_scoped3A = tpu.sem_alloc : memref<!tpu.dma_semaphore, #tpu.memory_space<semaphore_mem>>
      %dma_start3A = tpu.memref_slice %arg5[%add3A_155] : memref<800000xi32, #tpu.memory_space<hbm>> -> memref<10000xi32, #tpu.memory_space<hbm>>
      %dma_start3A_170 = tpu.memref_slice %arg5[%add3A_155] : memref<800000xi32, #tpu.memory_space<hbm>> -> memref<10000xi32, #tpu.memory_space<hbm>>
      tpu.enqueue_dma source(%dma_start3A_170 : memref<10000xi32, #tpu.memory_space<hbm>>) target(%arg9 : memref<10000xi32, #tpu.memory_space<vmem>>) target_semaphore(%run_scoped3A : memref<!tpu.dma_semaphore, #tpu.memory_space<semaphore_mem>>)
      %dma_wait3A = tpu.memref_slice %arg5[%add3A_155] : memref<800000xi32, #tpu.memory_space<hbm>> -> memref<10000xi32, #tpu.memory_space<hbm>>
      %dma_wait3A_171 = tpu.memref_slice %arg5[%add3A_155] : memref<800000xi32, #tpu.memory_space<hbm>> -> memref<10000xi32, #tpu.memory_space<hbm>>
      tpu.wait_dma2 semaphore(%run_scoped3A : memref<!tpu.dma_semaphore, #tpu.memory_space<semaphore_mem>>) src(%dma_wait3A_171 : memref<10000xi32, #tpu.memory_space<hbm>>) dst(%arg9 : memref<10000xi32, #tpu.memory_space<vmem>>)
      tpu.yield
    }) : () -> ()
    "tpu.region"() ({
      %run_scoped3A = tpu.sem_alloc : memref<!tpu.dma_semaphore, #tpu.memory_space<semaphore_mem>>
      %dma_start3A = arith.constant 0 : i32
      %dma_start3A_170 = tpu.memref_slice %arg28[%dma_start3A] : memref<50176xf32, #tpu.memory_space<vmem_shared>> -> memref<50176xf32, #tpu.memory_space<vmem_shared>>
      tpu.enqueue_indirect_dma source(%dma_start3A_170 : memref<50176xf32, #tpu.memory_space<vmem_shared>>) target(%arg11 : memref<10000xf32, #tpu.memory_space<vmem>>) offsets(%arg9 : memref<10000xi32, #tpu.memory_space<vmem>>) semaphore(%run_scoped3A : memref<!tpu.dma_semaphore, #tpu.memory_space<semaphore_mem>>)
      %dma_wait3A = arith.constant 0 : i32
      %dma_wait3A_171 = tpu.memref_slice %arg28[%dma_wait3A] : memref<50176xf32, #tpu.memory_space<vmem_shared>> -> memref<50176xf32, #tpu.memory_space<vmem_shared>>
      tpu.wait_indirect_dma semaphore(%run_scoped3A : memref<!tpu.dma_semaphore, #tpu.memory_space<semaphore_mem>>) src(%dma_wait3A_171 : memref<50176xf32, #tpu.memory_space<vmem_shared>>) dst(%arg11 : memref<10000xf32, #tpu.memory_space<vmem>>)
      tpu.yield
    }) : () -> ()
    "tpu.region"() ({
      %run_scoped3A = tpu.sem_alloc : memref<!tpu.dma_semaphore, #tpu.memory_space<semaphore_mem>>
      %dma_start3A = arith.constant 0 : i32
      %dma_start3A_170 = tpu.memref_slice %arg23[%dma_start3A] : memref<50176xf32, #tpu.memory_space<vmem_shared>> -> memref<50176xf32, #tpu.memory_space<vmem_shared>>
      tpu.enqueue_indirect_dma source(%arg11 : memref<10000xf32, #tpu.memory_space<vmem>>) target(%dma_start3A_170 : memref<50176xf32, #tpu.memory_space<vmem_shared>>) offsets(%arg8 : memref<10000xi32, #tpu.memory_space<vmem>>) semaphore(%run_scoped3A : memref<!tpu.dma_semaphore, #tpu.memory_space<semaphore_mem>>) {add = true}
      %dma_wait3A = arith.constant 0 : i32
      %dma_wait3A_171 = tpu.memref_slice %arg23[%dma_wait3A] : memref<50176xf32, #tpu.memory_space<vmem_shared>> -> memref<50176xf32, #tpu.memory_space<vmem_shared>>
      tpu.wait_indirect_dma semaphore(%run_scoped3A : memref<!tpu.dma_semaphore, #tpu.memory_space<semaphore_mem>>) src(%arg11 : memref<10000xf32, #tpu.memory_space<vmem>>) dst(%dma_wait3A_171 : memref<50176xf32, #tpu.memory_space<vmem_shared>>)
      tpu.yield
    }) : () -> ()
    %add3A_156 = arith.constant 20000 : i32
    %add3A_157 = arith.addi %mul3A_2, %add3A_156 : i32
    "tpu.region"() ({
      %run_scoped3A = tpu.sem_alloc : memref<!tpu.dma_semaphore, #tpu.memory_space<semaphore_mem>>
      %dma_start3A = tpu.memref_slice %arg4[%add3A_157] : memref<800000xi32, #tpu.memory_space<hbm>> -> memref<10000xi32, #tpu.memory_space<hbm>>
      %dma_start3A_170 = tpu.memref_slice %arg4[%add3A_157] : memref<800000xi32, #tpu.memory_space<hbm>> -> memref<10000xi32, #tpu.memory_space<hbm>>
      tpu.enqueue_dma source(%dma_start3A_170 : memref<10000xi32, #tpu.memory_space<hbm>>) target(%arg8 : memref<10000xi32, #tpu.memory_space<vmem>>) target_semaphore(%run_scoped3A : memref<!tpu.dma_semaphore, #tpu.memory_space<semaphore_mem>>)
      %dma_wait3A = tpu.memref_slice %arg4[%add3A_157] : memref<800000xi32, #tpu.memory_space<hbm>> -> memref<10000xi32, #tpu.memory_space<hbm>>
      %dma_wait3A_171 = tpu.memref_slice %arg4[%add3A_157] : memref<800000xi32, #tpu.memory_space<hbm>> -> memref<10000xi32, #tpu.memory_space<hbm>>
      tpu.wait_dma2 semaphore(%run_scoped3A : memref<!tpu.dma_semaphore, #tpu.memory_space<semaphore_mem>>) src(%dma_wait3A_171 : memref<10000xi32, #tpu.memory_space<hbm>>) dst(%arg8 : memref<10000xi32, #tpu.memory_space<vmem>>)
      tpu.yield
    }) : () -> ()
    "tpu.region"() ({
      %run_scoped3A = tpu.sem_alloc : memref<!tpu.dma_semaphore, #tpu.memory_space<semaphore_mem>>
      %dma_start3A = tpu.memref_slice %arg5[%add3A_157] : memref<800000xi32, #tpu.memory_space<hbm>> -> memref<10000xi32, #tpu.memory_space<hbm>>
      %dma_start3A_170 = tpu.memref_slice %arg5[%add3A_157] : memref<800000xi32, #tpu.memory_space<hbm>> -> memref<10000xi32, #tpu.memory_space<hbm>>
      tpu.enqueue_dma source(%dma_start3A_170 : memref<10000xi32, #tpu.memory_space<hbm>>) target(%arg9 : memref<10000xi32, #tpu.memory_space<vmem>>) target_semaphore(%run_scoped3A : memref<!tpu.dma_semaphore, #tpu.memory_space<semaphore_mem>>)
      %dma_wait3A = tpu.memref_slice %arg5[%add3A_157] : memref<800000xi32, #tpu.memory_space<hbm>> -> memref<10000xi32, #tpu.memory_space<hbm>>
      %dma_wait3A_171 = tpu.memref_slice %arg5[%add3A_157] : memref<800000xi32, #tpu.memory_space<hbm>> -> memref<10000xi32, #tpu.memory_space<hbm>>
      tpu.wait_dma2 semaphore(%run_scoped3A : memref<!tpu.dma_semaphore, #tpu.memory_space<semaphore_mem>>) src(%dma_wait3A_171 : memref<10000xi32, #tpu.memory_space<hbm>>) dst(%arg9 : memref<10000xi32, #tpu.memory_space<vmem>>)
      tpu.yield
    }) : () -> ()
    "tpu.region"() ({
      %run_scoped3A = tpu.sem_alloc : memref<!tpu.dma_semaphore, #tpu.memory_space<semaphore_mem>>
      %dma_start3A = arith.constant 0 : i32
      %dma_start3A_170 = tpu.memref_slice %arg28[%dma_start3A] : memref<50176xf32, #tpu.memory_space<vmem_shared>> -> memref<50176xf32, #tpu.memory_space<vmem_shared>>
      tpu.enqueue_indirect_dma source(%dma_start3A_170 : memref<50176xf32, #tpu.memory_space<vmem_shared>>) target(%arg11 : memref<10000xf32, #tpu.memory_space<vmem>>) offsets(%arg9 : memref<10000xi32, #tpu.memory_space<vmem>>) semaphore(%run_scoped3A : memref<!tpu.dma_semaphore, #tpu.memory_space<semaphore_mem>>)
      %dma_wait3A = arith.constant 0 : i32
      %dma_wait3A_171 = tpu.memref_slice %arg28[%dma_wait3A] : memref<50176xf32, #tpu.memory_space<vmem_shared>> -> memref<50176xf32, #tpu.memory_space<vmem_shared>>
      tpu.wait_indirect_dma semaphore(%run_scoped3A : memref<!tpu.dma_semaphore, #tpu.memory_space<semaphore_mem>>) src(%dma_wait3A_171 : memref<50176xf32, #tpu.memory_space<vmem_shared>>) dst(%arg11 : memref<10000xf32, #tpu.memory_space<vmem>>)
      tpu.yield
    }) : () -> ()
    "tpu.region"() ({
      %run_scoped3A = tpu.sem_alloc : memref<!tpu.dma_semaphore, #tpu.memory_space<semaphore_mem>>
      %dma_start3A = arith.constant 0 : i32
      %dma_start3A_170 = tpu.memref_slice %arg23[%dma_start3A] : memref<50176xf32, #tpu.memory_space<vmem_shared>> -> memref<50176xf32, #tpu.memory_space<vmem_shared>>
      tpu.enqueue_indirect_dma source(%arg11 : memref<10000xf32, #tpu.memory_space<vmem>>) target(%dma_start3A_170 : memref<50176xf32, #tpu.memory_space<vmem_shared>>) offsets(%arg8 : memref<10000xi32, #tpu.memory_space<vmem>>) semaphore(%run_scoped3A : memref<!tpu.dma_semaphore, #tpu.memory_space<semaphore_mem>>) {add = true}
      %dma_wait3A = arith.constant 0 : i32
      %dma_wait3A_171 = tpu.memref_slice %arg23[%dma_wait3A] : memref<50176xf32, #tpu.memory_space<vmem_shared>> -> memref<50176xf32, #tpu.memory_space<vmem_shared>>
      tpu.wait_indirect_dma semaphore(%run_scoped3A : memref<!tpu.dma_semaphore, #tpu.memory_space<semaphore_mem>>) src(%arg11 : memref<10000xf32, #tpu.memory_space<vmem>>) dst(%dma_wait3A_171 : memref<50176xf32, #tpu.memory_space<vmem_shared>>)
      tpu.yield
    }) : () -> ()
    %add3A_158 = arith.constant 30000 : i32
    %add3A_159 = arith.addi %mul3A_2, %add3A_158 : i32
    "tpu.region"() ({
      %run_scoped3A = tpu.sem_alloc : memref<!tpu.dma_semaphore, #tpu.memory_space<semaphore_mem>>
      %dma_start3A = tpu.memref_slice %arg4[%add3A_159] : memref<800000xi32, #tpu.memory_space<hbm>> -> memref<10000xi32, #tpu.memory_space<hbm>>
      %dma_start3A_170 = tpu.memref_slice %arg4[%add3A_159] : memref<800000xi32, #tpu.memory_space<hbm>> -> memref<10000xi32, #tpu.memory_space<hbm>>
      tpu.enqueue_dma source(%dma_start3A_170 : memref<10000xi32, #tpu.memory_space<hbm>>) target(%arg8 : memref<10000xi32, #tpu.memory_space<vmem>>) target_semaphore(%run_scoped3A : memref<!tpu.dma_semaphore, #tpu.memory_space<semaphore_mem>>)
      %dma_wait3A = tpu.memref_slice %arg4[%add3A_159] : memref<800000xi32, #tpu.memory_space<hbm>> -> memref<10000xi32, #tpu.memory_space<hbm>>
      %dma_wait3A_171 = tpu.memref_slice %arg4[%add3A_159] : memref<800000xi32, #tpu.memory_space<hbm>> -> memref<10000xi32, #tpu.memory_space<hbm>>
      tpu.wait_dma2 semaphore(%run_scoped3A : memref<!tpu.dma_semaphore, #tpu.memory_space<semaphore_mem>>) src(%dma_wait3A_171 : memref<10000xi32, #tpu.memory_space<hbm>>) dst(%arg8 : memref<10000xi32, #tpu.memory_space<vmem>>)
      tpu.yield
    }) : () -> ()
    "tpu.region"() ({
      %run_scoped3A = tpu.sem_alloc : memref<!tpu.dma_semaphore, #tpu.memory_space<semaphore_mem>>
      %dma_start3A = tpu.memref_slice %arg5[%add3A_159] : memref<800000xi32, #tpu.memory_space<hbm>> -> memref<10000xi32, #tpu.memory_space<hbm>>
      %dma_start3A_170 = tpu.memref_slice %arg5[%add3A_159] : memref<800000xi32, #tpu.memory_space<hbm>> -> memref<10000xi32, #tpu.memory_space<hbm>>
      tpu.enqueue_dma source(%dma_start3A_170 : memref<10000xi32, #tpu.memory_space<hbm>>) target(%arg9 : memref<10000xi32, #tpu.memory_space<vmem>>) target_semaphore(%run_scoped3A : memref<!tpu.dma_semaphore, #tpu.memory_space<semaphore_mem>>)
      %dma_wait3A = tpu.memref_slice %arg5[%add3A_159] : memref<800000xi32, #tpu.memory_space<hbm>> -> memref<10000xi32, #tpu.memory_space<hbm>>
      %dma_wait3A_171 = tpu.memref_slice %arg5[%add3A_159] : memref<800000xi32, #tpu.memory_space<hbm>> -> memref<10000xi32, #tpu.memory_space<hbm>>
      tpu.wait_dma2 semaphore(%run_scoped3A : memref<!tpu.dma_semaphore, #tpu.memory_space<semaphore_mem>>) src(%dma_wait3A_171 : memref<10000xi32, #tpu.memory_space<hbm>>) dst(%arg9 : memref<10000xi32, #tpu.memory_space<vmem>>)
      tpu.yield
    }) : () -> ()
    "tpu.region"() ({
      %run_scoped3A = tpu.sem_alloc : memref<!tpu.dma_semaphore, #tpu.memory_space<semaphore_mem>>
      %dma_start3A = arith.constant 0 : i32
      %dma_start3A_170 = tpu.memref_slice %arg28[%dma_start3A] : memref<50176xf32, #tpu.memory_space<vmem_shared>> -> memref<50176xf32, #tpu.memory_space<vmem_shared>>
      tpu.enqueue_indirect_dma source(%dma_start3A_170 : memref<50176xf32, #tpu.memory_space<vmem_shared>>) target(%arg11 : memref<10000xf32, #tpu.memory_space<vmem>>) offsets(%arg9 : memref<10000xi32, #tpu.memory_space<vmem>>) semaphore(%run_scoped3A : memref<!tpu.dma_semaphore, #tpu.memory_space<semaphore_mem>>)
      %dma_wait3A = arith.constant 0 : i32
      %dma_wait3A_171 = tpu.memref_slice %arg28[%dma_wait3A] : memref<50176xf32, #tpu.memory_space<vmem_shared>> -> memref<50176xf32, #tpu.memory_space<vmem_shared>>
      tpu.wait_indirect_dma semaphore(%run_scoped3A : memref<!tpu.dma_semaphore, #tpu.memory_space<semaphore_mem>>) src(%dma_wait3A_171 : memref<50176xf32, #tpu.memory_space<vmem_shared>>) dst(%arg11 : memref<10000xf32, #tpu.memory_space<vmem>>)
      tpu.yield
    }) : () -> ()
    "tpu.region"() ({
      %run_scoped3A = tpu.sem_alloc : memref<!tpu.dma_semaphore, #tpu.memory_space<semaphore_mem>>
      %dma_start3A = arith.constant 0 : i32
      %dma_start3A_170 = tpu.memref_slice %arg23[%dma_start3A] : memref<50176xf32, #tpu.memory_space<vmem_shared>> -> memref<50176xf32, #tpu.memory_space<vmem_shared>>
      tpu.enqueue_indirect_dma source(%arg11 : memref<10000xf32, #tpu.memory_space<vmem>>) target(%dma_start3A_170 : memref<50176xf32, #tpu.memory_space<vmem_shared>>) offsets(%arg8 : memref<10000xi32, #tpu.memory_space<vmem>>) semaphore(%run_scoped3A : memref<!tpu.dma_semaphore, #tpu.memory_space<semaphore_mem>>) {add = true}
      %dma_wait3A = arith.constant 0 : i32
      %dma_wait3A_171 = tpu.memref_slice %arg23[%dma_wait3A] : memref<50176xf32, #tpu.memory_space<vmem_shared>> -> memref<50176xf32, #tpu.memory_space<vmem_shared>>
      tpu.wait_indirect_dma semaphore(%run_scoped3A : memref<!tpu.dma_semaphore, #tpu.memory_space<semaphore_mem>>) src(%arg11 : memref<10000xf32, #tpu.memory_space<vmem>>) dst(%dma_wait3A_171 : memref<50176xf32, #tpu.memory_space<vmem_shared>>)
      tpu.yield
    }) : () -> ()
    %add3A_160 = arith.constant 40000 : i32
    %add3A_161 = arith.addi %mul3A_2, %add3A_160 : i32
    "tpu.region"() ({
      %run_scoped3A = tpu.sem_alloc : memref<!tpu.dma_semaphore, #tpu.memory_space<semaphore_mem>>
      %dma_start3A = tpu.memref_slice %arg4[%add3A_161] : memref<800000xi32, #tpu.memory_space<hbm>> -> memref<10000xi32, #tpu.memory_space<hbm>>
      %dma_start3A_170 = tpu.memref_slice %arg4[%add3A_161] : memref<800000xi32, #tpu.memory_space<hbm>> -> memref<10000xi32, #tpu.memory_space<hbm>>
      tpu.enqueue_dma source(%dma_start3A_170 : memref<10000xi32, #tpu.memory_space<hbm>>) target(%arg8 : memref<10000xi32, #tpu.memory_space<vmem>>) target_semaphore(%run_scoped3A : memref<!tpu.dma_semaphore, #tpu.memory_space<semaphore_mem>>)
      %dma_wait3A = tpu.memref_slice %arg4[%add3A_161] : memref<800000xi32, #tpu.memory_space<hbm>> -> memref<10000xi32, #tpu.memory_space<hbm>>
      %dma_wait3A_171 = tpu.memref_slice %arg4[%add3A_161] : memref<800000xi32, #tpu.memory_space<hbm>> -> memref<10000xi32, #tpu.memory_space<hbm>>
      tpu.wait_dma2 semaphore(%run_scoped3A : memref<!tpu.dma_semaphore, #tpu.memory_space<semaphore_mem>>) src(%dma_wait3A_171 : memref<10000xi32, #tpu.memory_space<hbm>>) dst(%arg8 : memref<10000xi32, #tpu.memory_space<vmem>>)
      tpu.yield
    }) : () -> ()
    "tpu.region"() ({
      %run_scoped3A = tpu.sem_alloc : memref<!tpu.dma_semaphore, #tpu.memory_space<semaphore_mem>>
      %dma_start3A = tpu.memref_slice %arg5[%add3A_161] : memref<800000xi32, #tpu.memory_space<hbm>> -> memref<10000xi32, #tpu.memory_space<hbm>>
      %dma_start3A_170 = tpu.memref_slice %arg5[%add3A_161] : memref<800000xi32, #tpu.memory_space<hbm>> -> memref<10000xi32, #tpu.memory_space<hbm>>
      tpu.enqueue_dma source(%dma_start3A_170 : memref<10000xi32, #tpu.memory_space<hbm>>) target(%arg9 : memref<10000xi32, #tpu.memory_space<vmem>>) target_semaphore(%run_scoped3A : memref<!tpu.dma_semaphore, #tpu.memory_space<semaphore_mem>>)
      %dma_wait3A = tpu.memref_slice %arg5[%add3A_161] : memref<800000xi32, #tpu.memory_space<hbm>> -> memref<10000xi32, #tpu.memory_space<hbm>>
      %dma_wait3A_171 = tpu.memref_slice %arg5[%add3A_161] : memref<800000xi32, #tpu.memory_space<hbm>> -> memref<10000xi32, #tpu.memory_space<hbm>>
      tpu.wait_dma2 semaphore(%run_scoped3A : memref<!tpu.dma_semaphore, #tpu.memory_space<semaphore_mem>>) src(%dma_wait3A_171 : memref<10000xi32, #tpu.memory_space<hbm>>) dst(%arg9 : memref<10000xi32, #tpu.memory_space<vmem>>)
      tpu.yield
    }) : () -> ()
    "tpu.region"() ({
      %run_scoped3A = tpu.sem_alloc : memref<!tpu.dma_semaphore, #tpu.memory_space<semaphore_mem>>
      %dma_start3A = arith.constant 0 : i32
      %dma_start3A_170 = tpu.memref_slice %arg28[%dma_start3A] : memref<50176xf32, #tpu.memory_space<vmem_shared>> -> memref<50176xf32, #tpu.memory_space<vmem_shared>>
      tpu.enqueue_indirect_dma source(%dma_start3A_170 : memref<50176xf32, #tpu.memory_space<vmem_shared>>) target(%arg11 : memref<10000xf32, #tpu.memory_space<vmem>>) offsets(%arg9 : memref<10000xi32, #tpu.memory_space<vmem>>) semaphore(%run_scoped3A : memref<!tpu.dma_semaphore, #tpu.memory_space<semaphore_mem>>)
      %dma_wait3A = arith.constant 0 : i32
      %dma_wait3A_171 = tpu.memref_slice %arg28[%dma_wait3A] : memref<50176xf32, #tpu.memory_space<vmem_shared>> -> memref<50176xf32, #tpu.memory_space<vmem_shared>>
      tpu.wait_indirect_dma semaphore(%run_scoped3A : memref<!tpu.dma_semaphore, #tpu.memory_space<semaphore_mem>>) src(%dma_wait3A_171 : memref<50176xf32, #tpu.memory_space<vmem_shared>>) dst(%arg11 : memref<10000xf32, #tpu.memory_space<vmem>>)
      tpu.yield
    }) : () -> ()
    "tpu.region"() ({
      %run_scoped3A = tpu.sem_alloc : memref<!tpu.dma_semaphore, #tpu.memory_space<semaphore_mem>>
      %dma_start3A = arith.constant 0 : i32
      %dma_start3A_170 = tpu.memref_slice %arg23[%dma_start3A] : memref<50176xf32, #tpu.memory_space<vmem_shared>> -> memref<50176xf32, #tpu.memory_space<vmem_shared>>
      tpu.enqueue_indirect_dma source(%arg11 : memref<10000xf32, #tpu.memory_space<vmem>>) target(%dma_start3A_170 : memref<50176xf32, #tpu.memory_space<vmem_shared>>) offsets(%arg8 : memref<10000xi32, #tpu.memory_space<vmem>>) semaphore(%run_scoped3A : memref<!tpu.dma_semaphore, #tpu.memory_space<semaphore_mem>>) {add = true}
      %dma_wait3A = arith.constant 0 : i32
      %dma_wait3A_171 = tpu.memref_slice %arg23[%dma_wait3A] : memref<50176xf32, #tpu.memory_space<vmem_shared>> -> memref<50176xf32, #tpu.memory_space<vmem_shared>>
      tpu.wait_indirect_dma semaphore(%run_scoped3A : memref<!tpu.dma_semaphore, #tpu.memory_space<semaphore_mem>>) src(%arg11 : memref<10000xf32, #tpu.memory_space<vmem>>) dst(%dma_wait3A_171 : memref<50176xf32, #tpu.memory_space<vmem_shared>>)
      tpu.yield
    }) : () -> ()
    %barrier3A_162 = arith.constant 0 : index
    tpu.barrier barrier_id(%barrier3A_162)
    "tpu.region"() ({
      %run_scoped3A = tpu.sem_alloc : memref<!tpu.dma_semaphore, #tpu.memory_space<semaphore_mem>>
      %dma_start3A = tpu.memref_slice %arg23[%mul3A_0] : memref<50176xf32, #tpu.memory_space<vmem_shared>> -> memref<3136xf32, #tpu.memory_space<vmem_shared>>
      %dma_start3A_170 = tpu.memref_slice %arg23[%mul3A_0] : memref<50176xf32, #tpu.memory_space<vmem_shared>> -> memref<3136xf32, #tpu.memory_space<vmem_shared>>
      tpu.enqueue_dma source(%dma_start3A_170 : memref<3136xf32, #tpu.memory_space<vmem_shared>>) target(%arg14 : memref<3136xf32, #tpu.memory_space<vmem>>) target_semaphore(%run_scoped3A : memref<!tpu.dma_semaphore, #tpu.memory_space<semaphore_mem>>)
      %dma_wait3A = tpu.memref_slice %arg23[%mul3A_0] : memref<50176xf32, #tpu.memory_space<vmem_shared>> -> memref<3136xf32, #tpu.memory_space<vmem_shared>>
      %dma_wait3A_171 = tpu.memref_slice %arg23[%mul3A_0] : memref<50176xf32, #tpu.memory_space<vmem_shared>> -> memref<3136xf32, #tpu.memory_space<vmem_shared>>
      tpu.wait_dma2 semaphore(%run_scoped3A : memref<!tpu.dma_semaphore, #tpu.memory_space<semaphore_mem>>) src(%dma_wait3A_171 : memref<3136xf32, #tpu.memory_space<vmem_shared>>) dst(%arg14 : memref<3136xf32, #tpu.memory_space<vmem>>)
      tpu.yield
    }) : () -> ()
    %scan3A_163 = arith.constant 0 : i32
    %scan3A_164 = arith.constant 0 : i32
    %scan3A_165 = arith.constant 196 : i32
    %scan3A_166 = arith.addi %scan3A_164, %scan3A_165 : i32
    %scan3A_167 = arith.constant 1 : i32
    %scan3A_168 = scf.for %scan3A_170 = %scan3A_164 to %scan3A_166 step %scan3A_167 iter_args(%scan3A_171 = %scan3A_163) -> (i32)  : i32 {
      %mul3A_172 = arith.constant 16 : i32
      %mul3A_173 = arith.muli %scan3A_170, %mul3A_172 : i32
      %get3A_174 = arith.index_cast %mul3A_173 : i32 to index
      %get3A_175 = tpu.vector_load %arg20[%get3A_174] {strides = array<i32>} : memref<3136xf32, #tpu.memory_space<vmem>>, vector<16xf32>,
      %get3A_176 = vector.shape_cast %get3A_175 : vector<16xf32> to vector<16xf32>
      %get3A_177 = arith.index_cast %mul3A_173 : i32 to index
      %get3A_178 = tpu.vector_load %arg14[%get3A_177] {strides = array<i32>} : memref<3136xf32, #tpu.memory_space<vmem>>, vector<16xf32>,
      %get3A_179 = vector.shape_cast %get3A_178 : vector<16xf32> to vector<16xf32>
      %mul3A_180 = arith.mulf %get3A_176, %get3A_179 : vector<16xf32>
      %add3A_181 = vector.broadcast %squeeze3A_25 : f32 to vector<16xf32>
      %add3A_182 = arith.addf %mul3A_180, %add3A_181 : vector<16xf32>
      %swap3A = arith.index_cast %mul3A_173 : i32 to index
      %swap3A_183 = tpu.vector_load %arg18[%swap3A] {strides = array<i32>} : memref<3136xf32, #tpu.memory_space<vmem>>, vector<16xf32>,
      %swap3A_184 = vector.shape_cast %swap3A_183 : vector<16xf32> to vector<16xf32>
      %swap3A_185 = vector.shape_cast %add3A_182 : vector<16xf32> to vector<16xf32>
      tpu.vector_store %arg18[%swap3A], %swap3A_185 {strides = array<i32>} : memref<3136xf32, #tpu.memory_space<vmem>>, vector<16xf32>,
      %scan3A_186 = arith.constant 0 : i32
      scf.yield %scan3A_186 : i32
    }
    %scan3A_169 = arith.constant 196 : i32
    "tpu.region"() ({
      %run_scoped3A = tpu.sem_alloc : memref<!tpu.dma_semaphore, #tpu.memory_space<semaphore_mem>>
      %dma_start3A = tpu.memref_slice %arg7[%mul3A_0] : memref<50176xf32, #tpu.memory_space<hbm>> -> memref<3136xf32, #tpu.memory_space<hbm>>
      %dma_start3A_170 = tpu.memref_slice %arg7[%mul3A_0] : memref<50176xf32, #tpu.memory_space<hbm>> -> memref<3136xf32, #tpu.memory_space<hbm>>
      tpu.enqueue_dma source(%arg18 : memref<3136xf32, #tpu.memory_space<vmem>>) target(%dma_start3A_170 : memref<3136xf32, #tpu.memory_space<hbm>>) target_semaphore(%run_scoped3A : memref<!tpu.dma_semaphore, #tpu.memory_space<semaphore_mem>>)
      %dma_wait3A = tpu.memref_slice %arg7[%mul3A_0] : memref<50176xf32, #tpu.memory_space<hbm>> -> memref<3136xf32, #tpu.memory_space<hbm>>
      %dma_wait3A_171 = tpu.memref_slice %arg7[%mul3A_0] : memref<50176xf32, #tpu.memory_space<hbm>> -> memref<3136xf32, #tpu.memory_space<hbm>>
      tpu.wait_dma2 semaphore(%run_scoped3A : memref<!tpu.dma_semaphore, #tpu.memory_space<semaphore_mem>>) src(%arg18 : memref<3136xf32, #tpu.memory_space<vmem>>) dst(%dma_wait3A_171 : memref<3136xf32, #tpu.memory_space<hbm>>)
      tpu.yield
    }) : () -> ()
    return
  }
}

module attributes {stable_mosaic.version = 14 : i64} {
  func.func @_prologue_body(%arg0: i32, %arg1: memref<1024x64xf32, #tpu.memory_space<vmem>>, %arg2: memref<1024x64xf32, #tpu.memory_space<vmem>>, %arg3: memref<64x512xf32, #tpu.memory_space<vmem>>, %arg4: memref<512x64xf32, #tpu.memory_space<vmem>>, %arg5: memref<64x1xf32, #tpu.memory_space<vmem>>, %arg6: memref<1x512xf32, #tpu.memory_space<vmem>>, %arg7: memref<1x64xf32, #tpu.memory_space<vmem>>, %arg8: memref<1024x1xf32, #tpu.memory_space<vmem>>, %arg9: memref<1024x1xf32, #tpu.memory_space<vmem>>, %arg10: memref<64x1xf32, #tpu.memory_space<vmem>>, %arg11: memref<1x1xf32, #tpu.memory_space<vmem>>) attributes {dimension_semantics = [#tpu.dimension_semantics<arbitrary>], iteration_bounds = array<i64: 49>, scalar_prefetch = 0 : i64, scratch_operands = 2 : i64, tpu.core_type = #tpu.core_type<tc>, window_params = [{transform_indices = @transform_0, window_bounds = array<i64: 1024, 64>}, {transform_indices = @transform_1, window_bounds = array<i64: 1024, 64>}, {pipeline_mode = #tpu.pipeline_mode<synchronous>, transform_indices = @transform_2, window_bounds = array<i64: 64, 512>}, {pipeline_mode = #tpu.pipeline_mode<synchronous>, transform_indices = @transform_3, window_bounds = array<i64: 512, 64>}, {pipeline_mode = #tpu.pipeline_mode<synchronous>, transform_indices = @transform_4, window_bounds = array<i64: 64, 1>}, {pipeline_mode = #tpu.pipeline_mode<synchronous>, transform_indices = @transform_5, window_bounds = array<i64: 1, 512>}, {pipeline_mode = #tpu.pipeline_mode<synchronous>, transform_indices = @transform_6, window_bounds = array<i64: 1, 64>}, {transform_indices = @transform_7, window_bounds = array<i64: 1024, 1>}, {transform_indices = @transform_8, window_bounds = array<i64: 1024, 1>}]} {
    %eq3A = arith.constant 0 : i32
    %eq3A_0 = arith.cmpi eq, %arg0, %eq3A : i32
    %convert_element_type3A = arith.extui %eq3A_0 : i1 to i32
    %cond3A = arith.constant 0 : i32
    %cond3A_1 = arith.cmpi ne, %convert_element_type3A, %cond3A : i32
    scf.if %cond3A_1 {
      %get3A_30 = arith.constant 0 : index
      %get3A_31 = arith.constant 0 : index
      %get3A_32 = vector.load %arg3[%get3A_30, %get3A_31] : memref<64x512xf32, #tpu.memory_space<vmem>>, vector<64x512xf32>
      %get3A_33 = arith.constant 0 : index
      %get3A_34 = arith.constant 0 : index
      %get3A_35 = vector.load %arg4[%get3A_33, %get3A_34] : memref<512x64xf32, #tpu.memory_space<vmem>>, vector<512x64xf32>
      %dot_general3A_36 = arith.constant dense<0.000000e+00> : vector<64x64xf32>
      %dot_general3A_37 = tpu.matmul %get3A_32, %get3A_35, %dot_general3A_36 {dimension_numbers = #tpu.dot_dimension_numbers<[1], [0], [0], [1], [0, 0, 1, 1], [], []>, transpose_lhs_hint = false} : vector<64x512xf32>, vector<512x64xf32>, vector<64x64xf32> -> vector<64x64xf32>
      %get3A_38 = arith.constant 0 : index
      %get3A_39 = arith.constant 0 : index
      %get3A_40 = vector.load %arg5[%get3A_38, %get3A_39] : memref<64x1xf32, #tpu.memory_space<vmem>>, vector<64x1xf32>
      %dot_general3A_41 = arith.constant dense<0.000000e+00> : vector<64x1xf32>
      %dot_general3A_42 = tpu.matmul %dot_general3A_37, %get3A_40, %dot_general3A_41 {dimension_numbers = #tpu.dot_dimension_numbers<[1], [0], [0], [1], [0, 0, 1, 1], [], []>, transpose_lhs_hint = false} : vector<64x64xf32>, vector<64x1xf32>, vector<64x1xf32> -> vector<64x1xf32>
      %swap3A_43 = arith.constant 0 : index
      %swap3A_44 = arith.constant 0 : index
      %swap3A_45 = vector.load %arg10[%swap3A_43, %swap3A_44] : memref<64x1xf32, #tpu.memory_space<vmem>>, vector<64x1xf32>
      tpu.vector_store %arg10[%swap3A_43, %swap3A_44], %dot_general3A_42 {strides = array<i32>} : memref<64x1xf32, #tpu.memory_space<vmem>>, vector<64x1xf32>,
      %get3A_46 = arith.constant 0 : index
      %get3A_47 = arith.constant 0 : index
      %get3A_48 = vector.load %arg6[%get3A_46, %get3A_47] : memref<1x512xf32, #tpu.memory_space<vmem>>, vector<1x512xf32>
      %mul3A = arith.constant 2.000000e+00 : f32
      %mul3A_49 = vector.broadcast %mul3A : f32 to vector<1x512xf32>
      %mul3A_50 = arith.mulf %mul3A_49, %get3A_48 : vector<1x512xf32>
      %get3A_51 = arith.constant 0 : index
      %get3A_52 = arith.constant 0 : index
      %get3A_53 = vector.load %arg4[%get3A_51, %get3A_52] : memref<512x64xf32, #tpu.memory_space<vmem>>, vector<512x64xf32>
      %dot_general3A_54 = arith.constant dense<0.000000e+00> : vector<1x64xf32>
      %dot_general3A_55 = tpu.matmul %mul3A_50, %get3A_53, %dot_general3A_54 {dimension_numbers = #tpu.dot_dimension_numbers<[1], [0], [0], [1], [0, 0, 1, 1], [], []>, transpose_lhs_hint = false} : vector<1x512xf32>, vector<512x64xf32>, vector<1x64xf32> -> vector<1x64xf32>
      %get3A_56 = arith.constant 0 : index
      %get3A_57 = arith.constant 0 : index
      %get3A_58 = vector.load %arg7[%get3A_56, %get3A_57] : memref<1x64xf32, #tpu.memory_space<vmem>>, vector<1x64xf32>
      %add3A_59 = arith.addf %dot_general3A_55, %get3A_58 : vector<1x64xf32>
      %get3A_60 = arith.constant 0 : index
      %get3A_61 = arith.constant 0 : index
      %get3A_62 = vector.load %arg5[%get3A_60, %get3A_61] : memref<64x1xf32, #tpu.memory_space<vmem>>, vector<64x1xf32>
      %dot_general3A_63 = arith.constant dense<0.000000e+00> : vector<1x1xf32>
      %dot_general3A_64 = tpu.matmul %add3A_59, %get3A_62, %dot_general3A_63 {dimension_numbers = #tpu.dot_dimension_numbers<[1], [0], [0], [1], [0, 0, 1, 1], [], []>, transpose_lhs_hint = false} : vector<1x64xf32>, vector<64x1xf32>, vector<1x1xf32> -> vector<1x1xf32>
      %swap3A_65 = arith.constant 0 : index
      %swap3A_66 = arith.constant 0 : index
      %swap3A_67 = vector.load %arg11[%swap3A_65, %swap3A_66] : memref<1x1xf32, #tpu.memory_space<vmem>>, vector<1x1xf32>
      tpu.vector_store %arg11[%swap3A_65, %swap3A_66], %dot_general3A_64 {strides = array<i32>} : memref<1x1xf32, #tpu.memory_space<vmem>>, vector<1x1xf32>,
    } else {
    }
    %get3A = arith.constant 0 : index
    %get3A_2 = arith.constant 0 : index
    %get3A_3 = vector.load %arg1[%get3A, %get3A_2] : memref<1024x64xf32, #tpu.memory_space<vmem>>, vector<1024x64xf32>
    %get3A_4 = arith.constant 0 : index
    %get3A_5 = arith.constant 0 : index
    %get3A_6 = vector.load %arg2[%get3A_4, %get3A_5] : memref<1024x64xf32, #tpu.memory_space<vmem>>, vector<1024x64xf32>
    %add3A = arith.addf %get3A_3, %get3A_6 : vector<1024x64xf32>
    %get3A_7 = arith.constant 0 : index
    %get3A_8 = arith.constant 0 : index
    %get3A_9 = vector.load %arg10[%get3A_7, %get3A_8] : memref<64x1xf32, #tpu.memory_space<vmem>>, vector<64x1xf32>
    %dot_general3A = arith.constant dense<0.000000e+00> : vector<1024x1xf32>
    %dot_general3A_10 = tpu.matmul %add3A, %get3A_9, %dot_general3A {dimension_numbers = #tpu.dot_dimension_numbers<[1], [0], [0], [1], [0, 0, 1, 1], [], []>, transpose_lhs_hint = false} : vector<1024x64xf32>, vector<64x1xf32>, vector<1024x1xf32> -> vector<1024x1xf32>
    %get3A_11 = arith.constant 0 : index
    %get3A_12 = arith.constant 0 : index
    %get3A_13 = vector.load %arg11[%get3A_11, %get3A_12] : memref<1x1xf32, #tpu.memory_space<vmem>>, vector<1x1xf32>
    %get3A_14 = vector.extract %get3A_13[0, 0] : f32 from vector<1x1xf32>
    %add3A_15 = vector.broadcast %get3A_14 : f32 to vector<1024x1xf32>
    %add3A_16 = arith.addf %dot_general3A_10, %add3A_15 : vector<1024x1xf32>
    %swap3A = arith.constant 0 : index
    %swap3A_17 = arith.constant 0 : index
    %swap3A_18 = vector.load %arg8[%swap3A, %swap3A_17] : memref<1024x1xf32, #tpu.memory_space<vmem>>, vector<1024x1xf32>
    tpu.vector_store %arg8[%swap3A, %swap3A_17], %add3A_16 {strides = array<i32>} : memref<1024x1xf32, #tpu.memory_space<vmem>>, vector<1024x1xf32>,
    %get3A_19 = arith.constant 0 : index
    %get3A_20 = arith.constant 0 : index
    %get3A_21 = vector.load %arg2[%get3A_19, %get3A_20] : memref<1024x64xf32, #tpu.memory_space<vmem>>, vector<1024x64xf32>
    %get3A_22 = arith.constant 0 : index
    %get3A_23 = arith.constant 0 : index
    %get3A_24 = vector.load %arg5[%get3A_22, %get3A_23] : memref<64x1xf32, #tpu.memory_space<vmem>>, vector<64x1xf32>
    %dot_general3A_25 = arith.constant dense<0.000000e+00> : vector<1024x1xf32>
    %dot_general3A_26 = tpu.matmul %get3A_21, %get3A_24, %dot_general3A_25 {dimension_numbers = #tpu.dot_dimension_numbers<[1], [0], [0], [1], [0, 0, 1, 1], [], []>, transpose_lhs_hint = false} : vector<1024x64xf32>, vector<64x1xf32>, vector<1024x1xf32> -> vector<1024x1xf32>
    %swap3A_27 = arith.constant 0 : index
    %swap3A_28 = arith.constant 0 : index
    %swap3A_29 = vector.load %arg9[%swap3A_27, %swap3A_28] : memref<1024x1xf32, #tpu.memory_space<vmem>>, vector<1024x1xf32>
    tpu.vector_store %arg9[%swap3A_27, %swap3A_28], %dot_general3A_26 {strides = array<i32>} : memref<1024x1xf32, #tpu.memory_space<vmem>>, vector<1024x1xf32>,
    return
  }
  func.func @transform_0(%arg0: i32) -> (i32, i32) {
    %c0_i32 = arith.constant 0 : i32
    %c0_i32_0 = arith.constant 0 : i32
    return %arg0, %c0_i32 : i32, i32
  }
  func.func @transform_1(%arg0: i32) -> (i32, i32) {
    %c0_i32 = arith.constant 0 : i32
    %c0_i32_0 = arith.constant 0 : i32
    return %arg0, %c0_i32 : i32, i32
  }
  func.func @transform_2(%arg0: i32) -> (i32, i32) {
    %c0_i32 = arith.constant 0 : i32
    %c0_i32_0 = arith.constant 0 : i32
    %c0_i32_1 = arith.constant 0 : i32
    return %c0_i32, %c0_i32_0 : i32, i32
  }
  func.func @transform_3(%arg0: i32) -> (i32, i32) {
    %c0_i32 = arith.constant 0 : i32
    %c0_i32_0 = arith.constant 0 : i32
    %c0_i32_1 = arith.constant 0 : i32
    return %c0_i32, %c0_i32_0 : i32, i32
  }
  func.func @transform_4(%arg0: i32) -> (i32, i32) {
    %c0_i32 = arith.constant 0 : i32
    %c0_i32_0 = arith.constant 0 : i32
    %c0_i32_1 = arith.constant 0 : i32
    return %c0_i32, %c0_i32_0 : i32, i32
  }
  func.func @transform_5(%arg0: i32) -> (i32, i32) {
    %c0_i32 = arith.constant 0 : i32
    %c0_i32_0 = arith.constant 0 : i32
    %c0_i32_1 = arith.constant 0 : i32
    return %c0_i32, %c0_i32_0 : i32, i32
  }
  func.func @transform_6(%arg0: i32) -> (i32, i32) {
    %c0_i32 = arith.constant 0 : i32
    %c0_i32_0 = arith.constant 0 : i32
    %c0_i32_1 = arith.constant 0 : i32
    return %c0_i32, %c0_i32_0 : i32, i32
  }
  func.func @transform_7(%arg0: i32) -> (i32, i32) {
    %c0_i32 = arith.constant 0 : i32
    %c0_i32_0 = arith.constant 0 : i32
    return %arg0, %c0_i32 : i32, i32
  }
  func.func @transform_8(%arg0: i32) -> (i32, i32) {
    %c0_i32 = arith.constant 0 : i32
    %c0_i32_0 = arith.constant 0 : i32
    return %arg0, %c0_i32 : i32, i32
  }
}

module attributes {stable_mosaic.version = 14 : i64} {
  func.func @_epilogue_body(%arg0: i32, %arg1: memref<1024x1xf32, #tpu.memory_space<vmem>>, %arg2: memref<1x10xf32, #tpu.memory_space<vmem>>, %arg3: memref<1x10xf32, #tpu.memory_space<vmem>>, %arg4: memref<1024x10xf32, #tpu.memory_space<vmem>>) attributes {dimension_semantics = [#tpu.dimension_semantics<arbitrary>], iteration_bounds = array<i64: 49>, scalar_prefetch = 0 : i64, scratch_operands = 0 : i64, tpu.core_type = #tpu.core_type<tc>, window_params = [{transform_indices = @transform_0, window_bounds = array<i64: 1024, 1>}, {pipeline_mode = #tpu.pipeline_mode<synchronous>, transform_indices = @transform_1, window_bounds = array<i64: 1, 10>}, {pipeline_mode = #tpu.pipeline_mode<synchronous>, transform_indices = @transform_2, window_bounds = array<i64: 1, 10>}, {transform_indices = @transform_3, window_bounds = array<i64: 1024, 10>}]} {
    %get3A = arith.constant 0 : index
    %get3A_0 = arith.constant 0 : index
    %get3A_1 = vector.load %arg1[%get3A, %get3A_0] : memref<1024x1xf32, #tpu.memory_space<vmem>>, vector<1024x1xf32>
    %max3A = arith.constant 0.000000e+00 : f32
    %max3A_2 = vector.broadcast %max3A : f32 to vector<1024x1xf32>
    %max3A_3 = arith.maximumf %get3A_1, %max3A_2 : vector<1024x1xf32>
    %get3A_4 = arith.constant 0 : index
    %get3A_5 = arith.constant 0 : index
    %get3A_6 = vector.load %arg2[%get3A_4, %get3A_5] : memref<1x10xf32, #tpu.memory_space<vmem>>, vector<1x10xf32>
    %mul3A = vector.broadcast %max3A_3 : vector<1024x1xf32> to vector<1024x10xf32>
    %mul3A_7 = vector.broadcast %get3A_6 : vector<1x10xf32> to vector<1024x10xf32>
    %mul3A_8 = arith.mulf %mul3A, %mul3A_7 : vector<1024x10xf32>
    %get3A_9 = arith.constant 0 : index
    %get3A_10 = arith.constant 0 : index
    %get3A_11 = vector.load %arg3[%get3A_9, %get3A_10] : memref<1x10xf32, #tpu.memory_space<vmem>>, vector<1x10xf32>
    %add3A = vector.broadcast %get3A_11 : vector<1x10xf32> to vector<1024x10xf32>
    %add3A_12 = arith.addf %mul3A_8, %add3A : vector<1024x10xf32>
    %swap3A = arith.constant 0 : index
    %swap3A_13 = arith.constant 0 : index
    %swap3A_14 = vector.load %arg4[%swap3A, %swap3A_13] : memref<1024x10xf32, #tpu.memory_space<vmem>>, vector<1024x10xf32>
    tpu.vector_store %arg4[%swap3A, %swap3A_13], %add3A_12 {strides = array<i32>} : memref<1024x10xf32, #tpu.memory_space<vmem>>, vector<1024x10xf32>,
    return
  }
  func.func @transform_0(%arg0: i32) -> (i32, i32) {
    %c0_i32 = arith.constant 0 : i32
    %c0_i32_0 = arith.constant 0 : i32
    return %arg0, %c0_i32 : i32, i32
  }
  func.func @transform_1(%arg0: i32) -> (i32, i32) {
    %c0_i32 = arith.constant 0 : i32
    %c0_i32_0 = arith.constant 0 : i32
    %c0_i32_1 = arith.constant 0 : i32
    return %c0_i32, %c0_i32_0 : i32, i32
  }
  func.func @transform_2(%arg0: i32) -> (i32, i32) {
    %c0_i32 = arith.constant 0 : i32
    %c0_i32_0 = arith.constant 0 : i32
    %c0_i32_1 = arith.constant 0 : i32
    return %c0_i32, %c0_i32_0 : i32, i32
  }
  func.func @transform_3(%arg0: i32) -> (i32, i32) {
    %c0_i32 = arith.constant 0 : i32
    %c0_i32_0 = arith.constant 0 : i32
    return %arg0, %c0_i32 : i32, i32
  }
}

</mosaic_0001>

<sc_bundles>
// kernel: kernel.5.cloned.1.call-start
scs
__scs_entry_jumppad:
0x0: {  	(pc) =	sbr.rel $0x88, $3  }
0x1: {  	(tag) =	ssettag $0x0;
	lr =	simm.s32 $0x1  }
0x2: {  	[smem:$0x3F94] =	sst lr;
	_ =	strace $0xD0000000  }
0x3: {  	_ = 	snop  }
0x4: {  	_ = 	snop  }
0x5: {  	_ = 	snop  }
0x6: {  	_ = 	snop  }
0x7: {  	_ = 	snop  }
__scs_overlays_trampoline_lowered:
0x8: {  	[smem:$0x3FA3] =	sst s0  }
0x9: {  	[smem:$0x3FA4] =	sst s1  }
0xa: {  	[smem:$0x3FA5] =	sst s2  }
0xb: {  	[smem:$0x3FA6] =	sst s3  }
0xc: {  	[smem:$0x3FA7] =	sst s4  }
0xd: {  	[smem:$0x3FA8] =	sst s5  }
0xe: {  	[smem:$0x3FA9] =	sst s6  }
0xf: {  	[smem:$0x3FAA] =	sst s7  }
0x10: {  	[smem:$0x3FAB] =	sst s8  }
0x11: {  	[smem:$0x3FAC] =	sst s9;
	s0 =	simm.s32 @!p0 $0x0  }
0x12: {  	s1 =	sld [smem:$0x3F92];
	s0 =	simm.s32 @p0 $0x1  }
0x13: {  	[smem:$0x3FAD] =	sst s0;
	s0 =	simm.s32 @!p1 $0x0  }
0x14: {  	s2 =	sld [smem:$0x3F91];
	s0 =	simm.s32 @p1 $0x1  }
0x15: {  	[smem:$0x3FAE] =	sst s0;
	s0 =	simm.s32 @!p2 $0x0  }
0x16: {  	s3 =	sld [smem:$0x3FDB];
	s0 =	simm.s32 @p2 $0x1  }
0x17: {  	s4 =	simm.s32 $0x1BF5;
	[smem:$0x3FB0] =	sst s0  }
0x18: {  	s0 =	sld [smem:$0x3F93];
	_ =	swait.ge [sflag:s4], $0x0  }
0x19: {  	s7 =	sld [smem:$0x3F94]  }
0x1a: {  	s8 =	sadd.s32 $0xFFFFE003, lr  }
0x1b: {  	s9 =	sadd.s32 $0xFFFFFEF7, lr;
	s5 =	simm.s32 $0xFFFFFFFF;
	p2 =	slt.u32 s8, $0xFFFFF086  }
0x1c: {  	p1 =	slt.u32 s9, $0xF7A;
	s5 =	simm.s32 @!p2 $0x0  }
0x1d: {  	s5 =	simm.s32 @p1 $0x1;
	p0 =	seq.s32 s7, s2  }
0x1e: {  	s7 =	smul.u32 @!p0 $0xF7A, s2;
	p2 =	seq.s32 @!p0 s5, $0x0  }
0x1f: {  	s9 =	smul.u32 $0xF7A, s1;
	s8 =	simm.s32 @!p0 $0x1BF5;
	p2 =	por !p2, p0  }
0x20: {  	[sflag:s8] =	ssyncset.s32 @!p0 $0xFFFFF086;
	s6 =	sadd.s32 @!p0 s3, s7;
	s7 =	simm.s32 @!p0 $0x108  }
0x21: {  	s3 =	sadd.s32 s3, s9;
	s6 =	sadd.s32 @!p0 $0x88, s6;
	s7 =	simm.s32 @p2 $0x1082  }
0x22: {  	[simem:s7], [sflag:s8] =	dma.local @!p0 [hbm:s6], $0xF7A  }
0x23: {  	s9 =	sor.u32 $0xD0000000, s2;
	s6 =	simm.s32 $0x108;
	_ =	swait.ge @!p0 [sflag:s8], $0x0  }
0x24: {  	s3 =	sadd.s32 $0x88, s3;
	s6 =	simm.s32 @!p1 $0x1082;
	[sflag:s4] =	ssyncset.s32 $0xFFFFF086  }
0x25: {  	[simem:s6], [sflag:s4] =	dma.local [hbm:s3], $0xF7A  }
0x26: {  	[smem:$0x3F94] =	sst s1;
	(tag) =	ssettag s2;
	_ =	strace s9  }
0x27: {  	s1 =	sld [smem:$0x3FA4]  }
0x28: {  	s2 =	sld [smem:$0x3FA5]  }
0x29: {  	s4 =	sld [smem:$0x3FA7]  }
0x2a: {  	p0 =	seq.s32 s5, $0x0;
	s5 =	sld [smem:$0x3FA8]  }
0x2b: {  	s6 =	sld [smem:$0x3FA9]  }
0x2c: {  	s7 =	sld [smem:$0x3FAA]  }
0x2d: {  	s3 =	simm.s32 $0x108;
	s8 =	sld [smem:$0x3FAB]  }
0x2e: {  	s3 =	simm.s32 @!p0 $0x1082;
	s9 =	sld [smem:$0x3FAC]  }
0x2f: {  	lr =	sadd.s32 s0, s3;
	s0 =	sld [smem:$0x3FA3]  }
0x30: {  	s3 =	sld [smem:$0x3FA6]  }
0x31: {  	[smem:$0x3FAF] =	sst s10  }
0x32: {  	s10 =	sld [smem:$0x3FAD];
	_ =	sdelay $0x3  }
0x33: {  	p0 =	seq.s32 s10, $0x1;
	s10 =	sld [smem:$0x3FAF];
	_ =	sdelay $0x3  }
0x34: {  	[smem:$0x3FAF] =	sst s10  }
0x35: {  	s10 =	sld [smem:$0x3FAE];
	_ =	sdelay $0x3  }
0x36: {  	p1 =	seq.s32 s10, $0x1;
	s10 =	sld [smem:$0x3FAF];
	_ =	sdelay $0x3  }
0x37: {  	[smem:$0x3FAF] =	sst s10  }
0x38: {  	s10 =	sld [smem:$0x3FB0]  }
0x39: {  	_ = 	snop;
	(pc) =	sbr.ind lr, $3  }
0x3a: {  	_ = 	snop  }
0x3b: {  	_ = 	snop  }
0x3c: {  	p2 =	seq.s32 s10, $0x1;
	s10 =	sld [smem:$0x3FAF]  }
0x3d: {  	_ =	shalt  }
0x3e: {  	_ =	shalt  }
0x3f: {  	_ =	shalt  }
0x40: {  	_ =	shalt  }
0x41: {  	_ =	shalt  }
0x42: {  	_ =	shalt  }
0x43: {  	_ =	shalt  }
0x44: {  	_ =	shalt  }
0x45: {  	_ =	shalt  }
0x46: {  	_ =	shalt  }
0x47: {  	_ =	shalt  }
0x48: {  	_ =	shalt  }
0x49: {  	_ =	shalt  }
0x4a: {  	_ =	shalt  }
0x4b: {  	_ =	shalt  }
0x4c: {  	_ =	shalt  }
0x4d: {  	_ =	shalt  }
0x4e: {  	_ =	shalt  }
0x4f: {  	_ =	shalt  }
0x50: {  	_ =	shalt  }
0x51: {  	_ =	shalt  }
0x52: {  	_ =	shalt  }
0x53: {  	_ =	shalt  }
0x54: {  	_ =	shalt  }
0x55: {  	_ =	shalt  }
0x56: {  	_ =	shalt  }
0x57: {  	_ =	shalt  }
0x58: {  	_ =	shalt  }
0x59: {  	_ =	shalt  }
0x5a: {  	_ =	shalt  }
0x5b: {  	_ =	shalt  }
0x5c: {  	_ =	shalt  }
0x5d: {  	_ =	shalt  }
0x5e: {  	_ =	shalt  }
0x5f: {  	_ =	shalt  }
0x60: {  	_ =	shalt  }
0x61: {  	_ =	shalt  }
0x62: {  	_ =	shalt  }
0x63: {  	_ =	shalt  }
0x64: {  	_ =	shalt  }
0x65: {  	_ =	shalt  }
0x66: {  	_ =	shalt  }
0x67: {  	_ =	shalt  }
0x68: {  	_ =	shalt  }
0x69: {  	_ =	shalt  }
0x6a: {  	_ =	shalt  }
0x6b: {  	_ =	shalt  }
0x6c: {  	_ =	shalt  }
0x6d: {  	_ =	shalt  }
0x6e: {  	_ =	shalt  }
0x6f: {  	_ =	shalt  }
0x70: {  	_ =	shalt  }
0x71: {  	_ =	shalt  }
0x72: {  	_ =	shalt  }
0x73: {  	_ =	shalt  }
0x74: {  	_ =	shalt  }
0x75: {  	_ =	shalt  }
0x76: {  	_ =	shalt  }
0x77: {  	_ =	shalt  }
0x78: {  	_ =	shalt  }
0x79: {  	_ =	shalt  }
0x7a: {  	_ =	shalt  }
0x7b: {  	_ =	shalt  }
0x7c: {  	_ =	shalt  }
0x7d: {  	_ =	shalt  }
0x7e: {  	_ =	shalt  }
0x7f: {  	_ =	shalt  }
0x80: {  	_ =	shalt  }
0x81: {  	_ =	shalt  }
0x82: {  	_ =	shalt  }
0x83: {  	_ =	shalt  }
0x84: {  	_ =	shalt  }
0x85: {  	_ =	shalt  }
0x86: {  	_ =	shalt  }
0x87: {  	_ =	shalt  }
.Lfunc_end0:
.L_simem_size_0:
called_computation_lowered:
.L_overlay_start_0:
0x88: {  	s0 =	sld [smem:$0x3FD9]  }
0x89: {  	s1 =	sld [smem:$0x3FFE];
	_ =	sdelay $0x3  }
0x8a: {  	s0 =	sadd.s32 s1, s0  }
0x8b: {  	[smem:$0x3FBB] =	sst s0  }
0x8c: {  	_ = 	snop  }
0x8d: {  	s0 =	sld [smem:$0x3FD0];
	(tm) =	ssettm $0x1  }
0x8e: {  	s16 =	sld [smem:$0x3FFB];
	_ =	sdelay $0x3  }
0x8f: {  	_ =	strace s16  }
0x90: {  	s1 =	sld [smem:$0x3FFC];
	_ =	sdelay $0x3  }
0x91: {  	_ =	strace s1  }
0x92: {  	s1 =	sld [smem:$0x3FFD];
	_ =	sdelay $0x3  }
0x93: {  	_ =	strace s1  }
0x94: {  	_ =	strace $0x8FFFFFFF  }
0x95: {  	s17 =	sld [smem:$0x3FDB];
	_ =	sdelay $0x1  }
0x96: {  	s2 =	simm.s32 $_scs_section_size  }
0x97: {  	s3 =	simm.s32 $_size__tile_overlayer_lowered;
	s4 =	simm.s32 $_tile_overlayer_lowered  }
0x98: {  	s20 =	simm.s32 $0x1BFF;
	s19 =	sshll.u32 s4, $0x1;
	s1 =	sadd.s32 s2, s17  }
0x99: {  	s5 =	simm.s32 $0x0;
	s18 =	sshll.u32 s3, $0x1;
	s3 =	sadd.s32 s19, s1  }
0x9a: {  	[timem:s5], [sflag:s20] =	dma.local [hbm:s3], s18  }
0x9b: {  	_ =	swait.ge [sflag:s20], s18  }
0x9c: {  	s2 =	ssub.s32 $0x0, s18;
	[sflag:s20] =	ssyncset.done $0x0  }
0x9d: {  	[sflag:s20] =	ssyncadd.s32 s2;
	_ =	sdelay $0x1  }
0x9e: {  	s21 =	simm.s32 $0x1B8B  }
0x9f: {  	_ =	swait.ge [sflag:s21], $0x1  }
0xa0: {  	[sflag:s21] =	ssyncset.done $0x0  }
0xa1: {  	s23 =	simm.s32 $0x1B8E;
	s22 =	sld [smem:$0x3FFE];
	[sflag:s21] =	ssyncadd.s32 $0xFFFFFFFF  }
0xa2: {  	s24 =	simm.s32 $execute0_lowered;
	[smem:$0x3FD2] =	sst s23  }
0xa3: {  	s3 =	sshll.u32 s24, $0x1;
	_ =	strace $0x80000046;
	[dreg:$0x1] =	wrdreg $0xFFFFFFFF  }
0xa4: {  	s25 =	simm.s32 $_size_execute0_lowered;
	s1 =	sadd.s32 s1, s3;
	[dreg:$0x0] =	wrdreg $0x0  }
0xa5: {  	s3 =	sshll.u32 s25, $0x1;
	[dreg:$0x2] =	wrdreg s1  }
0xa6: {  	[dreg:$0x3] =	wrdreg s3  }
0xa7: {  	[dreg:$0x4] =	wrdreg $0xC0  }
0xa8: {  	_ =	task [dreg:s5], $0x5FFFF  }
0xa9: {  	[dreg:$0x1] =	wrdreg $0xFFFFFFFF  }
0xaa: {  	[dreg:$0x0] =	wrdreg $0x60  }
0xab: {  	[dreg:$0x2] =	wrdreg s22  }
0xac: {  	[dreg:$0x3] =	wrdreg s0  }
0xad: {  	[dreg:$0x4] =	wrdreg $0x16A000  }
0xae: {  	[dreg:$0x5] =	wrdreg $0x176400  }
0xaf: {  	[dreg:$0x6] =	wrdreg $0x182800  }
0xb0: {  	[dreg:$0x7] =	wrdreg $0x18EC00  }
0xb1: {  	[dreg:$0x8] =	wrdreg $0x151800  }
0xb2: {  	[dreg:$0x9] =	wrdreg $0x15DC00  }
0xb3: {  	[dreg:$0xa] =	wrdreg $0x19B000  }
0xb4: {  	[dreg:$0xb] =	wrdreg $0x9  }
0xb5: {  	_ =	task.clear_ibuf [dreg:s5], $0xCFFFF;
	_ =	strace $0x90000046  }
0xb6: {  	s26 =	simm.s32 $0x9;
	_ =	strace $0x80000048  }
0xb7: {  	_ =	swait.ge [sflag:s26], $0x1  }
0xb8: {  	[sflag:s26] =	ssyncadd.s32 $0xFFFFFFFF  }
0xb9: {  	_ =	strace $0x90000048  }
0xba: {  	_ =	sfence  }
0xbb: {  	s28 =	sld [smem:$0x0];
	_ =	sdelay $0x1  }
0xbc: {  	s29 =	srdreg.scid  }
0xbd: {  	s30 =	sshll.u32 s29, $0xD;
	s31 =	sshrl.u32 s29, $0x2  }
0xbe: {  	s2 =	sand.u32 $0x4000, s30;
	s1 =	sand.u32 $0x1, s29;
	s0 =	sadd.s32 s31, s28  }
0xbf: {  	s1 =	sor.u32 s2, s1;
	s0 =	sshll.u32 s0, $0x11  }
0xc0: {  	s0 =	sor.u32 s0, s1  }
0xc1: {  	s0 =	sadd.s32 $0x8F2B, s0  }
0xc2: {  	[sflag:s0] =	ssyncadd.remote.s32 $0x1  }
0xc3: {  	_ =	sfence.sel $0xFFFF  }
0xc4: {  	[dreg:$0x0] =	wrdreg $0xFFFFFFFF;
	(pc) =	sbr.abs _section_cstart, $3  }
0xc5: {  	[dreg:$0x1] =	wrdreg $0xFFFFFFFF  }
0xc6: {  	_ =	task.clear_ibuf [dreg:s5], $0x2FFFF;
	_ =	strace $0x9FFFFFFF  }
0xc7: {  	(tm) =	ssettm $0x7FFFFFFF  }
tec
execute0_lowered:
.L_overlay_start_1:
0x0: {  	(tag) =	ssettag $0x1  }
0x1: {  	s1 =	rddreg [dreg:$0x0]  }
0x2: {  	s25 =	rddreg [dreg:$0x1]  }
0x3: {  	s13 =	rddreg [dreg:$0x2]  }
0x4: {  	s8 =	rddreg [dreg:$0x3]  }
0x5: {  	s7 =	rddreg [dreg:$0x4]  }
0x6: {  	s4 =	rddreg [dreg:$0x5]  }
0x7: {  	s3 =	rddreg [dreg:$0x6]  }
0x8: {  	s19 =	rddreg [dreg:$0x7]  }
0x9: {  	s18 =	rddreg [dreg:$0x8];
	s5 =	simm.s32 $0x0  }
0xa: {  	s6 =	simm.s32 $0x15100;
	[smem:$0x7FF] =	sst s5  }
0xb: {  	s9 =	simm.s32 $0x1;
	s2 =	sadd.s32 $0x1D000, s1;
	_ =	strace $0x80000047  }
0xc: {  	[tilespmem:s6], [sflag:$0x1] =	stream.linear.gather [hbm4b:s2+s5], $0x80, $0x38;
	[tilespmem:$0x1A740] =	vst v63  }
0xd: {  	s10 =	sadd.s32 $0x2C00, s1;
	s24 =	sadd.s32 $0x4600, s1;
	_ =	swait.ge [sflag:s9], $0x80  }
0xe: {  	s0 =	sadd.s32 $0x1D200, s1;
	s6 =	sadd.s32 $0x1200, s1;
	[sflag:s9] =	ssyncset.done $0x0  }
0xf: {  	v0 =	vimm.f32 $0.0e+00;
	[dreg:$0xa] =	wrdreg s0;
	s0 =	stileid.u32;
	[sflag:s9] =	ssyncadd.s32 $0xFFFFFF80  }
.LBB2_1:
0x10: {  	p0 =	sne.s32 s5, $0x30C0  }
.Ltmp0:
0x11: {  	_ = 	snop;
	(pc) =	sbr.rel @p0 .LBB2_1-.Ltmp0, $3  }
0x12: {  	_ =	sdelay $0x1  }
0x13: {  	s9 =	sshra.s32 s5, $0x2  }
0x14: {  	s5 =	sadd.s32 $0x40, s5;
	[tilespmem:s9+$0x14480] =	vst v0  }
0x15: {  	v0 =	vimm.f32 $1.000000000e+00;
	s5 =	simm.s32 $0x40;
	s9 =	simm.s32 $0x0  }
.LBB2_3:
0x16: {  	p0 =	sne.s32 s5, $0x9C00;
	[tilespmem:s9+$0xC580] =	vst v0;
	s9 =	smov.u32 s5;
	s5 =	sadd.s32 $0x40, s5  }
.Ltmp1:
0x17: {  	(pc) =	sbr.rel @p0 .LBB2_3-.Ltmp1, $2  }
0x18: {  	_ =	sdelay $0x2  }
0x19: {  	s9 =	sshra.s32 s9, $0x2  }
0x1a: {  	s26 =	smul.u32 $0xC40, s0;
	_ =	sdelay $0x1  }
0x1b: {  	[tilespmem:s9+$0xC580] =	vst v0;
	s5 =	simm.s32 $0x14480;
	s15 =	simm.s32 $0x1;
	s17 =	sadd.s32 s26, s13  }
0x1c: {  	[spmem:s17] =	stream.linear.scatter [tilespmem:s5], [sflag:$0x1], $0xC40, $0x38;
	[tilespmem:$0x1A740] =	vst v63  }
0x1d: {  	_ =	swait.ge [sflag:s15], $0xC40  }
0x1e: {  	[sflag:s15] =	ssyncset.done $0x0  }
0x1f: {  	s14 =	sadd.s32 s26, s8;
	[sflag:s15] =	ssyncadd.s32 $0xFFFFF3C0  }
0x20: {  	[spmem:s14] =	stream.linear.scatter [tilespmem:s5], [sflag:$0x1], $0xC40, $0x38;
	[tilespmem:$0x1A740] =	vst v63  }
0x21: {  	_ =	swait.ge [sflag:s15], $0xC40  }
0x22: {  	[sflag:s15] =	ssyncset.done $0x0  }
0x23: {  	s12 =	sadd.s32 s26, s7;
	[sflag:s15] =	ssyncadd.s32 $0xFFFFF3C0  }
0x24: {  	[spmem:s12] =	stream.linear.scatter [tilespmem:s5], [sflag:$0x1], $0xC40, $0x38;
	[tilespmem:$0x1A740] =	vst v63  }
0x25: {  	_ =	swait.ge [sflag:s15], $0xC40  }
0x26: {  	[sflag:s15] =	ssyncset.done $0x0  }
0x27: {  	s9 =	sadd.s32 s26, s4;
	[sflag:s15] =	ssyncadd.s32 $0xFFFFF3C0  }
0x28: {  	[spmem:s9] =	stream.linear.scatter [tilespmem:s5], [sflag:$0x1], $0xC40, $0x38;
	[tilespmem:$0x1A740] =	vst v63  }
0x29: {  	_ =	swait.ge [sflag:s15], $0xC40  }
0x2a: {  	s16 =	simm.s32 $0x0;
	s1 =	sshrl.u32 s26, $0x3;
	[sflag:s15] =	ssyncset.done $0x0  }
0x2b: {  	s11 =	simm.s32 $0xED00;
	s6 =	sadd.s32 s6, s1;
	[sflag:s15] =	ssyncadd.s32 $0xFFFFF3C0  }
0x2c: {  	[tilespmem:s11], [sflag:$0x1] =	stream.linear.gather [hbm4b:s6+s16], $0xC40, $0x38;
	[tilespmem:$0x1A740] =	vst v63  }
0x2d: {  	_ =	swait.ge [sflag:s15], $0xC40  }
0x2e: {  	[sflag:s15] =	ssyncset.done $0x0  }
0x2f: {  	s6 =	sadd.s32 s26, s3;
	[sflag:s15] =	ssyncadd.s32 $0xFFFFF3C0  }
0x30: {  	[spmem:s6] =	stream.linear.scatter [tilespmem:s11], [sflag:$0x1], $0xC40, $0x38;
	[tilespmem:$0x1A740] =	vst v63  }
0x31: {  	_ =	swait.ge [sflag:s15], $0xC40  }
0x32: {  	[sflag:s15] =	ssyncset.done $0x0  }
0x33: {  	s10 =	sadd.s32 s10, s1;
	[dreg:$0xb] =	wrdreg s1;
	[sflag:s15] =	ssyncadd.s32 $0xFFFFF3C0  }
0x34: {  	[tilespmem:s11], [sflag:$0x1] =	stream.linear.gather [hbm4b:s10+s16], $0xC40, $0x38;
	[tilespmem:$0x1A740] =	vst v63  }
0x35: {  	_ =	swait.ge [sflag:s15], $0xC40  }
0x36: {  	[sflag:s15] =	ssyncset.done $0x0  }
0x37: {  	s29 =	sadd.s32 s26, s19;
	[sflag:s15] =	ssyncadd.s32 $0xFFFFF3C0  }
0x38: {  	[spmem:s29] =	stream.linear.scatter [tilespmem:s11], [sflag:$0x1], $0xC40, $0x38;
	[tilespmem:$0x1A740] =	vst v63  }
0x39: {  	s30 =	smul.u32 $0xC350, s0;
	_ =	swait.ge [sflag:s15], $0xC40  }
0x3a: {  	[sflag:s15] =	ssyncset.done $0x0  }
0x3b: {  	s28 =	sshrl.u32 s30, $0x3;
	[sflag:s15] =	ssyncadd.s32 $0xFFFFF3C0  }
0x3c: {  	s10 =	sadd.s32 s24, s28;
	[bflag:$0x0] =	sbarrier.arrive $0xFFFF  }
0x3d: {  	v0 =	vld [tilespmem:$0x15100];
	[tilespmem:s16], [sflag:$0x1] =	stream.linear.gather [hbm4b:s10+s16], $0x2710, $0x38  }
0x3e: {  	_ =	swait.ge [sflag:s15], $0x2710  }
0x3f: {  	[sflag:s15] =	ssyncset.done $0x0  }
0x40: {  	s20 =	simm.s32 $0x2780;
	s11 =	sadd.s32 s25, s28;
	[sflag:s15] =	ssyncadd.s32 $0xFFFFD8F0  }
0x41: {  	[tilespmem:s20], [sflag:$0x1] =	stream.linear.gather [hbm4b:s11+s16], $0x2710, $0x38;
	[tilespmem:$0x1A740] =	vst v63  }
0x42: {  	_ =	swait.ge [sflag:s15], $0x2710  }
0x43: {  	[sflag:s15] =	ssyncset.done $0x0  }
0x44: {  	s21 =	simm.s32 $0x2710;
	s22 =	simm.s32 $0x4F00;
	[sflag:s15] =	ssyncadd.s32 $0xFFFFD8F0  }
0x45: {  	[tilespmem:s22], [sflag:$0x1] =	stream.indirect.gather [spmem:s3], $0x1, s16, s21, $0xb8;
	[tilespmem:$0x1A740] =	vst v63  }
0x46: {  	_ =	swait.ge [sflag:s15], $0x2710  }
0x47: {  	[sflag:s15] =	ssyncset.done $0x0  }
0x48: {  	s31 =	simm.s32 $0x7680;
	[sflag:s15] =	ssyncadd.s32 $0xFFFFD8F0  }
0x49: {  	[tilespmem:s31], [sflag:$0x1] =	stream.indirect.gather [spmem:s19], $0x1, s20, s21, $0xb8;
	[tilespmem:$0x1A740] =	vst v63  }
0x4a: {  	_ =	swait.ge [sflag:s15], $0x2710  }
0x4b: {  	[sflag:s15] =	ssyncset.done $0x0  }
0x4c: {  	[sflag:s15] =	ssyncadd.s32 $0xFFFFD8F0;
	s15 =	simm.s32 $0x0  }
0x4d: {  	v1 =	vbroadcast v0, $0x0;
	v2 =	vbroadcast v0, $0x1;
	s16 =	simm.s32 $0x40;
	v3 =	vld [tilespmem:s15+$0x7680]  }
.LBB2_5:
0x4e: {  	p0 =	sne.s32 s16, $0x9C00;
	v4 =	vld [tilespmem:s15+$0x4F00];
	_ =	sdelay $0x4  }
0x4f: {  	v3 =	vmul.f32 v3, v2;
	v5 =	vmul.f32 v4, v1;
	_ =	sdelay $0x1  }
0x50: {  	v3 =	vadd.f32 v3, v5;
	_ =	sdelay $0x1  }
0x51: {  	v5 =	vmul.f32 $2.000000030e-01, v3  }
0x52: {  	vm0 =	vge.f32 v3, $0.0e+00  }
0x53: {  	v3 =	vsel vm0, v3, v5  }
0x54: {  	v3 =	vmul.f32 $1.442695020e+00, v3;
	_ =	sdelay $0x1  }
0x55: {  	(erf) = vpow2.f32 v3;
	_ =	sdelay $0x7  }
.Ltmp2:
0x56: {  	(pc) =	sbr.rel @p0 .LBB2_5-.Ltmp2, $4  }
0x57: {  	v3 =	vpop (erf)  }
0x58: {  	[tilespmem:s15+$0x7680] =	vst v3;
	v4 =	vmul.f32 v3, v4  }
0x59: {  	s20 =	sshra.s32 s16, $0x2  }
0x5a: {  	s16 =	sadd.s32 $0x40, s16;
	v3 =	vld [tilespmem:s20+$0x7680];
	[tilespmem:s15+$0x4F00] =	vst v4;
	s15 =	smov.u32 s20  }
0x5b: {  	v4 =	vld [tilespmem:s15+$0x4F00];
	_ =	sdelay $0x4  }
0x5c: {  	v3 =	vmul.f32 v3, v2;
	v5 =	vmul.f32 v4, v1;
	_ =	sdelay $0x1  }
0x5d: {  	v3 =	vadd.f32 v3, v5;
	_ =	sdelay $0x1  }
0x5e: {  	v5 =	vmul.f32 $2.000000030e-01, v3  }
0x5f: {  	vm0 =	vge.f32 v3, $0.0e+00  }
0x60: {  	v3 =	vsel vm0, v3, v5  }
0x61: {  	v3 =	vmul.f32 $1.442695020e+00, v3;
	_ =	sdelay $0x1  }
0x62: {  	(erf) = vpow2.f32 v3;
	_ =	sdelay $0x8  }
0x63: {  	v3 =	vpop (erf)  }
0x64: {  	v4 =	vmul.f32 v3, v4  }
0x65: {  	s20 =	simm.s32 $0x2710;
	[tilespmem:s15+$0x7680] =	vst v3  }
0x66: {  	s21 =	simm.s32 $0x2780;
	s22 =	simm.s32 $0x7680;
	s23 =	simm.s32 $0x1;
	[tilespmem:s15+$0x4F00] =	vst v4  }
0x67: {  	[spmem:s13] =	stream.indirect.scatter.add.f32 [tilespmem:s22], [sflag:$0x1], $0x1, s21, s20, $0xb8;
	[tilespmem:$0x1A740] =	vst v63  }
0x68: {  	_ =	swait.ge [sflag:s23], $0x2710  }
0x69: {  	[sflag:s23] =	ssyncset.done $0x0  }
0x6a: {  	s29 =	simm.s32 $0x4F00;
	[sflag:s23] =	ssyncadd.s32 $0xFFFFD8F0  }
0x6b: {  	[spmem:s8] =	stream.indirect.scatter.add.f32 [tilespmem:s29], [sflag:$0x1], $0x1, s21, s20, $0xb8;
	[tilespmem:$0x1A740] =	vst v63  }
0x6c: {  	_ =	swait.ge [sflag:s23], $0x2710  }
0x6d: {  	[sflag:s23] =	ssyncset.done $0x0  }
0x6e: {  	s31 =	simm.s32 $0xC580;
	[sflag:s23] =	ssyncadd.s32 $0xFFFFD8F0  }
0x6f: {  	[spmem:s4] =	stream.indirect.scatter.add.f32 [tilespmem:s31], [sflag:$0x1], $0x1, s21, s20, $0xb8;
	[tilespmem:$0x1A740] =	vst v63  }
0x70: {  	_ =	swait.ge [sflag:s23], $0x2710  }
0x71: {  	[sflag:s23] =	ssyncset.done $0x0  }
0x72: {  	s30 =	simm.s32 $0x0;
	[sflag:s23] =	ssyncadd.s32 $0xFFFFD8F0  }
0x73: {  	[spmem:s7] =	stream.indirect.scatter.add.f32 [tilespmem:s31], [sflag:$0x1], $0x1, s30, s20, $0xb8;
	[tilespmem:$0x1A740] =	vst v63  }
0x74: {  	_ =	swait.ge [sflag:s23], $0x2710  }
0x75: {  	s16 =	sadd.s32 $0x4E2, s28;
	[sflag:s23] =	ssyncset.done $0x0  }
0x76: {  	s15 =	sadd.s32 s24, s16;
	[sflag:s23] =	ssyncadd.s32 $0xFFFFD8F0  }
0x77: {  	[tilespmem:s30], [sflag:$0x1] =	stream.linear.gather [hbm4b:s15+s30], $0x2710, $0x38;
	[tilespmem:$0x1A740] =	vst v63  }
0x78: {  	_ =	swait.ge [sflag:s23], $0x2710  }
0x79: {  	[sflag:s23] =	ssyncset.done $0x0  }
0x7a: {  	s16 =	sadd.s32 s25, s16;
	[sflag:s23] =	ssyncadd.s32 $0xFFFFD8F0  }
0x7b: {  	[tilespmem:s21], [sflag:$0x1] =	stream.linear.gather [hbm4b:s16+s30], $0x2710, $0x38;
	[tilespmem:$0x1A740] =	vst v63  }
0x7c: {  	_ =	swait.ge [sflag:s23], $0x2710  }
0x7d: {  	[sflag:s23] =	ssyncset.done $0x0  }
0x7e: {  	[sflag:s23] =	ssyncadd.s32 $0xFFFFD8F0  }
0x7f: {  	[tilespmem:s29], [sflag:$0x1] =	stream.indirect.gather [spmem:s3], $0x1, s30, s20, $0xb8;
	[tilespmem:$0x1A740] =	vst v63  }
0x80: {  	_ =	swait.ge [sflag:s23], $0x2710  }
0x81: {  	[sflag:s23] =	ssyncset.done $0x0  }
0x82: {  	[sflag:s23] =	ssyncadd.s32 $0xFFFFD8F0  }
0x83: {  	[tilespmem:s22], [sflag:$0x1] =	stream.indirect.gather [spmem:s19], $0x1, s21, s20, $0xb8;
	[tilespmem:$0x1A740] =	vst v63  }
0x84: {  	_ =	swait.ge [sflag:s23], $0x2710  }
0x85: {  	[sflag:s23] =	ssyncset.done $0x0  }
0x86: {  	s20 =	simm.s32 $0x0;
	[sflag:s23] =	ssyncadd.s32 $0xFFFFD8F0  }
0x87: {  	s21 =	simm.s32 $0x40;
	v3 =	vld [tilespmem:s20+$0x7680]  }
.LBB2_7:
0x88: {  	p0 =	sne.s32 s21, $0x9C00;
	v4 =	vld [tilespmem:s20+$0x4F00];
	_ =	sdelay $0x4  }
0x89: {  	v3 =	vmul.f32 v3, v2;
	v5 =	vmul.f32 v4, v1;
	_ =	sdelay $0x1  }
0x8a: {  	v3 =	vadd.f32 v3, v5;
	_ =	sdelay $0x1  }
0x8b: {  	v5 =	vmul.f32 $2.000000030e-01, v3  }
0x8c: {  	vm0 =	vge.f32 v3, $0.0e+00  }
0x8d: {  	v3 =	vsel vm0, v3, v5  }
0x8e: {  	v3 =	vmul.f32 $1.442695020e+00, v3;
	_ =	sdelay $0x1  }
0x8f: {  	(erf) = vpow2.f32 v3;
	_ =	sdelay $0x7  }
.Ltmp3:
0x90: {  	(pc) =	sbr.rel @p0 .LBB2_7-.Ltmp3, $4  }
0x91: {  	v3 =	vpop (erf)  }
0x92: {  	[tilespmem:s20+$0x7680] =	vst v3;
	v4 =	vmul.f32 v3, v4  }
0x93: {  	s22 =	sshra.s32 s21, $0x2  }
0x94: {  	s21 =	sadd.s32 $0x40, s21;
	v3 =	vld [tilespmem:s22+$0x7680];
	[tilespmem:s20+$0x4F00] =	vst v4;
	s20 =	smov.u32 s22  }
0x95: {  	v4 =	vld [tilespmem:s20+$0x4F00];
	_ =	sdelay $0x4  }
0x96: {  	v3 =	vmul.f32 v3, v2;
	v5 =	vmul.f32 v4, v1;
	_ =	sdelay $0x1  }
0x97: {  	v3 =	vadd.f32 v3, v5;
	_ =	sdelay $0x1  }
0x98: {  	v5 =	vmul.f32 $2.000000030e-01, v3  }
0x99: {  	vm0 =	vge.f32 v3, $0.0e+00  }
0x9a: {  	v3 =	vsel vm0, v3, v5  }
0x9b: {  	v3 =	vmul.f32 $1.442695020e+00, v3;
	_ =	sdelay $0x1  }
0x9c: {  	(erf) = vpow2.f32 v3;
	_ =	sdelay $0x8  }
0x9d: {  	v3 =	vpop (erf)  }
0x9e: {  	v4 =	vmul.f32 v3, v4  }
0x9f: {  	s22 =	simm.s32 $0x2710;
	[tilespmem:s20+$0x7680] =	vst v3  }
0xa0: {  	s23 =	simm.s32 $0x2780;
	s29 =	simm.s32 $0x7680;
	s30 =	simm.s32 $0x1;
	[tilespmem:s20+$0x4F00] =	vst v4  }
0xa1: {  	[spmem:s13] =	stream.indirect.scatter.add.f32 [tilespmem:s29], [sflag:$0x1], $0x1, s23, s22, $0xb8;
	[tilespmem:$0x1A740] =	vst v63  }
0xa2: {  	_ =	swait.ge [sflag:s30], $0x2710  }
0xa3: {  	[sflag:s30] =	ssyncset.done $0x0  }
0xa4: {  	s31 =	simm.s32 $0x4F00;
	[sflag:s30] =	ssyncadd.s32 $0xFFFFD8F0  }
0xa5: {  	[spmem:s8] =	stream.indirect.scatter.add.f32 [tilespmem:s31], [sflag:$0x1], $0x1, s23, s22, $0xb8;
	[tilespmem:$0x1A740] =	vst v63  }
0xa6: {  	_ =	swait.ge [sflag:s30], $0x2710  }
0xa7: {  	[sflag:s30] =	ssyncset.done $0x0  }
0xa8: {  	s21 =	simm.s32 $0xC580;
	[sflag:s30] =	ssyncadd.s32 $0xFFFFD8F0  }
0xa9: {  	[spmem:s4] =	stream.indirect.scatter.add.f32 [tilespmem:s21], [sflag:$0x1], $0x1, s23, s22, $0xb8;
	[tilespmem:$0x1A740] =	vst v63  }
0xaa: {  	_ =	swait.ge [sflag:s30], $0x2710  }
0xab: {  	[sflag:s30] =	ssyncset.done $0x0  }
0xac: {  	s0 =	simm.s32 $0x0;
	[sflag:s30] =	ssyncadd.s32 $0xFFFFD8F0  }
0xad: {  	[spmem:s7] =	stream.indirect.scatter.add.f32 [tilespmem:s21], [sflag:$0x1], $0x1, s0, s22, $0xb8;
	[tilespmem:$0x1A740] =	vst v63  }
0xae: {  	_ =	swait.ge [sflag:s30], $0x2710  }
0xaf: {  	s21 =	sadd.s32 $0x9C4, s28;
	[sflag:s30] =	ssyncset.done $0x0  }
0xb0: {  	s20 =	sadd.s32 s24, s21;
	[sflag:s30] =	ssyncadd.s32 $0xFFFFD8F0  }
0xb1: {  	[tilespmem:s0], [sflag:$0x1] =	stream.linear.gather [hbm4b:s20+s0], $0x2710, $0x38;
	[tilespmem:$0x1A740] =	vst v63  }
0xb2: {  	_ =	swait.ge [sflag:s30], $0x2710  }
0xb3: {  	[sflag:s30] =	ssyncset.done $0x0  }
0xb4: {  	s21 =	sadd.s32 s25, s21;
	[sflag:s30] =	ssyncadd.s32 $0xFFFFD8F0  }
0xb5: {  	[tilespmem:s23], [sflag:$0x1] =	stream.linear.gather [hbm4b:s21+s0], $0x2710, $0x38;
	[tilespmem:$0x1A740] =	vst v63  }
0xb6: {  	_ =	swait.ge [sflag:s30], $0x2710  }
0xb7: {  	[sflag:s30] =	ssyncset.done $0x0  }
0xb8: {  	[sflag:s30] =	ssyncadd.s32 $0xFFFFD8F0  }
0xb9: {  	[tilespmem:s31], [sflag:$0x1] =	stream.indirect.gather [spmem:s3], $0x1, s0, s22, $0xb8;
	[tilespmem:$0x1A740] =	vst v63  }
0xba: {  	_ =	swait.ge [sflag:s30], $0x2710  }
0xbb: {  	[sflag:s30] =	ssyncset.done $0x0  }
0xbc: {  	[sflag:s30] =	ssyncadd.s32 $0xFFFFD8F0  }
0xbd: {  	[tilespmem:s29], [sflag:$0x1] =	stream.indirect.gather [spmem:s19], $0x1, s23, s22, $0xb8;
	[tilespmem:$0x1A740] =	vst v63  }
0xbe: {  	_ =	swait.ge [sflag:s30], $0x2710  }
0xbf: {  	[sflag:s30] =	ssyncset.done $0x0  }
0xc0: {  	s22 =	simm.s32 $0x0;
	[sflag:s30] =	ssyncadd.s32 $0xFFFFD8F0  }
0xc1: {  	s23 =	simm.s32 $0x40;
	v3 =	vld [tilespmem:s22+$0x7680]  }
.LBB2_9:
0xc2: {  	p0 =	sne.s32 s23, $0x9C00;
	v4 =	vld [tilespmem:s22+$0x4F00];
	_ =	sdelay $0x4  }
0xc3: {  	v3 =	vmul.f32 v3, v2;
	v5 =	vmul.f32 v4, v1;
	_ =	sdelay $0x1  }
0xc4: {  	v3 =	vadd.f32 v3, v5;
	_ =	sdelay $0x1  }
0xc5: {  	v5 =	vmul.f32 $2.000000030e-01, v3  }
0xc6: {  	vm0 =	vge.f32 v3, $0.0e+00  }
0xc7: {  	v3 =	vsel vm0, v3, v5  }
0xc8: {  	v3 =	vmul.f32 $1.442695020e+00, v3;
	_ =	sdelay $0x1  }
0xc9: {  	(erf) = vpow2.f32 v3;
	_ =	sdelay $0x7  }
.Ltmp4:
0xca: {  	(pc) =	sbr.rel @p0 .LBB2_9-.Ltmp4, $4  }
0xcb: {  	v3 =	vpop (erf)  }
0xcc: {  	[tilespmem:s22+$0x7680] =	vst v3;
	v4 =	vmul.f32 v3, v4  }
0xcd: {  	s0 =	sshra.s32 s23, $0x2  }
0xce: {  	s23 =	sadd.s32 $0x40, s23;
	v3 =	vld [tilespmem:s0+$0x7680];
	[tilespmem:s22+$0x4F00] =	vst v4;
	s22 =	smov.u32 s0  }
0xcf: {  	v4 =	vld [tilespmem:s22+$0x4F00];
	_ =	sdelay $0x4  }
0xd0: {  	v3 =	vmul.f32 v3, v2;
	v5 =	vmul.f32 v4, v1;
	_ =	sdelay $0x1  }
0xd1: {  	v3 =	vadd.f32 v3, v5;
	_ =	sdelay $0x1  }
0xd2: {  	v5 =	vmul.f32 $2.000000030e-01, v3  }
0xd3: {  	vm0 =	vge.f32 v3, $0.0e+00  }
0xd4: {  	v3 =	vsel vm0, v3, v5  }
0xd5: {  	v3 =	vmul.f32 $1.442695020e+00, v3;
	_ =	sdelay $0x1  }
0xd6: {  	(erf) = vpow2.f32 v3;
	_ =	sdelay $0x8  }
0xd7: {  	v3 =	vpop (erf)  }
0xd8: {  	v4 =	vmul.f32 v3, v4  }
0xd9: {  	s0 =	simm.s32 $0x2710;
	[tilespmem:s22+$0x7680] =	vst v3  }
0xda: {  	s29 =	simm.s32 $0x2780;
	s30 =	simm.s32 $0x7680;
	s31 =	simm.s32 $0x1;
	[tilespmem:s22+$0x4F00] =	vst v4  }
0xdb: {  	[spmem:s13] =	stream.indirect.scatter.add.f32 [tilespmem:s30], [sflag:$0x1], $0x1, s29, s0, $0xb8;
	[tilespmem:$0x1A740] =	vst v63  }
0xdc: {  	_ =	swait.ge [sflag:s31], $0x2710  }
0xdd: {  	[sflag:s31] =	ssyncset.done $0x0  }
0xde: {  	s1 =	simm.s32 $0x4F00;
	[sflag:s31] =	ssyncadd.s32 $0xFFFFD8F0  }
0xdf: {  	[spmem:s8] =	stream.indirect.scatter.add.f32 [tilespmem:s1], [sflag:$0x1], $0x1, s29, s0, $0xb8;
	[tilespmem:$0x1A740] =	vst v63  }
0xe0: {  	_ =	swait.ge [sflag:s31], $0x2710  }
0xe1: {  	[sflag:s31] =	ssyncset.done $0x0  }
0xe2: {  	s23 =	simm.s32 $0xC580;
	[sflag:s31] =	ssyncadd.s32 $0xFFFFD8F0  }
0xe3: {  	[spmem:s4] =	stream.indirect.scatter.add.f32 [tilespmem:s23], [sflag:$0x1], $0x1, s29, s0, $0xb8;
	[tilespmem:$0x1A740] =	vst v63  }
0xe4: {  	_ =	swait.ge [sflag:s31], $0x2710  }
0xe5: {  	[sflag:s31] =	ssyncset.done $0x0  }
0xe6: {  	s2 =	simm.s32 $0x0;
	[sflag:s31] =	ssyncadd.s32 $0xFFFFD8F0  }
0xe7: {  	[spmem:s7] =	stream.indirect.scatter.add.f32 [tilespmem:s23], [sflag:$0x1], $0x1, s2, s0, $0xb8;
	[tilespmem:$0x1A740] =	vst v63  }
0xe8: {  	_ =	swait.ge [sflag:s31], $0x2710  }
0xe9: {  	s23 =	sadd.s32 $0xEA6, s28;
	[sflag:s31] =	ssyncset.done $0x0  }
0xea: {  	s22 =	sadd.s32 s24, s23;
	[sflag:s31] =	ssyncadd.s32 $0xFFFFD8F0  }
0xeb: {  	[tilespmem:s2], [sflag:$0x1] =	stream.linear.gather [hbm4b:s22+s2], $0x2710, $0x38;
	[tilespmem:$0x1A740] =	vst v63  }
0xec: {  	_ =	swait.ge [sflag:s31], $0x2710  }
0xed: {  	[sflag:s31] =	ssyncset.done $0x0  }
0xee: {  	s23 =	sadd.s32 s25, s23;
	[sflag:s31] =	ssyncadd.s32 $0xFFFFD8F0  }
0xef: {  	[tilespmem:s29], [sflag:$0x1] =	stream.linear.gather [hbm4b:s23+s2], $0x2710, $0x38;
	[tilespmem:$0x1A740] =	vst v63  }
0xf0: {  	_ =	swait.ge [sflag:s31], $0x2710  }
0xf1: {  	[sflag:s31] =	ssyncset.done $0x0  }
0xf2: {  	[sflag:s31] =	ssyncadd.s32 $0xFFFFD8F0  }
0xf3: {  	[tilespmem:s1], [sflag:$0x1] =	stream.indirect.gather [spmem:s3], $0x1, s2, s0, $0xb8;
	[tilespmem:$0x1A740] =	vst v63  }
0xf4: {  	_ =	swait.ge [sflag:s31], $0x2710  }
0xf5: {  	[sflag:s31] =	ssyncset.done $0x0  }
0xf6: {  	[sflag:s31] =	ssyncadd.s32 $0xFFFFD8F0  }
0xf7: {  	[tilespmem:s30], [sflag:$0x1] =	stream.indirect.gather [spmem:s19], $0x1, s29, s0, $0xb8;
	[tilespmem:$0x1A740] =	vst v63  }
0xf8: {  	_ =	swait.ge [sflag:s31], $0x2710  }
0xf9: {  	[sflag:s31] =	ssyncset.done $0x0  }
0xfa: {  	s29 =	simm.s32 $0x0;
	[sflag:s31] =	ssyncadd.s32 $0xFFFFD8F0  }
0xfb: {  	s30 =	simm.s32 $0x40;
	v3 =	vld [tilespmem:s29+$0x7680]  }
.LBB2_11:
0xfc: {  	p0 =	sne.s32 s30, $0x9C00;
	v4 =	vld [tilespmem:s29+$0x4F00];
	_ =	sdelay $0x4  }
0xfd: {  	v3 =	vmul.f32 v3, v2;
	v5 =	vmul.f32 v4, v1;
	_ =	sdelay $0x1  }
0xfe: {  	v3 =	vadd.f32 v3, v5;
	_ =	sdelay $0x1  }
0xff: {  	v5 =	vmul.f32 $2.000000030e-01, v3  }
0x100: {  	vm0 =	vge.f32 v3, $0.0e+00  }
0x101: {  	v3 =	vsel vm0, v3, v5  }
0x102: {  	v3 =	vmul.f32 $1.442695020e+00, v3;
	_ =	sdelay $0x1  }
0x103: {  	(erf) = vpow2.f32 v3;
	_ =	sdelay $0x7  }
.Ltmp5:
0x104: {  	(pc) =	sbr.rel @p0 .LBB2_11-.Ltmp5, $4  }
0x105: {  	v3 =	vpop (erf)  }
0x106: {  	[tilespmem:s29+$0x7680] =	vst v3;
	v4 =	vmul.f32 v3, v4  }
0x107: {  	s0 =	sshra.s32 s30, $0x2  }
0x108: {  	s30 =	sadd.s32 $0x40, s30;
	v3 =	vld [tilespmem:s0+$0x7680];
	[tilespmem:s29+$0x4F00] =	vst v4;
	s29 =	smov.u32 s0  }
0x109: {  	v4 =	vld [tilespmem:s29+$0x4F00];
	_ =	sdelay $0x4  }
0x10a: {  	v3 =	vmul.f32 v3, v2;
	v5 =	vmul.f32 v4, v1;
	_ =	sdelay $0x1  }
0x10b: {  	v3 =	vadd.f32 v3, v5;
	_ =	sdelay $0x1  }
0x10c: {  	v5 =	vmul.f32 $2.000000030e-01, v3  }
0x10d: {  	vm0 =	vge.f32 v3, $0.0e+00  }
0x10e: {  	v3 =	vsel vm0, v3, v5  }
0x10f: {  	v3 =	vmul.f32 $1.442695020e+00, v3;
	_ =	sdelay $0x1  }
0x110: {  	(erf) = vpow2.f32 v3;
	_ =	sdelay $0x8  }
0x111: {  	v3 =	vpop (erf)  }
0x112: {  	v4 =	vmul.f32 v3, v4  }
0x113: {  	s0 =	simm.s32 $0x2710;
	[tilespmem:s29+$0x7680] =	vst v3  }
0x114: {  	s1 =	simm.s32 $0x2780;
	s2 =	simm.s32 $0x7680;
	[tilespmem:s29+$0x4F00] =	vst v4;
	s29 =	simm.s32 $0x1  }
0x115: {  	[spmem:s13] =	stream.indirect.scatter.add.f32 [tilespmem:s2], [sflag:$0x1], $0x1, s1, s0, $0xb8;
	[tilespmem:$0x1A740] =	vst v63  }
0x116: {  	_ =	swait.ge [sflag:s29], $0x2710  }
0x117: {  	[sflag:s29] =	ssyncset.done $0x0  }
0x118: {  	s30 =	simm.s32 $0x4F00;
	[sflag:s29] =	ssyncadd.s32 $0xFFFFD8F0  }
0x119: {  	[spmem:s8] =	stream.indirect.scatter.add.f32 [tilespmem:s30], [sflag:$0x1], $0x1, s1, s0, $0xb8;
	[tilespmem:$0x1A740] =	vst v63  }
0x11a: {  	_ =	swait.ge [sflag:s29], $0x2710  }
0x11b: {  	[sflag:s29] =	ssyncset.done $0x0  }
0x11c: {  	s31 =	simm.s32 $0xC580;
	[sflag:s29] =	ssyncadd.s32 $0xFFFFD8F0  }
0x11d: {  	[spmem:s4] =	stream.indirect.scatter.add.f32 [tilespmem:s31], [sflag:$0x1], $0x1, s1, s0, $0xb8;
	[tilespmem:$0x1A740] =	vst v63  }
0x11e: {  	_ =	swait.ge [sflag:s29], $0x2710  }
0x11f: {  	[sflag:s29] =	ssyncset.done $0x0  }
0x120: {  	s5 =	simm.s32 $0x0;
	[sflag:s29] =	ssyncadd.s32 $0xFFFFD8F0  }
0x121: {  	[spmem:s7] =	stream.indirect.scatter.add.f32 [tilespmem:s31], [sflag:$0x1], $0x1, s5, s0, $0xb8;
	[tilespmem:$0x1A740] =	vst v63  }
0x122: {  	_ =	swait.ge [sflag:s29], $0x2710  }
0x123: {  	s28 =	sadd.s32 $0x1388, s28;
	[sflag:s29] =	ssyncset.done $0x0  }
0x124: {  	s24 =	sadd.s32 s24, s28;
	[sflag:s29] =	ssyncadd.s32 $0xFFFFD8F0  }
0x125: {  	[tilespmem:s5], [sflag:$0x1] =	stream.linear.gather [hbm4b:s24+s5], $0x2710, $0x38;
	[tilespmem:$0x1A740] =	vst v63  }
0x126: {  	_ =	swait.ge [sflag:s29], $0x2710  }
0x127: {  	[sflag:s29] =	ssyncset.done $0x0  }
0x128: {  	s25 =	sadd.s32 s25, s28;
	[sflag:s29] =	ssyncadd.s32 $0xFFFFD8F0  }
0x129: {  	[tilespmem:s1], [sflag:$0x1] =	stream.linear.gather [hbm4b:s25+s5], $0x2710, $0x38;
	[tilespmem:$0x1A740] =	vst v63  }
0x12a: {  	_ =	swait.ge [sflag:s29], $0x2710  }
0x12b: {  	[sflag:s29] =	ssyncset.done $0x0  }
0x12c: {  	[sflag:s29] =	ssyncadd.s32 $0xFFFFD8F0  }
0x12d: {  	[tilespmem:s30], [sflag:$0x1] =	stream.indirect.gather [spmem:s3], $0x1, s5, s0, $0xb8;
	[tilespmem:$0x1A740] =	vst v63  }
0x12e: {  	_ =	swait.ge [sflag:s29], $0x2710  }
0x12f: {  	[sflag:s29] =	ssyncset.done $0x0  }
0x130: {  	[sflag:s29] =	ssyncadd.s32 $0xFFFFD8F0  }
0x131: {  	[tilespmem:s2], [sflag:$0x1] =	stream.indirect.gather [spmem:s19], $0x1, s1, s0, $0xb8;
	[tilespmem:$0x1A740] =	vst v63  }
0x132: {  	_ =	swait.ge [sflag:s29], $0x2710  }
0x133: {  	[sflag:s29] =	ssyncset.done $0x0  }
0x134: {  	s28 =	simm.s32 $0x0;
	[sflag:s29] =	ssyncadd.s32 $0xFFFFD8F0  }
0x135: {  	s29 =	simm.s32 $0x40;
	v3 =	vld [tilespmem:s28+$0x7680]  }
.LBB2_13:
0x136: {  	p0 =	sne.s32 s29, $0x9C00;
	v4 =	vld [tilespmem:s28+$0x4F00];
	_ =	sdelay $0x4  }
0x137: {  	v3 =	vmul.f32 v3, v2;
	v5 =	vmul.f32 v4, v1;
	_ =	sdelay $0x1  }
0x138: {  	v3 =	vadd.f32 v3, v5;
	_ =	sdelay $0x1  }
0x139: {  	v5 =	vmul.f32 $2.000000030e-01, v3  }
0x13a: {  	vm0 =	vge.f32 v3, $0.0e+00  }
0x13b: {  	v3 =	vsel vm0, v3, v5  }
0x13c: {  	v3 =	vmul.f32 $1.442695020e+00, v3;
	_ =	sdelay $0x1  }
0x13d: {  	(erf) = vpow2.f32 v3;
	_ =	sdelay $0x7  }
.Ltmp6:
0x13e: {  	(pc) =	sbr.rel @p0 .LBB2_13-.Ltmp6, $4  }
0x13f: {  	v3 =	vpop (erf)  }
0x140: {  	[tilespmem:s28+$0x7680] =	vst v3;
	v4 =	vmul.f32 v3, v4  }
0x141: {  	s0 =	sshra.s32 s29, $0x2  }
0x142: {  	s29 =	sadd.s32 $0x40, s29;
	v3 =	vld [tilespmem:s0+$0x7680];
	[tilespmem:s28+$0x4F00] =	vst v4;
	s28 =	smov.u32 s0  }
0x143: {  	v4 =	vld [tilespmem:s28+$0x4F00];
	_ =	sdelay $0x4  }
0x144: {  	v3 =	vmul.f32 v3, v2;
	v5 =	vmul.f32 v4, v1;
	_ =	sdelay $0x1  }
0x145: {  	v3 =	vadd.f32 v3, v5;
	_ =	sdelay $0x1  }
0x146: {  	v5 =	vmul.f32 $2.000000030e-01, v3  }
0x147: {  	vm0 =	vge.f32 v3, $0.0e+00  }
0x148: {  	v3 =	vsel vm0, v3, v5  }
0x149: {  	v3 =	vmul.f32 $1.442695020e+00, v3;
	_ =	sdelay $0x1  }
0x14a: {  	(erf) = vpow2.f32 v3;
	_ =	sdelay $0x8  }
0x14b: {  	v3 =	vpop (erf)  }
0x14c: {  	v4 =	vmul.f32 v3, v4  }
0x14d: {  	[tilespmem:s28+$0x7680] =	vst v3  }
0x14e: {  	s0 =	simm.s32 $0x2710;
	s1 =	simm.s32 $0x2780;
	s2 =	simm.s32 $0x7680;
	[tilespmem:s28+$0x4F00] =	vst v4  }
0x14f: {  	[spmem:s13] =	stream.indirect.scatter.add.f32 [tilespmem:s2], [sflag:$0x1], $0x1, s1, s0, $0xb8;
	[tilespmem:$0x1A740] =	vst v63  }
0x150: {  	s2 =	simm.s32 $0x1  }
0x151: {  	_ =	swait.ge [sflag:s2], $0x2710  }
0x152: {  	[sflag:s2] =	ssyncset.done $0x0  }
0x153: {  	s5 =	simm.s32 $0x4F00;
	[sflag:s2] =	ssyncadd.s32 $0xFFFFD8F0  }
0x154: {  	[spmem:s8] =	stream.indirect.scatter.add.f32 [tilespmem:s5], [sflag:$0x1], $0x1, s1, s0, $0xb8;
	[tilespmem:$0x1A740] =	vst v63  }
0x155: {  	_ =	swait.ge [sflag:s2], $0x2710  }
0x156: {  	[sflag:s2] =	ssyncset.done $0x0  }
0x157: {  	s5 =	simm.s32 $0xC580;
	[sflag:s2] =	ssyncadd.s32 $0xFFFFD8F0  }
0x158: {  	[spmem:s4] =	stream.indirect.scatter.add.f32 [tilespmem:s5], [sflag:$0x1], $0x1, s1, s0, $0xb8;
	[tilespmem:$0x1A740] =	vst v63  }
0x159: {  	_ =	swait.ge [sflag:s2], $0x2710  }
0x15a: {  	[sflag:s2] =	ssyncset.done $0x0  }
0x15b: {  	s1 =	simm.s32 $0x0;
	[sflag:s2] =	ssyncadd.s32 $0xFFFFD8F0  }
0x15c: {  	[spmem:s7] =	stream.indirect.scatter.add.f32 [tilespmem:s5], [sflag:$0x1], $0x1, s1, s0, $0xb8;
	[tilespmem:$0x1A740] =	vst v63  }
0x15d: {  	_ =	swait.ge [sflag:s2], $0x2710  }
0x15e: {  	[sflag:s2] =	ssyncset.done $0x0  }
0x15f: {  	[sflag:s2] =	ssyncadd.s32 $0xFFFFD8F0  }
0x160: {  	s1 =	simm.s32 $0xED00;
	[bflag:$0x0] =	sbarrier.arrive $0xFFFF  }
0x161: {  	[tilespmem:s1], [sflag:$0x1] =	stream.linear.gather [spmem:s17], $0xC40, $0x38;
	[tilespmem:$0x1A740] =	vst v63  }
0x162: {  	_ =	swait.ge [sflag:s2], $0xC40  }
0x163: {  	[sflag:s2] =	ssyncset.done $0x0  }
0x164: {  	s5 =	simm.s32 $0xF980;
	[sflag:s2] =	ssyncadd.s32 $0xFFFFF3C0  }
0x165: {  	[tilespmem:s5], [sflag:$0x1] =	stream.linear.gather [spmem:s14], $0xC40, $0x38;
	[tilespmem:$0x1A740] =	vst v63  }
0x166: {  	_ =	swait.ge [sflag:s2], $0xC40  }
0x167: {  	[sflag:s2] =	ssyncset.done $0x0  }
0x168: {  	s1 =	simm.s32 $0x10600;
	[sflag:s2] =	ssyncadd.s32 $0xFFFFF3C0  }
0x169: {  	[tilespmem:s1], [sflag:$0x1] =	stream.linear.gather [spmem:s9], $0xC40, $0x38;
	[tilespmem:$0x1A740] =	vst v63  }
0x16a: {  	_ =	swait.ge [sflag:s2], $0xC40  }
0x16b: {  	[sflag:s2] =	ssyncset.done $0x0  }
0x16c: {  	s5 =	simm.s32 $0x11280;
	[sflag:s2] =	ssyncadd.s32 $0xFFFFF3C0  }
0x16d: {  	[tilespmem:s5], [sflag:$0x1] =	stream.linear.gather [spmem:s12], $0xC40, $0x38;
	[tilespmem:$0x1A740] =	vst v63  }
0x16e: {  	_ =	swait.ge [sflag:s2], $0xC40  }
0x16f: {  	[sflag:s2] =	ssyncset.done $0x0  }
0x170: {  	s30 =	simm.s32 $0x0;
	[sflag:s2] =	ssyncadd.s32 $0xFFFFF3C0  }
0x171: {  	v3 =	vld [tilespmem:s30+$0x10600];
	_ =	sdelay $0x2  }
0x172: {  	v6 =	vld [tilespmem:s30+$0xED00]  }
0x173: {  	v4 =	vld [tilespmem:s30+$0x11280]  }
0x174: {  	(erf) = vrcp.f32 v3  }
0x175: {  	s28 =	simm.s32 $0x10  }
0x176: {  	v5 =	vld [tilespmem:s28+$0x10600]  }
0x177: {  	v7 =	vld [tilespmem:s28+$0xED00];
	v6 =	vadd.f32 $1.000000020e-16, v6  }
0x178: {  	v8 =	vld [tilespmem:s28+$0x11280];
	(erf) = vrcp.f32 v4  }
0x179: {  	(erf) = vrcp.f32 v6;
	_ =	sdelay $0x2  }
0x17a: {  	s29 =	simm.s32 $0x20;
	v9 =	vld [tilespmem:s30+$0xF980];
	v10 =	vadd.f32 $1.000000020e-16, v7;
	(erf) = vrcp.f32 v5  }
0x17b: {  	vm0 =	vgt.f32 v4, $0.0e+00;
	vm2 =	vgt.f32 v3, $0.0e+00;
	v4 =	vld [tilespmem:s29+$0x10600];
	v3 =	vpop (erf);
	(erf) = vrcp.f32 v8  }
0x17c: {  	v6 =	vld [tilespmem:s29+$0xED00];
	(erf) = vrcp.f32 v10  }
0x17d: {  	v7 =	vnsel vm2, $0x0, v3;
	v3 =	vld [tilespmem:s29+$0x11280];
	_ =	sdelay $0x1  }
0x17e: {  	s31 =	simm.s32 $0xC0;
	vm1 =	vmmov vm0;
	vm0 =	vgt.f32 v8, $0.0e+00;
	v8 =	vmul.f32 v9, v7;
	v9 =	vpop (erf)  }
.LBB2_15:
0x17f: {  	s0 =	sshra.s32 s31, $0x2;
	p0 =	sne.s32 s31, $0x30C0;
	s31 =	sadd.s32 $0x40, s31;
	(erf) = vrcp.f32 v4;
	v10 =	vld [tilespmem:s28+$0xF980];
	[tilespmem:s30+$0x12B80] =	vst v7;
	v7 =	vnsel vm1, $0x0, v9;
	v9 =	vpop (erf);
	v11 =	vmov v4  }
.Ltmp7:
0x180: {  	vm1 =	vmmov vm0;
	v4 =	vld [tilespmem:s0+$0x10600];
	v12 =	vadd.f32 $1.000000020e-16, v6;
	v8 =	vmul.f32 v8, v9;
	[tilespmem:s30+$0x13800] =	vst v7;
	(pc) =	sbr.rel @p0 .LBB2_15-.Ltmp7, $4  }
0x181: {  	v6 =	vld [tilespmem:s0+$0xED00];
	vm0 =	vgt.f32 v3, $0.0e+00;
	(erf) = vrcp.f32 v3  }
0x182: {  	vm2 =	vgt.f32 v5, $0.0e+00;
	v3 =	vld [tilespmem:s0+$0x11280];
	(erf) = vrcp.f32 v12;
	v5 =	vpop (erf);
	v12 =	vmul.f32 v8, v9  }
0x183: {  	v7 =	vnsel vm2, $0x0, v5;
	v5 =	vmov v11  }
0x184: {  	v8 =	vmul.f32 v10, v7;
	v9 =	vpop (erf);
	[tilespmem:s30+$0x11F00] =	vst v12;
	s30 =	smov.u32 s28;
	s28 =	smov.u32 s29;
	s29 =	smov.u32 s0  }
0x185: {  	(erf) = vrcp.f32 v4;
	v10 =	vpop (erf)  }
0x186: {  	v6 =	vadd.f32 $1.000000020e-16, v6;
	v8 =	vmul.f32 v8, v10  }
0x187: {  	(erf) = vrcp.f32 v3  }
0x188: {  	v11 =	vld [tilespmem:s28+$0xF980];
	[tilespmem:s30+$0x12B80] =	vst v7;
	v56 =	vnsel vm1, $0x0, v9;
	(erf) = vrcp.f32 v6;
	v57 =	vmul.f32 v8, v10  }
0x189: {  	[tilespmem:s30+$0x13800] =	vst v56  }
0x18a: {  	[tilespmem:s30+$0x11F00] =	vst v57  }
0x18b: {  	vm13 =	vgt.f32 v5, $0.0e+00;
	v5 =	vpop (erf);
	v6 =	vld [tilespmem:s29+$0xF980]  }
0x18c: {  	v5 =	vnsel vm13, $0x0, v5;
	v58 =	vpop (erf)  }
0x18d: {  	v59 =	vmul.f32 v11, v5;
	v60 =	vpop (erf)  }
0x18e: {  	vm14 =	vgt.f32 v4, $0.0e+00;
	v4 =	vpop (erf)  }
0x18f: {  	v8 =	vmul.f32 v59, v60;
	v4 =	vnsel vm14, $0x0, v4  }
0x190: {  	vm0 =	vmmov vm0;
	v6 =	vmul.f32 v6, v4;
	v61 =	vpop (erf)  }
0x191: {  	[tilespmem:s28+$0x12B80] =	vst v5;
	v5 =	vnsel vm0, $0x0, v58;
	v62 =	vmul.f32 v8, v60;
	v63 =	vpop (erf)  }
0x192: {  	vm15 =	vgt.f32 v3, $0.0e+00;
	[tilespmem:s28+$0x13800] =	vst v5;
	v3 =	vmul.f32 v6, v63  }
0x193: {  	vm0 =	vmmov vm15;
	[tilespmem:s28+$0x11F00] =	vst v62  }
0x194: {  	[tilespmem:s29+$0x12B80] =	vst v4;
	v4 =	vnsel vm0, $0x0, v61;
	v3 =	vmul.f32 v3, v63  }
0x195: {  	[tilespmem:s29+$0x13800] =	vst v4  }
0x196: {  	s0 =	sadd.s32 s26, s18;
	s1 =	simm.s32 $0x11F00;
	[tilespmem:s29+$0x11F00] =	vst v3  }
0x197: {  	[spmem:s0] =	stream.linear.scatter [tilespmem:s1], [sflag:$0x1], $0xC40, $0x38;
	[tilespmem:$0x1A740] =	vst v63  }
0x198: {  	s0 =	simm.s32 $0x1  }
0x199: {  	_ =	swait.ge [sflag:s0], $0xC40  }
0x19a: {  	[sflag:s0] =	ssyncset.done $0x0  }
0x19b: {  	s5 =	simm.s32 $0x14480;
	[sflag:s0] =	ssyncadd.s32 $0xFFFFF3C0  }
0x19c: {  	[spmem:s17] =	stream.linear.scatter [tilespmem:s5], [sflag:$0x1], $0xC40, $0x38;
	[tilespmem:$0x1A740] =	vst v63  }
0x19d: {  	_ =	swait.ge [sflag:s0], $0xC40  }
0x19e: {  	[sflag:s0] =	ssyncset.done $0x0  }
0x19f: {  	[sflag:s0] =	ssyncadd.s32 $0xFFFFF3C0  }
0x1a0: {  	[spmem:s12] =	stream.linear.scatter [tilespmem:s5], [sflag:$0x1], $0xC40, $0x38;
	[tilespmem:$0x1A740] =	vst v63  }
0x1a1: {  	_ =	swait.ge [sflag:s0], $0xC40  }
0x1a2: {  	[sflag:s0] =	ssyncset.done $0x0  }
0x1a3: {  	[sflag:s0] =	ssyncadd.s32 $0xFFFFF3C0  }
0x1a4: {  	s26 =	simm.s32 $0x0;
	[bflag:$0x0] =	sbarrier.arrive $0xFFFF  }
0x1a5: {  	[tilespmem:s26], [sflag:$0x1] =	stream.linear.gather [hbm4b:s10+s26], $0x2710, $0x38;
	[tilespmem:$0x1A740] =	vst v63  }
0x1a6: {  	_ =	swait.ge [sflag:s0], $0x2710  }
0x1a7: {  	[sflag:s0] =	ssyncset.done $0x0  }
0x1a8: {  	s2 =	simm.s32 $0x2780;
	[sflag:s0] =	ssyncadd.s32 $0xFFFFD8F0  }
0x1a9: {  	[tilespmem:s2], [sflag:$0x1] =	stream.linear.gather [hbm4b:s11+s26], $0x2710, $0x38;
	[tilespmem:$0x1A740] =	vst v63  }
0x1aa: {  	_ =	swait.ge [sflag:s0], $0x2710  }
0x1ab: {  	[sflag:s0] =	ssyncset.done $0x0  }
0x1ac: {  	s29 =	simm.s32 $0x4F00;
	s5 =	simm.s32 $0x2710;
	[sflag:s0] =	ssyncadd.s32 $0xFFFFD8F0  }
0x1ad: {  	[tilespmem:s29], [sflag:$0x1] =	stream.indirect.gather [spmem:s3], $0x1, s26, s5, $0xb8;
	[tilespmem:$0x1A740] =	vst v63  }
0x1ae: {  	_ =	swait.ge [sflag:s0], $0x2710  }
0x1af: {  	[sflag:s0] =	ssyncset.done $0x0  }
0x1b0: {  	s30 =	simm.s32 $0x7680;
	[sflag:s0] =	ssyncadd.s32 $0xFFFFD8F0  }
0x1b1: {  	[tilespmem:s30], [sflag:$0x1] =	stream.indirect.gather [spmem:s19], $0x1, s2, s5, $0xb8;
	[tilespmem:$0x1A740] =	vst v63  }
0x1b2: {  	_ =	swait.ge [sflag:s0], $0x2710  }
0x1b3: {  	[sflag:s0] =	ssyncset.done $0x0  }
0x1b4: {  	s31 =	simm.s32 $0x9E00;
	[sflag:s0] =	ssyncadd.s32 $0xFFFFD8F0  }
0x1b5: {  	[tilespmem:s31], [sflag:$0x1] =	stream.indirect.gather [spmem:s18], $0x1, s2, s5, $0xb8;
	[tilespmem:$0x1A740] =	vst v63  }
0x1b6: {  	_ =	swait.ge [sflag:s0], $0x2710  }
0x1b7: {  	[sflag:s0] =	ssyncset.done $0x0  }
0x1b8: {  	s26 =	simm.s32 $0x0;
	[sflag:s0] =	ssyncadd.s32 $0xFFFFD8F0  }
0x1b9: {  	s28 =	simm.s32 $0x40;
	v3 =	vld [tilespmem:s26+$0x7680]  }
.LBB2_17:
0x1ba: {  	p0 =	sne.s32 s28, $0x9C00;
	v4 =	vld [tilespmem:s26+$0x4F00];
	_ =	sdelay $0x4  }
0x1bb: {  	v3 =	vmul.f32 v3, v2;
	v4 =	vmul.f32 v4, v1;
	_ =	sdelay $0x1  }
0x1bc: {  	v3 =	vadd.f32 v3, v4;
	_ =	sdelay $0x1  }
0x1bd: {  	v4 =	vmul.f32 $2.000000030e-01, v3  }
0x1be: {  	vm0 =	vge.f32 v3, $0.0e+00  }
0x1bf: {  	v3 =	vsel vm0, v3, v4  }
0x1c0: {  	v3 =	vmul.f32 $1.442695020e+00, v3;
	_ =	sdelay $0x1  }
0x1c1: {  	(erf) = vpow2.f32 v3;
	_ =	sdelay $0x4  }
0x1c2: {  	v3 =	vld [tilespmem:s26+$0x9E00];
	_ =	sdelay $0x2  }
.Ltmp8:
0x1c3: {  	(pc) =	sbr.rel @p0 .LBB2_17-.Ltmp8, $4  }
0x1c4: {  	v4 =	vpop (erf)  }
0x1c5: {  	v4 =	vmul.f32 v4, v3  }
0x1c6: {  	s0 =	sshra.s32 s28, $0x2  }
0x1c7: {  	s28 =	sadd.s32 $0x40, s28;
	v3 =	vld [tilespmem:s0+$0x7680];
	[tilespmem:s26+$0x4F00] =	vst v4;
	s26 =	smov.u32 s0  }
0x1c8: {  	v4 =	vld [tilespmem:s26+$0x4F00];
	_ =	sdelay $0x4  }
0x1c9: {  	v3 =	vmul.f32 v3, v2;
	v4 =	vmul.f32 v4, v1;
	_ =	sdelay $0x1  }
0x1ca: {  	v3 =	vadd.f32 v3, v4;
	_ =	sdelay $0x1  }
0x1cb: {  	v4 =	vmul.f32 $2.000000030e-01, v3  }
0x1cc: {  	vm0 =	vge.f32 v3, $0.0e+00  }
0x1cd: {  	v3 =	vsel vm0, v3, v4  }
0x1ce: {  	v3 =	vmul.f32 $1.442695020e+00, v3;
	_ =	sdelay $0x1  }
0x1cf: {  	(erf) = vpow2.f32 v3;
	_ =	sdelay $0x4  }
0x1d0: {  	v3 =	vld [tilespmem:s26+$0x9E00];
	_ =	sdelay $0x3  }
0x1d1: {  	v4 =	vpop (erf)  }
0x1d2: {  	v3 =	vmul.f32 v4, v3  }
0x1d3: {  	s0 =	simm.s32 $0x2710  }
0x1d4: {  	s1 =	simm.s32 $0x0;
	s2 =	simm.s32 $0x4F00;
	s5 =	simm.s32 $0x1;
	[tilespmem:s26+$0x4F00] =	vst v3  }
0x1d5: {  	[spmem:s13] =	stream.indirect.scatter.add.f32 [tilespmem:s2], [sflag:$0x1], $0x1, s1, s0, $0xb8;
	[tilespmem:$0x1A740] =	vst v63  }
0x1d6: {  	_ =	swait.ge [sflag:s5], $0x2710  }
0x1d7: {  	[sflag:s5] =	ssyncset.done $0x0  }
0x1d8: {  	[sflag:s5] =	ssyncadd.s32 $0xFFFFD8F0  }
0x1d9: {  	[tilespmem:s1], [sflag:$0x1] =	stream.linear.gather [hbm4b:s15+s1], $0x2710, $0x38;
	[tilespmem:$0x1A740] =	vst v63  }
0x1da: {  	_ =	swait.ge [sflag:s5], $0x2710  }
0x1db: {  	[sflag:s5] =	ssyncset.done $0x0  }
0x1dc: {  	s29 =	simm.s32 $0x2780;
	[sflag:s5] =	ssyncadd.s32 $0xFFFFD8F0  }
0x1dd: {  	[tilespmem:s29], [sflag:$0x1] =	stream.linear.gather [hbm4b:s16+s1], $0x2710, $0x38;
	[tilespmem:$0x1A740] =	vst v63  }
0x1de: {  	_ =	swait.ge [sflag:s5], $0x2710  }
0x1df: {  	[sflag:s5] =	ssyncset.done $0x0  }
0x1e0: {  	[sflag:s5] =	ssyncadd.s32 $0xFFFFD8F0  }
0x1e1: {  	[tilespmem:s2], [sflag:$0x1] =	stream.indirect.gather [spmem:s3], $0x1, s1, s0, $0xb8;
	[tilespmem:$0x1A740] =	vst v63  }
0x1e2: {  	_ =	swait.ge [sflag:s5], $0x2710  }
0x1e3: {  	[sflag:s5] =	ssyncset.done $0x0  }
0x1e4: {  	s30 =	simm.s32 $0x7680;
	[sflag:s5] =	ssyncadd.s32 $0xFFFFD8F0  }
0x1e5: {  	[tilespmem:s30], [sflag:$0x1] =	stream.indirect.gather [spmem:s19], $0x1, s29, s0, $0xb8;
	[tilespmem:$0x1A740] =	vst v63  }
0x1e6: {  	_ =	swait.ge [sflag:s5], $0x2710  }
0x1e7: {  	[sflag:s5] =	ssyncset.done $0x0  }
0x1e8: {  	s31 =	simm.s32 $0x9E00;
	[sflag:s5] =	ssyncadd.s32 $0xFFFFD8F0  }
0x1e9: {  	[tilespmem:s31], [sflag:$0x1] =	stream.indirect.gather [spmem:s18], $0x1, s29, s0, $0xb8;
	[tilespmem:$0x1A740] =	vst v63  }
0x1ea: {  	_ =	swait.ge [sflag:s5], $0x2710  }
0x1eb: {  	[sflag:s5] =	ssyncset.done $0x0  }
0x1ec: {  	s26 =	simm.s32 $0x0;
	[sflag:s5] =	ssyncadd.s32 $0xFFFFD8F0  }
0x1ed: {  	s28 =	simm.s32 $0x40;
	v3 =	vld [tilespmem:s26+$0x7680]  }
.LBB2_19:
0x1ee: {  	p0 =	sne.s32 s28, $0x9C00;
	v4 =	vld [tilespmem:s26+$0x4F00];
	_ =	sdelay $0x4  }
0x1ef: {  	v3 =	vmul.f32 v3, v2;
	v4 =	vmul.f32 v4, v1;
	_ =	sdelay $0x1  }
0x1f0: {  	v3 =	vadd.f32 v3, v4;
	_ =	sdelay $0x1  }
0x1f1: {  	v4 =	vmul.f32 $2.000000030e-01, v3  }
0x1f2: {  	vm0 =	vge.f32 v3, $0.0e+00  }
0x1f3: {  	v3 =	vsel vm0, v3, v4  }
0x1f4: {  	v3 =	vmul.f32 $1.442695020e+00, v3;
	_ =	sdelay $0x1  }
0x1f5: {  	(erf) = vpow2.f32 v3;
	_ =	sdelay $0x4  }
0x1f6: {  	v3 =	vld [tilespmem:s26+$0x9E00];
	_ =	sdelay $0x2  }
.Ltmp9:
0x1f7: {  	(pc) =	sbr.rel @p0 .LBB2_19-.Ltmp9, $4  }
0x1f8: {  	v4 =	vpop (erf)  }
0x1f9: {  	v4 =	vmul.f32 v4, v3  }
0x1fa: {  	s0 =	sshra.s32 s28, $0x2  }
0x1fb: {  	s28 =	sadd.s32 $0x40, s28;
	v3 =	vld [tilespmem:s0+$0x7680];
	[tilespmem:s26+$0x4F00] =	vst v4;
	s26 =	smov.u32 s0  }
0x1fc: {  	v4 =	vld [tilespmem:s26+$0x4F00];
	_ =	sdelay $0x4  }
0x1fd: {  	v3 =	vmul.f32 v3, v2;
	v4 =	vmul.f32 v4, v1;
	_ =	sdelay $0x1  }
0x1fe: {  	v3 =	vadd.f32 v3, v4;
	_ =	sdelay $0x1  }
0x1ff: {  	v4 =	vmul.f32 $2.000000030e-01, v3  }
0x200: {  	vm0 =	vge.f32 v3, $0.0e+00  }
0x201: {  	v3 =	vsel vm0, v3, v4  }
0x202: {  	v3 =	vmul.f32 $1.442695020e+00, v3;
	_ =	sdelay $0x1  }
0x203: {  	(erf) = vpow2.f32 v3;
	_ =	sdelay $0x4  }
0x204: {  	v3 =	vld [tilespmem:s26+$0x9E00];
	_ =	sdelay $0x3  }
0x205: {  	v4 =	vpop (erf)  }
0x206: {  	v3 =	vmul.f32 v4, v3  }
0x207: {  	s0 =	simm.s32 $0x2710  }
0x208: {  	s1 =	simm.s32 $0x0;
	s2 =	simm.s32 $0x4F00;
	s5 =	simm.s32 $0x1;
	[tilespmem:s26+$0x4F00] =	vst v3  }
0x209: {  	[spmem:s13] =	stream.indirect.scatter.add.f32 [tilespmem:s2], [sflag:$0x1], $0x1, s1, s0, $0xb8;
	[tilespmem:$0x1A740] =	vst v63  }
0x20a: {  	_ =	swait.ge [sflag:s5], $0x2710  }
0x20b: {  	[sflag:s5] =	ssyncset.done $0x0  }
0x20c: {  	[sflag:s5] =	ssyncadd.s32 $0xFFFFD8F0  }
0x20d: {  	[tilespmem:s1], [sflag:$0x1] =	stream.linear.gather [hbm4b:s20+s1], $0x2710, $0x38;
	[tilespmem:$0x1A740] =	vst v63  }
0x20e: {  	_ =	swait.ge [sflag:s5], $0x2710  }
0x20f: {  	[sflag:s5] =	ssyncset.done $0x0  }
0x210: {  	s29 =	simm.s32 $0x2780;
	[sflag:s5] =	ssyncadd.s32 $0xFFFFD8F0  }
0x211: {  	[tilespmem:s29], [sflag:$0x1] =	stream.linear.gather [hbm4b:s21+s1], $0x2710, $0x38;
	[tilespmem:$0x1A740] =	vst v63  }
0x212: {  	_ =	swait.ge [sflag:s5], $0x2710  }
0x213: {  	[sflag:s5] =	ssyncset.done $0x0  }
0x214: {  	[sflag:s5] =	ssyncadd.s32 $0xFFFFD8F0  }
0x215: {  	[tilespmem:s2], [sflag:$0x1] =	stream.indirect.gather [spmem:s3], $0x1, s1, s0, $0xb8;
	[tilespmem:$0x1A740] =	vst v63  }
0x216: {  	_ =	swait.ge [sflag:s5], $0x2710  }
0x217: {  	[sflag:s5] =	ssyncset.done $0x0  }
0x218: {  	s30 =	simm.s32 $0x7680;
	[sflag:s5] =	ssyncadd.s32 $0xFFFFD8F0  }
0x219: {  	[tilespmem:s30], [sflag:$0x1] =	stream.indirect.gather [spmem:s19], $0x1, s29, s0, $0xb8;
	[tilespmem:$0x1A740] =	vst v63  }
0x21a: {  	_ =	swait.ge [sflag:s5], $0x2710  }
0x21b: {  	[sflag:s5] =	ssyncset.done $0x0  }
0x21c: {  	s31 =	simm.s32 $0x9E00;
	[sflag:s5] =	ssyncadd.s32 $0xFFFFD8F0  }
0x21d: {  	[tilespmem:s31], [sflag:$0x1] =	stream.indirect.gather [spmem:s18], $0x1, s29, s0, $0xb8;
	[tilespmem:$0x1A740] =	vst v63  }
0x21e: {  	_ =	swait.ge [sflag:s5], $0x2710  }
0x21f: {  	[sflag:s5] =	ssyncset.done $0x0  }
0x220: {  	s26 =	simm.s32 $0x0;
	[sflag:s5] =	ssyncadd.s32 $0xFFFFD8F0  }
0x221: {  	s28 =	simm.s32 $0x40;
	v3 =	vld [tilespmem:s26+$0x7680]  }
.LBB2_21:
0x222: {  	p0 =	sne.s32 s28, $0x9C00;
	v4 =	vld [tilespmem:s26+$0x4F00];
	_ =	sdelay $0x4  }
0x223: {  	v3 =	vmul.f32 v3, v2;
	v4 =	vmul.f32 v4, v1;
	_ =	sdelay $0x1  }
0x224: {  	v3 =	vadd.f32 v3, v4;
	_ =	sdelay $0x1  }
0x225: {  	v4 =	vmul.f32 $2.000000030e-01, v3  }
0x226: {  	vm0 =	vge.f32 v3, $0.0e+00  }
0x227: {  	v3 =	vsel vm0, v3, v4  }
0x228: {  	v3 =	vmul.f32 $1.442695020e+00, v3;
	_ =	sdelay $0x1  }
0x229: {  	(erf) = vpow2.f32 v3;
	_ =	sdelay $0x4  }
0x22a: {  	v3 =	vld [tilespmem:s26+$0x9E00];
	_ =	sdelay $0x2  }
.Ltmp10:
0x22b: {  	(pc) =	sbr.rel @p0 .LBB2_21-.Ltmp10, $4  }
0x22c: {  	v4 =	vpop (erf)  }
0x22d: {  	v4 =	vmul.f32 v4, v3  }
0x22e: {  	s0 =	sshra.s32 s28, $0x2  }
0x22f: {  	s28 =	sadd.s32 $0x40, s28;
	v3 =	vld [tilespmem:s0+$0x7680];
	[tilespmem:s26+$0x4F00] =	vst v4;
	s26 =	smov.u32 s0  }
0x230: {  	v4 =	vld [tilespmem:s26+$0x4F00];
	_ =	sdelay $0x4  }
0x231: {  	v3 =	vmul.f32 v3, v2;
	v4 =	vmul.f32 v4, v1;
	_ =	sdelay $0x1  }
0x232: {  	v3 =	vadd.f32 v3, v4;
	_ =	sdelay $0x1  }
0x233: {  	v4 =	vmul.f32 $2.000000030e-01, v3  }
0x234: {  	vm0 =	vge.f32 v3, $0.0e+00  }
0x235: {  	v3 =	vsel vm0, v3, v4  }
0x236: {  	v3 =	vmul.f32 $1.442695020e+00, v3;
	_ =	sdelay $0x1  }
0x237: {  	(erf) = vpow2.f32 v3;
	_ =	sdelay $0x4  }
0x238: {  	v3 =	vld [tilespmem:s26+$0x9E00];
	_ =	sdelay $0x3  }
0x239: {  	v4 =	vpop (erf)  }
0x23a: {  	v3 =	vmul.f32 v4, v3  }
0x23b: {  	s0 =	simm.s32 $0x2710  }
0x23c: {  	s1 =	simm.s32 $0x0;
	s2 =	simm.s32 $0x4F00;
	s5 =	simm.s32 $0x1;
	[tilespmem:s26+$0x4F00] =	vst v3  }
0x23d: {  	[spmem:s13] =	stream.indirect.scatter.add.f32 [tilespmem:s2], [sflag:$0x1], $0x1, s1, s0, $0xb8;
	[tilespmem:$0x1A740] =	vst v63  }
0x23e: {  	_ =	swait.ge [sflag:s5], $0x2710  }
0x23f: {  	[sflag:s5] =	ssyncset.done $0x0  }
0x240: {  	[sflag:s5] =	ssyncadd.s32 $0xFFFFD8F0  }
0x241: {  	[tilespmem:s1], [sflag:$0x1] =	stream.linear.gather [hbm4b:s22+s1], $0x2710, $0x38;
	[tilespmem:$0x1A740] =	vst v63  }
0x242: {  	_ =	swait.ge [sflag:s5], $0x2710  }
0x243: {  	[sflag:s5] =	ssyncset.done $0x0  }
0x244: {  	s29 =	simm.s32 $0x2780;
	[sflag:s5] =	ssyncadd.s32 $0xFFFFD8F0  }
0x245: {  	[tilespmem:s29], [sflag:$0x1] =	stream.linear.gather [hbm4b:s23+s1], $0x2710, $0x38;
	[tilespmem:$0x1A740] =	vst v63  }
0x246: {  	_ =	swait.ge [sflag:s5], $0x2710  }
0x247: {  	[sflag:s5] =	ssyncset.done $0x0  }
0x248: {  	[sflag:s5] =	ssyncadd.s32 $0xFFFFD8F0  }
0x249: {  	[tilespmem:s2], [sflag:$0x1] =	stream.indirect.gather [spmem:s3], $0x1, s1, s0, $0xb8;
	[tilespmem:$0x1A740] =	vst v63  }
0x24a: {  	_ =	swait.ge [sflag:s5], $0x2710  }
0x24b: {  	[sflag:s5] =	ssyncset.done $0x0  }
0x24c: {  	s30 =	simm.s32 $0x7680;
	[sflag:s5] =	ssyncadd.s32 $0xFFFFD8F0  }
0x24d: {  	[tilespmem:s30], [sflag:$0x1] =	stream.indirect.gather [spmem:s19], $0x1, s29, s0, $0xb8;
	[tilespmem:$0x1A740] =	vst v63  }
0x24e: {  	_ =	swait.ge [sflag:s5], $0x2710  }
0x24f: {  	[sflag:s5] =	ssyncset.done $0x0  }
0x250: {  	s31 =	simm.s32 $0x9E00;
	[sflag:s5] =	ssyncadd.s32 $0xFFFFD8F0  }
0x251: {  	[tilespmem:s31], [sflag:$0x1] =	stream.indirect.gather [spmem:s18], $0x1, s29, s0, $0xb8;
	[tilespmem:$0x1A740] =	vst v63  }
0x252: {  	_ =	swait.ge [sflag:s5], $0x2710  }
0x253: {  	[sflag:s5] =	ssyncset.done $0x0  }
0x254: {  	s26 =	simm.s32 $0x0;
	[sflag:s5] =	ssyncadd.s32 $0xFFFFD8F0  }
0x255: {  	s28 =	simm.s32 $0x40;
	v3 =	vld [tilespmem:s26+$0x7680]  }
.LBB2_23:
0x256: {  	p0 =	sne.s32 s28, $0x9C00;
	v4 =	vld [tilespmem:s26+$0x4F00];
	_ =	sdelay $0x4  }
0x257: {  	v3 =	vmul.f32 v3, v2;
	v4 =	vmul.f32 v4, v1;
	_ =	sdelay $0x1  }
0x258: {  	v3 =	vadd.f32 v3, v4;
	_ =	sdelay $0x1  }
0x259: {  	v4 =	vmul.f32 $2.000000030e-01, v3  }
0x25a: {  	vm0 =	vge.f32 v3, $0.0e+00  }
0x25b: {  	v3 =	vsel vm0, v3, v4  }
0x25c: {  	v3 =	vmul.f32 $1.442695020e+00, v3;
	_ =	sdelay $0x1  }
0x25d: {  	(erf) = vpow2.f32 v3;
	_ =	sdelay $0x4  }
0x25e: {  	v3 =	vld [tilespmem:s26+$0x9E00];
	_ =	sdelay $0x2  }
.Ltmp11:
0x25f: {  	(pc) =	sbr.rel @p0 .LBB2_23-.Ltmp11, $4  }
0x260: {  	v4 =	vpop (erf)  }
0x261: {  	v4 =	vmul.f32 v4, v3  }
0x262: {  	s0 =	sshra.s32 s28, $0x2  }
0x263: {  	s28 =	sadd.s32 $0x40, s28;
	v3 =	vld [tilespmem:s0+$0x7680];
	[tilespmem:s26+$0x4F00] =	vst v4;
	s26 =	smov.u32 s0  }
0x264: {  	v4 =	vld [tilespmem:s26+$0x4F00];
	_ =	sdelay $0x4  }
0x265: {  	v3 =	vmul.f32 v3, v2;
	v4 =	vmul.f32 v4, v1;
	_ =	sdelay $0x1  }
0x266: {  	v3 =	vadd.f32 v3, v4;
	_ =	sdelay $0x1  }
0x267: {  	v4 =	vmul.f32 $2.000000030e-01, v3  }
0x268: {  	vm0 =	vge.f32 v3, $0.0e+00  }
0x269: {  	v3 =	vsel vm0, v3, v4  }
0x26a: {  	v3 =	vmul.f32 $1.442695020e+00, v3;
	_ =	sdelay $0x1  }
0x26b: {  	(erf) = vpow2.f32 v3;
	_ =	sdelay $0x4  }
0x26c: {  	v3 =	vld [tilespmem:s26+$0x9E00];
	_ =	sdelay $0x3  }
0x26d: {  	v4 =	vpop (erf)  }
0x26e: {  	v3 =	vmul.f32 v4, v3  }
0x26f: {  	s0 =	simm.s32 $0x2710  }
0x270: {  	s1 =	simm.s32 $0x0;
	s2 =	simm.s32 $0x4F00;
	s5 =	simm.s32 $0x1;
	[tilespmem:s26+$0x4F00] =	vst v3  }
0x271: {  	[spmem:s13] =	stream.indirect.scatter.add.f32 [tilespmem:s2], [sflag:$0x1], $0x1, s1, s0, $0xb8;
	[tilespmem:$0x1A740] =	vst v63  }
0x272: {  	_ =	swait.ge [sflag:s5], $0x2710  }
0x273: {  	[sflag:s5] =	ssyncset.done $0x0  }
0x274: {  	[sflag:s5] =	ssyncadd.s32 $0xFFFFD8F0  }
0x275: {  	[tilespmem:s1], [sflag:$0x1] =	stream.linear.gather [hbm4b:s24+s1], $0x2710, $0x38;
	[tilespmem:$0x1A740] =	vst v63  }
0x276: {  	_ =	swait.ge [sflag:s5], $0x2710  }
0x277: {  	[sflag:s5] =	ssyncset.done $0x0  }
0x278: {  	s29 =	simm.s32 $0x2780;
	[sflag:s5] =	ssyncadd.s32 $0xFFFFD8F0  }
0x279: {  	[tilespmem:s29], [sflag:$0x1] =	stream.linear.gather [hbm4b:s25+s1], $0x2710, $0x38;
	[tilespmem:$0x1A740] =	vst v63  }
0x27a: {  	_ =	swait.ge [sflag:s5], $0x2710  }
0x27b: {  	[sflag:s5] =	ssyncset.done $0x0  }
0x27c: {  	[sflag:s5] =	ssyncadd.s32 $0xFFFFD8F0  }
0x27d: {  	[tilespmem:s2], [sflag:$0x1] =	stream.indirect.gather [spmem:s3], $0x1, s1, s0, $0xb8;
	[tilespmem:$0x1A740] =	vst v63  }
0x27e: {  	_ =	swait.ge [sflag:s5], $0x2710  }
0x27f: {  	[sflag:s5] =	ssyncset.done $0x0  }
0x280: {  	s30 =	simm.s32 $0x7680;
	[sflag:s5] =	ssyncadd.s32 $0xFFFFD8F0  }
0x281: {  	[tilespmem:s30], [sflag:$0x1] =	stream.indirect.gather [spmem:s19], $0x1, s29, s0, $0xb8;
	[tilespmem:$0x1A740] =	vst v63  }
0x282: {  	_ =	swait.ge [sflag:s5], $0x2710  }
0x283: {  	[sflag:s5] =	ssyncset.done $0x0  }
0x284: {  	s31 =	simm.s32 $0x9E00;
	[sflag:s5] =	ssyncadd.s32 $0xFFFFD8F0  }
0x285: {  	[tilespmem:s31], [sflag:$0x1] =	stream.indirect.gather [spmem:s18], $0x1, s29, s0, $0xb8;
	[tilespmem:$0x1A740] =	vst v63  }
0x286: {  	_ =	swait.ge [sflag:s5], $0x2710  }
0x287: {  	[sflag:s5] =	ssyncset.done $0x0  }
0x288: {  	s18 =	simm.s32 $0x0;
	[sflag:s5] =	ssyncadd.s32 $0xFFFFD8F0  }
0x289: {  	s19 =	simm.s32 $0x40;
	v3 =	vld [tilespmem:s18+$0x7680]  }
.LBB2_25:
0x28a: {  	p0 =	sne.s32 s19, $0x9C00;
	v4 =	vld [tilespmem:s18+$0x4F00];
	_ =	sdelay $0x4  }
0x28b: {  	v3 =	vmul.f32 v3, v2;
	v4 =	vmul.f32 v4, v1;
	_ =	sdelay $0x1  }
0x28c: {  	v3 =	vadd.f32 v3, v4;
	_ =	sdelay $0x1  }
0x28d: {  	v4 =	vmul.f32 $2.000000030e-01, v3  }
0x28e: {  	vm0 =	vge.f32 v3, $0.0e+00  }
0x28f: {  	v3 =	vsel vm0, v3, v4  }
0x290: {  	v3 =	vmul.f32 $1.442695020e+00, v3;
	_ =	sdelay $0x1  }
0x291: {  	(erf) = vpow2.f32 v3;
	_ =	sdelay $0x4  }
0x292: {  	v3 =	vld [tilespmem:s18+$0x9E00];
	_ =	sdelay $0x2  }
.Ltmp12:
0x293: {  	(pc) =	sbr.rel @p0 .LBB2_25-.Ltmp12, $4  }
0x294: {  	v4 =	vpop (erf)  }
0x295: {  	v4 =	vmul.f32 v4, v3  }
0x296: {  	s0 =	sshra.s32 s19, $0x2  }
0x297: {  	s19 =	sadd.s32 $0x40, s19;
	v3 =	vld [tilespmem:s0+$0x7680];
	[tilespmem:s18+$0x4F00] =	vst v4;
	s18 =	smov.u32 s0  }
0x298: {  	v4 =	vld [tilespmem:s18+$0x4F00];
	_ =	sdelay $0x4  }
0x299: {  	v2 =	vmul.f32 v3, v2;
	v1 =	vmul.f32 v4, v1;
	_ =	sdelay $0x1  }
0x29a: {  	v1 =	vadd.f32 v2, v1;
	_ =	sdelay $0x1  }
0x29b: {  	v2 =	vmul.f32 $2.000000030e-01, v1  }
0x29c: {  	vm0 =	vge.f32 v1, $0.0e+00  }
0x29d: {  	v1 =	vsel vm0, v1, v2  }
0x29e: {  	v1 =	vmul.f32 $1.442695020e+00, v1;
	_ =	sdelay $0x1  }
0x29f: {  	(erf) = vpow2.f32 v1;
	_ =	sdelay $0x4  }
0x2a0: {  	v1 =	vld [tilespmem:s18+$0x9E00];
	_ =	sdelay $0x3  }
0x2a1: {  	v2 =	vpop (erf)  }
0x2a2: {  	v1 =	vmul.f32 v2, v1  }
0x2a3: {  	s0 =	simm.s32 $0x2710  }
0x2a4: {  	s1 =	simm.s32 $0x0;
	s2 =	simm.s32 $0x4F00;
	s30 =	simm.s32 $0x1;
	[tilespmem:s18+$0x4F00] =	vst v1  }
0x2a5: {  	[spmem:s13] =	stream.indirect.scatter.add.f32 [tilespmem:s2], [sflag:$0x1], $0x1, s1, s0, $0xb8;
	[tilespmem:$0x1A740] =	vst v63  }
0x2a6: {  	_ =	swait.ge [sflag:s30], $0x2710  }
0x2a7: {  	[sflag:s30] =	ssyncset.done $0x0  }
0x2a8: {  	[sflag:s30] =	ssyncadd.s32 $0xFFFFD8F0  }
0x2a9: {  	s31 =	simm.s32 $0xED00;
	[bflag:$0x0] =	sbarrier.arrive $0xFFFF  }
0x2aa: {  	[tilespmem:s31], [sflag:$0x1] =	stream.linear.gather [spmem:s17], $0xC40, $0x38;
	[tilespmem:$0x1A740] =	vst v63  }
0x2ab: {  	_ =	swait.ge [sflag:s30], $0xC40  }
0x2ac: {  	[sflag:s30] =	ssyncset.done $0x0  }
0x2ad: {  	s13 =	simm.s32 $0x0;
	[sflag:s30] =	ssyncadd.s32 $0xFFFFF3C0  }
0x2ae: {  	v2 =	vld [tilespmem:s13+$0x13800]  }
0x2af: {  	v3 =	vld [tilespmem:s13+$0xED00];
	_ =	sdelay $0x2  }
0x2b0: {  	v1 =	vbroadcast v0, $0x3;
	s17 =	simm.s32 $0x40  }
.LBB2_27:
0x2b1: {  	s0 =	sshra.s32 s17, $0x2;
	p0 =	sne.s32 s17, $0x30C0  }
.Ltmp13:
0x2b2: {  	s17 =	sadd.s32 $0x40, s17;
	v4 =	vmul.f32 v3, v2;
	v2 =	vld [tilespmem:s0+$0x13800];
	(pc) =	sbr.rel @p0 .LBB2_27-.Ltmp13, $3  }
0x2b3: {  	v3 =	vld [tilespmem:s0+$0xED00]  }
0x2b4: {  	v4 =	vadd.f32 v4, v1;
	_ =	sdelay $0x1  }
0x2b5: {  	[tilespmem:s13+$0x11F00] =	vst v4;
	s13 =	smov.u32 s0  }
0x2b6: {  	_ = 	snop  }
0x2b7: {  	v2 =	vmul.f32 v3, v2;
	_ =	sdelay $0x1  }
0x2b8: {  	v1 =	vadd.f32 v2, v1;
	_ =	sdelay $0x1  }
0x2b9: {  	s0 =	simm.s32 $0x11F00;
	s28 =	simm.s32 $0x1;
	[tilespmem:s13+$0x11F00] =	vst v1  }
0x2ba: {  	[spmem:s14] =	stream.linear.scatter [tilespmem:s0], [sflag:$0x1], $0xC40, $0x38;
	[tilespmem:$0x1A740] =	vst v63  }
0x2bb: {  	_ =	swait.ge [sflag:s28], $0xC40  }
0x2bc: {  	[sflag:s28] =	ssyncset.done $0x0  }
0x2bd: {  	s29 =	simm.s32 $0x14480;
	[sflag:s28] =	ssyncadd.s32 $0xFFFFF3C0  }
0x2be: {  	[spmem:s6] =	stream.linear.scatter [tilespmem:s29], [sflag:$0x1], $0xC40, $0x38;
	[tilespmem:$0x1A740] =	vst v63  }
0x2bf: {  	_ =	swait.ge [sflag:s28], $0xC40  }
0x2c0: {  	[sflag:s28] =	ssyncset.done $0x0  }
0x2c1: {  	[sflag:s28] =	ssyncadd.s32 $0xFFFFF3C0  }
0x2c2: {  	s30 =	simm.s32 $0x0;
	[bflag:$0x0] =	sbarrier.arrive $0xFFFF  }
0x2c3: {  	[tilespmem:s30], [sflag:$0x1] =	stream.linear.gather [hbm4b:s10+s30], $0x2710, $0x38;
	[tilespmem:$0x1A740] =	vst v63  }
0x2c4: {  	_ =	swait.ge [sflag:s28], $0x2710  }
0x2c5: {  	[sflag:s28] =	ssyncset.done $0x0  }
0x2c6: {  	s17 =	simm.s32 $0x2780;
	[sflag:s28] =	ssyncadd.s32 $0xFFFFD8F0  }
0x2c7: {  	[tilespmem:s17], [sflag:$0x1] =	stream.linear.gather [hbm4b:s11+s30], $0x2710, $0x38;
	[tilespmem:$0x1A740] =	vst v63  }
0x2c8: {  	_ =	swait.ge [sflag:s28], $0x2710  }
0x2c9: {  	[sflag:s28] =	ssyncset.done $0x0  }
0x2ca: {  	s18 =	simm.s32 $0x2710;
	s19 =	simm.s32 $0x4F00;
	[sflag:s28] =	ssyncadd.s32 $0xFFFFD8F0  }
0x2cb: {  	[tilespmem:s19], [sflag:$0x1] =	stream.indirect.gather [spmem:s8], $0x1, s30, s18, $0xb8;
	[tilespmem:$0x1A740] =	vst v63  }
0x2cc: {  	_ =	swait.ge [sflag:s28], $0x2710  }
0x2cd: {  	[sflag:s28] =	ssyncset.done $0x0  }
0x2ce: {  	[sflag:s28] =	ssyncadd.s32 $0xFFFFD8F0  }
0x2cf: {  	[spmem:s7] =	stream.indirect.scatter.add.f32 [tilespmem:s19], [sflag:$0x1], $0x1, s17, s18, $0xb8;
	[tilespmem:$0x1A740] =	vst v63  }
0x2d0: {  	_ =	swait.ge [sflag:s28], $0x2710  }
0x2d1: {  	[sflag:s28] =	ssyncset.done $0x0  }
0x2d2: {  	[sflag:s28] =	ssyncadd.s32 $0xFFFFD8F0  }
0x2d3: {  	[tilespmem:s30], [sflag:$0x1] =	stream.linear.gather [hbm4b:s15+s30], $0x2710, $0x38;
	[tilespmem:$0x1A740] =	vst v63  }
0x2d4: {  	_ =	swait.ge [sflag:s28], $0x2710  }
0x2d5: {  	[sflag:s28] =	ssyncset.done $0x0  }
0x2d6: {  	[sflag:s28] =	ssyncadd.s32 $0xFFFFD8F0  }
0x2d7: {  	[tilespmem:s17], [sflag:$0x1] =	stream.linear.gather [hbm4b:s16+s30], $0x2710, $0x38;
	[tilespmem:$0x1A740] =	vst v63  }
0x2d8: {  	_ =	swait.ge [sflag:s28], $0x2710  }
0x2d9: {  	[sflag:s28] =	ssyncset.done $0x0  }
0x2da: {  	[sflag:s28] =	ssyncadd.s32 $0xFFFFD8F0  }
0x2db: {  	[tilespmem:s19], [sflag:$0x1] =	stream.indirect.gather [spmem:s8], $0x1, s30, s18, $0xb8;
	[tilespmem:$0x1A740] =	vst v63  }
0x2dc: {  	_ =	swait.ge [sflag:s28], $0x2710  }
0x2dd: {  	[sflag:s28] =	ssyncset.done $0x0  }
0x2de: {  	[sflag:s28] =	ssyncadd.s32 $0xFFFFD8F0  }
0x2df: {  	[spmem:s7] =	stream.indirect.scatter.add.f32 [tilespmem:s19], [sflag:$0x1], $0x1, s17, s18, $0xb8;
	[tilespmem:$0x1A740] =	vst v63  }
0x2e0: {  	_ =	swait.ge [sflag:s28], $0x2710  }
0x2e1: {  	[sflag:s28] =	ssyncset.done $0x0  }
0x2e2: {  	[sflag:s28] =	ssyncadd.s32 $0xFFFFD8F0  }
0x2e3: {  	[tilespmem:s30], [sflag:$0x1] =	stream.linear.gather [hbm4b:s20+s30], $0x2710, $0x38;
	[tilespmem:$0x1A740] =	vst v63  }
0x2e4: {  	_ =	swait.ge [sflag:s28], $0x2710  }
0x2e5: {  	[sflag:s28] =	ssyncset.done $0x0  }
0x2e6: {  	[sflag:s28] =	ssyncadd.s32 $0xFFFFD8F0  }
0x2e7: {  	[tilespmem:s17], [sflag:$0x1] =	stream.linear.gather [hbm4b:s21+s30], $0x2710, $0x38;
	[tilespmem:$0x1A740] =	vst v63  }
0x2e8: {  	_ =	swait.ge [sflag:s28], $0x2710  }
0x2e9: {  	[sflag:s28] =	ssyncset.done $0x0  }
0x2ea: {  	[sflag:s28] =	ssyncadd.s32 $0xFFFFD8F0  }
0x2eb: {  	[tilespmem:s19], [sflag:$0x1] =	stream.indirect.gather [spmem:s8], $0x1, s30, s18, $0xb8;
	[tilespmem:$0x1A740] =	vst v63  }
0x2ec: {  	_ =	swait.ge [sflag:s28], $0x2710  }
0x2ed: {  	[sflag:s28] =	ssyncset.done $0x0  }
0x2ee: {  	[sflag:s28] =	ssyncadd.s32 $0xFFFFD8F0  }
0x2ef: {  	[spmem:s7] =	stream.indirect.scatter.add.f32 [tilespmem:s19], [sflag:$0x1], $0x1, s17, s18, $0xb8;
	[tilespmem:$0x1A740] =	vst v63  }
0x2f0: {  	_ =	swait.ge [sflag:s28], $0x2710  }
0x2f1: {  	[sflag:s28] =	ssyncset.done $0x0  }
0x2f2: {  	[sflag:s28] =	ssyncadd.s32 $0xFFFFD8F0  }
0x2f3: {  	[tilespmem:s30], [sflag:$0x1] =	stream.linear.gather [hbm4b:s22+s30], $0x2710, $0x38;
	[tilespmem:$0x1A740] =	vst v63  }
0x2f4: {  	_ =	swait.ge [sflag:s28], $0x2710  }
0x2f5: {  	[sflag:s28] =	ssyncset.done $0x0  }
0x2f6: {  	[sflag:s28] =	ssyncadd.s32 $0xFFFFD8F0  }
0x2f7: {  	[tilespmem:s17], [sflag:$0x1] =	stream.linear.gather [hbm4b:s23+s30], $0x2710, $0x38;
	[tilespmem:$0x1A740] =	vst v63  }
0x2f8: {  	_ =	swait.ge [sflag:s28], $0x2710  }
0x2f9: {  	[sflag:s28] =	ssyncset.done $0x0  }
0x2fa: {  	[sflag:s28] =	ssyncadd.s32 $0xFFFFD8F0  }
0x2fb: {  	[tilespmem:s19], [sflag:$0x1] =	stream.indirect.gather [spmem:s8], $0x1, s30, s18, $0xb8;
	[tilespmem:$0x1A740] =	vst v63  }
0x2fc: {  	_ =	swait.ge [sflag:s28], $0x2710  }
0x2fd: {  	[sflag:s28] =	ssyncset.done $0x0  }
0x2fe: {  	[sflag:s28] =	ssyncadd.s32 $0xFFFFD8F0  }
0x2ff: {  	[spmem:s7] =	stream.indirect.scatter.add.f32 [tilespmem:s19], [sflag:$0x1], $0x1, s17, s18, $0xb8;
	[tilespmem:$0x1A740] =	vst v63  }
0x300: {  	_ =	swait.ge [sflag:s28], $0x2710  }
0x301: {  	[sflag:s28] =	ssyncset.done $0x0  }
0x302: {  	[sflag:s28] =	ssyncadd.s32 $0xFFFFD8F0  }
0x303: {  	[tilespmem:s30], [sflag:$0x1] =	stream.linear.gather [hbm4b:s24+s30], $0x2710, $0x38;
	[tilespmem:$0x1A740] =	vst v63  }
0x304: {  	_ =	swait.ge [sflag:s28], $0x2710  }
0x305: {  	[sflag:s28] =	ssyncset.done $0x0  }
0x306: {  	[sflag:s28] =	ssyncadd.s32 $0xFFFFD8F0  }
0x307: {  	[tilespmem:s17], [sflag:$0x1] =	stream.linear.gather [hbm4b:s25+s30], $0x2710, $0x38;
	[tilespmem:$0x1A740] =	vst v63  }
0x308: {  	_ =	swait.ge [sflag:s28], $0x2710  }
0x309: {  	[sflag:s28] =	ssyncset.done $0x0  }
0x30a: {  	[sflag:s28] =	ssyncadd.s32 $0xFFFFD8F0  }
0x30b: {  	[tilespmem:s19], [sflag:$0x1] =	stream.indirect.gather [spmem:s8], $0x1, s30, s18, $0xb8;
	[tilespmem:$0x1A740] =	vst v63  }
0x30c: {  	_ =	swait.ge [sflag:s28], $0x2710  }
0x30d: {  	[sflag:s28] =	ssyncset.done $0x0  }
0x30e: {  	[sflag:s28] =	ssyncadd.s32 $0xFFFFD8F0  }
0x30f: {  	[spmem:s7] =	stream.indirect.scatter.add.f32 [tilespmem:s19], [sflag:$0x1], $0x1, s17, s18, $0xb8;
	[tilespmem:$0x1A740] =	vst v63  }
0x310: {  	_ =	swait.ge [sflag:s28], $0x2710  }
0x311: {  	[sflag:s28] =	ssyncset.done $0x0  }
0x312: {  	[sflag:s28] =	ssyncadd.s32 $0xFFFFD8F0  }
0x313: {  	s31 =	simm.s32 $0xED00;
	[bflag:$0x0] =	sbarrier.arrive $0xFFFF  }
0x314: {  	[tilespmem:s31], [sflag:$0x1] =	stream.linear.gather [spmem:s12], $0xC40, $0x38;
	[tilespmem:$0x1A740] =	vst v63  }
0x315: {  	_ =	swait.ge [sflag:s28], $0xC40  }
0x316: {  	[sflag:s28] =	ssyncset.done $0x0  }
0x317: {  	s7 =	simm.s32 $0x0;
	[sflag:s28] =	ssyncadd.s32 $0xFFFFF3C0  }
0x318: {  	v2 =	vld [tilespmem:s7+$0x12B80];
	_ =	sdelay $0x1  }
0x319: {  	v3 =	vld [tilespmem:s7+$0xED00]  }
0x31a: {  	v1 =	vbroadcast v0, $0x2;
	s8 =	simm.s32 $0x40  }
.LBB2_29:
0x31b: {  	p0 =	sne.s32 s8, $0x30C0  }
.Ltmp14:
0x31c: {  	s0 =	sshra.s32 s8, $0x2;
	s8 =	sadd.s32 $0x40, s8;
	v4 =	vmul.f32 v2, v1;
	(pc) =	sbr.rel @p0 .LBB2_29-.Ltmp14, $4  }
0x31d: {  	v2 =	vld [tilespmem:s0+$0x12B80]  }
0x31e: {  	v4 =	vmul.f32 v3, v4  }
0x31f: {  	v3 =	vld [tilespmem:s0+$0xED00]  }
0x320: {  	[tilespmem:s7+$0x11F00] =	vst v4;
	s7 =	smov.u32 s0  }
0x321: {  	_ = 	snop  }
0x322: {  	v1 =	vmul.f32 v2, v1;
	_ =	sdelay $0x1  }
0x323: {  	v1 =	vmul.f32 v3, v1;
	_ =	sdelay $0x1  }
0x324: {  	s0 =	simm.s32 $0x11F00;
	s26 =	simm.s32 $0x1;
	[tilespmem:s7+$0x11F00] =	vst v1  }
0x325: {  	[spmem:s9] =	stream.linear.scatter [tilespmem:s0], [sflag:$0x1], $0xC40, $0x38;
	[tilespmem:$0x1A740] =	vst v63  }
0x326: {  	_ =	swait.ge [sflag:s26], $0xC40  }
0x327: {  	[sflag:s26] =	ssyncset.done $0x0  }
0x328: {  	[sflag:s26] =	ssyncadd.s32 $0xFFFFF3C0  }
0x329: {  	s8 =	simm.s32 $0x0;
	[bflag:$0x0] =	sbarrier.arrive $0xFFFF  }
0x32a: {  	[tilespmem:s8], [sflag:$0x1] =	stream.linear.gather [hbm4b:s10+s8], $0x2710, $0x38;
	[tilespmem:$0x1A740] =	vst v63  }
0x32b: {  	_ =	swait.ge [sflag:s26], $0x2710  }
0x32c: {  	[sflag:s26] =	ssyncset.done $0x0  }
0x32d: {  	s28 =	simm.s32 $0x2780;
	[sflag:s26] =	ssyncadd.s32 $0xFFFFD8F0  }
0x32e: {  	[tilespmem:s28], [sflag:$0x1] =	stream.linear.gather [hbm4b:s11+s8], $0x2710, $0x38;
	[tilespmem:$0x1A740] =	vst v63  }
0x32f: {  	_ =	swait.ge [sflag:s26], $0x2710  }
0x330: {  	[sflag:s26] =	ssyncset.done $0x0  }
0x331: {  	s29 =	simm.s32 $0x2710;
	s30 =	simm.s32 $0x7680;
	[sflag:s26] =	ssyncadd.s32 $0xFFFFD8F0  }
0x332: {  	[tilespmem:s30], [sflag:$0x1] =	stream.indirect.gather [spmem:s4], $0x1, s28, s29, $0xb8;
	[tilespmem:$0x1A740] =	vst v63  }
0x333: {  	_ =	swait.ge [sflag:s26], $0x2710  }
0x334: {  	[sflag:s26] =	ssyncset.done $0x0  }
0x335: {  	[sflag:s26] =	ssyncadd.s32 $0xFFFFD8F0  }
0x336: {  	[spmem:s3] =	stream.indirect.scatter.add.f32 [tilespmem:s30], [sflag:$0x1], $0x1, s8, s29, $0xb8;
	[tilespmem:$0x1A740] =	vst v63  }
0x337: {  	_ =	swait.ge [sflag:s26], $0x2710  }
0x338: {  	[sflag:s26] =	ssyncset.done $0x0  }
0x339: {  	[sflag:s26] =	ssyncadd.s32 $0xFFFFD8F0  }
0x33a: {  	[tilespmem:s8], [sflag:$0x1] =	stream.linear.gather [hbm4b:s15+s8], $0x2710, $0x38;
	[tilespmem:$0x1A740] =	vst v63  }
0x33b: {  	_ =	swait.ge [sflag:s26], $0x2710  }
0x33c: {  	[sflag:s26] =	ssyncset.done $0x0  }
0x33d: {  	[sflag:s26] =	ssyncadd.s32 $0xFFFFD8F0  }
0x33e: {  	[tilespmem:s28], [sflag:$0x1] =	stream.linear.gather [hbm4b:s16+s8], $0x2710, $0x38;
	[tilespmem:$0x1A740] =	vst v63  }
0x33f: {  	_ =	swait.ge [sflag:s26], $0x2710  }
0x340: {  	[sflag:s26] =	ssyncset.done $0x0  }
0x341: {  	[sflag:s26] =	ssyncadd.s32 $0xFFFFD8F0  }
0x342: {  	[tilespmem:s30], [sflag:$0x1] =	stream.indirect.gather [spmem:s4], $0x1, s28, s29, $0xb8;
	[tilespmem:$0x1A740] =	vst v63  }
0x343: {  	_ =	swait.ge [sflag:s26], $0x2710  }
0x344: {  	[sflag:s26] =	ssyncset.done $0x0  }
0x345: {  	[sflag:s26] =	ssyncadd.s32 $0xFFFFD8F0  }
0x346: {  	[spmem:s3] =	stream.indirect.scatter.add.f32 [tilespmem:s30], [sflag:$0x1], $0x1, s8, s29, $0xb8;
	[tilespmem:$0x1A740] =	vst v63  }
0x347: {  	_ =	swait.ge [sflag:s26], $0x2710  }
0x348: {  	[sflag:s26] =	ssyncset.done $0x0  }
0x349: {  	[sflag:s26] =	ssyncadd.s32 $0xFFFFD8F0  }
0x34a: {  	[tilespmem:s8], [sflag:$0x1] =	stream.linear.gather [hbm4b:s20+s8], $0x2710, $0x38;
	[tilespmem:$0x1A740] =	vst v63  }
0x34b: {  	_ =	swait.ge [sflag:s26], $0x2710  }
0x34c: {  	[sflag:s26] =	ssyncset.done $0x0  }
0x34d: {  	[sflag:s26] =	ssyncadd.s32 $0xFFFFD8F0  }
0x34e: {  	[tilespmem:s28], [sflag:$0x1] =	stream.linear.gather [hbm4b:s21+s8], $0x2710, $0x38;
	[tilespmem:$0x1A740] =	vst v63  }
0x34f: {  	_ =	swait.ge [sflag:s26], $0x2710  }
0x350: {  	[sflag:s26] =	ssyncset.done $0x0  }
0x351: {  	[sflag:s26] =	ssyncadd.s32 $0xFFFFD8F0  }
0x352: {  	[tilespmem:s30], [sflag:$0x1] =	stream.indirect.gather [spmem:s4], $0x1, s28, s29, $0xb8;
	[tilespmem:$0x1A740] =	vst v63  }
0x353: {  	_ =	swait.ge [sflag:s26], $0x2710  }
0x354: {  	[sflag:s26] =	ssyncset.done $0x0  }
0x355: {  	[sflag:s26] =	ssyncadd.s32 $0xFFFFD8F0  }
0x356: {  	[spmem:s3] =	stream.indirect.scatter.add.f32 [tilespmem:s30], [sflag:$0x1], $0x1, s8, s29, $0xb8;
	[tilespmem:$0x1A740] =	vst v63  }
0x357: {  	_ =	swait.ge [sflag:s26], $0x2710  }
0x358: {  	[sflag:s26] =	ssyncset.done $0x0  }
0x359: {  	[sflag:s26] =	ssyncadd.s32 $0xFFFFD8F0  }
0x35a: {  	[tilespmem:s8], [sflag:$0x1] =	stream.linear.gather [hbm4b:s22+s8], $0x2710, $0x38;
	[tilespmem:$0x1A740] =	vst v63  }
0x35b: {  	_ =	swait.ge [sflag:s26], $0x2710  }
0x35c: {  	[sflag:s26] =	ssyncset.done $0x0  }
0x35d: {  	[sflag:s26] =	ssyncadd.s32 $0xFFFFD8F0  }
0x35e: {  	[tilespmem:s28], [sflag:$0x1] =	stream.linear.gather [hbm4b:s23+s8], $0x2710, $0x38;
	[tilespmem:$0x1A740] =	vst v63  }
0x35f: {  	_ =	swait.ge [sflag:s26], $0x2710  }
0x360: {  	[sflag:s26] =	ssyncset.done $0x0  }
0x361: {  	[sflag:s26] =	ssyncadd.s32 $0xFFFFD8F0  }
0x362: {  	[tilespmem:s30], [sflag:$0x1] =	stream.indirect.gather [spmem:s4], $0x1, s28, s29, $0xb8;
	[tilespmem:$0x1A740] =	vst v63  }
0x363: {  	_ =	swait.ge [sflag:s26], $0x2710  }
0x364: {  	[sflag:s26] =	ssyncset.done $0x0  }
0x365: {  	[sflag:s26] =	ssyncadd.s32 $0xFFFFD8F0  }
0x366: {  	[spmem:s3] =	stream.indirect.scatter.add.f32 [tilespmem:s30], [sflag:$0x1], $0x1, s8, s29, $0xb8;
	[tilespmem:$0x1A740] =	vst v63  }
0x367: {  	_ =	swait.ge [sflag:s26], $0x2710  }
0x368: {  	[sflag:s26] =	ssyncset.done $0x0  }
0x369: {  	[sflag:s26] =	ssyncadd.s32 $0xFFFFD8F0  }
0x36a: {  	[tilespmem:s8], [sflag:$0x1] =	stream.linear.gather [hbm4b:s24+s8], $0x2710, $0x38;
	[tilespmem:$0x1A740] =	vst v63  }
0x36b: {  	_ =	swait.ge [sflag:s26], $0x2710  }
0x36c: {  	[sflag:s26] =	ssyncset.done $0x0  }
0x36d: {  	[sflag:s26] =	ssyncadd.s32 $0xFFFFD8F0  }
0x36e: {  	[tilespmem:s28], [sflag:$0x1] =	stream.linear.gather [hbm4b:s25+s8], $0x2710, $0x38;
	[tilespmem:$0x1A740] =	vst v63  }
0x36f: {  	_ =	swait.ge [sflag:s26], $0x2710  }
0x370: {  	[sflag:s26] =	ssyncset.done $0x0  }
0x371: {  	[sflag:s26] =	ssyncadd.s32 $0xFFFFD8F0  }
0x372: {  	[tilespmem:s30], [sflag:$0x1] =	stream.indirect.gather [spmem:s4], $0x1, s28, s29, $0xb8;
	[tilespmem:$0x1A740] =	vst v63  }
0x373: {  	_ =	swait.ge [sflag:s26], $0x2710  }
0x374: {  	[sflag:s26] =	ssyncset.done $0x0  }
0x375: {  	[sflag:s26] =	ssyncadd.s32 $0xFFFFD8F0  }
0x376: {  	[spmem:s3] =	stream.indirect.scatter.add.f32 [tilespmem:s30], [sflag:$0x1], $0x1, s8, s29, $0xb8;
	[tilespmem:$0x1A740] =	vst v63  }
0x377: {  	_ =	swait.ge [sflag:s26], $0x2710  }
0x378: {  	[sflag:s26] =	ssyncset.done $0x0  }
0x379: {  	[sflag:s26] =	ssyncadd.s32 $0xFFFFD8F0  }
0x37a: {  	s31 =	simm.s32 $0xED00;
	[bflag:$0x0] =	sbarrier.arrive $0xFFFF  }
0x37b: {  	[tilespmem:s31], [sflag:$0x1] =	stream.linear.gather [spmem:s6], $0xC40, $0x38;
	[tilespmem:$0x1A740] =	vst v63  }
0x37c: {  	_ =	swait.ge [sflag:s26], $0xC40  }
0x37d: {  	[sflag:s26] =	ssyncset.done $0x0  }
0x37e: {  	s3 =	simm.s32 $0x0;
	[sflag:s26] =	ssyncadd.s32 $0xFFFFF3C0  }
0x37f: {  	v1 =	vld [tilespmem:s3+$0x13800]  }
0x380: {  	v2 =	vld [tilespmem:s3+$0xED00];
	_ =	sdelay $0x2  }
0x381: {  	v0 =	vbroadcast v0, $0x4;
	s4 =	simm.s32 $0x40  }
.LBB2_31:
0x382: {  	s0 =	sshra.s32 s4, $0x2;
	p0 =	sne.s32 s4, $0x30C0  }
.Ltmp15:
0x383: {  	s4 =	sadd.s32 $0x40, s4;
	v3 =	vmul.f32 v2, v1;
	v1 =	vld [tilespmem:s0+$0x13800];
	(pc) =	sbr.rel @p0 .LBB2_31-.Ltmp15, $3  }
0x384: {  	v2 =	vld [tilespmem:s0+$0xED00]  }
0x385: {  	v3 =	vadd.f32 v3, v0;
	_ =	sdelay $0x1  }
0x386: {  	[tilespmem:s3+$0x11F00] =	vst v3;
	s3 =	smov.u32 s0  }
0x387: {  	_ = 	snop  }
0x388: {  	v1 =	vmul.f32 v2, v1;
	_ =	sdelay $0x1  }
0x389: {  	s0 =	rddreg [dreg:$0xa];
	v0 =	vadd.f32 v1, v0  }
0x38a: {  	s1 =	rddreg [dreg:$0xb];
	s29 =	simm.s32 $0x0  }
0x38b: {  	s2 =	simm.s32 $0x11F00;
	s30 =	simm.s32 $0x1;
	s0 =	sadd.s32 s0, s1;
	[tilespmem:s3+$0x11F00] =	vst v0  }
0x38c: {  	[hbm4b:s0+s29] =	stream.linear.scatter [tilespmem:s2], [sflag:$0x1], $0xC40, $0x38;
	[tilespmem:$0x1A740] =	vst v63  }
0x38d: {  	_ =	swait.ge [sflag:s30], $0xC40  }
0x38e: {  	[sflag:s30] =	ssyncset.done $0x0  }
0x38f: {  	[sflag:s30] =	ssyncadd.s32 $0xFFFFF3C0  }
0x390: {  	_ =	sfence.sel $0x180000  }
0x391: {  	[bflag:$0x0] =	sbarrier.arrive $0xFFFF  }
0x392: {  	_ =	strace $0x90000047  }
0x393: {  	s31 =	stileid.u32;
	[bflag:$0x2] =	sbarrier.arrive $0xFFFF  }
0x394: {  	p0 =	sne.s32 s31, $0x0;
	s0 =	rddreg [dreg:$0x9]  }
0x395: {  	s0 =	sadd.s32 @!p0 $0x100000, s0  }
0x396: {  	[sflag:s0] =	ssyncadd.tile.s32 @!p0 $0x1;
	_ =	shalt  }
.Lfunc_end2:
_tile_overlayer_lowered:
.L_overlay_start_2:
0x397: {  	(tag) =	ssettag $0x2  }
0x398: {  	s0 =	rddreg [dreg:$0x0];
	s2 =	stileid.u32  }
0x399: {  	s1 =	rddreg [dreg:$0x1];
	p0 =	sne.s32 s2, $0x0  }
0x39a: {  	s3 =	rddreg [dreg:$0x2];
	[bflag:$0x3] =	sbarrier.arrive $0xFFFF;
	s2 =	simm.s32 @!p0 $0x1C01  }
0x39b: {  	[timem:s3], [sflag:s2] =	dma.local @!p0 [hbm:s0], s1  }
0x39c: {  	s0 =	simm.s32 @!p0 $0x1  }
0x39d: {  	_ =	swait.ge @!p0 [sflag:s0], s1  }
0x39e: {  	s1 =	ssub.s32 @!p0 $0x0, s1;
	[sflag:s0] =	ssyncset.done @!p0 $0x0  }
0x39f: {  	[sflag:s0] =	ssyncadd.s32 @!p0 s1  }
0x3a0: {  	[bflag:$0x3] =	sbarrier.arrive $0xFFFF  }
0x3a1: {  	_ =	shalt  }

</sc_bundles>
